<compile_context>
chip_gen: v7x
topology: tpu7x:2x2x1
jax: 0.10.2.dev20260603
libtpu: 0.0.44.dev20260713+nightly
codegen_flags: <defaults>
</compile_context>

<pallas_src>
import functools

import jax
import jax.numpy as jnp
from jax import lax
from jax.experimental import pallas as pl
from jax.experimental.pallas import tpu as pltpu
from jax.experimental.pallas import tpu_sc as plsc

N_NODES = 10000
N_EDGES = 320000
D = 128
N_GRAPHS = 128
N_CLASSES = 6
N_LAYERS = 5

NSC = 2
NTILES = 16
NWKR = NSC * NTILES
EDGES_PER_TILE = N_EDGES // NWKR
EDGE_WIN = 80
EDGES_PER_TILE_PAD = 10000
N_WIN = EDGES_PER_TILE_PAD // EDGE_WIN
N_PAD = 10240
ROWS_PER_TILE = N_PAD // NTILES
ZERO_ROWS = 80

ROW_BLK = 1000
N_BLKS = N_NODES // ROW_BLK


def _sc_edge_scatter(h, src2, dst2):
    mesh = plsc.VectorSubcoreMesh(core_axis_name="c", subcore_axis_name="s")

    scratch = ([pltpu.VMEM((EDGE_WIN,), jnp.int32) for _ in range(8)]
               + [pltpu.VMEM((EDGE_WIN, D), jnp.float32) for _ in range(4)]
               + [pltpu.VMEM_SHARED((N_PAD, D), jnp.float32)]
               + [pltpu.SemaphoreType.DMA for _ in range(8)])

    @functools.partial(
        pl.kernel,
        out_type=jax.ShapeDtypeStruct((NSC * N_PAD, D), jnp.float32),
        mesh=mesh,
        scratch_types=scratch,
    )
    def scatter_kernel(h_hbm, src_hbm, dst_hbm, out_hbm, *refs):
        sidx = refs[0:4]
        didx = refs[4:8]
        rows = refs[8:12]
        agg_sh = refs[12]
        gsem = refs[13:17]
        ssem = refs[17:21]

        cid = lax.axis_index("c")
        sid = lax.axis_index("s")
        wid = cid * NTILES + sid
        ebase = wid * EDGES_PER_TILE_PAD

        zv = jnp.zeros((16,), jnp.float32)

        @pl.loop(0, EDGE_WIN)
        def _(r):
            for c in range(0, D, 16):
                rows[0][r, pl.ds(c, 16)] = zv

        @pl.loop(0, ROWS_PER_TILE // EDGE_WIN)
        def _(j):
            pltpu.sync_copy(
                rows[0],
                agg_sh.at[pl.ds(sid * ROWS_PER_TILE + j * EDGE_WIN, EDGE_WIN)])

        def load_idx(a, w):
            e0 = ebase + w * EDGE_WIN
            pltpu.sync_copy(src_hbm.at[pl.ds(e0, EDGE_WIN)], sidx[a])
            pltpu.sync_copy(dst_hbm.at[pl.ds(e0, EDGE_WIN)], didx[a])

        def gather(a):
            pltpu.async_copy(h_hbm.at[sidx[a]], rows[a], gsem[a])

        def wait_gather(a):
            pltpu.make_async_copy(h_hbm.at[sidx[a]], rows[a], gsem[a]).wait()

        def scatter(a):
            pltpu.async_copy(rows[a], agg_sh.at[didx[a]], ssem[a], add=True)

        def wait_scatter(a):
            pltpu.make_async_copy(rows[a], agg_sh.at[didx[a]], ssem[a]).wait()

        load_idx(0, 0)
        load_idx(1, 1)
        gather(0)
        gather(1)

        plsc.subcore_barrier()

        for k in range(4):
            wait_gather(k)
            if k >= 2:
                wait_scatter(k - 2)
            scatter(k)
            load_idx((k + 2) % 4, k + 2)
            gather((k + 2) % 4)

        @pl.loop(4, ((N_WIN - 1) // 4) * 4, step=4)
        def _(w):
            for k in range(4):
                wait_gather(k)
                wait_scatter((k + 2) % 4)
                scatter(k)

                @pl.when(w + k + 2 < N_WIN)
                def _(k=k):
                    load_idx((k + 2) % 4, w + k + 2)
                    gather((k + 2) % 4)

        wait_gather(0)
        wait_scatter(2)
        scatter(0)
        wait_scatter(3)
        wait_scatter(0)

        plsc.subcore_barrier()
        r0 = sid * ROWS_PER_TILE
        pltpu.sync_copy(
            agg_sh.at[pl.ds(r0, ROWS_PER_TILE)],
            out_hbm.at[pl.ds(cid * N_PAD + r0, ROWS_PER_TILE)])

    return scatter_kernel(h, src2, dst2)


def _encoder_body(x_ref, w_ref, b_ref, o_ref):
    z = jnp.dot(x_ref[...], w_ref[...], preferred_element_type=jnp.float32)
    o_ref[...] = jnp.maximum(z + b_ref[...], 0.0)


def _tc_encoder(x, W, b):
    return pl.pallas_call(
        _encoder_body,
        grid=(N_BLKS,),
        in_specs=[
            pl.BlockSpec((ROW_BLK, D), lambda i: (i, 0)),
            pl.BlockSpec((D, D), lambda i: (0, 0)),
            pl.BlockSpec((1, D), lambda i: (0, 0)),
        ],
        out_specs=pl.BlockSpec((ROW_BLK, D), lambda i: (i, 0)),
        out_shape=jax.ShapeDtypeStruct((N_NODES, D), jnp.float32),
    )(x, W, b)


def _gin_body(scale_ref, h_ref, agg_ref, w1_ref, b1_ref, w2_ref, b2_ref, o_ref):
    z = scale_ref[...] * h_ref[...] + agg_ref[0] + agg_ref[1]
    z = jnp.maximum(
        jnp.dot(z, w1_ref[...], preferred_element_type=jnp.float32) + b1_ref[...],
        0.0)
    z = jnp.dot(z, w2_ref[...], preferred_element_type=jnp.float32) + b2_ref[...]
    o_ref[...] = jnp.maximum(z, 0.0)


def _tc_gin_layer(h, agg2, scale, W1, b1, W2, b2):
    return pl.pallas_call(
        _gin_body,
        grid=(N_BLKS,),
        in_specs=[
            pl.BlockSpec((1, D), lambda i: (0, 0)),
            pl.BlockSpec((ROW_BLK, D), lambda i: (i, 0)),
            pl.BlockSpec((NSC, ROW_BLK, D), lambda i: (0, i, 0)),
            pl.BlockSpec((D, D), lambda i: (0, 0)),
            pl.BlockSpec((1, D), lambda i: (0, 0)),
            pl.BlockSpec((D, D), lambda i: (0, 0)),
            pl.BlockSpec((1, D), lambda i: (0, 0)),
        ],
        out_specs=pl.BlockSpec((ROW_BLK, D), lambda i: (i, 0)),
        out_shape=jax.ShapeDtypeStruct((N_NODES, D), jnp.float32),
    )(scale, h, agg2, W1, b1, W2, b2)


def _pool_head_body(h_ref, b_ref, wh1_ref, bh1_ref, wh2_ref, bh2_ref,
                    o_ref, sums, counts):
    i = pl.program_id(0)

    @pl.when(i == 0)
    def _():
        sums[...] = jnp.zeros_like(sums)
        counts[...] = jnp.zeros_like(counts)

    gid = lax.broadcasted_iota(jnp.int32, (ROW_BLK, N_GRAPHS), 1)
    onehot = (b_ref[...] == gid).astype(jnp.float32)
    dn = (((0,), (0,)), ((), ()))
    sums[...] += lax.dot_general(onehot, h_ref[...], dn,
                                 preferred_element_type=jnp.float32)
    counts[...] += lax.dot_general(onehot, jnp.ones((ROW_BLK, D), jnp.float32),
                                   dn, preferred_element_type=jnp.float32)

    @pl.when(i == N_BLKS - 1)
    def _():
        g = sums[...] / jnp.maximum(counts[...], 1.0)
        t = jnp.maximum(
            jnp.dot(g, wh1_ref[...], preferred_element_type=jnp.float32)
            + bh1_ref[...], 0.0)
        o_ref[...] = (jnp.dot(t, wh2_ref[...], preferred_element_type=jnp.float32)
                      + bh2_ref[...])


def _tc_pool_head(h, batch_b, Wh1, bh1, Wh2p, bh2p):
    return pl.pallas_call(
        _pool_head_body,
        grid=(N_BLKS,),
        in_specs=[
            pl.BlockSpec((ROW_BLK, D), lambda i: (i, 0)),
            pl.BlockSpec((ROW_BLK, N_GRAPHS), lambda i: (i, 0)),
            pl.BlockSpec((D, D), lambda i: (0, 0)),
            pl.BlockSpec((1, D), lambda i: (0, 0)),
            pl.BlockSpec((D, D), lambda i: (0, 0)),
            pl.BlockSpec((1, D), lambda i: (0, 0)),
        ],
        out_specs=pl.BlockSpec((N_GRAPHS, D), lambda i: (0, 0)),
        out_shape=jax.ShapeDtypeStruct((N_GRAPHS, D), jnp.float32),
        scratch_shapes=[
            pltpu.VMEM((N_GRAPHS, D), jnp.float32),
            pltpu.VMEM((N_GRAPHS, D), jnp.float32),
        ],
    )(h, batch_b, Wh1, bh1, Wh2p, bh2p)


def kernel(x, edge_index, batch, W_in, b_in, W1s, b1s, W2s, b2s, eps,
           Wh1, bh1, Wh2, bh2):
    pad = EDGES_PER_TILE_PAD - EDGES_PER_TILE
    src2 = jnp.pad(edge_index[0].reshape(NWKR, EDGES_PER_TILE), ((0, 0), (0, pad)),
                   constant_values=0).reshape(NWKR * EDGES_PER_TILE_PAD)
    pad_dst = jnp.broadcast_to(N_NODES + jnp.arange(pad, dtype=jnp.int32),
                               (NWKR, pad))
    dst2 = jnp.concatenate(
        [edge_index[1].reshape(NWKR, EDGES_PER_TILE), pad_dst],
        axis=1).reshape(NWKR * EDGES_PER_TILE_PAD)
    h = _tc_encoder(x, W_in, b_in.reshape(1, D))
    for l in range(N_LAYERS):
        aggf = _sc_edge_scatter(h, src2, dst2).reshape(NSC, N_PAD, D)
        scale = (1.0 + eps[l]) * jnp.ones((1, D), jnp.float32)
        h = _tc_gin_layer(h, aggf, scale, W1s[l], b1s[l].reshape(1, D),
                          W2s[l], b2s[l].reshape(1, D))
    batch_b = jnp.broadcast_to(batch[:, None], (N_NODES, N_GRAPHS))
    Wh2p = jnp.zeros((D, D), jnp.float32).at[:, :N_CLASSES].set(Wh2)
    bh2p = jnp.zeros((1, D), jnp.float32).at[0, :N_CLASSES].set(bh2)
    out = _tc_pool_head(h, batch_b, Wh1, bh1.reshape(1, D), Wh2p, bh2p)
    return out[:, :N_CLASSES]

# --- scband reference (transcript-rebuilt; emitter-appended) ---
"""Pipeline reference for scband-finetune-gnn-72584947303076 (READ-ONLY COPY).

The authoritative reference and input builder live on the scoring server;
editing this copy changes nothing except your own understanding.
"""

import jax, jax.numpy as jnp
import numpy as np

N_NODES = 10000
N_EDGES = 320000
D_IN = 128
D_HID = 128
N_LAYERS = 5
N_GRAPHS = 128
N_CLASSES = 6


def setup_inputs(seed: int = 0) -> dict:
    key = jax.random.key(seed)
    ks = jax.random.split(key, 16)
    x = jax.random.normal(ks[0], (N_NODES, D_IN), dtype=jnp.float32)
    edge_index = jax.random.randint(ks[1], (2, N_EDGES), 0, N_NODES, dtype=jnp.int32)
    batch = jnp.sort(jax.random.randint(ks[2], (N_NODES,), 0, N_GRAPHS, dtype=jnp.int32))
    s = 1.0 / np.sqrt(D_HID)
    W_in = jax.random.normal(ks[3], (D_IN, D_HID), dtype=jnp.float32) * (1.0 / np.sqrt(D_IN))
    b_in = jnp.zeros((D_HID,), jnp.float32)
    W1s = jax.random.normal(ks[4], (N_LAYERS, D_HID, D_HID), dtype=jnp.float32) * s
    b1s = jnp.zeros((N_LAYERS, D_HID), jnp.float32)
    W2s = jax.random.normal(ks[5], (N_LAYERS, D_HID, D_HID), dtype=jnp.float32) * s
    b2s = jnp.zeros((N_LAYERS, D_HID), jnp.float32)
    eps = jnp.zeros((N_LAYERS,), jnp.float32)
    Wh1 = jax.random.normal(ks[6], (D_HID, 128), dtype=jnp.float32) * s
    bh1 = jnp.zeros((128,), jnp.float32)
    Wh2 = jax.random.normal(ks[7], (128, N_CLASSES), dtype=jnp.float32) * (1.0 / np.sqrt(128.0))
    bh2 = jnp.zeros((N_CLASSES,), jnp.float32)
    return {"x": x, "edge_index": edge_index, "batch": batch,
            "W_in": W_in, "b_in": b_in,
            "W1s": W1s, "b1s": b1s, "W2s": W2s, "b2s": b2s, "eps": eps,
            "Wh1": Wh1, "bh1": bh1, "Wh2": Wh2, "bh2": bh2}


def reference(x, edge_index, batch, W_in, b_in, W1s, b1s, W2s, b2s, eps, Wh1, bh1, Wh2, bh2):
    src = edge_index[0]
    dst = edge_index[1]
    # InputEncoder: linear projection of raw features to GNN hidden dim
    h = jnp.maximum(x @ W_in + b_in, 0.0)
    # GINBackbone: stack of GIN convolutions (sum aggregation + 2-layer MLP)
    for l in range(N_LAYERS):
        agg = jnp.zeros_like(h).at[dst].add(h[src])  # scatter-add message passing
        z = (1.0 + eps[l]) * h + agg
        z = jnp.maximum(z @ W1s[l] + b1s[l], 0.0)
        z = z @ W2s[l] + b2s[l]
        h = jnp.maximum(z, 0.0)
    # graph_classification branch: global_mean_pool over batch ids
    sums = jax.ops.segment_sum(h, batch, num_segments=N_GRAPHS)
    counts = jax.ops.segment_sum(jnp.ones((h.shape[0], 1), h.dtype), batch, num_segments=N_GRAPHS)
    g = sums / jnp.maximum(counts, 1.0)
    # MLPHead([GNN_HIDDEN_DIM, FINETUNE_HIDDEN_DIM, num_classes])
    g = jnp.maximum(g @ Wh1 + bh1, 0.0)
    return g @ Wh2 + bh2

if __name__ == "__main__":
    import jax
    _d = setup_inputs()
    print(jax.jit(kernel)(*tuple(_d.values())))

</pallas_src>

<mosaic_0001>
#map = affine_map<(d0, d1) -> (0, 0)>
#map1 = affine_map<(d0, d1) -> (0)>
module attributes {stable_mosaic.version = 14 : i64} {
  func.func @scatter_kernel(%arg0: i32, %arg1: i32, %arg2: memref<10000x128xf32, #tpu.memory_space<hbm>>, %arg3: memref<320000xi32, #tpu.memory_space<hbm>>, %arg4: memref<320000xi32, #tpu.memory_space<hbm>>, %arg5: memref<20480x128xf32, #tpu.memory_space<hbm>>, %arg6: memref<80xi32, #tpu.memory_space<vmem>>, %arg7: memref<80xi32, #tpu.memory_space<vmem>>, %arg8: memref<80xi32, #tpu.memory_space<vmem>>, %arg9: memref<80xi32, #tpu.memory_space<vmem>>, %arg10: memref<80xi32, #tpu.memory_space<vmem>>, %arg11: memref<80xi32, #tpu.memory_space<vmem>>, %arg12: memref<80xi32, #tpu.memory_space<vmem>>, %arg13: memref<80xi32, #tpu.memory_space<vmem>>, %arg14: memref<80x128xf32, #tpu.memory_space<vmem>>, %arg15: memref<80x128xf32, #tpu.memory_space<vmem>>, %arg16: memref<80x128xf32, #tpu.memory_space<vmem>>, %arg17: memref<80x128xf32, #tpu.memory_space<vmem>>, %arg18: memref<10240x128xf32, #tpu.memory_space<vmem_shared>>, %arg19: memref<!tpu.dma_semaphore, #tpu.memory_space<semaphore_mem>>, %arg20: memref<!tpu.dma_semaphore, #tpu.memory_space<semaphore_mem>>, %arg21: memref<!tpu.dma_semaphore, #tpu.memory_space<semaphore_mem>>, %arg22: memref<!tpu.dma_semaphore, #tpu.memory_space<semaphore_mem>>, %arg23: memref<!tpu.dma_semaphore, #tpu.memory_space<semaphore_mem>>, %arg24: memref<!tpu.dma_semaphore, #tpu.memory_space<semaphore_mem>>, %arg25: memref<!tpu.dma_semaphore, #tpu.memory_space<semaphore_mem>>, %arg26: memref<!tpu.dma_semaphore, #tpu.memory_space<semaphore_mem>>) attributes {dimension_semantics = [#tpu.dimension_semantics<core_parallel>, #tpu.dimension_semantics<subcore_parallel>], iteration_bounds = array<i64: 2, 16>, scalar_prefetch = 0 : i64, scratch_operands = 21 : i64, tpu.core_type = #tpu.core_type<sc_vector_subcore>, window_params = [{transform_indices = #map}, {transform_indices = #map1}, {transform_indices = #map1}, {transform_indices = #map}]} {
    %mul3A = arith.constant 16 : i32
    %mul3A_0 = arith.muli %arg0, %mul3A : i32
    %add3A = arith.addi %mul3A_0, %arg1 : i32
    %mul3A_1 = arith.constant 10000 : i32
    %mul3A_2 = arith.muli %add3A, %mul3A_1 : i32
    %broadcast_in_dim3A = arith.constant 0.000000e+00 : f32
    %broadcast_in_dim3A_3 = vector.broadcast %broadcast_in_dim3A : f32 to vector<16xf32>
    %scan3A = arith.constant 0 : i32
    %scan3A_4 = arith.constant 80 : i32
    %scan3A_5 = arith.addi %scan3A, %scan3A_4 : i32
    %scan3A_6 = arith.constant 1 : i32
    scf.for %scan3A_97 = %scan3A to %scan3A_5 step %scan3A_6  : i32 {
      %mul3A_98 = arith.constant 1 : i32
      %mul3A_99 = arith.muli %scan3A_97, %mul3A_98 : i32
      %add3A_100 = arith.constant 0 : i32
      %add3A_101 = arith.addi %add3A_100, %mul3A_99 : i32
      %swap3A = arith.index_cast %add3A_101 : i32 to index
      %swap3A_102 = arith.constant 0 : index
      %swap3A_103 = tpu.vector_load %arg14[%swap3A, %swap3A_102] {strides = array<i32>} : memref<80x128xf32, #tpu.memory_space<vmem>>, vector<1x16xf32>,
      %swap3A_104 = vector.shape_cast %swap3A_103 : vector<1x16xf32> to vector<16xf32>
      %swap3A_105 = vector.shape_cast %broadcast_in_dim3A_3 : vector<16xf32> to vector<1x16xf32>
      tpu.vector_store %arg14[%swap3A, %swap3A_102], %swap3A_105 {strides = array<i32>} : memref<80x128xf32, #tpu.memory_space<vmem>>, vector<1x16xf32>,
      %swap3A_106 = arith.index_cast %add3A_101 : i32 to index
      %swap3A_107 = arith.constant 16 : index
      %swap3A_108 = tpu.vector_load %arg14[%swap3A_106, %swap3A_107] {strides = array<i32>} : memref<80x128xf32, #tpu.memory_space<vmem>>, vector<1x16xf32>,
      %swap3A_109 = vector.shape_cast %swap3A_108 : vector<1x16xf32> to vector<16xf32>
      %swap3A_110 = vector.shape_cast %broadcast_in_dim3A_3 : vector<16xf32> to vector<1x16xf32>
      tpu.vector_store %arg14[%swap3A_106, %swap3A_107], %swap3A_110 {strides = array<i32>} : memref<80x128xf32, #tpu.memory_space<vmem>>, vector<1x16xf32>,
      %swap3A_111 = arith.index_cast %add3A_101 : i32 to index
      %swap3A_112 = arith.constant 32 : index
      %swap3A_113 = tpu.vector_load %arg14[%swap3A_111, %swap3A_112] {strides = array<i32>} : memref<80x128xf32, #tpu.memory_space<vmem>>, vector<1x16xf32>,
      %swap3A_114 = vector.shape_cast %swap3A_113 : vector<1x16xf32> to vector<16xf32>
      %swap3A_115 = vector.shape_cast %broadcast_in_dim3A_3 : vector<16xf32> to vector<1x16xf32>
      tpu.vector_store %arg14[%swap3A_111, %swap3A_112], %swap3A_115 {strides = array<i32>} : memref<80x128xf32, #tpu.memory_space<vmem>>, vector<1x16xf32>,
      %swap3A_116 = arith.index_cast %add3A_101 : i32 to index
      %swap3A_117 = arith.constant 48 : index
      %swap3A_118 = tpu.vector_load %arg14[%swap3A_116, %swap3A_117] {strides = array<i32>} : memref<80x128xf32, #tpu.memory_space<vmem>>, vector<1x16xf32>,
      %swap3A_119 = vector.shape_cast %swap3A_118 : vector<1x16xf32> to vector<16xf32>
      %swap3A_120 = vector.shape_cast %broadcast_in_dim3A_3 : vector<16xf32> to vector<1x16xf32>
      tpu.vector_store %arg14[%swap3A_116, %swap3A_117], %swap3A_120 {strides = array<i32>} : memref<80x128xf32, #tpu.memory_space<vmem>>, vector<1x16xf32>,
      %swap3A_121 = arith.index_cast %add3A_101 : i32 to index
      %swap3A_122 = arith.constant 64 : index
      %swap3A_123 = tpu.vector_load %arg14[%swap3A_121, %swap3A_122] {strides = array<i32>} : memref<80x128xf32, #tpu.memory_space<vmem>>, vector<1x16xf32>,
      %swap3A_124 = vector.shape_cast %swap3A_123 : vector<1x16xf32> to vector<16xf32>
      %swap3A_125 = vector.shape_cast %broadcast_in_dim3A_3 : vector<16xf32> to vector<1x16xf32>
      tpu.vector_store %arg14[%swap3A_121, %swap3A_122], %swap3A_125 {strides = array<i32>} : memref<80x128xf32, #tpu.memory_space<vmem>>, vector<1x16xf32>,
      %swap3A_126 = arith.index_cast %add3A_101 : i32 to index
      %swap3A_127 = arith.constant 80 : index
      %swap3A_128 = tpu.vector_load %arg14[%swap3A_126, %swap3A_127] {strides = array<i32>} : memref<80x128xf32, #tpu.memory_space<vmem>>, vector<1x16xf32>,
      %swap3A_129 = vector.shape_cast %swap3A_128 : vector<1x16xf32> to vector<16xf32>
      %swap3A_130 = vector.shape_cast %broadcast_in_dim3A_3 : vector<16xf32> to vector<1x16xf32>
      tpu.vector_store %arg14[%swap3A_126, %swap3A_127], %swap3A_130 {strides = array<i32>} : memref<80x128xf32, #tpu.memory_space<vmem>>, vector<1x16xf32>,
      %swap3A_131 = arith.index_cast %add3A_101 : i32 to index
      %swap3A_132 = arith.constant 96 : index
      %swap3A_133 = tpu.vector_load %arg14[%swap3A_131, %swap3A_132] {strides = array<i32>} : memref<80x128xf32, #tpu.memory_space<vmem>>, vector<1x16xf32>,
      %swap3A_134 = vector.shape_cast %swap3A_133 : vector<1x16xf32> to vector<16xf32>
      %swap3A_135 = vector.shape_cast %broadcast_in_dim3A_3 : vector<16xf32> to vector<1x16xf32>
      tpu.vector_store %arg14[%swap3A_131, %swap3A_132], %swap3A_135 {strides = array<i32>} : memref<80x128xf32, #tpu.memory_space<vmem>>, vector<1x16xf32>,
      %swap3A_136 = arith.index_cast %add3A_101 : i32 to index
      %swap3A_137 = arith.constant 112 : index
      %swap3A_138 = tpu.vector_load %arg14[%swap3A_136, %swap3A_137] {strides = array<i32>} : memref<80x128xf32, #tpu.memory_space<vmem>>, vector<1x16xf32>,
      %swap3A_139 = vector.shape_cast %swap3A_138 : vector<1x16xf32> to vector<16xf32>
      %swap3A_140 = vector.shape_cast %broadcast_in_dim3A_3 : vector<16xf32> to vector<1x16xf32>
      tpu.vector_store %arg14[%swap3A_136, %swap3A_137], %swap3A_140 {strides = array<i32>} : memref<80x128xf32, #tpu.memory_space<vmem>>, vector<1x16xf32>,
    }
    %scan3A_7 = arith.constant 80 : i32
    %scan3A_8 = arith.constant 0 : i32
    %scan3A_9 = arith.constant 8 : i32
    %scan3A_10 = arith.addi %scan3A_8, %scan3A_9 : i32
    %scan3A_11 = arith.constant 1 : i32
    scf.for %scan3A_97 = %scan3A_8 to %scan3A_10 step %scan3A_11  : i32 {
      %mul3A_98 = arith.constant 1 : i32
      %mul3A_99 = arith.muli %scan3A_97, %mul3A_98 : i32
      %add3A_100 = arith.constant 0 : i32
      %add3A_101 = arith.addi %add3A_100, %mul3A_99 : i32
      %mul3A_102 = arith.constant 640 : i32
      %mul3A_103 = arith.muli %arg1, %mul3A_102 : i32
      %mul3A_104 = arith.constant 80 : i32
      %mul3A_105 = arith.muli %add3A_101, %mul3A_104 : i32
      %add3A_106 = arith.addi %mul3A_103, %mul3A_105 : i32
      "tpu.region"() ({
        %run_scoped3A = tpu.sem_alloc : memref<!tpu.dma_semaphore, #tpu.memory_space<semaphore_mem>>
        %dma_start3A_107 = arith.constant 0 : i32
        %dma_start3A_108 = tpu.memref_slice %arg18[%add3A_106, %dma_start3A_107] : memref<10240x128xf32, #tpu.memory_space<vmem_shared>> -> memref<80x128xf32, #tpu.memory_space<vmem_shared>>
        %dma_start3A_109 = arith.constant 0 : i32
        %dma_start3A_110 = tpu.memref_slice %arg18[%add3A_106, %dma_start3A_109] : memref<10240x128xf32, #tpu.memory_space<vmem_shared>> -> memref<80x128xf32, #tpu.memory_space<vmem_shared>>
        tpu.enqueue_dma source(%arg14 : memref<80x128xf32, #tpu.memory_space<vmem>>) target(%dma_start3A_110 : memref<80x128xf32, #tpu.memory_space<vmem_shared>>) target_semaphore(%run_scoped3A : memref<!tpu.dma_semaphore, #tpu.memory_space<semaphore_mem>>)
        %dma_wait3A_111 = arith.constant 0 : i32
        %dma_wait3A_112 = tpu.memref_slice %arg18[%add3A_106, %dma_wait3A_111] : memref<10240x128xf32, #tpu.memory_space<vmem_shared>> -> memref<80x128xf32, #tpu.memory_space<vmem_shared>>
        %dma_wait3A_113 = arith.constant 0 : i32
        %dma_wait3A_114 = tpu.memref_slice %arg18[%add3A_106, %dma_wait3A_113] : memref<10240x128xf32, #tpu.memory_space<vmem_shared>> -> memref<80x128xf32, #tpu.memory_space<vmem_shared>>
        tpu.wait_dma2 semaphore(%run_scoped3A : memref<!tpu.dma_semaphore, #tpu.memory_space<semaphore_mem>>) src(%arg14 : memref<80x128xf32, #tpu.memory_space<vmem>>) dst(%dma_wait3A_114 : memref<80x128xf32, #tpu.memory_space<vmem_shared>>)
        tpu.yield
      }) : () -> ()
    }
    %scan3A_12 = arith.constant 8 : i32
    %add3A_13 = arith.constant 0 : i32
    %add3A_14 = arith.addi %mul3A_2, %add3A_13 : i32
    "tpu.region"() ({
      %run_scoped3A = tpu.sem_alloc : memref<!tpu.dma_semaphore, #tpu.memory_space<semaphore_mem>>
      %dma_start3A_97 = tpu.memref_slice %arg3[%add3A_14] : memref<320000xi32, #tpu.memory_space<hbm>> -> memref<80xi32, #tpu.memory_space<hbm>>
      %dma_start3A_98 = tpu.memref_slice %arg3[%add3A_14] : memref<320000xi32, #tpu.memory_space<hbm>> -> memref<80xi32, #tpu.memory_space<hbm>>
      tpu.enqueue_dma source(%dma_start3A_98 : memref<80xi32, #tpu.memory_space<hbm>>) target(%arg6 : memref<80xi32, #tpu.memory_space<vmem>>) target_semaphore(%run_scoped3A : memref<!tpu.dma_semaphore, #tpu.memory_space<semaphore_mem>>)
      %dma_wait3A_99 = tpu.memref_slice %arg3[%add3A_14] : memref<320000xi32, #tpu.memory_space<hbm>> -> memref<80xi32, #tpu.memory_space<hbm>>
      %dma_wait3A_100 = tpu.memref_slice %arg3[%add3A_14] : memref<320000xi32, #tpu.memory_space<hbm>> -> memref<80xi32, #tpu.memory_space<hbm>>
      tpu.wait_dma2 semaphore(%run_scoped3A : memref<!tpu.dma_semaphore, #tpu.memory_space<semaphore_mem>>) src(%dma_wait3A_100 : memref<80xi32, #tpu.memory_space<hbm>>) dst(%arg6 : memref<80xi32, #tpu.memory_space<vmem>>)
      tpu.yield
    }) : () -> ()
    "tpu.region"() ({
      %run_scoped3A = tpu.sem_alloc : memref<!tpu.dma_semaphore, #tpu.memory_space<semaphore_mem>>
      %dma_start3A_97 = tpu.memref_slice %arg4[%add3A_14] : memref<320000xi32, #tpu.memory_space<hbm>> -> memref<80xi32, #tpu.memory_space<hbm>>
      %dma_start3A_98 = tpu.memref_slice %arg4[%add3A_14] : memref<320000xi32, #tpu.memory_space<hbm>> -> memref<80xi32, #tpu.memory_space<hbm>>
      tpu.enqueue_dma source(%dma_start3A_98 : memref<80xi32, #tpu.memory_space<hbm>>) target(%arg10 : memref<80xi32, #tpu.memory_space<vmem>>) target_semaphore(%run_scoped3A : memref<!tpu.dma_semaphore, #tpu.memory_space<semaphore_mem>>)
      %dma_wait3A_99 = tpu.memref_slice %arg4[%add3A_14] : memref<320000xi32, #tpu.memory_space<hbm>> -> memref<80xi32, #tpu.memory_space<hbm>>
      %dma_wait3A_100 = tpu.memref_slice %arg4[%add3A_14] : memref<320000xi32, #tpu.memory_space<hbm>> -> memref<80xi32, #tpu.memory_space<hbm>>
      tpu.wait_dma2 semaphore(%run_scoped3A : memref<!tpu.dma_semaphore, #tpu.memory_space<semaphore_mem>>) src(%dma_wait3A_100 : memref<80xi32, #tpu.memory_space<hbm>>) dst(%arg10 : memref<80xi32, #tpu.memory_space<vmem>>)
      tpu.yield
    }) : () -> ()
    %add3A_15 = arith.constant 80 : i32
    %add3A_16 = arith.addi %mul3A_2, %add3A_15 : i32
    "tpu.region"() ({
      %run_scoped3A = tpu.sem_alloc : memref<!tpu.dma_semaphore, #tpu.memory_space<semaphore_mem>>
      %dma_start3A_97 = tpu.memref_slice %arg3[%add3A_16] : memref<320000xi32, #tpu.memory_space<hbm>> -> memref<80xi32, #tpu.memory_space<hbm>>
      %dma_start3A_98 = tpu.memref_slice %arg3[%add3A_16] : memref<320000xi32, #tpu.memory_space<hbm>> -> memref<80xi32, #tpu.memory_space<hbm>>
      tpu.enqueue_dma source(%dma_start3A_98 : memref<80xi32, #tpu.memory_space<hbm>>) target(%arg7 : memref<80xi32, #tpu.memory_space<vmem>>) target_semaphore(%run_scoped3A : memref<!tpu.dma_semaphore, #tpu.memory_space<semaphore_mem>>)
      %dma_wait3A_99 = tpu.memref_slice %arg3[%add3A_16] : memref<320000xi32, #tpu.memory_space<hbm>> -> memref<80xi32, #tpu.memory_space<hbm>>
      %dma_wait3A_100 = tpu.memref_slice %arg3[%add3A_16] : memref<320000xi32, #tpu.memory_space<hbm>> -> memref<80xi32, #tpu.memory_space<hbm>>
      tpu.wait_dma2 semaphore(%run_scoped3A : memref<!tpu.dma_semaphore, #tpu.memory_space<semaphore_mem>>) src(%dma_wait3A_100 : memref<80xi32, #tpu.memory_space<hbm>>) dst(%arg7 : memref<80xi32, #tpu.memory_space<vmem>>)
      tpu.yield
    }) : () -> ()
    "tpu.region"() ({
      %run_scoped3A = tpu.sem_alloc : memref<!tpu.dma_semaphore, #tpu.memory_space<semaphore_mem>>
      %dma_start3A_97 = tpu.memref_slice %arg4[%add3A_16] : memref<320000xi32, #tpu.memory_space<hbm>> -> memref<80xi32, #tpu.memory_space<hbm>>
      %dma_start3A_98 = tpu.memref_slice %arg4[%add3A_16] : memref<320000xi32, #tpu.memory_space<hbm>> -> memref<80xi32, #tpu.memory_space<hbm>>
      tpu.enqueue_dma source(%dma_start3A_98 : memref<80xi32, #tpu.memory_space<hbm>>) target(%arg11 : memref<80xi32, #tpu.memory_space<vmem>>) target_semaphore(%run_scoped3A : memref<!tpu.dma_semaphore, #tpu.memory_space<semaphore_mem>>)
      %dma_wait3A_99 = tpu.memref_slice %arg4[%add3A_16] : memref<320000xi32, #tpu.memory_space<hbm>> -> memref<80xi32, #tpu.memory_space<hbm>>
      %dma_wait3A_100 = tpu.memref_slice %arg4[%add3A_16] : memref<320000xi32, #tpu.memory_space<hbm>> -> memref<80xi32, #tpu.memory_space<hbm>>
      tpu.wait_dma2 semaphore(%run_scoped3A : memref<!tpu.dma_semaphore, #tpu.memory_space<semaphore_mem>>) src(%dma_wait3A_100 : memref<80xi32, #tpu.memory_space<hbm>>) dst(%arg11 : memref<80xi32, #tpu.memory_space<vmem>>)
      tpu.yield
    }) : () -> ()
    %dma_start3A = arith.constant 0 : i32
    %dma_start3A_17 = arith.constant 0 : i32
    %dma_start3A_18 = tpu.memref_slice %arg2[%dma_start3A, %dma_start3A_17] : memref<10000x128xf32, #tpu.memory_space<hbm>> -> memref<10000x128xf32, #tpu.memory_space<hbm>>
    tpu.enqueue_indirect_dma source(%dma_start3A_18 : memref<10000x128xf32, #tpu.memory_space<hbm>>) target(%arg14 : memref<80x128xf32, #tpu.memory_space<vmem>>) offsets(%arg6 : memref<80xi32, #tpu.memory_space<vmem>>) semaphore(%arg19 : memref<!tpu.dma_semaphore, #tpu.memory_space<semaphore_mem>>)
    %dma_start3A_19 = arith.constant 0 : i32
    %dma_start3A_20 = arith.constant 0 : i32
    %dma_start3A_21 = tpu.memref_slice %arg2[%dma_start3A_19, %dma_start3A_20] : memref<10000x128xf32, #tpu.memory_space<hbm>> -> memref<10000x128xf32, #tpu.memory_space<hbm>>
    tpu.enqueue_indirect_dma source(%dma_start3A_21 : memref<10000x128xf32, #tpu.memory_space<hbm>>) target(%arg15 : memref<80x128xf32, #tpu.memory_space<vmem>>) offsets(%arg7 : memref<80xi32, #tpu.memory_space<vmem>>) semaphore(%arg20 : memref<!tpu.dma_semaphore, #tpu.memory_space<semaphore_mem>>)
    %barrier3A = arith.constant 0 : index
    tpu.barrier barrier_id(%barrier3A)
    %dma_wait3A = arith.constant 0 : i32
    %dma_wait3A_22 = arith.constant 0 : i32
    %dma_wait3A_23 = tpu.memref_slice %arg2[%dma_wait3A, %dma_wait3A_22] : memref<10000x128xf32, #tpu.memory_space<hbm>> -> memref<10000x128xf32, #tpu.memory_space<hbm>>
    tpu.wait_indirect_dma semaphore(%arg19 : memref<!tpu.dma_semaphore, #tpu.memory_space<semaphore_mem>>) src(%dma_wait3A_23 : memref<10000x128xf32, #tpu.memory_space<hbm>>) dst(%arg14 : memref<80x128xf32, #tpu.memory_space<vmem>>)
    %dma_start3A_24 = arith.constant 0 : i32
    %dma_start3A_25 = arith.constant 0 : i32
    %dma_start3A_26 = tpu.memref_slice %arg18[%dma_start3A_24, %dma_start3A_25] : memref<10240x128xf32, #tpu.memory_space<vmem_shared>> -> memref<10240x128xf32, #tpu.memory_space<vmem_shared>>
    tpu.enqueue_indirect_dma source(%arg14 : memref<80x128xf32, #tpu.memory_space<vmem>>) target(%dma_start3A_26 : memref<10240x128xf32, #tpu.memory_space<vmem_shared>>) offsets(%arg10 : memref<80xi32, #tpu.memory_space<vmem>>) semaphore(%arg23 : memref<!tpu.dma_semaphore, #tpu.memory_space<semaphore_mem>>) {add = true}
    %add3A_27 = arith.constant 160 : i32
    %add3A_28 = arith.addi %mul3A_2, %add3A_27 : i32
    "tpu.region"() ({
      %run_scoped3A = tpu.sem_alloc : memref<!tpu.dma_semaphore, #tpu.memory_space<semaphore_mem>>
      %dma_start3A_97 = tpu.memref_slice %arg3[%add3A_28] : memref<320000xi32, #tpu.memory_space<hbm>> -> memref<80xi32, #tpu.memory_space<hbm>>
      %dma_start3A_98 = tpu.memref_slice %arg3[%add3A_28] : memref<320000xi32, #tpu.memory_space<hbm>> -> memref<80xi32, #tpu.memory_space<hbm>>
      tpu.enqueue_dma source(%dma_start3A_98 : memref<80xi32, #tpu.memory_space<hbm>>) target(%arg8 : memref<80xi32, #tpu.memory_space<vmem>>) target_semaphore(%run_scoped3A : memref<!tpu.dma_semaphore, #tpu.memory_space<semaphore_mem>>)
      %dma_wait3A_99 = tpu.memref_slice %arg3[%add3A_28] : memref<320000xi32, #tpu.memory_space<hbm>> -> memref<80xi32, #tpu.memory_space<hbm>>
      %dma_wait3A_100 = tpu.memref_slice %arg3[%add3A_28] : memref<320000xi32, #tpu.memory_space<hbm>> -> memref<80xi32, #tpu.memory_space<hbm>>
      tpu.wait_dma2 semaphore(%run_scoped3A : memref<!tpu.dma_semaphore, #tpu.memory_space<semaphore_mem>>) src(%dma_wait3A_100 : memref<80xi32, #tpu.memory_space<hbm>>) dst(%arg8 : memref<80xi32, #tpu.memory_space<vmem>>)
      tpu.yield
    }) : () -> ()
    "tpu.region"() ({
      %run_scoped3A = tpu.sem_alloc : memref<!tpu.dma_semaphore, #tpu.memory_space<semaphore_mem>>
      %dma_start3A_97 = tpu.memref_slice %arg4[%add3A_28] : memref<320000xi32, #tpu.memory_space<hbm>> -> memref<80xi32, #tpu.memory_space<hbm>>
      %dma_start3A_98 = tpu.memref_slice %arg4[%add3A_28] : memref<320000xi32, #tpu.memory_space<hbm>> -> memref<80xi32, #tpu.memory_space<hbm>>
      tpu.enqueue_dma source(%dma_start3A_98 : memref<80xi32, #tpu.memory_space<hbm>>) target(%arg12 : memref<80xi32, #tpu.memory_space<vmem>>) target_semaphore(%run_scoped3A : memref<!tpu.dma_semaphore, #tpu.memory_space<semaphore_mem>>)
      %dma_wait3A_99 = tpu.memref_slice %arg4[%add3A_28] : memref<320000xi32, #tpu.memory_space<hbm>> -> memref<80xi32, #tpu.memory_space<hbm>>
      %dma_wait3A_100 = tpu.memref_slice %arg4[%add3A_28] : memref<320000xi32, #tpu.memory_space<hbm>> -> memref<80xi32, #tpu.memory_space<hbm>>
      tpu.wait_dma2 semaphore(%run_scoped3A : memref<!tpu.dma_semaphore, #tpu.memory_space<semaphore_mem>>) src(%dma_wait3A_100 : memref<80xi32, #tpu.memory_space<hbm>>) dst(%arg12 : memref<80xi32, #tpu.memory_space<vmem>>)
      tpu.yield
    }) : () -> ()
    %dma_start3A_29 = arith.constant 0 : i32
    %dma_start3A_30 = arith.constant 0 : i32
    %dma_start3A_31 = tpu.memref_slice %arg2[%dma_start3A_29, %dma_start3A_30] : memref<10000x128xf32, #tpu.memory_space<hbm>> -> memref<10000x128xf32, #tpu.memory_space<hbm>>
    tpu.enqueue_indirect_dma source(%dma_start3A_31 : memref<10000x128xf32, #tpu.memory_space<hbm>>) target(%arg16 : memref<80x128xf32, #tpu.memory_space<vmem>>) offsets(%arg8 : memref<80xi32, #tpu.memory_space<vmem>>) semaphore(%arg21 : memref<!tpu.dma_semaphore, #tpu.memory_space<semaphore_mem>>)
    %dma_wait3A_32 = arith.constant 0 : i32
    %dma_wait3A_33 = arith.constant 0 : i32
    %dma_wait3A_34 = tpu.memref_slice %arg2[%dma_wait3A_32, %dma_wait3A_33] : memref<10000x128xf32, #tpu.memory_space<hbm>> -> memref<10000x128xf32, #tpu.memory_space<hbm>>
    tpu.wait_indirect_dma semaphore(%arg20 : memref<!tpu.dma_semaphore, #tpu.memory_space<semaphore_mem>>) src(%dma_wait3A_34 : memref<10000x128xf32, #tpu.memory_space<hbm>>) dst(%arg15 : memref<80x128xf32, #tpu.memory_space<vmem>>)
    %dma_start3A_35 = arith.constant 0 : i32
    %dma_start3A_36 = arith.constant 0 : i32
    %dma_start3A_37 = tpu.memref_slice %arg18[%dma_start3A_35, %dma_start3A_36] : memref<10240x128xf32, #tpu.memory_space<vmem_shared>> -> memref<10240x128xf32, #tpu.memory_space<vmem_shared>>
    tpu.enqueue_indirect_dma source(%arg15 : memref<80x128xf32, #tpu.memory_space<vmem>>) target(%dma_start3A_37 : memref<10240x128xf32, #tpu.memory_space<vmem_shared>>) offsets(%arg11 : memref<80xi32, #tpu.memory_space<vmem>>) semaphore(%arg24 : memref<!tpu.dma_semaphore, #tpu.memory_space<semaphore_mem>>) {add = true}
    %add3A_38 = arith.constant 240 : i32
    %add3A_39 = arith.addi %mul3A_2, %add3A_38 : i32
    "tpu.region"() ({
      %run_scoped3A = tpu.sem_alloc : memref<!tpu.dma_semaphore, #tpu.memory_space<semaphore_mem>>
      %dma_start3A_97 = tpu.memref_slice %arg3[%add3A_39] : memref<320000xi32, #tpu.memory_space<hbm>> -> memref<80xi32, #tpu.memory_space<hbm>>
      %dma_start3A_98 = tpu.memref_slice %arg3[%add3A_39] : memref<320000xi32, #tpu.memory_space<hbm>> -> memref<80xi32, #tpu.memory_space<hbm>>
      tpu.enqueue_dma source(%dma_start3A_98 : memref<80xi32, #tpu.memory_space<hbm>>) target(%arg9 : memref<80xi32, #tpu.memory_space<vmem>>) target_semaphore(%run_scoped3A : memref<!tpu.dma_semaphore, #tpu.memory_space<semaphore_mem>>)
      %dma_wait3A_99 = tpu.memref_slice %arg3[%add3A_39] : memref<320000xi32, #tpu.memory_space<hbm>> -> memref<80xi32, #tpu.memory_space<hbm>>
      %dma_wait3A_100 = tpu.memref_slice %arg3[%add3A_39] : memref<320000xi32, #tpu.memory_space<hbm>> -> memref<80xi32, #tpu.memory_space<hbm>>
      tpu.wait_dma2 semaphore(%run_scoped3A : memref<!tpu.dma_semaphore, #tpu.memory_space<semaphore_mem>>) src(%dma_wait3A_100 : memref<80xi32, #tpu.memory_space<hbm>>) dst(%arg9 : memref<80xi32, #tpu.memory_space<vmem>>)
      tpu.yield
    }) : () -> ()
    "tpu.region"() ({
      %run_scoped3A = tpu.sem_alloc : memref<!tpu.dma_semaphore, #tpu.memory_space<semaphore_mem>>
      %dma_start3A_97 = tpu.memref_slice %arg4[%add3A_39] : memref<320000xi32, #tpu.memory_space<hbm>> -> memref<80xi32, #tpu.memory_space<hbm>>
      %dma_start3A_98 = tpu.memref_slice %arg4[%add3A_39] : memref<320000xi32, #tpu.memory_space<hbm>> -> memref<80xi32, #tpu.memory_space<hbm>>
      tpu.enqueue_dma source(%dma_start3A_98 : memref<80xi32, #tpu.memory_space<hbm>>) target(%arg13 : memref<80xi32, #tpu.memory_space<vmem>>) target_semaphore(%run_scoped3A : memref<!tpu.dma_semaphore, #tpu.memory_space<semaphore_mem>>)
      %dma_wait3A_99 = tpu.memref_slice %arg4[%add3A_39] : memref<320000xi32, #tpu.memory_space<hbm>> -> memref<80xi32, #tpu.memory_space<hbm>>
      %dma_wait3A_100 = tpu.memref_slice %arg4[%add3A_39] : memref<320000xi32, #tpu.memory_space<hbm>> -> memref<80xi32, #tpu.memory_space<hbm>>
      tpu.wait_dma2 semaphore(%run_scoped3A : memref<!tpu.dma_semaphore, #tpu.memory_space<semaphore_mem>>) src(%dma_wait3A_100 : memref<80xi32, #tpu.memory_space<hbm>>) dst(%arg13 : memref<80xi32, #tpu.memory_space<vmem>>)
      tpu.yield
    }) : () -> ()
    %dma_start3A_40 = arith.constant 0 : i32
    %dma_start3A_41 = arith.constant 0 : i32
    %dma_start3A_42 = tpu.memref_slice %arg2[%dma_start3A_40, %dma_start3A_41] : memref<10000x128xf32, #tpu.memory_space<hbm>> -> memref<10000x128xf32, #tpu.memory_space<hbm>>
    tpu.enqueue_indirect_dma source(%dma_start3A_42 : memref<10000x128xf32, #tpu.memory_space<hbm>>) target(%arg17 : memref<80x128xf32, #tpu.memory_space<vmem>>) offsets(%arg9 : memref<80xi32, #tpu.memory_space<vmem>>) semaphore(%arg22 : memref<!tpu.dma_semaphore, #tpu.memory_space<semaphore_mem>>)
    %dma_wait3A_43 = arith.constant 0 : i32
    %dma_wait3A_44 = arith.constant 0 : i32
    %dma_wait3A_45 = tpu.memref_slice %arg2[%dma_wait3A_43, %dma_wait3A_44] : memref<10000x128xf32, #tpu.memory_space<hbm>> -> memref<10000x128xf32, #tpu.memory_space<hbm>>
    tpu.wait_indirect_dma semaphore(%arg21 : memref<!tpu.dma_semaphore, #tpu.memory_space<semaphore_mem>>) src(%dma_wait3A_45 : memref<10000x128xf32, #tpu.memory_space<hbm>>) dst(%arg16 : memref<80x128xf32, #tpu.memory_space<vmem>>)
    %dma_wait3A_46 = arith.constant 0 : i32
    %dma_wait3A_47 = arith.constant 0 : i32
    %dma_wait3A_48 = tpu.memref_slice %arg18[%dma_wait3A_46, %dma_wait3A_47] : memref<10240x128xf32, #tpu.memory_space<vmem_shared>> -> memref<10240x128xf32, #tpu.memory_space<vmem_shared>>
    tpu.wait_indirect_dma semaphore(%arg23 : memref<!tpu.dma_semaphore, #tpu.memory_space<semaphore_mem>>) src(%arg14 : memref<80x128xf32, #tpu.memory_space<vmem>>) dst(%dma_wait3A_48 : memref<10240x128xf32, #tpu.memory_space<vmem_shared>>)
    %dma_start3A_49 = arith.constant 0 : i32
    %dma_start3A_50 = arith.constant 0 : i32
    %dma_start3A_51 = tpu.memref_slice %arg18[%dma_start3A_49, %dma_start3A_50] : memref<10240x128xf32, #tpu.memory_space<vmem_shared>> -> memref<10240x128xf32, #tpu.memory_space<vmem_shared>>
    tpu.enqueue_indirect_dma source(%arg16 : memref<80x128xf32, #tpu.memory_space<vmem>>) target(%dma_start3A_51 : memref<10240x128xf32, #tpu.memory_space<vmem_shared>>) offsets(%arg12 : memref<80xi32, #tpu.memory_space<vmem>>) semaphore(%arg25 : memref<!tpu.dma_semaphore, #tpu.memory_space<semaphore_mem>>) {add = true}
    %add3A_52 = arith.constant 320 : i32
    %add3A_53 = arith.addi %mul3A_2, %add3A_52 : i32
    "tpu.region"() ({
      %run_scoped3A = tpu.sem_alloc : memref<!tpu.dma_semaphore, #tpu.memory_space<semaphore_mem>>
      %dma_start3A_97 = tpu.memref_slice %arg3[%add3A_53] : memref<320000xi32, #tpu.memory_space<hbm>> -> memref<80xi32, #tpu.memory_space<hbm>>
      %dma_start3A_98 = tpu.memref_slice %arg3[%add3A_53] : memref<320000xi32, #tpu.memory_space<hbm>> -> memref<80xi32, #tpu.memory_space<hbm>>
      tpu.enqueue_dma source(%dma_start3A_98 : memref<80xi32, #tpu.memory_space<hbm>>) target(%arg6 : memref<80xi32, #tpu.memory_space<vmem>>) target_semaphore(%run_scoped3A : memref<!tpu.dma_semaphore, #tpu.memory_space<semaphore_mem>>)
      %dma_wait3A_99 = tpu.memref_slice %arg3[%add3A_53] : memref<320000xi32, #tpu.memory_space<hbm>> -> memref<80xi32, #tpu.memory_space<hbm>>
      %dma_wait3A_100 = tpu.memref_slice %arg3[%add3A_53] : memref<320000xi32, #tpu.memory_space<hbm>> -> memref<80xi32, #tpu.memory_space<hbm>>
      tpu.wait_dma2 semaphore(%run_scoped3A : memref<!tpu.dma_semaphore, #tpu.memory_space<semaphore_mem>>) src(%dma_wait3A_100 : memref<80xi32, #tpu.memory_space<hbm>>) dst(%arg6 : memref<80xi32, #tpu.memory_space<vmem>>)
      tpu.yield
    }) : () -> ()
    "tpu.region"() ({
      %run_scoped3A = tpu.sem_alloc : memref<!tpu.dma_semaphore, #tpu.memory_space<semaphore_mem>>
      %dma_start3A_97 = tpu.memref_slice %arg4[%add3A_53] : memref<320000xi32, #tpu.memory_space<hbm>> -> memref<80xi32, #tpu.memory_space<hbm>>
      %dma_start3A_98 = tpu.memref_slice %arg4[%add3A_53] : memref<320000xi32, #tpu.memory_space<hbm>> -> memref<80xi32, #tpu.memory_space<hbm>>
      tpu.enqueue_dma source(%dma_start3A_98 : memref<80xi32, #tpu.memory_space<hbm>>) target(%arg10 : memref<80xi32, #tpu.memory_space<vmem>>) target_semaphore(%run_scoped3A : memref<!tpu.dma_semaphore, #tpu.memory_space<semaphore_mem>>)
      %dma_wait3A_99 = tpu.memref_slice %arg4[%add3A_53] : memref<320000xi32, #tpu.memory_space<hbm>> -> memref<80xi32, #tpu.memory_space<hbm>>
      %dma_wait3A_100 = tpu.memref_slice %arg4[%add3A_53] : memref<320000xi32, #tpu.memory_space<hbm>> -> memref<80xi32, #tpu.memory_space<hbm>>
      tpu.wait_dma2 semaphore(%run_scoped3A : memref<!tpu.dma_semaphore, #tpu.memory_space<semaphore_mem>>) src(%dma_wait3A_100 : memref<80xi32, #tpu.memory_space<hbm>>) dst(%arg10 : memref<80xi32, #tpu.memory_space<vmem>>)
      tpu.yield
    }) : () -> ()
    %dma_start3A_54 = arith.constant 0 : i32
    %dma_start3A_55 = arith.constant 0 : i32
    %dma_start3A_56 = tpu.memref_slice %arg2[%dma_start3A_54, %dma_start3A_55] : memref<10000x128xf32, #tpu.memory_space<hbm>> -> memref<10000x128xf32, #tpu.memory_space<hbm>>
    tpu.enqueue_indirect_dma source(%dma_start3A_56 : memref<10000x128xf32, #tpu.memory_space<hbm>>) target(%arg14 : memref<80x128xf32, #tpu.memory_space<vmem>>) offsets(%arg6 : memref<80xi32, #tpu.memory_space<vmem>>) semaphore(%arg19 : memref<!tpu.dma_semaphore, #tpu.memory_space<semaphore_mem>>)
    %dma_wait3A_57 = arith.constant 0 : i32
    %dma_wait3A_58 = arith.constant 0 : i32
    %dma_wait3A_59 = tpu.memref_slice %arg2[%dma_wait3A_57, %dma_wait3A_58] : memref<10000x128xf32, #tpu.memory_space<hbm>> -> memref<10000x128xf32, #tpu.memory_space<hbm>>
    tpu.wait_indirect_dma semaphore(%arg22 : memref<!tpu.dma_semaphore, #tpu.memory_space<semaphore_mem>>) src(%dma_wait3A_59 : memref<10000x128xf32, #tpu.memory_space<hbm>>) dst(%arg17 : memref<80x128xf32, #tpu.memory_space<vmem>>)
    %dma_wait3A_60 = arith.constant 0 : i32
    %dma_wait3A_61 = arith.constant 0 : i32
    %dma_wait3A_62 = tpu.memref_slice %arg18[%dma_wait3A_60, %dma_wait3A_61] : memref<10240x128xf32, #tpu.memory_space<vmem_shared>> -> memref<10240x128xf32, #tpu.memory_space<vmem_shared>>
    tpu.wait_indirect_dma semaphore(%arg24 : memref<!tpu.dma_semaphore, #tpu.memory_space<semaphore_mem>>) src(%arg15 : memref<80x128xf32, #tpu.memory_space<vmem>>) dst(%dma_wait3A_62 : memref<10240x128xf32, #tpu.memory_space<vmem_shared>>)
    %dma_start3A_63 = arith.constant 0 : i32
    %dma_start3A_64 = arith.constant 0 : i32
    %dma_start3A_65 = tpu.memref_slice %arg18[%dma_start3A_63, %dma_start3A_64] : memref<10240x128xf32, #tpu.memory_space<vmem_shared>> -> memref<10240x128xf32, #tpu.memory_space<vmem_shared>>
    tpu.enqueue_indirect_dma source(%arg17 : memref<80x128xf32, #tpu.memory_space<vmem>>) target(%dma_start3A_65 : memref<10240x128xf32, #tpu.memory_space<vmem_shared>>) offsets(%arg13 : memref<80xi32, #tpu.memory_space<vmem>>) semaphore(%arg26 : memref<!tpu.dma_semaphore, #tpu.memory_space<semaphore_mem>>) {add = true}
    %add3A_66 = arith.constant 400 : i32
    %add3A_67 = arith.addi %mul3A_2, %add3A_66 : i32
    "tpu.region"() ({
      %run_scoped3A = tpu.sem_alloc : memref<!tpu.dma_semaphore, #tpu.memory_space<semaphore_mem>>
      %dma_start3A_97 = tpu.memref_slice %arg3[%add3A_67] : memref<320000xi32, #tpu.memory_space<hbm>> -> memref<80xi32, #tpu.memory_space<hbm>>
      %dma_start3A_98 = tpu.memref_slice %arg3[%add3A_67] : memref<320000xi32, #tpu.memory_space<hbm>> -> memref<80xi32, #tpu.memory_space<hbm>>
      tpu.enqueue_dma source(%dma_start3A_98 : memref<80xi32, #tpu.memory_space<hbm>>) target(%arg7 : memref<80xi32, #tpu.memory_space<vmem>>) target_semaphore(%run_scoped3A : memref<!tpu.dma_semaphore, #tpu.memory_space<semaphore_mem>>)
      %dma_wait3A_99 = tpu.memref_slice %arg3[%add3A_67] : memref<320000xi32, #tpu.memory_space<hbm>> -> memref<80xi32, #tpu.memory_space<hbm>>
      %dma_wait3A_100 = tpu.memref_slice %arg3[%add3A_67] : memref<320000xi32, #tpu.memory_space<hbm>> -> memref<80xi32, #tpu.memory_space<hbm>>
      tpu.wait_dma2 semaphore(%run_scoped3A : memref<!tpu.dma_semaphore, #tpu.memory_space<semaphore_mem>>) src(%dma_wait3A_100 : memref<80xi32, #tpu.memory_space<hbm>>) dst(%arg7 : memref<80xi32, #tpu.memory_space<vmem>>)
      tpu.yield
    }) : () -> ()
    "tpu.region"() ({
      %run_scoped3A = tpu.sem_alloc : memref<!tpu.dma_semaphore, #tpu.memory_space<semaphore_mem>>
      %dma_start3A_97 = tpu.memref_slice %arg4[%add3A_67] : memref<320000xi32, #tpu.memory_space<hbm>> -> memref<80xi32, #tpu.memory_space<hbm>>
      %dma_start3A_98 = tpu.memref_slice %arg4[%add3A_67] : memref<320000xi32, #tpu.memory_space<hbm>> -> memref<80xi32, #tpu.memory_space<hbm>>
      tpu.enqueue_dma source(%dma_start3A_98 : memref<80xi32, #tpu.memory_space<hbm>>) target(%arg11 : memref<80xi32, #tpu.memory_space<vmem>>) target_semaphore(%run_scoped3A : memref<!tpu.dma_semaphore, #tpu.memory_space<semaphore_mem>>)
      %dma_wait3A_99 = tpu.memref_slice %arg4[%add3A_67] : memref<320000xi32, #tpu.memory_space<hbm>> -> memref<80xi32, #tpu.memory_space<hbm>>
      %dma_wait3A_100 = tpu.memref_slice %arg4[%add3A_67] : memref<320000xi32, #tpu.memory_space<hbm>> -> memref<80xi32, #tpu.memory_space<hbm>>
      tpu.wait_dma2 semaphore(%run_scoped3A : memref<!tpu.dma_semaphore, #tpu.memory_space<semaphore_mem>>) src(%dma_wait3A_100 : memref<80xi32, #tpu.memory_space<hbm>>) dst(%arg11 : memref<80xi32, #tpu.memory_space<vmem>>)
      tpu.yield
    }) : () -> ()
    %dma_start3A_68 = arith.constant 0 : i32
    %dma_start3A_69 = arith.constant 0 : i32
    %dma_start3A_70 = tpu.memref_slice %arg2[%dma_start3A_68, %dma_start3A_69] : memref<10000x128xf32, #tpu.memory_space<hbm>> -> memref<10000x128xf32, #tpu.memory_space<hbm>>
    tpu.enqueue_indirect_dma source(%dma_start3A_70 : memref<10000x128xf32, #tpu.memory_space<hbm>>) target(%arg15 : memref<80x128xf32, #tpu.memory_space<vmem>>) offsets(%arg7 : memref<80xi32, #tpu.memory_space<vmem>>) semaphore(%arg20 : memref<!tpu.dma_semaphore, #tpu.memory_space<semaphore_mem>>)
    %scan3A_71 = arith.constant 0 : i32
    %scan3A_72 = arith.constant 30 : i32
    %scan3A_73 = arith.addi %scan3A_71, %scan3A_72 : i32
    %scan3A_74 = arith.constant 1 : i32
    scf.for %scan3A_97 = %scan3A_71 to %scan3A_73 step %scan3A_74  : i32 {
      %mul3A_98 = arith.constant 4 : i32
      %mul3A_99 = arith.muli %scan3A_97, %mul3A_98 : i32
      %add3A_100 = arith.constant 4 : i32
      %add3A_101 = arith.addi %add3A_100, %mul3A_99 : i32
      %dma_wait3A_102 = arith.constant 0 : i32
      %dma_wait3A_103 = arith.constant 0 : i32
      %dma_wait3A_104 = tpu.memref_slice %arg2[%dma_wait3A_102, %dma_wait3A_103] : memref<10000x128xf32, #tpu.memory_space<hbm>> -> memref<10000x128xf32, #tpu.memory_space<hbm>>
      tpu.wait_indirect_dma semaphore(%arg19 : memref<!tpu.dma_semaphore, #tpu.memory_space<semaphore_mem>>) src(%dma_wait3A_104 : memref<10000x128xf32, #tpu.memory_space<hbm>>) dst(%arg14 : memref<80x128xf32, #tpu.memory_space<vmem>>)
      %dma_wait3A_105 = arith.constant 0 : i32
      %dma_wait3A_106 = arith.constant 0 : i32
      %dma_wait3A_107 = tpu.memref_slice %arg18[%dma_wait3A_105, %dma_wait3A_106] : memref<10240x128xf32, #tpu.memory_space<vmem_shared>> -> memref<10240x128xf32, #tpu.memory_space<vmem_shared>>
      tpu.wait_indirect_dma semaphore(%arg25 : memref<!tpu.dma_semaphore, #tpu.memory_space<semaphore_mem>>) src(%arg16 : memref<80x128xf32, #tpu.memory_space<vmem>>) dst(%dma_wait3A_107 : memref<10240x128xf32, #tpu.memory_space<vmem_shared>>)
      %dma_start3A_108 = arith.constant 0 : i32
      %dma_start3A_109 = arith.constant 0 : i32
      %dma_start3A_110 = tpu.memref_slice %arg18[%dma_start3A_108, %dma_start3A_109] : memref<10240x128xf32, #tpu.memory_space<vmem_shared>> -> memref<10240x128xf32, #tpu.memory_space<vmem_shared>>
      tpu.enqueue_indirect_dma source(%arg14 : memref<80x128xf32, #tpu.memory_space<vmem>>) target(%dma_start3A_110 : memref<10240x128xf32, #tpu.memory_space<vmem_shared>>) offsets(%arg10 : memref<80xi32, #tpu.memory_space<vmem>>) semaphore(%arg23 : memref<!tpu.dma_semaphore, #tpu.memory_space<semaphore_mem>>) {add = true}
      %add3A_111 = arith.constant 0 : i32
      %add3A_112 = arith.addi %add3A_101, %add3A_111 : i32
      %add3A_113 = arith.constant 2 : i32
      %add3A_114 = arith.addi %add3A_112, %add3A_113 : i32
      %lt3A = arith.constant 125 : i32
      %lt3A_115 = arith.cmpi slt, %add3A_114, %lt3A : i32
      %convert_element_type3A = arith.extui %lt3A_115 : i1 to i32
      %cond3A = arith.constant 0 : i32
      %cond3A_116 = arith.cmpi ne, %convert_element_type3A, %cond3A : i32
      scf.if %cond3A_116 {
        %add3A_171 = arith.constant 0 : i32
        %add3A_172 = arith.addi %add3A_101, %add3A_171 : i32
        %add3A_173 = arith.constant 2 : i32
        %add3A_174 = arith.addi %add3A_172, %add3A_173 : i32
        %mul3A_175 = arith.constant 80 : i32
        %mul3A_176 = arith.muli %add3A_174, %mul3A_175 : i32
        %add3A_177 = arith.addi %mul3A_2, %mul3A_176 : i32
        "tpu.region"() ({
          %run_scoped3A = tpu.sem_alloc : memref<!tpu.dma_semaphore, #tpu.memory_space<semaphore_mem>>
          %dma_start3A_181 = tpu.memref_slice %arg3[%add3A_177] : memref<320000xi32, #tpu.memory_space<hbm>> -> memref<80xi32, #tpu.memory_space<hbm>>
          %dma_start3A_182 = tpu.memref_slice %arg3[%add3A_177] : memref<320000xi32, #tpu.memory_space<hbm>> -> memref<80xi32, #tpu.memory_space<hbm>>
          tpu.enqueue_dma source(%dma_start3A_182 : memref<80xi32, #tpu.memory_space<hbm>>) target(%arg8 : memref<80xi32, #tpu.memory_space<vmem>>) target_semaphore(%run_scoped3A : memref<!tpu.dma_semaphore, #tpu.memory_space<semaphore_mem>>)
          %dma_wait3A_183 = tpu.memref_slice %arg3[%add3A_177] : memref<320000xi32, #tpu.memory_space<hbm>> -> memref<80xi32, #tpu.memory_space<hbm>>
          %dma_wait3A_184 = tpu.memref_slice %arg3[%add3A_177] : memref<320000xi32, #tpu.memory_space<hbm>> -> memref<80xi32, #tpu.memory_space<hbm>>
          tpu.wait_dma2 semaphore(%run_scoped3A : memref<!tpu.dma_semaphore, #tpu.memory_space<semaphore_mem>>) src(%dma_wait3A_184 : memref<80xi32, #tpu.memory_space<hbm>>) dst(%arg8 : memref<80xi32, #tpu.memory_space<vmem>>)
          tpu.yield
        }) : () -> ()
        "tpu.region"() ({
          %run_scoped3A = tpu.sem_alloc : memref<!tpu.dma_semaphore, #tpu.memory_space<semaphore_mem>>
          %dma_start3A_181 = tpu.memref_slice %arg4[%add3A_177] : memref<320000xi32, #tpu.memory_space<hbm>> -> memref<80xi32, #tpu.memory_space<hbm>>
          %dma_start3A_182 = tpu.memref_slice %arg4[%add3A_177] : memref<320000xi32, #tpu.memory_space<hbm>> -> memref<80xi32, #tpu.memory_space<hbm>>
          tpu.enqueue_dma source(%dma_start3A_182 : memref<80xi32, #tpu.memory_space<hbm>>) target(%arg12 : memref<80xi32, #tpu.memory_space<vmem>>) target_semaphore(%run_scoped3A : memref<!tpu.dma_semaphore, #tpu.memory_space<semaphore_mem>>)
          %dma_wait3A_183 = tpu.memref_slice %arg4[%add3A_177] : memref<320000xi32, #tpu.memory_space<hbm>> -> memref<80xi32, #tpu.memory_space<hbm>>
          %dma_wait3A_184 = tpu.memref_slice %arg4[%add3A_177] : memref<320000xi32, #tpu.memory_space<hbm>> -> memref<80xi32, #tpu.memory_space<hbm>>
          tpu.wait_dma2 semaphore(%run_scoped3A : memref<!tpu.dma_semaphore, #tpu.memory_space<semaphore_mem>>) src(%dma_wait3A_184 : memref<80xi32, #tpu.memory_space<hbm>>) dst(%arg12 : memref<80xi32, #tpu.memory_space<vmem>>)
          tpu.yield
        }) : () -> ()
        %dma_start3A_178 = arith.constant 0 : i32
        %dma_start3A_179 = arith.constant 0 : i32
        %dma_start3A_180 = tpu.memref_slice %arg2[%dma_start3A_178, %dma_start3A_179] : memref<10000x128xf32, #tpu.memory_space<hbm>> -> memref<10000x128xf32, #tpu.memory_space<hbm>>
        tpu.enqueue_indirect_dma source(%dma_start3A_180 : memref<10000x128xf32, #tpu.memory_space<hbm>>) target(%arg16 : memref<80x128xf32, #tpu.memory_space<vmem>>) offsets(%arg8 : memref<80xi32, #tpu.memory_space<vmem>>) semaphore(%arg21 : memref<!tpu.dma_semaphore, #tpu.memory_space<semaphore_mem>>)
      } else {
      }
      %dma_wait3A_117 = arith.constant 0 : i32
      %dma_wait3A_118 = arith.constant 0 : i32
      %dma_wait3A_119 = tpu.memref_slice %arg2[%dma_wait3A_117, %dma_wait3A_118] : memref<10000x128xf32, #tpu.memory_space<hbm>> -> memref<10000x128xf32, #tpu.memory_space<hbm>>
      tpu.wait_indirect_dma semaphore(%arg20 : memref<!tpu.dma_semaphore, #tpu.memory_space<semaphore_mem>>) src(%dma_wait3A_119 : memref<10000x128xf32, #tpu.memory_space<hbm>>) dst(%arg15 : memref<80x128xf32, #tpu.memory_space<vmem>>)
      %dma_wait3A_120 = arith.constant 0 : i32
      %dma_wait3A_121 = arith.constant 0 : i32
      %dma_wait3A_122 = tpu.memref_slice %arg18[%dma_wait3A_120, %dma_wait3A_121] : memref<10240x128xf32, #tpu.memory_space<vmem_shared>> -> memref<10240x128xf32, #tpu.memory_space<vmem_shared>>
      tpu.wait_indirect_dma semaphore(%arg26 : memref<!tpu.dma_semaphore, #tpu.memory_space<semaphore_mem>>) src(%arg17 : memref<80x128xf32, #tpu.memory_space<vmem>>) dst(%dma_wait3A_122 : memref<10240x128xf32, #tpu.memory_space<vmem_shared>>)
      %dma_start3A_123 = arith.constant 0 : i32
      %dma_start3A_124 = arith.constant 0 : i32
      %dma_start3A_125 = tpu.memref_slice %arg18[%dma_start3A_123, %dma_start3A_124] : memref<10240x128xf32, #tpu.memory_space<vmem_shared>> -> memref<10240x128xf32, #tpu.memory_space<vmem_shared>>
      tpu.enqueue_indirect_dma source(%arg15 : memref<80x128xf32, #tpu.memory_space<vmem>>) target(%dma_start3A_125 : memref<10240x128xf32, #tpu.memory_space<vmem_shared>>) offsets(%arg11 : memref<80xi32, #tpu.memory_space<vmem>>) semaphore(%arg24 : memref<!tpu.dma_semaphore, #tpu.memory_space<semaphore_mem>>) {add = true}
      %add3A_126 = arith.constant 1 : i32
      %add3A_127 = arith.addi %add3A_101, %add3A_126 : i32
      %add3A_128 = arith.constant 2 : i32
      %add3A_129 = arith.addi %add3A_127, %add3A_128 : i32
      %lt3A_130 = arith.constant 125 : i32
      %lt3A_131 = arith.cmpi slt, %add3A_129, %lt3A_130 : i32
      %convert_element_type3A_132 = arith.extui %lt3A_131 : i1 to i32
      %cond3A_133 = arith.constant 0 : i32
      %cond3A_134 = arith.cmpi ne, %convert_element_type3A_132, %cond3A_133 : i32
      scf.if %cond3A_134 {
        %add3A_171 = arith.constant 1 : i32
        %add3A_172 = arith.addi %add3A_101, %add3A_171 : i32
        %add3A_173 = arith.constant 2 : i32
        %add3A_174 = arith.addi %add3A_172, %add3A_173 : i32
        %mul3A_175 = arith.constant 80 : i32
        %mul3A_176 = arith.muli %add3A_174, %mul3A_175 : i32
        %add3A_177 = arith.addi %mul3A_2, %mul3A_176 : i32
        "tpu.region"() ({
          %run_scoped3A = tpu.sem_alloc : memref<!tpu.dma_semaphore, #tpu.memory_space<semaphore_mem>>
          %dma_start3A_181 = tpu.memref_slice %arg3[%add3A_177] : memref<320000xi32, #tpu.memory_space<hbm>> -> memref<80xi32, #tpu.memory_space<hbm>>
          %dma_start3A_182 = tpu.memref_slice %arg3[%add3A_177] : memref<320000xi32, #tpu.memory_space<hbm>> -> memref<80xi32, #tpu.memory_space<hbm>>
          tpu.enqueue_dma source(%dma_start3A_182 : memref<80xi32, #tpu.memory_space<hbm>>) target(%arg9 : memref<80xi32, #tpu.memory_space<vmem>>) target_semaphore(%run_scoped3A : memref<!tpu.dma_semaphore, #tpu.memory_space<semaphore_mem>>)
          %dma_wait3A_183 = tpu.memref_slice %arg3[%add3A_177] : memref<320000xi32, #tpu.memory_space<hbm>> -> memref<80xi32, #tpu.memory_space<hbm>>
          %dma_wait3A_184 = tpu.memref_slice %arg3[%add3A_177] : memref<320000xi32, #tpu.memory_space<hbm>> -> memref<80xi32, #tpu.memory_space<hbm>>
          tpu.wait_dma2 semaphore(%run_scoped3A : memref<!tpu.dma_semaphore, #tpu.memory_space<semaphore_mem>>) src(%dma_wait3A_184 : memref<80xi32, #tpu.memory_space<hbm>>) dst(%arg9 : memref<80xi32, #tpu.memory_space<vmem>>)
          tpu.yield
        }) : () -> ()
        "tpu.region"() ({
          %run_scoped3A = tpu.sem_alloc : memref<!tpu.dma_semaphore, #tpu.memory_space<semaphore_mem>>
          %dma_start3A_181 = tpu.memref_slice %arg4[%add3A_177] : memref<320000xi32, #tpu.memory_space<hbm>> -> memref<80xi32, #tpu.memory_space<hbm>>
          %dma_start3A_182 = tpu.memref_slice %arg4[%add3A_177] : memref<320000xi32, #tpu.memory_space<hbm>> -> memref<80xi32, #tpu.memory_space<hbm>>
          tpu.enqueue_dma source(%dma_start3A_182 : memref<80xi32, #tpu.memory_space<hbm>>) target(%arg13 : memref<80xi32, #tpu.memory_space<vmem>>) target_semaphore(%run_scoped3A : memref<!tpu.dma_semaphore, #tpu.memory_space<semaphore_mem>>)
          %dma_wait3A_183 = tpu.memref_slice %arg4[%add3A_177] : memref<320000xi32, #tpu.memory_space<hbm>> -> memref<80xi32, #tpu.memory_space<hbm>>
          %dma_wait3A_184 = tpu.memref_slice %arg4[%add3A_177] : memref<320000xi32, #tpu.memory_space<hbm>> -> memref<80xi32, #tpu.memory_space<hbm>>
          tpu.wait_dma2 semaphore(%run_scoped3A : memref<!tpu.dma_semaphore, #tpu.memory_space<semaphore_mem>>) src(%dma_wait3A_184 : memref<80xi32, #tpu.memory_space<hbm>>) dst(%arg13 : memref<80xi32, #tpu.memory_space<vmem>>)
          tpu.yield
        }) : () -> ()
        %dma_start3A_178 = arith.constant 0 : i32
        %dma_start3A_179 = arith.constant 0 : i32
        %dma_start3A_180 = tpu.memref_slice %arg2[%dma_start3A_178, %dma_start3A_179] : memref<10000x128xf32, #tpu.memory_space<hbm>> -> memref<10000x128xf32, #tpu.memory_space<hbm>>
        tpu.enqueue_indirect_dma source(%dma_start3A_180 : memref<10000x128xf32, #tpu.memory_space<hbm>>) target(%arg17 : memref<80x128xf32, #tpu.memory_space<vmem>>) offsets(%arg9 : memref<80xi32, #tpu.memory_space<vmem>>) semaphore(%arg22 : memref<!tpu.dma_semaphore, #tpu.memory_space<semaphore_mem>>)
      } else {
      }
      %dma_wait3A_135 = arith.constant 0 : i32
      %dma_wait3A_136 = arith.constant 0 : i32
      %dma_wait3A_137 = tpu.memref_slice %arg2[%dma_wait3A_135, %dma_wait3A_136] : memref<10000x128xf32, #tpu.memory_space<hbm>> -> memref<10000x128xf32, #tpu.memory_space<hbm>>
      tpu.wait_indirect_dma semaphore(%arg21 : memref<!tpu.dma_semaphore, #tpu.memory_space<semaphore_mem>>) src(%dma_wait3A_137 : memref<10000x128xf32, #tpu.memory_space<hbm>>) dst(%arg16 : memref<80x128xf32, #tpu.memory_space<vmem>>)
      %dma_wait3A_138 = arith.constant 0 : i32
      %dma_wait3A_139 = arith.constant 0 : i32
      %dma_wait3A_140 = tpu.memref_slice %arg18[%dma_wait3A_138, %dma_wait3A_139] : memref<10240x128xf32, #tpu.memory_space<vmem_shared>> -> memref<10240x128xf32, #tpu.memory_space<vmem_shared>>
      tpu.wait_indirect_dma semaphore(%arg23 : memref<!tpu.dma_semaphore, #tpu.memory_space<semaphore_mem>>) src(%arg14 : memref<80x128xf32, #tpu.memory_space<vmem>>) dst(%dma_wait3A_140 : memref<10240x128xf32, #tpu.memory_space<vmem_shared>>)
      %dma_start3A_141 = arith.constant 0 : i32
      %dma_start3A_142 = arith.constant 0 : i32
      %dma_start3A_143 = tpu.memref_slice %arg18[%dma_start3A_141, %dma_start3A_142] : memref<10240x128xf32, #tpu.memory_space<vmem_shared>> -> memref<10240x128xf32, #tpu.memory_space<vmem_shared>>
      tpu.enqueue_indirect_dma source(%arg16 : memref<80x128xf32, #tpu.memory_space<vmem>>) target(%dma_start3A_143 : memref<10240x128xf32, #tpu.memory_space<vmem_shared>>) offsets(%arg12 : memref<80xi32, #tpu.memory_space<vmem>>) semaphore(%arg25 : memref<!tpu.dma_semaphore, #tpu.memory_space<semaphore_mem>>) {add = true}
      %add3A_144 = arith.constant 2 : i32
      %add3A_145 = arith.addi %add3A_101, %add3A_144 : i32
      %add3A_146 = arith.constant 2 : i32
      %add3A_147 = arith.addi %add3A_145, %add3A_146 : i32
      %lt3A_148 = arith.constant 125 : i32
      %lt3A_149 = arith.cmpi slt, %add3A_147, %lt3A_148 : i32
      %convert_element_type3A_150 = arith.extui %lt3A_149 : i1 to i32
      %cond3A_151 = arith.constant 0 : i32
      %cond3A_152 = arith.cmpi ne, %convert_element_type3A_150, %cond3A_151 : i32
      scf.if %cond3A_152 {
        %add3A_171 = arith.constant 2 : i32
        %add3A_172 = arith.addi %add3A_101, %add3A_171 : i32
        %add3A_173 = arith.constant 2 : i32
        %add3A_174 = arith.addi %add3A_172, %add3A_173 : i32
        %mul3A_175 = arith.constant 80 : i32
        %mul3A_176 = arith.muli %add3A_174, %mul3A_175 : i32
        %add3A_177 = arith.addi %mul3A_2, %mul3A_176 : i32
        "tpu.region"() ({
          %run_scoped3A = tpu.sem_alloc : memref<!tpu.dma_semaphore, #tpu.memory_space<semaphore_mem>>
          %dma_start3A_181 = tpu.memref_slice %arg3[%add3A_177] : memref<320000xi32, #tpu.memory_space<hbm>> -> memref<80xi32, #tpu.memory_space<hbm>>
          %dma_start3A_182 = tpu.memref_slice %arg3[%add3A_177] : memref<320000xi32, #tpu.memory_space<hbm>> -> memref<80xi32, #tpu.memory_space<hbm>>
          tpu.enqueue_dma source(%dma_start3A_182 : memref<80xi32, #tpu.memory_space<hbm>>) target(%arg6 : memref<80xi32, #tpu.memory_space<vmem>>) target_semaphore(%run_scoped3A : memref<!tpu.dma_semaphore, #tpu.memory_space<semaphore_mem>>)
          %dma_wait3A_183 = tpu.memref_slice %arg3[%add3A_177] : memref<320000xi32, #tpu.memory_space<hbm>> -> memref<80xi32, #tpu.memory_space<hbm>>
          %dma_wait3A_184 = tpu.memref_slice %arg3[%add3A_177] : memref<320000xi32, #tpu.memory_space<hbm>> -> memref<80xi32, #tpu.memory_space<hbm>>
          tpu.wait_dma2 semaphore(%run_scoped3A : memref<!tpu.dma_semaphore, #tpu.memory_space<semaphore_mem>>) src(%dma_wait3A_184 : memref<80xi32, #tpu.memory_space<hbm>>) dst(%arg6 : memref<80xi32, #tpu.memory_space<vmem>>)
          tpu.yield
        }) : () -> ()
        "tpu.region"() ({
          %run_scoped3A = tpu.sem_alloc : memref<!tpu.dma_semaphore, #tpu.memory_space<semaphore_mem>>
          %dma_start3A_181 = tpu.memref_slice %arg4[%add3A_177] : memref<320000xi32, #tpu.memory_space<hbm>> -> memref<80xi32, #tpu.memory_space<hbm>>
          %dma_start3A_182 = tpu.memref_slice %arg4[%add3A_177] : memref<320000xi32, #tpu.memory_space<hbm>> -> memref<80xi32, #tpu.memory_space<hbm>>
          tpu.enqueue_dma source(%dma_start3A_182 : memref<80xi32, #tpu.memory_space<hbm>>) target(%arg10 : memref<80xi32, #tpu.memory_space<vmem>>) target_semaphore(%run_scoped3A : memref<!tpu.dma_semaphore, #tpu.memory_space<semaphore_mem>>)
          %dma_wait3A_183 = tpu.memref_slice %arg4[%add3A_177] : memref<320000xi32, #tpu.memory_space<hbm>> -> memref<80xi32, #tpu.memory_space<hbm>>
          %dma_wait3A_184 = tpu.memref_slice %arg4[%add3A_177] : memref<320000xi32, #tpu.memory_space<hbm>> -> memref<80xi32, #tpu.memory_space<hbm>>
          tpu.wait_dma2 semaphore(%run_scoped3A : memref<!tpu.dma_semaphore, #tpu.memory_space<semaphore_mem>>) src(%dma_wait3A_184 : memref<80xi32, #tpu.memory_space<hbm>>) dst(%arg10 : memref<80xi32, #tpu.memory_space<vmem>>)
          tpu.yield
        }) : () -> ()
        %dma_start3A_178 = arith.constant 0 : i32
        %dma_start3A_179 = arith.constant 0 : i32
        %dma_start3A_180 = tpu.memref_slice %arg2[%dma_start3A_178, %dma_start3A_179] : memref<10000x128xf32, #tpu.memory_space<hbm>> -> memref<10000x128xf32, #tpu.memory_space<hbm>>
        tpu.enqueue_indirect_dma source(%dma_start3A_180 : memref<10000x128xf32, #tpu.memory_space<hbm>>) target(%arg14 : memref<80x128xf32, #tpu.memory_space<vmem>>) offsets(%arg6 : memref<80xi32, #tpu.memory_space<vmem>>) semaphore(%arg19 : memref<!tpu.dma_semaphore, #tpu.memory_space<semaphore_mem>>)
      } else {
      }
      %dma_wait3A_153 = arith.constant 0 : i32
      %dma_wait3A_154 = arith.constant 0 : i32
      %dma_wait3A_155 = tpu.memref_slice %arg2[%dma_wait3A_153, %dma_wait3A_154] : memref<10000x128xf32, #tpu.memory_space<hbm>> -> memref<10000x128xf32, #tpu.memory_space<hbm>>
      tpu.wait_indirect_dma semaphore(%arg22 : memref<!tpu.dma_semaphore, #tpu.memory_space<semaphore_mem>>) src(%dma_wait3A_155 : memref<10000x128xf32, #tpu.memory_space<hbm>>) dst(%arg17 : memref<80x128xf32, #tpu.memory_space<vmem>>)
      %dma_wait3A_156 = arith.constant 0 : i32
      %dma_wait3A_157 = arith.constant 0 : i32
      %dma_wait3A_158 = tpu.memref_slice %arg18[%dma_wait3A_156, %dma_wait3A_157] : memref<10240x128xf32, #tpu.memory_space<vmem_shared>> -> memref<10240x128xf32, #tpu.memory_space<vmem_shared>>
      tpu.wait_indirect_dma semaphore(%arg24 : memref<!tpu.dma_semaphore, #tpu.memory_space<semaphore_mem>>) src(%arg15 : memref<80x128xf32, #tpu.memory_space<vmem>>) dst(%dma_wait3A_158 : memref<10240x128xf32, #tpu.memory_space<vmem_shared>>)
      %dma_start3A_159 = arith.constant 0 : i32
      %dma_start3A_160 = arith.constant 0 : i32
      %dma_start3A_161 = tpu.memref_slice %arg18[%dma_start3A_159, %dma_start3A_160] : memref<10240x128xf32, #tpu.memory_space<vmem_shared>> -> memref<10240x128xf32, #tpu.memory_space<vmem_shared>>
      tpu.enqueue_indirect_dma source(%arg17 : memref<80x128xf32, #tpu.memory_space<vmem>>) target(%dma_start3A_161 : memref<10240x128xf32, #tpu.memory_space<vmem_shared>>) offsets(%arg13 : memref<80xi32, #tpu.memory_space<vmem>>) semaphore(%arg26 : memref<!tpu.dma_semaphore, #tpu.memory_space<semaphore_mem>>) {add = true}
      %add3A_162 = arith.constant 3 : i32
      %add3A_163 = arith.addi %add3A_101, %add3A_162 : i32
      %add3A_164 = arith.constant 2 : i32
      %add3A_165 = arith.addi %add3A_163, %add3A_164 : i32
      %lt3A_166 = arith.constant 125 : i32
      %lt3A_167 = arith.cmpi slt, %add3A_165, %lt3A_166 : i32
      %convert_element_type3A_168 = arith.extui %lt3A_167 : i1 to i32
      %cond3A_169 = arith.constant 0 : i32
      %cond3A_170 = arith.cmpi ne, %convert_element_type3A_168, %cond3A_169 : i32
      scf.if %cond3A_170 {
        %add3A_171 = arith.constant 3 : i32
        %add3A_172 = arith.addi %add3A_101, %add3A_171 : i32
        %add3A_173 = arith.constant 2 : i32
        %add3A_174 = arith.addi %add3A_172, %add3A_173 : i32
        %mul3A_175 = arith.constant 80 : i32
        %mul3A_176 = arith.muli %add3A_174, %mul3A_175 : i32
        %add3A_177 = arith.addi %mul3A_2, %mul3A_176 : i32
        "tpu.region"() ({
          %run_scoped3A = tpu.sem_alloc : memref<!tpu.dma_semaphore, #tpu.memory_space<semaphore_mem>>
          %dma_start3A_181 = tpu.memref_slice %arg3[%add3A_177] : memref<320000xi32, #tpu.memory_space<hbm>> -> memref<80xi32, #tpu.memory_space<hbm>>
          %dma_start3A_182 = tpu.memref_slice %arg3[%add3A_177] : memref<320000xi32, #tpu.memory_space<hbm>> -> memref<80xi32, #tpu.memory_space<hbm>>
          tpu.enqueue_dma source(%dma_start3A_182 : memref<80xi32, #tpu.memory_space<hbm>>) target(%arg7 : memref<80xi32, #tpu.memory_space<vmem>>) target_semaphore(%run_scoped3A : memref<!tpu.dma_semaphore, #tpu.memory_space<semaphore_mem>>)
          %dma_wait3A_183 = tpu.memref_slice %arg3[%add3A_177] : memref<320000xi32, #tpu.memory_space<hbm>> -> memref<80xi32, #tpu.memory_space<hbm>>
          %dma_wait3A_184 = tpu.memref_slice %arg3[%add3A_177] : memref<320000xi32, #tpu.memory_space<hbm>> -> memref<80xi32, #tpu.memory_space<hbm>>
          tpu.wait_dma2 semaphore(%run_scoped3A : memref<!tpu.dma_semaphore, #tpu.memory_space<semaphore_mem>>) src(%dma_wait3A_184 : memref<80xi32, #tpu.memory_space<hbm>>) dst(%arg7 : memref<80xi32, #tpu.memory_space<vmem>>)
          tpu.yield
        }) : () -> ()
        "tpu.region"() ({
          %run_scoped3A = tpu.sem_alloc : memref<!tpu.dma_semaphore, #tpu.memory_space<semaphore_mem>>
          %dma_start3A_181 = tpu.memref_slice %arg4[%add3A_177] : memref<320000xi32, #tpu.memory_space<hbm>> -> memref<80xi32, #tpu.memory_space<hbm>>
          %dma_start3A_182 = tpu.memref_slice %arg4[%add3A_177] : memref<320000xi32, #tpu.memory_space<hbm>> -> memref<80xi32, #tpu.memory_space<hbm>>
          tpu.enqueue_dma source(%dma_start3A_182 : memref<80xi32, #tpu.memory_space<hbm>>) target(%arg11 : memref<80xi32, #tpu.memory_space<vmem>>) target_semaphore(%run_scoped3A : memref<!tpu.dma_semaphore, #tpu.memory_space<semaphore_mem>>)
          %dma_wait3A_183 = tpu.memref_slice %arg4[%add3A_177] : memref<320000xi32, #tpu.memory_space<hbm>> -> memref<80xi32, #tpu.memory_space<hbm>>
          %dma_wait3A_184 = tpu.memref_slice %arg4[%add3A_177] : memref<320000xi32, #tpu.memory_space<hbm>> -> memref<80xi32, #tpu.memory_space<hbm>>
          tpu.wait_dma2 semaphore(%run_scoped3A : memref<!tpu.dma_semaphore, #tpu.memory_space<semaphore_mem>>) src(%dma_wait3A_184 : memref<80xi32, #tpu.memory_space<hbm>>) dst(%arg11 : memref<80xi32, #tpu.memory_space<vmem>>)
          tpu.yield
        }) : () -> ()
        %dma_start3A_178 = arith.constant 0 : i32
        %dma_start3A_179 = arith.constant 0 : i32
        %dma_start3A_180 = tpu.memref_slice %arg2[%dma_start3A_178, %dma_start3A_179] : memref<10000x128xf32, #tpu.memory_space<hbm>> -> memref<10000x128xf32, #tpu.memory_space<hbm>>
        tpu.enqueue_indirect_dma source(%dma_start3A_180 : memref<10000x128xf32, #tpu.memory_space<hbm>>) target(%arg15 : memref<80x128xf32, #tpu.memory_space<vmem>>) offsets(%arg7 : memref<80xi32, #tpu.memory_space<vmem>>) semaphore(%arg20 : memref<!tpu.dma_semaphore, #tpu.memory_space<semaphore_mem>>)
      } else {
      }
    }
    %scan3A_75 = arith.constant 30 : i32
    %dma_wait3A_76 = arith.constant 0 : i32
    %dma_wait3A_77 = arith.constant 0 : i32
    %dma_wait3A_78 = tpu.memref_slice %arg2[%dma_wait3A_76, %dma_wait3A_77] : memref<10000x128xf32, #tpu.memory_space<hbm>> -> memref<10000x128xf32, #tpu.memory_space<hbm>>
    tpu.wait_indirect_dma semaphore(%arg19 : memref<!tpu.dma_semaphore, #tpu.memory_space<semaphore_mem>>) src(%dma_wait3A_78 : memref<10000x128xf32, #tpu.memory_space<hbm>>) dst(%arg14 : memref<80x128xf32, #tpu.memory_space<vmem>>)
    %dma_wait3A_79 = arith.constant 0 : i32
    %dma_wait3A_80 = arith.constant 0 : i32
    %dma_wait3A_81 = tpu.memref_slice %arg18[%dma_wait3A_79, %dma_wait3A_80] : memref<10240x128xf32, #tpu.memory_space<vmem_shared>> -> memref<10240x128xf32, #tpu.memory_space<vmem_shared>>
    tpu.wait_indirect_dma semaphore(%arg25 : memref<!tpu.dma_semaphore, #tpu.memory_space<semaphore_mem>>) src(%arg16 : memref<80x128xf32, #tpu.memory_space<vmem>>) dst(%dma_wait3A_81 : memref<10240x128xf32, #tpu.memory_space<vmem_shared>>)
    %dma_start3A_82 = arith.constant 0 : i32
    %dma_start3A_83 = arith.constant 0 : i32
    %dma_start3A_84 = tpu.memref_slice %arg18[%dma_start3A_82, %dma_start3A_83] : memref<10240x128xf32, #tpu.memory_space<vmem_shared>> -> memref<10240x128xf32, #tpu.memory_space<vmem_shared>>
    tpu.enqueue_indirect_dma source(%arg14 : memref<80x128xf32, #tpu.memory_space<vmem>>) target(%dma_start3A_84 : memref<10240x128xf32, #tpu.memory_space<vmem_shared>>) offsets(%arg10 : memref<80xi32, #tpu.memory_space<vmem>>) semaphore(%arg23 : memref<!tpu.dma_semaphore, #tpu.memory_space<semaphore_mem>>) {add = true}
    %dma_wait3A_85 = arith.constant 0 : i32
    %dma_wait3A_86 = arith.constant 0 : i32
    %dma_wait3A_87 = tpu.memref_slice %arg18[%dma_wait3A_85, %dma_wait3A_86] : memref<10240x128xf32, #tpu.memory_space<vmem_shared>> -> memref<10240x128xf32, #tpu.memory_space<vmem_shared>>
    tpu.wait_indirect_dma semaphore(%arg26 : memref<!tpu.dma_semaphore, #tpu.memory_space<semaphore_mem>>) src(%arg17 : memref<80x128xf32, #tpu.memory_space<vmem>>) dst(%dma_wait3A_87 : memref<10240x128xf32, #tpu.memory_space<vmem_shared>>)
    %dma_wait3A_88 = arith.constant 0 : i32
    %dma_wait3A_89 = arith.constant 0 : i32
    %dma_wait3A_90 = tpu.memref_slice %arg18[%dma_wait3A_88, %dma_wait3A_89] : memref<10240x128xf32, #tpu.memory_space<vmem_shared>> -> memref<10240x128xf32, #tpu.memory_space<vmem_shared>>
    tpu.wait_indirect_dma semaphore(%arg23 : memref<!tpu.dma_semaphore, #tpu.memory_space<semaphore_mem>>) src(%arg14 : memref<80x128xf32, #tpu.memory_space<vmem>>) dst(%dma_wait3A_90 : memref<10240x128xf32, #tpu.memory_space<vmem_shared>>)
    %barrier3A_91 = arith.constant 0 : index
    tpu.barrier barrier_id(%barrier3A_91)
    %mul3A_92 = arith.constant 640 : i32
    %mul3A_93 = arith.muli %arg1, %mul3A_92 : i32
    %mul3A_94 = arith.constant 10240 : i32
    %mul3A_95 = arith.muli %arg0, %mul3A_94 : i32
    %add3A_96 = arith.addi %mul3A_95, %mul3A_93 : i32
    "tpu.region"() ({
      %run_scoped3A = tpu.sem_alloc : memref<!tpu.dma_semaphore, #tpu.memory_space<semaphore_mem>>
      %dma_start3A_97 = arith.constant 0 : i32
      %dma_start3A_98 = tpu.memref_slice %arg5[%add3A_96, %dma_start3A_97] : memref<20480x128xf32, #tpu.memory_space<hbm>> -> memref<640x128xf32, #tpu.memory_space<hbm>>
      %dma_start3A_99 = arith.constant 0 : i32
      %dma_start3A_100 = tpu.memref_slice %arg18[%mul3A_93, %dma_start3A_99] : memref<10240x128xf32, #tpu.memory_space<vmem_shared>> -> memref<640x128xf32, #tpu.memory_space<vmem_shared>>
      tpu.enqueue_dma source(%dma_start3A_100 : memref<640x128xf32, #tpu.memory_space<vmem_shared>>) target(%dma_start3A_98 : memref<640x128xf32, #tpu.memory_space<hbm>>) target_semaphore(%run_scoped3A : memref<!tpu.dma_semaphore, #tpu.memory_space<semaphore_mem>>)
      %dma_wait3A_101 = arith.constant 0 : i32
      %dma_wait3A_102 = tpu.memref_slice %arg5[%add3A_96, %dma_wait3A_101] : memref<20480x128xf32, #tpu.memory_space<hbm>> -> memref<640x128xf32, #tpu.memory_space<hbm>>
      %dma_wait3A_103 = arith.constant 0 : i32
      %dma_wait3A_104 = tpu.memref_slice %arg18[%mul3A_93, %dma_wait3A_103] : memref<10240x128xf32, #tpu.memory_space<vmem_shared>> -> memref<640x128xf32, #tpu.memory_space<vmem_shared>>
      tpu.wait_dma2 semaphore(%run_scoped3A : memref<!tpu.dma_semaphore, #tpu.memory_space<semaphore_mem>>) src(%dma_wait3A_104 : memref<640x128xf32, #tpu.memory_space<vmem_shared>>) dst(%dma_wait3A_102 : memref<640x128xf32, #tpu.memory_space<hbm>>)
      tpu.yield
    }) : () -> ()
    return
  }
}

#map = affine_map<(d0, d1) -> (0, 0)>
#map1 = affine_map<(d0, d1) -> (0)>
module attributes {stable_mosaic.version = 14 : i64} {
  func.func @scatter_kernel(%arg0: i32, %arg1: i32, %arg2: memref<10000x128xf32, #tpu.memory_space<hbm>>, %arg3: memref<320000xi32, #tpu.memory_space<hbm>>, %arg4: memref<320000xi32, #tpu.memory_space<hbm>>, %arg5: memref<20480x128xf32, #tpu.memory_space<hbm>>, %arg6: memref<80xi32, #tpu.memory_space<vmem>>, %arg7: memref<80xi32, #tpu.memory_space<vmem>>, %arg8: memref<80xi32, #tpu.memory_space<vmem>>, %arg9: memref<80xi32, #tpu.memory_space<vmem>>, %arg10: memref<80xi32, #tpu.memory_space<vmem>>, %arg11: memref<80xi32, #tpu.memory_space<vmem>>, %arg12: memref<80xi32, #tpu.memory_space<vmem>>, %arg13: memref<80xi32, #tpu.memory_space<vmem>>, %arg14: memref<80x128xf32, #tpu.memory_space<vmem>>, %arg15: memref<80x128xf32, #tpu.memory_space<vmem>>, %arg16: memref<80x128xf32, #tpu.memory_space<vmem>>, %arg17: memref<80x128xf32, #tpu.memory_space<vmem>>, %arg18: memref<10240x128xf32, #tpu.memory_space<vmem_shared>>, %arg19: memref<!tpu.dma_semaphore, #tpu.memory_space<semaphore_mem>>, %arg20: memref<!tpu.dma_semaphore, #tpu.memory_space<semaphore_mem>>, %arg21: memref<!tpu.dma_semaphore, #tpu.memory_space<semaphore_mem>>, %arg22: memref<!tpu.dma_semaphore, #tpu.memory_space<semaphore_mem>>, %arg23: memref<!tpu.dma_semaphore, #tpu.memory_space<semaphore_mem>>, %arg24: memref<!tpu.dma_semaphore, #tpu.memory_space<semaphore_mem>>, %arg25: memref<!tpu.dma_semaphore, #tpu.memory_space<semaphore_mem>>, %arg26: memref<!tpu.dma_semaphore, #tpu.memory_space<semaphore_mem>>) attributes {dimension_semantics = [#tpu.dimension_semantics<core_parallel>, #tpu.dimension_semantics<subcore_parallel>], iteration_bounds = array<i64: 2, 16>, scalar_prefetch = 0 : i64, scratch_operands = 21 : i64, tpu.core_type = #tpu.core_type<sc_vector_subcore>, window_params = [{transform_indices = #map}, {transform_indices = #map1}, {transform_indices = #map1}, {transform_indices = #map}]} {
    %mul3A = arith.constant 16 : i32
    %mul3A_0 = arith.muli %arg0, %mul3A : i32
    %add3A = arith.addi %mul3A_0, %arg1 : i32
    %mul3A_1 = arith.constant 10000 : i32
    %mul3A_2 = arith.muli %add3A, %mul3A_1 : i32
    %broadcast_in_dim3A = arith.constant 0.000000e+00 : f32
    %broadcast_in_dim3A_3 = vector.broadcast %broadcast_in_dim3A : f32 to vector<16xf32>
    %scan3A = arith.constant 0 : i32
    %scan3A_4 = arith.constant 80 : i32
    %scan3A_5 = arith.addi %scan3A, %scan3A_4 : i32
    %scan3A_6 = arith.constant 1 : i32
    scf.for %scan3A_97 = %scan3A to %scan3A_5 step %scan3A_6  : i32 {
      %mul3A_98 = arith.constant 1 : i32
      %mul3A_99 = arith.muli %scan3A_97, %mul3A_98 : i32
      %add3A_100 = arith.constant 0 : i32
      %add3A_101 = arith.addi %add3A_100, %mul3A_99 : i32
      %swap3A = arith.index_cast %add3A_101 : i32 to index
      %swap3A_102 = arith.constant 0 : index
      %swap3A_103 = tpu.vector_load %arg14[%swap3A, %swap3A_102] {strides = array<i32>} : memref<80x128xf32, #tpu.memory_space<vmem>>, vector<1x16xf32>,
      %swap3A_104 = vector.shape_cast %swap3A_103 : vector<1x16xf32> to vector<16xf32>
      %swap3A_105 = vector.shape_cast %broadcast_in_dim3A_3 : vector<16xf32> to vector<1x16xf32>
      tpu.vector_store %arg14[%swap3A, %swap3A_102], %swap3A_105 {strides = array<i32>} : memref<80x128xf32, #tpu.memory_space<vmem>>, vector<1x16xf32>,
      %swap3A_106 = arith.index_cast %add3A_101 : i32 to index
      %swap3A_107 = arith.constant 16 : index
      %swap3A_108 = tpu.vector_load %arg14[%swap3A_106, %swap3A_107] {strides = array<i32>} : memref<80x128xf32, #tpu.memory_space<vmem>>, vector<1x16xf32>,
      %swap3A_109 = vector.shape_cast %swap3A_108 : vector<1x16xf32> to vector<16xf32>
      %swap3A_110 = vector.shape_cast %broadcast_in_dim3A_3 : vector<16xf32> to vector<1x16xf32>
      tpu.vector_store %arg14[%swap3A_106, %swap3A_107], %swap3A_110 {strides = array<i32>} : memref<80x128xf32, #tpu.memory_space<vmem>>, vector<1x16xf32>,
      %swap3A_111 = arith.index_cast %add3A_101 : i32 to index
      %swap3A_112 = arith.constant 32 : index
      %swap3A_113 = tpu.vector_load %arg14[%swap3A_111, %swap3A_112] {strides = array<i32>} : memref<80x128xf32, #tpu.memory_space<vmem>>, vector<1x16xf32>,
      %swap3A_114 = vector.shape_cast %swap3A_113 : vector<1x16xf32> to vector<16xf32>
      %swap3A_115 = vector.shape_cast %broadcast_in_dim3A_3 : vector<16xf32> to vector<1x16xf32>
      tpu.vector_store %arg14[%swap3A_111, %swap3A_112], %swap3A_115 {strides = array<i32>} : memref<80x128xf32, #tpu.memory_space<vmem>>, vector<1x16xf32>,
      %swap3A_116 = arith.index_cast %add3A_101 : i32 to index
      %swap3A_117 = arith.constant 48 : index
      %swap3A_118 = tpu.vector_load %arg14[%swap3A_116, %swap3A_117] {strides = array<i32>} : memref<80x128xf32, #tpu.memory_space<vmem>>, vector<1x16xf32>,
      %swap3A_119 = vector.shape_cast %swap3A_118 : vector<1x16xf32> to vector<16xf32>
      %swap3A_120 = vector.shape_cast %broadcast_in_dim3A_3 : vector<16xf32> to vector<1x16xf32>
      tpu.vector_store %arg14[%swap3A_116, %swap3A_117], %swap3A_120 {strides = array<i32>} : memref<80x128xf32, #tpu.memory_space<vmem>>, vector<1x16xf32>,
      %swap3A_121 = arith.index_cast %add3A_101 : i32 to index
      %swap3A_122 = arith.constant 64 : index
      %swap3A_123 = tpu.vector_load %arg14[%swap3A_121, %swap3A_122] {strides = array<i32>} : memref<80x128xf32, #tpu.memory_space<vmem>>, vector<1x16xf32>,
      %swap3A_124 = vector.shape_cast %swap3A_123 : vector<1x16xf32> to vector<16xf32>
      %swap3A_125 = vector.shape_cast %broadcast_in_dim3A_3 : vector<16xf32> to vector<1x16xf32>
      tpu.vector_store %arg14[%swap3A_121, %swap3A_122], %swap3A_125 {strides = array<i32>} : memref<80x128xf32, #tpu.memory_space<vmem>>, vector<1x16xf32>,
      %swap3A_126 = arith.index_cast %add3A_101 : i32 to index
      %swap3A_127 = arith.constant 80 : index
      %swap3A_128 = tpu.vector_load %arg14[%swap3A_126, %swap3A_127] {strides = array<i32>} : memref<80x128xf32, #tpu.memory_space<vmem>>, vector<1x16xf32>,
      %swap3A_129 = vector.shape_cast %swap3A_128 : vector<1x16xf32> to vector<16xf32>
      %swap3A_130 = vector.shape_cast %broadcast_in_dim3A_3 : vector<16xf32> to vector<1x16xf32>
      tpu.vector_store %arg14[%swap3A_126, %swap3A_127], %swap3A_130 {strides = array<i32>} : memref<80x128xf32, #tpu.memory_space<vmem>>, vector<1x16xf32>,
      %swap3A_131 = arith.index_cast %add3A_101 : i32 to index
      %swap3A_132 = arith.constant 96 : index
      %swap3A_133 = tpu.vector_load %arg14[%swap3A_131, %swap3A_132] {strides = array<i32>} : memref<80x128xf32, #tpu.memory_space<vmem>>, vector<1x16xf32>,
      %swap3A_134 = vector.shape_cast %swap3A_133 : vector<1x16xf32> to vector<16xf32>
      %swap3A_135 = vector.shape_cast %broadcast_in_dim3A_3 : vector<16xf32> to vector<1x16xf32>
      tpu.vector_store %arg14[%swap3A_131, %swap3A_132], %swap3A_135 {strides = array<i32>} : memref<80x128xf32, #tpu.memory_space<vmem>>, vector<1x16xf32>,
      %swap3A_136 = arith.index_cast %add3A_101 : i32 to index
      %swap3A_137 = arith.constant 112 : index
      %swap3A_138 = tpu.vector_load %arg14[%swap3A_136, %swap3A_137] {strides = array<i32>} : memref<80x128xf32, #tpu.memory_space<vmem>>, vector<1x16xf32>,
      %swap3A_139 = vector.shape_cast %swap3A_138 : vector<1x16xf32> to vector<16xf32>
      %swap3A_140 = vector.shape_cast %broadcast_in_dim3A_3 : vector<16xf32> to vector<1x16xf32>
      tpu.vector_store %arg14[%swap3A_136, %swap3A_137], %swap3A_140 {strides = array<i32>} : memref<80x128xf32, #tpu.memory_space<vmem>>, vector<1x16xf32>,
    }
    %scan3A_7 = arith.constant 80 : i32
    %scan3A_8 = arith.constant 0 : i32
    %scan3A_9 = arith.constant 8 : i32
    %scan3A_10 = arith.addi %scan3A_8, %scan3A_9 : i32
    %scan3A_11 = arith.constant 1 : i32
    scf.for %scan3A_97 = %scan3A_8 to %scan3A_10 step %scan3A_11  : i32 {
      %mul3A_98 = arith.constant 1 : i32
      %mul3A_99 = arith.muli %scan3A_97, %mul3A_98 : i32
      %add3A_100 = arith.constant 0 : i32
      %add3A_101 = arith.addi %add3A_100, %mul3A_99 : i32
      %mul3A_102 = arith.constant 640 : i32
      %mul3A_103 = arith.muli %arg1, %mul3A_102 : i32
      %mul3A_104 = arith.constant 80 : i32
      %mul3A_105 = arith.muli %add3A_101, %mul3A_104 : i32
      %add3A_106 = arith.addi %mul3A_103, %mul3A_105 : i32
      "tpu.region"() ({
        %run_scoped3A = tpu.sem_alloc : memref<!tpu.dma_semaphore, #tpu.memory_space<semaphore_mem>>
        %dma_start3A_107 = arith.constant 0 : i32
        %dma_start3A_108 = tpu.memref_slice %arg18[%add3A_106, %dma_start3A_107] : memref<10240x128xf32, #tpu.memory_space<vmem_shared>> -> memref<80x128xf32, #tpu.memory_space<vmem_shared>>
        %dma_start3A_109 = arith.constant 0 : i32
        %dma_start3A_110 = tpu.memref_slice %arg18[%add3A_106, %dma_start3A_109] : memref<10240x128xf32, #tpu.memory_space<vmem_shared>> -> memref<80x128xf32, #tpu.memory_space<vmem_shared>>
        tpu.enqueue_dma source(%arg14 : memref<80x128xf32, #tpu.memory_space<vmem>>) target(%dma_start3A_110 : memref<80x128xf32, #tpu.memory_space<vmem_shared>>) target_semaphore(%run_scoped3A : memref<!tpu.dma_semaphore, #tpu.memory_space<semaphore_mem>>)
        %dma_wait3A_111 = arith.constant 0 : i32
        %dma_wait3A_112 = tpu.memref_slice %arg18[%add3A_106, %dma_wait3A_111] : memref<10240x128xf32, #tpu.memory_space<vmem_shared>> -> memref<80x128xf32, #tpu.memory_space<vmem_shared>>
        %dma_wait3A_113 = arith.constant 0 : i32
        %dma_wait3A_114 = tpu.memref_slice %arg18[%add3A_106, %dma_wait3A_113] : memref<10240x128xf32, #tpu.memory_space<vmem_shared>> -> memref<80x128xf32, #tpu.memory_space<vmem_shared>>
        tpu.wait_dma2 semaphore(%run_scoped3A : memref<!tpu.dma_semaphore, #tpu.memory_space<semaphore_mem>>) src(%arg14 : memref<80x128xf32, #tpu.memory_space<vmem>>) dst(%dma_wait3A_114 : memref<80x128xf32, #tpu.memory_space<vmem_shared>>)
        tpu.yield
      }) : () -> ()
    }
    %scan3A_12 = arith.constant 8 : i32
    %add3A_13 = arith.constant 0 : i32
    %add3A_14 = arith.addi %mul3A_2, %add3A_13 : i32
    "tpu.region"() ({
      %run_scoped3A = tpu.sem_alloc : memref<!tpu.dma_semaphore, #tpu.memory_space<semaphore_mem>>
      %dma_start3A_97 = tpu.memref_slice %arg3[%add3A_14] : memref<320000xi32, #tpu.memory_space<hbm>> -> memref<80xi32, #tpu.memory_space<hbm>>
      %dma_start3A_98 = tpu.memref_slice %arg3[%add3A_14] : memref<320000xi32, #tpu.memory_space<hbm>> -> memref<80xi32, #tpu.memory_space<hbm>>
      tpu.enqueue_dma source(%dma_start3A_98 : memref<80xi32, #tpu.memory_space<hbm>>) target(%arg6 : memref<80xi32, #tpu.memory_space<vmem>>) target_semaphore(%run_scoped3A : memref<!tpu.dma_semaphore, #tpu.memory_space<semaphore_mem>>)
      %dma_wait3A_99 = tpu.memref_slice %arg3[%add3A_14] : memref<320000xi32, #tpu.memory_space<hbm>> -> memref<80xi32, #tpu.memory_space<hbm>>
      %dma_wait3A_100 = tpu.memref_slice %arg3[%add3A_14] : memref<320000xi32, #tpu.memory_space<hbm>> -> memref<80xi32, #tpu.memory_space<hbm>>
      tpu.wait_dma2 semaphore(%run_scoped3A : memref<!tpu.dma_semaphore, #tpu.memory_space<semaphore_mem>>) src(%dma_wait3A_100 : memref<80xi32, #tpu.memory_space<hbm>>) dst(%arg6 : memref<80xi32, #tpu.memory_space<vmem>>)
      tpu.yield
    }) : () -> ()
    "tpu.region"() ({
      %run_scoped3A = tpu.sem_alloc : memref<!tpu.dma_semaphore, #tpu.memory_space<semaphore_mem>>
      %dma_start3A_97 = tpu.memref_slice %arg4[%add3A_14] : memref<320000xi32, #tpu.memory_space<hbm>> -> memref<80xi32, #tpu.memory_space<hbm>>
      %dma_start3A_98 = tpu.memref_slice %arg4[%add3A_14] : memref<320000xi32, #tpu.memory_space<hbm>> -> memref<80xi32, #tpu.memory_space<hbm>>
      tpu.enqueue_dma source(%dma_start3A_98 : memref<80xi32, #tpu.memory_space<hbm>>) target(%arg10 : memref<80xi32, #tpu.memory_space<vmem>>) target_semaphore(%run_scoped3A : memref<!tpu.dma_semaphore, #tpu.memory_space<semaphore_mem>>)
      %dma_wait3A_99 = tpu.memref_slice %arg4[%add3A_14] : memref<320000xi32, #tpu.memory_space<hbm>> -> memref<80xi32, #tpu.memory_space<hbm>>
      %dma_wait3A_100 = tpu.memref_slice %arg4[%add3A_14] : memref<320000xi32, #tpu.memory_space<hbm>> -> memref<80xi32, #tpu.memory_space<hbm>>
      tpu.wait_dma2 semaphore(%run_scoped3A : memref<!tpu.dma_semaphore, #tpu.memory_space<semaphore_mem>>) src(%dma_wait3A_100 : memref<80xi32, #tpu.memory_space<hbm>>) dst(%arg10 : memref<80xi32, #tpu.memory_space<vmem>>)
      tpu.yield
    }) : () -> ()
    %add3A_15 = arith.constant 80 : i32
    %add3A_16 = arith.addi %mul3A_2, %add3A_15 : i32
    "tpu.region"() ({
      %run_scoped3A = tpu.sem_alloc : memref<!tpu.dma_semaphore, #tpu.memory_space<semaphore_mem>>
      %dma_start3A_97 = tpu.memref_slice %arg3[%add3A_16] : memref<320000xi32, #tpu.memory_space<hbm>> -> memref<80xi32, #tpu.memory_space<hbm>>
      %dma_start3A_98 = tpu.memref_slice %arg3[%add3A_16] : memref<320000xi32, #tpu.memory_space<hbm>> -> memref<80xi32, #tpu.memory_space<hbm>>
      tpu.enqueue_dma source(%dma_start3A_98 : memref<80xi32, #tpu.memory_space<hbm>>) target(%arg7 : memref<80xi32, #tpu.memory_space<vmem>>) target_semaphore(%run_scoped3A : memref<!tpu.dma_semaphore, #tpu.memory_space<semaphore_mem>>)
      %dma_wait3A_99 = tpu.memref_slice %arg3[%add3A_16] : memref<320000xi32, #tpu.memory_space<hbm>> -> memref<80xi32, #tpu.memory_space<hbm>>
      %dma_wait3A_100 = tpu.memref_slice %arg3[%add3A_16] : memref<320000xi32, #tpu.memory_space<hbm>> -> memref<80xi32, #tpu.memory_space<hbm>>
      tpu.wait_dma2 semaphore(%run_scoped3A : memref<!tpu.dma_semaphore, #tpu.memory_space<semaphore_mem>>) src(%dma_wait3A_100 : memref<80xi32, #tpu.memory_space<hbm>>) dst(%arg7 : memref<80xi32, #tpu.memory_space<vmem>>)
      tpu.yield
    }) : () -> ()
    "tpu.region"() ({
      %run_scoped3A = tpu.sem_alloc : memref<!tpu.dma_semaphore, #tpu.memory_space<semaphore_mem>>
      %dma_start3A_97 = tpu.memref_slice %arg4[%add3A_16] : memref<320000xi32, #tpu.memory_space<hbm>> -> memref<80xi32, #tpu.memory_space<hbm>>
      %dma_start3A_98 = tpu.memref_slice %arg4[%add3A_16] : memref<320000xi32, #tpu.memory_space<hbm>> -> memref<80xi32, #tpu.memory_space<hbm>>
      tpu.enqueue_dma source(%dma_start3A_98 : memref<80xi32, #tpu.memory_space<hbm>>) target(%arg11 : memref<80xi32, #tpu.memory_space<vmem>>) target_semaphore(%run_scoped3A : memref<!tpu.dma_semaphore, #tpu.memory_space<semaphore_mem>>)
      %dma_wait3A_99 = tpu.memref_slice %arg4[%add3A_16] : memref<320000xi32, #tpu.memory_space<hbm>> -> memref<80xi32, #tpu.memory_space<hbm>>
      %dma_wait3A_100 = tpu.memref_slice %arg4[%add3A_16] : memref<320000xi32, #tpu.memory_space<hbm>> -> memref<80xi32, #tpu.memory_space<hbm>>
      tpu.wait_dma2 semaphore(%run_scoped3A : memref<!tpu.dma_semaphore, #tpu.memory_space<semaphore_mem>>) src(%dma_wait3A_100 : memref<80xi32, #tpu.memory_space<hbm>>) dst(%arg11 : memref<80xi32, #tpu.memory_space<vmem>>)
      tpu.yield
    }) : () -> ()
    %dma_start3A = arith.constant 0 : i32
    %dma_start3A_17 = arith.constant 0 : i32
    %dma_start3A_18 = tpu.memref_slice %arg2[%dma_start3A, %dma_start3A_17] : memref<10000x128xf32, #tpu.memory_space<hbm>> -> memref<10000x128xf32, #tpu.memory_space<hbm>>
    tpu.enqueue_indirect_dma source(%dma_start3A_18 : memref<10000x128xf32, #tpu.memory_space<hbm>>) target(%arg14 : memref<80x128xf32, #tpu.memory_space<vmem>>) offsets(%arg6 : memref<80xi32, #tpu.memory_space<vmem>>) semaphore(%arg19 : memref<!tpu.dma_semaphore, #tpu.memory_space<semaphore_mem>>)
    %dma_start3A_19 = arith.constant 0 : i32
    %dma_start3A_20 = arith.constant 0 : i32
    %dma_start3A_21 = tpu.memref_slice %arg2[%dma_start3A_19, %dma_start3A_20] : memref<10000x128xf32, #tpu.memory_space<hbm>> -> memref<10000x128xf32, #tpu.memory_space<hbm>>
    tpu.enqueue_indirect_dma source(%dma_start3A_21 : memref<10000x128xf32, #tpu.memory_space<hbm>>) target(%arg15 : memref<80x128xf32, #tpu.memory_space<vmem>>) offsets(%arg7 : memref<80xi32, #tpu.memory_space<vmem>>) semaphore(%arg20 : memref<!tpu.dma_semaphore, #tpu.memory_space<semaphore_mem>>)
    %barrier3A = arith.constant 0 : index
    tpu.barrier barrier_id(%barrier3A)
    %dma_wait3A = arith.constant 0 : i32
    %dma_wait3A_22 = arith.constant 0 : i32
    %dma_wait3A_23 = tpu.memref_slice %arg2[%dma_wait3A, %dma_wait3A_22] : memref<10000x128xf32, #tpu.memory_space<hbm>> -> memref<10000x128xf32, #tpu.memory_space<hbm>>
    tpu.wait_indirect_dma semaphore(%arg19 : memref<!tpu.dma_semaphore, #tpu.memory_space<semaphore_mem>>) src(%dma_wait3A_23 : memref<10000x128xf32, #tpu.memory_space<hbm>>) dst(%arg14 : memref<80x128xf32, #tpu.memory_space<vmem>>)
    %dma_start3A_24 = arith.constant 0 : i32
    %dma_start3A_25 = arith.constant 0 : i32
    %dma_start3A_26 = tpu.memref_slice %arg18[%dma_start3A_24, %dma_start3A_25] : memref<10240x128xf32, #tpu.memory_space<vmem_shared>> -> memref<10240x128xf32, #tpu.memory_space<vmem_shared>>
    tpu.enqueue_indirect_dma source(%arg14 : memref<80x128xf32, #tpu.memory_space<vmem>>) target(%dma_start3A_26 : memref<10240x128xf32, #tpu.memory_space<vmem_shared>>) offsets(%arg10 : memref<80xi32, #tpu.memory_space<vmem>>) semaphore(%arg23 : memref<!tpu.dma_semaphore, #tpu.memory_space<semaphore_mem>>) {add = true}
    %add3A_27 = arith.constant 160 : i32
    %add3A_28 = arith.addi %mul3A_2, %add3A_27 : i32
    "tpu.region"() ({
      %run_scoped3A = tpu.sem_alloc : memref<!tpu.dma_semaphore, #tpu.memory_space<semaphore_mem>>
      %dma_start3A_97 = tpu.memref_slice %arg3[%add3A_28] : memref<320000xi32, #tpu.memory_space<hbm>> -> memref<80xi32, #tpu.memory_space<hbm>>
      %dma_start3A_98 = tpu.memref_slice %arg3[%add3A_28] : memref<320000xi32, #tpu.memory_space<hbm>> -> memref<80xi32, #tpu.memory_space<hbm>>
      tpu.enqueue_dma source(%dma_start3A_98 : memref<80xi32, #tpu.memory_space<hbm>>) target(%arg8 : memref<80xi32, #tpu.memory_space<vmem>>) target_semaphore(%run_scoped3A : memref<!tpu.dma_semaphore, #tpu.memory_space<semaphore_mem>>)
      %dma_wait3A_99 = tpu.memref_slice %arg3[%add3A_28] : memref<320000xi32, #tpu.memory_space<hbm>> -> memref<80xi32, #tpu.memory_space<hbm>>
      %dma_wait3A_100 = tpu.memref_slice %arg3[%add3A_28] : memref<320000xi32, #tpu.memory_space<hbm>> -> memref<80xi32, #tpu.memory_space<hbm>>
      tpu.wait_dma2 semaphore(%run_scoped3A : memref<!tpu.dma_semaphore, #tpu.memory_space<semaphore_mem>>) src(%dma_wait3A_100 : memref<80xi32, #tpu.memory_space<hbm>>) dst(%arg8 : memref<80xi32, #tpu.memory_space<vmem>>)
      tpu.yield
    }) : () -> ()
    "tpu.region"() ({
      %run_scoped3A = tpu.sem_alloc : memref<!tpu.dma_semaphore, #tpu.memory_space<semaphore_mem>>
      %dma_start3A_97 = tpu.memref_slice %arg4[%add3A_28] : memref<320000xi32, #tpu.memory_space<hbm>> -> memref<80xi32, #tpu.memory_space<hbm>>
      %dma_start3A_98 = tpu.memref_slice %arg4[%add3A_28] : memref<320000xi32, #tpu.memory_space<hbm>> -> memref<80xi32, #tpu.memory_space<hbm>>
      tpu.enqueue_dma source(%dma_start3A_98 : memref<80xi32, #tpu.memory_space<hbm>>) target(%arg12 : memref<80xi32, #tpu.memory_space<vmem>>) target_semaphore(%run_scoped3A : memref<!tpu.dma_semaphore, #tpu.memory_space<semaphore_mem>>)
      %dma_wait3A_99 = tpu.memref_slice %arg4[%add3A_28] : memref<320000xi32, #tpu.memory_space<hbm>> -> memref<80xi32, #tpu.memory_space<hbm>>
      %dma_wait3A_100 = tpu.memref_slice %arg4[%add3A_28] : memref<320000xi32, #tpu.memory_space<hbm>> -> memref<80xi32, #tpu.memory_space<hbm>>
      tpu.wait_dma2 semaphore(%run_scoped3A : memref<!tpu.dma_semaphore, #tpu.memory_space<semaphore_mem>>) src(%dma_wait3A_100 : memref<80xi32, #tpu.memory_space<hbm>>) dst(%arg12 : memref<80xi32, #tpu.memory_space<vmem>>)
      tpu.yield
    }) : () -> ()
    %dma_start3A_29 = arith.constant 0 : i32
    %dma_start3A_30 = arith.constant 0 : i32
    %dma_start3A_31 = tpu.memref_slice %arg2[%dma_start3A_29, %dma_start3A_30] : memref<10000x128xf32, #tpu.memory_space<hbm>> -> memref<10000x128xf32, #tpu.memory_space<hbm>>
    tpu.enqueue_indirect_dma source(%dma_start3A_31 : memref<10000x128xf32, #tpu.memory_space<hbm>>) target(%arg16 : memref<80x128xf32, #tpu.memory_space<vmem>>) offsets(%arg8 : memref<80xi32, #tpu.memory_space<vmem>>) semaphore(%arg21 : memref<!tpu.dma_semaphore, #tpu.memory_space<semaphore_mem>>)
    %dma_wait3A_32 = arith.constant 0 : i32
    %dma_wait3A_33 = arith.constant 0 : i32
    %dma_wait3A_34 = tpu.memref_slice %arg2[%dma_wait3A_32, %dma_wait3A_33] : memref<10000x128xf32, #tpu.memory_space<hbm>> -> memref<10000x128xf32, #tpu.memory_space<hbm>>
    tpu.wait_indirect_dma semaphore(%arg20 : memref<!tpu.dma_semaphore, #tpu.memory_space<semaphore_mem>>) src(%dma_wait3A_34 : memref<10000x128xf32, #tpu.memory_space<hbm>>) dst(%arg15 : memref<80x128xf32, #tpu.memory_space<vmem>>)
    %dma_start3A_35 = arith.constant 0 : i32
    %dma_start3A_36 = arith.constant 0 : i32
    %dma_start3A_37 = tpu.memref_slice %arg18[%dma_start3A_35, %dma_start3A_36] : memref<10240x128xf32, #tpu.memory_space<vmem_shared>> -> memref<10240x128xf32, #tpu.memory_space<vmem_shared>>
    tpu.enqueue_indirect_dma source(%arg15 : memref<80x128xf32, #tpu.memory_space<vmem>>) target(%dma_start3A_37 : memref<10240x128xf32, #tpu.memory_space<vmem_shared>>) offsets(%arg11 : memref<80xi32, #tpu.memory_space<vmem>>) semaphore(%arg24 : memref<!tpu.dma_semaphore, #tpu.memory_space<semaphore_mem>>) {add = true}
    %add3A_38 = arith.constant 240 : i32
    %add3A_39 = arith.addi %mul3A_2, %add3A_38 : i32
    "tpu.region"() ({
      %run_scoped3A = tpu.sem_alloc : memref<!tpu.dma_semaphore, #tpu.memory_space<semaphore_mem>>
      %dma_start3A_97 = tpu.memref_slice %arg3[%add3A_39] : memref<320000xi32, #tpu.memory_space<hbm>> -> memref<80xi32, #tpu.memory_space<hbm>>
      %dma_start3A_98 = tpu.memref_slice %arg3[%add3A_39] : memref<320000xi32, #tpu.memory_space<hbm>> -> memref<80xi32, #tpu.memory_space<hbm>>
      tpu.enqueue_dma source(%dma_start3A_98 : memref<80xi32, #tpu.memory_space<hbm>>) target(%arg9 : memref<80xi32, #tpu.memory_space<vmem>>) target_semaphore(%run_scoped3A : memref<!tpu.dma_semaphore, #tpu.memory_space<semaphore_mem>>)
      %dma_wait3A_99 = tpu.memref_slice %arg3[%add3A_39] : memref<320000xi32, #tpu.memory_space<hbm>> -> memref<80xi32, #tpu.memory_space<hbm>>
      %dma_wait3A_100 = tpu.memref_slice %arg3[%add3A_39] : memref<320000xi32, #tpu.memory_space<hbm>> -> memref<80xi32, #tpu.memory_space<hbm>>
      tpu.wait_dma2 semaphore(%run_scoped3A : memref<!tpu.dma_semaphore, #tpu.memory_space<semaphore_mem>>) src(%dma_wait3A_100 : memref<80xi32, #tpu.memory_space<hbm>>) dst(%arg9 : memref<80xi32, #tpu.memory_space<vmem>>)
      tpu.yield
    }) : () -> ()
    "tpu.region"() ({
      %run_scoped3A = tpu.sem_alloc : memref<!tpu.dma_semaphore, #tpu.memory_space<semaphore_mem>>
      %dma_start3A_97 = tpu.memref_slice %arg4[%add3A_39] : memref<320000xi32, #tpu.memory_space<hbm>> -> memref<80xi32, #tpu.memory_space<hbm>>
      %dma_start3A_98 = tpu.memref_slice %arg4[%add3A_39] : memref<320000xi32, #tpu.memory_space<hbm>> -> memref<80xi32, #tpu.memory_space<hbm>>
      tpu.enqueue_dma source(%dma_start3A_98 : memref<80xi32, #tpu.memory_space<hbm>>) target(%arg13 : memref<80xi32, #tpu.memory_space<vmem>>) target_semaphore(%run_scoped3A : memref<!tpu.dma_semaphore, #tpu.memory_space<semaphore_mem>>)
      %dma_wait3A_99 = tpu.memref_slice %arg4[%add3A_39] : memref<320000xi32, #tpu.memory_space<hbm>> -> memref<80xi32, #tpu.memory_space<hbm>>
      %dma_wait3A_100 = tpu.memref_slice %arg4[%add3A_39] : memref<320000xi32, #tpu.memory_space<hbm>> -> memref<80xi32, #tpu.memory_space<hbm>>
      tpu.wait_dma2 semaphore(%run_scoped3A : memref<!tpu.dma_semaphore, #tpu.memory_space<semaphore_mem>>) src(%dma_wait3A_100 : memref<80xi32, #tpu.memory_space<hbm>>) dst(%arg13 : memref<80xi32, #tpu.memory_space<vmem>>)
      tpu.yield
    }) : () -> ()
    %dma_start3A_40 = arith.constant 0 : i32
    %dma_start3A_41 = arith.constant 0 : i32
    %dma_start3A_42 = tpu.memref_slice %arg2[%dma_start3A_40, %dma_start3A_41] : memref<10000x128xf32, #tpu.memory_space<hbm>> -> memref<10000x128xf32, #tpu.memory_space<hbm>>
    tpu.enqueue_indirect_dma source(%dma_start3A_42 : memref<10000x128xf32, #tpu.memory_space<hbm>>) target(%arg17 : memref<80x128xf32, #tpu.memory_space<vmem>>) offsets(%arg9 : memref<80xi32, #tpu.memory_space<vmem>>) semaphore(%arg22 : memref<!tpu.dma_semaphore, #tpu.memory_space<semaphore_mem>>)
    %dma_wait3A_43 = arith.constant 0 : i32
    %dma_wait3A_44 = arith.constant 0 : i32
    %dma_wait3A_45 = tpu.memref_slice %arg2[%dma_wait3A_43, %dma_wait3A_44] : memref<10000x128xf32, #tpu.memory_space<hbm>> -> memref<10000x128xf32, #tpu.memory_space<hbm>>
    tpu.wait_indirect_dma semaphore(%arg21 : memref<!tpu.dma_semaphore, #tpu.memory_space<semaphore_mem>>) src(%dma_wait3A_45 : memref<10000x128xf32, #tpu.memory_space<hbm>>) dst(%arg16 : memref<80x128xf32, #tpu.memory_space<vmem>>)
    %dma_wait3A_46 = arith.constant 0 : i32
    %dma_wait3A_47 = arith.constant 0 : i32
    %dma_wait3A_48 = tpu.memref_slice %arg18[%dma_wait3A_46, %dma_wait3A_47] : memref<10240x128xf32, #tpu.memory_space<vmem_shared>> -> memref<10240x128xf32, #tpu.memory_space<vmem_shared>>
    tpu.wait_indirect_dma semaphore(%arg23 : memref<!tpu.dma_semaphore, #tpu.memory_space<semaphore_mem>>) src(%arg14 : memref<80x128xf32, #tpu.memory_space<vmem>>) dst(%dma_wait3A_48 : memref<10240x128xf32, #tpu.memory_space<vmem_shared>>)
    %dma_start3A_49 = arith.constant 0 : i32
    %dma_start3A_50 = arith.constant 0 : i32
    %dma_start3A_51 = tpu.memref_slice %arg18[%dma_start3A_49, %dma_start3A_50] : memref<10240x128xf32, #tpu.memory_space<vmem_shared>> -> memref<10240x128xf32, #tpu.memory_space<vmem_shared>>
    tpu.enqueue_indirect_dma source(%arg16 : memref<80x128xf32, #tpu.memory_space<vmem>>) target(%dma_start3A_51 : memref<10240x128xf32, #tpu.memory_space<vmem_shared>>) offsets(%arg12 : memref<80xi32, #tpu.memory_space<vmem>>) semaphore(%arg25 : memref<!tpu.dma_semaphore, #tpu.memory_space<semaphore_mem>>) {add = true}
    %add3A_52 = arith.constant 320 : i32
    %add3A_53 = arith.addi %mul3A_2, %add3A_52 : i32
    "tpu.region"() ({
      %run_scoped3A = tpu.sem_alloc : memref<!tpu.dma_semaphore, #tpu.memory_space<semaphore_mem>>
      %dma_start3A_97 = tpu.memref_slice %arg3[%add3A_53] : memref<320000xi32, #tpu.memory_space<hbm>> -> memref<80xi32, #tpu.memory_space<hbm>>
      %dma_start3A_98 = tpu.memref_slice %arg3[%add3A_53] : memref<320000xi32, #tpu.memory_space<hbm>> -> memref<80xi32, #tpu.memory_space<hbm>>
      tpu.enqueue_dma source(%dma_start3A_98 : memref<80xi32, #tpu.memory_space<hbm>>) target(%arg6 : memref<80xi32, #tpu.memory_space<vmem>>) target_semaphore(%run_scoped3A : memref<!tpu.dma_semaphore, #tpu.memory_space<semaphore_mem>>)
      %dma_wait3A_99 = tpu.memref_slice %arg3[%add3A_53] : memref<320000xi32, #tpu.memory_space<hbm>> -> memref<80xi32, #tpu.memory_space<hbm>>
      %dma_wait3A_100 = tpu.memref_slice %arg3[%add3A_53] : memref<320000xi32, #tpu.memory_space<hbm>> -> memref<80xi32, #tpu.memory_space<hbm>>
      tpu.wait_dma2 semaphore(%run_scoped3A : memref<!tpu.dma_semaphore, #tpu.memory_space<semaphore_mem>>) src(%dma_wait3A_100 : memref<80xi32, #tpu.memory_space<hbm>>) dst(%arg6 : memref<80xi32, #tpu.memory_space<vmem>>)
      tpu.yield
    }) : () -> ()
    "tpu.region"() ({
      %run_scoped3A = tpu.sem_alloc : memref<!tpu.dma_semaphore, #tpu.memory_space<semaphore_mem>>
      %dma_start3A_97 = tpu.memref_slice %arg4[%add3A_53] : memref<320000xi32, #tpu.memory_space<hbm>> -> memref<80xi32, #tpu.memory_space<hbm>>
      %dma_start3A_98 = tpu.memref_slice %arg4[%add3A_53] : memref<320000xi32, #tpu.memory_space<hbm>> -> memref<80xi32, #tpu.memory_space<hbm>>
      tpu.enqueue_dma source(%dma_start3A_98 : memref<80xi32, #tpu.memory_space<hbm>>) target(%arg10 : memref<80xi32, #tpu.memory_space<vmem>>) target_semaphore(%run_scoped3A : memref<!tpu.dma_semaphore, #tpu.memory_space<semaphore_mem>>)
      %dma_wait3A_99 = tpu.memref_slice %arg4[%add3A_53] : memref<320000xi32, #tpu.memory_space<hbm>> -> memref<80xi32, #tpu.memory_space<hbm>>
      %dma_wait3A_100 = tpu.memref_slice %arg4[%add3A_53] : memref<320000xi32, #tpu.memory_space<hbm>> -> memref<80xi32, #tpu.memory_space<hbm>>
      tpu.wait_dma2 semaphore(%run_scoped3A : memref<!tpu.dma_semaphore, #tpu.memory_space<semaphore_mem>>) src(%dma_wait3A_100 : memref<80xi32, #tpu.memory_space<hbm>>) dst(%arg10 : memref<80xi32, #tpu.memory_space<vmem>>)
      tpu.yield
    }) : () -> ()
    %dma_start3A_54 = arith.constant 0 : i32
    %dma_start3A_55 = arith.constant 0 : i32
    %dma_start3A_56 = tpu.memref_slice %arg2[%dma_start3A_54, %dma_start3A_55] : memref<10000x128xf32, #tpu.memory_space<hbm>> -> memref<10000x128xf32, #tpu.memory_space<hbm>>
    tpu.enqueue_indirect_dma source(%dma_start3A_56 : memref<10000x128xf32, #tpu.memory_space<hbm>>) target(%arg14 : memref<80x128xf32, #tpu.memory_space<vmem>>) offsets(%arg6 : memref<80xi32, #tpu.memory_space<vmem>>) semaphore(%arg19 : memref<!tpu.dma_semaphore, #tpu.memory_space<semaphore_mem>>)
    %dma_wait3A_57 = arith.constant 0 : i32
    %dma_wait3A_58 = arith.constant 0 : i32
    %dma_wait3A_59 = tpu.memref_slice %arg2[%dma_wait3A_57, %dma_wait3A_58] : memref<10000x128xf32, #tpu.memory_space<hbm>> -> memref<10000x128xf32, #tpu.memory_space<hbm>>
    tpu.wait_indirect_dma semaphore(%arg22 : memref<!tpu.dma_semaphore, #tpu.memory_space<semaphore_mem>>) src(%dma_wait3A_59 : memref<10000x128xf32, #tpu.memory_space<hbm>>) dst(%arg17 : memref<80x128xf32, #tpu.memory_space<vmem>>)
    %dma_wait3A_60 = arith.constant 0 : i32
    %dma_wait3A_61 = arith.constant 0 : i32
    %dma_wait3A_62 = tpu.memref_slice %arg18[%dma_wait3A_60, %dma_wait3A_61] : memref<10240x128xf32, #tpu.memory_space<vmem_shared>> -> memref<10240x128xf32, #tpu.memory_space<vmem_shared>>
    tpu.wait_indirect_dma semaphore(%arg24 : memref<!tpu.dma_semaphore, #tpu.memory_space<semaphore_mem>>) src(%arg15 : memref<80x128xf32, #tpu.memory_space<vmem>>) dst(%dma_wait3A_62 : memref<10240x128xf32, #tpu.memory_space<vmem_shared>>)
    %dma_start3A_63 = arith.constant 0 : i32
    %dma_start3A_64 = arith.constant 0 : i32
    %dma_start3A_65 = tpu.memref_slice %arg18[%dma_start3A_63, %dma_start3A_64] : memref<10240x128xf32, #tpu.memory_space<vmem_shared>> -> memref<10240x128xf32, #tpu.memory_space<vmem_shared>>
    tpu.enqueue_indirect_dma source(%arg17 : memref<80x128xf32, #tpu.memory_space<vmem>>) target(%dma_start3A_65 : memref<10240x128xf32, #tpu.memory_space<vmem_shared>>) offsets(%arg13 : memref<80xi32, #tpu.memory_space<vmem>>) semaphore(%arg26 : memref<!tpu.dma_semaphore, #tpu.memory_space<semaphore_mem>>) {add = true}
    %add3A_66 = arith.constant 400 : i32
    %add3A_67 = arith.addi %mul3A_2, %add3A_66 : i32
    "tpu.region"() ({
      %run_scoped3A = tpu.sem_alloc : memref<!tpu.dma_semaphore, #tpu.memory_space<semaphore_mem>>
      %dma_start3A_97 = tpu.memref_slice %arg3[%add3A_67] : memref<320000xi32, #tpu.memory_space<hbm>> -> memref<80xi32, #tpu.memory_space<hbm>>
      %dma_start3A_98 = tpu.memref_slice %arg3[%add3A_67] : memref<320000xi32, #tpu.memory_space<hbm>> -> memref<80xi32, #tpu.memory_space<hbm>>
      tpu.enqueue_dma source(%dma_start3A_98 : memref<80xi32, #tpu.memory_space<hbm>>) target(%arg7 : memref<80xi32, #tpu.memory_space<vmem>>) target_semaphore(%run_scoped3A : memref<!tpu.dma_semaphore, #tpu.memory_space<semaphore_mem>>)
      %dma_wait3A_99 = tpu.memref_slice %arg3[%add3A_67] : memref<320000xi32, #tpu.memory_space<hbm>> -> memref<80xi32, #tpu.memory_space<hbm>>
      %dma_wait3A_100 = tpu.memref_slice %arg3[%add3A_67] : memref<320000xi32, #tpu.memory_space<hbm>> -> memref<80xi32, #tpu.memory_space<hbm>>
      tpu.wait_dma2 semaphore(%run_scoped3A : memref<!tpu.dma_semaphore, #tpu.memory_space<semaphore_mem>>) src(%dma_wait3A_100 : memref<80xi32, #tpu.memory_space<hbm>>) dst(%arg7 : memref<80xi32, #tpu.memory_space<vmem>>)
      tpu.yield
    }) : () -> ()
    "tpu.region"() ({
      %run_scoped3A = tpu.sem_alloc : memref<!tpu.dma_semaphore, #tpu.memory_space<semaphore_mem>>
      %dma_start3A_97 = tpu.memref_slice %arg4[%add3A_67] : memref<320000xi32, #tpu.memory_space<hbm>> -> memref<80xi32, #tpu.memory_space<hbm>>
      %dma_start3A_98 = tpu.memref_slice %arg4[%add3A_67] : memref<320000xi32, #tpu.memory_space<hbm>> -> memref<80xi32, #tpu.memory_space<hbm>>
      tpu.enqueue_dma source(%dma_start3A_98 : memref<80xi32, #tpu.memory_space<hbm>>) target(%arg11 : memref<80xi32, #tpu.memory_space<vmem>>) target_semaphore(%run_scoped3A : memref<!tpu.dma_semaphore, #tpu.memory_space<semaphore_mem>>)
      %dma_wait3A_99 = tpu.memref_slice %arg4[%add3A_67] : memref<320000xi32, #tpu.memory_space<hbm>> -> memref<80xi32, #tpu.memory_space<hbm>>
      %dma_wait3A_100 = tpu.memref_slice %arg4[%add3A_67] : memref<320000xi32, #tpu.memory_space<hbm>> -> memref<80xi32, #tpu.memory_space<hbm>>
      tpu.wait_dma2 semaphore(%run_scoped3A : memref<!tpu.dma_semaphore, #tpu.memory_space<semaphore_mem>>) src(%dma_wait3A_100 : memref<80xi32, #tpu.memory_space<hbm>>) dst(%arg11 : memref<80xi32, #tpu.memory_space<vmem>>)
      tpu.yield
    }) : () -> ()
    %dma_start3A_68 = arith.constant 0 : i32
    %dma_start3A_69 = arith.constant 0 : i32
    %dma_start3A_70 = tpu.memref_slice %arg2[%dma_start3A_68, %dma_start3A_69] : memref<10000x128xf32, #tpu.memory_space<hbm>> -> memref<10000x128xf32, #tpu.memory_space<hbm>>
    tpu.enqueue_indirect_dma source(%dma_start3A_70 : memref<10000x128xf32, #tpu.memory_space<hbm>>) target(%arg15 : memref<80x128xf32, #tpu.memory_space<vmem>>) offsets(%arg7 : memref<80xi32, #tpu.memory_space<vmem>>) semaphore(%arg20 : memref<!tpu.dma_semaphore, #tpu.memory_space<semaphore_mem>>)
    %scan3A_71 = arith.constant 0 : i32
    %scan3A_72 = arith.constant 30 : i32
    %scan3A_73 = arith.addi %scan3A_71, %scan3A_72 : i32
    %scan3A_74 = arith.constant 1 : i32
    scf.for %scan3A_97 = %scan3A_71 to %scan3A_73 step %scan3A_74  : i32 {
      %mul3A_98 = arith.constant 4 : i32
      %mul3A_99 = arith.muli %scan3A_97, %mul3A_98 : i32
      %add3A_100 = arith.constant 4 : i32
      %add3A_101 = arith.addi %add3A_100, %mul3A_99 : i32
      %dma_wait3A_102 = arith.constant 0 : i32
      %dma_wait3A_103 = arith.constant 0 : i32
      %dma_wait3A_104 = tpu.memref_slice %arg2[%dma_wait3A_102, %dma_wait3A_103] : memref<10000x128xf32, #tpu.memory_space<hbm>> -> memref<10000x128xf32, #tpu.memory_space<hbm>>
      tpu.wait_indirect_dma semaphore(%arg19 : memref<!tpu.dma_semaphore, #tpu.memory_space<semaphore_mem>>) src(%dma_wait3A_104 : memref<10000x128xf32, #tpu.memory_space<hbm>>) dst(%arg14 : memref<80x128xf32, #tpu.memory_space<vmem>>)
      %dma_wait3A_105 = arith.constant 0 : i32
      %dma_wait3A_106 = arith.constant 0 : i32
      %dma_wait3A_107 = tpu.memref_slice %arg18[%dma_wait3A_105, %dma_wait3A_106] : memref<10240x128xf32, #tpu.memory_space<vmem_shared>> -> memref<10240x128xf32, #tpu.memory_space<vmem_shared>>
      tpu.wait_indirect_dma semaphore(%arg25 : memref<!tpu.dma_semaphore, #tpu.memory_space<semaphore_mem>>) src(%arg16 : memref<80x128xf32, #tpu.memory_space<vmem>>) dst(%dma_wait3A_107 : memref<10240x128xf32, #tpu.memory_space<vmem_shared>>)
      %dma_start3A_108 = arith.constant 0 : i32
      %dma_start3A_109 = arith.constant 0 : i32
      %dma_start3A_110 = tpu.memref_slice %arg18[%dma_start3A_108, %dma_start3A_109] : memref<10240x128xf32, #tpu.memory_space<vmem_shared>> -> memref<10240x128xf32, #tpu.memory_space<vmem_shared>>
      tpu.enqueue_indirect_dma source(%arg14 : memref<80x128xf32, #tpu.memory_space<vmem>>) target(%dma_start3A_110 : memref<10240x128xf32, #tpu.memory_space<vmem_shared>>) offsets(%arg10 : memref<80xi32, #tpu.memory_space<vmem>>) semaphore(%arg23 : memref<!tpu.dma_semaphore, #tpu.memory_space<semaphore_mem>>) {add = true}
      %add3A_111 = arith.constant 0 : i32
      %add3A_112 = arith.addi %add3A_101, %add3A_111 : i32
      %add3A_113 = arith.constant 2 : i32
      %add3A_114 = arith.addi %add3A_112, %add3A_113 : i32
      %lt3A = arith.constant 125 : i32
      %lt3A_115 = arith.cmpi slt, %add3A_114, %lt3A : i32
      %convert_element_type3A = arith.extui %lt3A_115 : i1 to i32
      %cond3A = arith.constant 0 : i32
      %cond3A_116 = arith.cmpi ne, %convert_element_type3A, %cond3A : i32
      scf.if %cond3A_116 {
        %add3A_171 = arith.constant 0 : i32
        %add3A_172 = arith.addi %add3A_101, %add3A_171 : i32
        %add3A_173 = arith.constant 2 : i32
        %add3A_174 = arith.addi %add3A_172, %add3A_173 : i32
        %mul3A_175 = arith.constant 80 : i32
        %mul3A_176 = arith.muli %add3A_174, %mul3A_175 : i32
        %add3A_177 = arith.addi %mul3A_2, %mul3A_176 : i32
        "tpu.region"() ({
          %run_scoped3A = tpu.sem_alloc : memref<!tpu.dma_semaphore, #tpu.memory_space<semaphore_mem>>
          %dma_start3A_181 = tpu.memref_slice %arg3[%add3A_177] : memref<320000xi32, #tpu.memory_space<hbm>> -> memref<80xi32, #tpu.memory_space<hbm>>
          %dma_start3A_182 = tpu.memref_slice %arg3[%add3A_177] : memref<320000xi32, #tpu.memory_space<hbm>> -> memref<80xi32, #tpu.memory_space<hbm>>
          tpu.enqueue_dma source(%dma_start3A_182 : memref<80xi32, #tpu.memory_space<hbm>>) target(%arg8 : memref<80xi32, #tpu.memory_space<vmem>>) target_semaphore(%run_scoped3A : memref<!tpu.dma_semaphore, #tpu.memory_space<semaphore_mem>>)
          %dma_wait3A_183 = tpu.memref_slice %arg3[%add3A_177] : memref<320000xi32, #tpu.memory_space<hbm>> -> memref<80xi32, #tpu.memory_space<hbm>>
          %dma_wait3A_184 = tpu.memref_slice %arg3[%add3A_177] : memref<320000xi32, #tpu.memory_space<hbm>> -> memref<80xi32, #tpu.memory_space<hbm>>
          tpu.wait_dma2 semaphore(%run_scoped3A : memref<!tpu.dma_semaphore, #tpu.memory_space<semaphore_mem>>) src(%dma_wait3A_184 : memref<80xi32, #tpu.memory_space<hbm>>) dst(%arg8 : memref<80xi32, #tpu.memory_space<vmem>>)
          tpu.yield
        }) : () -> ()
        "tpu.region"() ({
          %run_scoped3A = tpu.sem_alloc : memref<!tpu.dma_semaphore, #tpu.memory_space<semaphore_mem>>
          %dma_start3A_181 = tpu.memref_slice %arg4[%add3A_177] : memref<320000xi32, #tpu.memory_space<hbm>> -> memref<80xi32, #tpu.memory_space<hbm>>
          %dma_start3A_182 = tpu.memref_slice %arg4[%add3A_177] : memref<320000xi32, #tpu.memory_space<hbm>> -> memref<80xi32, #tpu.memory_space<hbm>>
          tpu.enqueue_dma source(%dma_start3A_182 : memref<80xi32, #tpu.memory_space<hbm>>) target(%arg12 : memref<80xi32, #tpu.memory_space<vmem>>) target_semaphore(%run_scoped3A : memref<!tpu.dma_semaphore, #tpu.memory_space<semaphore_mem>>)
          %dma_wait3A_183 = tpu.memref_slice %arg4[%add3A_177] : memref<320000xi32, #tpu.memory_space<hbm>> -> memref<80xi32, #tpu.memory_space<hbm>>
          %dma_wait3A_184 = tpu.memref_slice %arg4[%add3A_177] : memref<320000xi32, #tpu.memory_space<hbm>> -> memref<80xi32, #tpu.memory_space<hbm>>
          tpu.wait_dma2 semaphore(%run_scoped3A : memref<!tpu.dma_semaphore, #tpu.memory_space<semaphore_mem>>) src(%dma_wait3A_184 : memref<80xi32, #tpu.memory_space<hbm>>) dst(%arg12 : memref<80xi32, #tpu.memory_space<vmem>>)
          tpu.yield
        }) : () -> ()
        %dma_start3A_178 = arith.constant 0 : i32
        %dma_start3A_179 = arith.constant 0 : i32
        %dma_start3A_180 = tpu.memref_slice %arg2[%dma_start3A_178, %dma_start3A_179] : memref<10000x128xf32, #tpu.memory_space<hbm>> -> memref<10000x128xf32, #tpu.memory_space<hbm>>
        tpu.enqueue_indirect_dma source(%dma_start3A_180 : memref<10000x128xf32, #tpu.memory_space<hbm>>) target(%arg16 : memref<80x128xf32, #tpu.memory_space<vmem>>) offsets(%arg8 : memref<80xi32, #tpu.memory_space<vmem>>) semaphore(%arg21 : memref<!tpu.dma_semaphore, #tpu.memory_space<semaphore_mem>>)
      } else {
      }
      %dma_wait3A_117 = arith.constant 0 : i32
      %dma_wait3A_118 = arith.constant 0 : i32
      %dma_wait3A_119 = tpu.memref_slice %arg2[%dma_wait3A_117, %dma_wait3A_118] : memref<10000x128xf32, #tpu.memory_space<hbm>> -> memref<10000x128xf32, #tpu.memory_space<hbm>>
      tpu.wait_indirect_dma semaphore(%arg20 : memref<!tpu.dma_semaphore, #tpu.memory_space<semaphore_mem>>) src(%dma_wait3A_119 : memref<10000x128xf32, #tpu.memory_space<hbm>>) dst(%arg15 : memref<80x128xf32, #tpu.memory_space<vmem>>)
      %dma_wait3A_120 = arith.constant 0 : i32
      %dma_wait3A_121 = arith.constant 0 : i32
      %dma_wait3A_122 = tpu.memref_slice %arg18[%dma_wait3A_120, %dma_wait3A_121] : memref<10240x128xf32, #tpu.memory_space<vmem_shared>> -> memref<10240x128xf32, #tpu.memory_space<vmem_shared>>
      tpu.wait_indirect_dma semaphore(%arg26 : memref<!tpu.dma_semaphore, #tpu.memory_space<semaphore_mem>>) src(%arg17 : memref<80x128xf32, #tpu.memory_space<vmem>>) dst(%dma_wait3A_122 : memref<10240x128xf32, #tpu.memory_space<vmem_shared>>)
      %dma_start3A_123 = arith.constant 0 : i32
      %dma_start3A_124 = arith.constant 0 : i32
      %dma_start3A_125 = tpu.memref_slice %arg18[%dma_start3A_123, %dma_start3A_124] : memref<10240x128xf32, #tpu.memory_space<vmem_shared>> -> memref<10240x128xf32, #tpu.memory_space<vmem_shared>>
      tpu.enqueue_indirect_dma source(%arg15 : memref<80x128xf32, #tpu.memory_space<vmem>>) target(%dma_start3A_125 : memref<10240x128xf32, #tpu.memory_space<vmem_shared>>) offsets(%arg11 : memref<80xi32, #tpu.memory_space<vmem>>) semaphore(%arg24 : memref<!tpu.dma_semaphore, #tpu.memory_space<semaphore_mem>>) {add = true}
      %add3A_126 = arith.constant 1 : i32
      %add3A_127 = arith.addi %add3A_101, %add3A_126 : i32
      %add3A_128 = arith.constant 2 : i32
      %add3A_129 = arith.addi %add3A_127, %add3A_128 : i32
      %lt3A_130 = arith.constant 125 : i32
      %lt3A_131 = arith.cmpi slt, %add3A_129, %lt3A_130 : i32
      %convert_element_type3A_132 = arith.extui %lt3A_131 : i1 to i32
      %cond3A_133 = arith.constant 0 : i32
      %cond3A_134 = arith.cmpi ne, %convert_element_type3A_132, %cond3A_133 : i32
      scf.if %cond3A_134 {
        %add3A_171 = arith.constant 1 : i32
        %add3A_172 = arith.addi %add3A_101, %add3A_171 : i32
        %add3A_173 = arith.constant 2 : i32
        %add3A_174 = arith.addi %add3A_172, %add3A_173 : i32
        %mul3A_175 = arith.constant 80 : i32
        %mul3A_176 = arith.muli %add3A_174, %mul3A_175 : i32
        %add3A_177 = arith.addi %mul3A_2, %mul3A_176 : i32
        "tpu.region"() ({
          %run_scoped3A = tpu.sem_alloc : memref<!tpu.dma_semaphore, #tpu.memory_space<semaphore_mem>>
          %dma_start3A_181 = tpu.memref_slice %arg3[%add3A_177] : memref<320000xi32, #tpu.memory_space<hbm>> -> memref<80xi32, #tpu.memory_space<hbm>>
          %dma_start3A_182 = tpu.memref_slice %arg3[%add3A_177] : memref<320000xi32, #tpu.memory_space<hbm>> -> memref<80xi32, #tpu.memory_space<hbm>>
          tpu.enqueue_dma source(%dma_start3A_182 : memref<80xi32, #tpu.memory_space<hbm>>) target(%arg9 : memref<80xi32, #tpu.memory_space<vmem>>) target_semaphore(%run_scoped3A : memref<!tpu.dma_semaphore, #tpu.memory_space<semaphore_mem>>)
          %dma_wait3A_183 = tpu.memref_slice %arg3[%add3A_177] : memref<320000xi32, #tpu.memory_space<hbm>> -> memref<80xi32, #tpu.memory_space<hbm>>
          %dma_wait3A_184 = tpu.memref_slice %arg3[%add3A_177] : memref<320000xi32, #tpu.memory_space<hbm>> -> memref<80xi32, #tpu.memory_space<hbm>>
          tpu.wait_dma2 semaphore(%run_scoped3A : memref<!tpu.dma_semaphore, #tpu.memory_space<semaphore_mem>>) src(%dma_wait3A_184 : memref<80xi32, #tpu.memory_space<hbm>>) dst(%arg9 : memref<80xi32, #tpu.memory_space<vmem>>)
          tpu.yield
        }) : () -> ()
        "tpu.region"() ({
          %run_scoped3A = tpu.sem_alloc : memref<!tpu.dma_semaphore, #tpu.memory_space<semaphore_mem>>
          %dma_start3A_181 = tpu.memref_slice %arg4[%add3A_177] : memref<320000xi32, #tpu.memory_space<hbm>> -> memref<80xi32, #tpu.memory_space<hbm>>
          %dma_start3A_182 = tpu.memref_slice %arg4[%add3A_177] : memref<320000xi32, #tpu.memory_space<hbm>> -> memref<80xi32, #tpu.memory_space<hbm>>
          tpu.enqueue_dma source(%dma_start3A_182 : memref<80xi32, #tpu.memory_space<hbm>>) target(%arg13 : memref<80xi32, #tpu.memory_space<vmem>>) target_semaphore(%run_scoped3A : memref<!tpu.dma_semaphore, #tpu.memory_space<semaphore_mem>>)
          %dma_wait3A_183 = tpu.memref_slice %arg4[%add3A_177] : memref<320000xi32, #tpu.memory_space<hbm>> -> memref<80xi32, #tpu.memory_space<hbm>>
          %dma_wait3A_184 = tpu.memref_slice %arg4[%add3A_177] : memref<320000xi32, #tpu.memory_space<hbm>> -> memref<80xi32, #tpu.memory_space<hbm>>
          tpu.wait_dma2 semaphore(%run_scoped3A : memref<!tpu.dma_semaphore, #tpu.memory_space<semaphore_mem>>) src(%dma_wait3A_184 : memref<80xi32, #tpu.memory_space<hbm>>) dst(%arg13 : memref<80xi32, #tpu.memory_space<vmem>>)
          tpu.yield
        }) : () -> ()
        %dma_start3A_178 = arith.constant 0 : i32
        %dma_start3A_179 = arith.constant 0 : i32
        %dma_start3A_180 = tpu.memref_slice %arg2[%dma_start3A_178, %dma_start3A_179] : memref<10000x128xf32, #tpu.memory_space<hbm>> -> memref<10000x128xf32, #tpu.memory_space<hbm>>
        tpu.enqueue_indirect_dma source(%dma_start3A_180 : memref<10000x128xf32, #tpu.memory_space<hbm>>) target(%arg17 : memref<80x128xf32, #tpu.memory_space<vmem>>) offsets(%arg9 : memref<80xi32, #tpu.memory_space<vmem>>) semaphore(%arg22 : memref<!tpu.dma_semaphore, #tpu.memory_space<semaphore_mem>>)
      } else {
      }
      %dma_wait3A_135 = arith.constant 0 : i32
      %dma_wait3A_136 = arith.constant 0 : i32
      %dma_wait3A_137 = tpu.memref_slice %arg2[%dma_wait3A_135, %dma_wait3A_136] : memref<10000x128xf32, #tpu.memory_space<hbm>> -> memref<10000x128xf32, #tpu.memory_space<hbm>>
      tpu.wait_indirect_dma semaphore(%arg21 : memref<!tpu.dma_semaphore, #tpu.memory_space<semaphore_mem>>) src(%dma_wait3A_137 : memref<10000x128xf32, #tpu.memory_space<hbm>>) dst(%arg16 : memref<80x128xf32, #tpu.memory_space<vmem>>)
      %dma_wait3A_138 = arith.constant 0 : i32
      %dma_wait3A_139 = arith.constant 0 : i32
      %dma_wait3A_140 = tpu.memref_slice %arg18[%dma_wait3A_138, %dma_wait3A_139] : memref<10240x128xf32, #tpu.memory_space<vmem_shared>> -> memref<10240x128xf32, #tpu.memory_space<vmem_shared>>
      tpu.wait_indirect_dma semaphore(%arg23 : memref<!tpu.dma_semaphore, #tpu.memory_space<semaphore_mem>>) src(%arg14 : memref<80x128xf32, #tpu.memory_space<vmem>>) dst(%dma_wait3A_140 : memref<10240x128xf32, #tpu.memory_space<vmem_shared>>)
      %dma_start3A_141 = arith.constant 0 : i32
      %dma_start3A_142 = arith.constant 0 : i32
      %dma_start3A_143 = tpu.memref_slice %arg18[%dma_start3A_141, %dma_start3A_142] : memref<10240x128xf32, #tpu.memory_space<vmem_shared>> -> memref<10240x128xf32, #tpu.memory_space<vmem_shared>>
      tpu.enqueue_indirect_dma source(%arg16 : memref<80x128xf32, #tpu.memory_space<vmem>>) target(%dma_start3A_143 : memref<10240x128xf32, #tpu.memory_space<vmem_shared>>) offsets(%arg12 : memref<80xi32, #tpu.memory_space<vmem>>) semaphore(%arg25 : memref<!tpu.dma_semaphore, #tpu.memory_space<semaphore_mem>>) {add = true}
      %add3A_144 = arith.constant 2 : i32
      %add3A_145 = arith.addi %add3A_101, %add3A_144 : i32
      %add3A_146 = arith.constant 2 : i32
      %add3A_147 = arith.addi %add3A_145, %add3A_146 : i32
      %lt3A_148 = arith.constant 125 : i32
      %lt3A_149 = arith.cmpi slt, %add3A_147, %lt3A_148 : i32
      %convert_element_type3A_150 = arith.extui %lt3A_149 : i1 to i32
      %cond3A_151 = arith.constant 0 : i32
      %cond3A_152 = arith.cmpi ne, %convert_element_type3A_150, %cond3A_151 : i32
      scf.if %cond3A_152 {
        %add3A_171 = arith.constant 2 : i32
        %add3A_172 = arith.addi %add3A_101, %add3A_171 : i32
        %add3A_173 = arith.constant 2 : i32
        %add3A_174 = arith.addi %add3A_172, %add3A_173 : i32
        %mul3A_175 = arith.constant 80 : i32
        %mul3A_176 = arith.muli %add3A_174, %mul3A_175 : i32
        %add3A_177 = arith.addi %mul3A_2, %mul3A_176 : i32
        "tpu.region"() ({
          %run_scoped3A = tpu.sem_alloc : memref<!tpu.dma_semaphore, #tpu.memory_space<semaphore_mem>>
          %dma_start3A_181 = tpu.memref_slice %arg3[%add3A_177] : memref<320000xi32, #tpu.memory_space<hbm>> -> memref<80xi32, #tpu.memory_space<hbm>>
          %dma_start3A_182 = tpu.memref_slice %arg3[%add3A_177] : memref<320000xi32, #tpu.memory_space<hbm>> -> memref<80xi32, #tpu.memory_space<hbm>>
          tpu.enqueue_dma source(%dma_start3A_182 : memref<80xi32, #tpu.memory_space<hbm>>) target(%arg6 : memref<80xi32, #tpu.memory_space<vmem>>) target_semaphore(%run_scoped3A : memref<!tpu.dma_semaphore, #tpu.memory_space<semaphore_mem>>)
          %dma_wait3A_183 = tpu.memref_slice %arg3[%add3A_177] : memref<320000xi32, #tpu.memory_space<hbm>> -> memref<80xi32, #tpu.memory_space<hbm>>
          %dma_wait3A_184 = tpu.memref_slice %arg3[%add3A_177] : memref<320000xi32, #tpu.memory_space<hbm>> -> memref<80xi32, #tpu.memory_space<hbm>>
          tpu.wait_dma2 semaphore(%run_scoped3A : memref<!tpu.dma_semaphore, #tpu.memory_space<semaphore_mem>>) src(%dma_wait3A_184 : memref<80xi32, #tpu.memory_space<hbm>>) dst(%arg6 : memref<80xi32, #tpu.memory_space<vmem>>)
          tpu.yield
        }) : () -> ()
        "tpu.region"() ({
          %run_scoped3A = tpu.sem_alloc : memref<!tpu.dma_semaphore, #tpu.memory_space<semaphore_mem>>
          %dma_start3A_181 = tpu.memref_slice %arg4[%add3A_177] : memref<320000xi32, #tpu.memory_space<hbm>> -> memref<80xi32, #tpu.memory_space<hbm>>
          %dma_start3A_182 = tpu.memref_slice %arg4[%add3A_177] : memref<320000xi32, #tpu.memory_space<hbm>> -> memref<80xi32, #tpu.memory_space<hbm>>
          tpu.enqueue_dma source(%dma_start3A_182 : memref<80xi32, #tpu.memory_space<hbm>>) target(%arg10 : memref<80xi32, #tpu.memory_space<vmem>>) target_semaphore(%run_scoped3A : memref<!tpu.dma_semaphore, #tpu.memory_space<semaphore_mem>>)
          %dma_wait3A_183 = tpu.memref_slice %arg4[%add3A_177] : memref<320000xi32, #tpu.memory_space<hbm>> -> memref<80xi32, #tpu.memory_space<hbm>>
          %dma_wait3A_184 = tpu.memref_slice %arg4[%add3A_177] : memref<320000xi32, #tpu.memory_space<hbm>> -> memref<80xi32, #tpu.memory_space<hbm>>
          tpu.wait_dma2 semaphore(%run_scoped3A : memref<!tpu.dma_semaphore, #tpu.memory_space<semaphore_mem>>) src(%dma_wait3A_184 : memref<80xi32, #tpu.memory_space<hbm>>) dst(%arg10 : memref<80xi32, #tpu.memory_space<vmem>>)
          tpu.yield
        }) : () -> ()
        %dma_start3A_178 = arith.constant 0 : i32
        %dma_start3A_179 = arith.constant 0 : i32
        %dma_start3A_180 = tpu.memref_slice %arg2[%dma_start3A_178, %dma_start3A_179] : memref<10000x128xf32, #tpu.memory_space<hbm>> -> memref<10000x128xf32, #tpu.memory_space<hbm>>
        tpu.enqueue_indirect_dma source(%dma_start3A_180 : memref<10000x128xf32, #tpu.memory_space<hbm>>) target(%arg14 : memref<80x128xf32, #tpu.memory_space<vmem>>) offsets(%arg6 : memref<80xi32, #tpu.memory_space<vmem>>) semaphore(%arg19 : memref<!tpu.dma_semaphore, #tpu.memory_space<semaphore_mem>>)
      } else {
      }
      %dma_wait3A_153 = arith.constant 0 : i32
      %dma_wait3A_154 = arith.constant 0 : i32
      %dma_wait3A_155 = tpu.memref_slice %arg2[%dma_wait3A_153, %dma_wait3A_154] : memref<10000x128xf32, #tpu.memory_space<hbm>> -> memref<10000x128xf32, #tpu.memory_space<hbm>>
      tpu.wait_indirect_dma semaphore(%arg22 : memref<!tpu.dma_semaphore, #tpu.memory_space<semaphore_mem>>) src(%dma_wait3A_155 : memref<10000x128xf32, #tpu.memory_space<hbm>>) dst(%arg17 : memref<80x128xf32, #tpu.memory_space<vmem>>)
      %dma_wait3A_156 = arith.constant 0 : i32
      %dma_wait3A_157 = arith.constant 0 : i32
      %dma_wait3A_158 = tpu.memref_slice %arg18[%dma_wait3A_156, %dma_wait3A_157] : memref<10240x128xf32, #tpu.memory_space<vmem_shared>> -> memref<10240x128xf32, #tpu.memory_space<vmem_shared>>
      tpu.wait_indirect_dma semaphore(%arg24 : memref<!tpu.dma_semaphore, #tpu.memory_space<semaphore_mem>>) src(%arg15 : memref<80x128xf32, #tpu.memory_space<vmem>>) dst(%dma_wait3A_158 : memref<10240x128xf32, #tpu.memory_space<vmem_shared>>)
      %dma_start3A_159 = arith.constant 0 : i32
      %dma_start3A_160 = arith.constant 0 : i32
      %dma_start3A_161 = tpu.memref_slice %arg18[%dma_start3A_159, %dma_start3A_160] : memref<10240x128xf32, #tpu.memory_space<vmem_shared>> -> memref<10240x128xf32, #tpu.memory_space<vmem_shared>>
      tpu.enqueue_indirect_dma source(%arg17 : memref<80x128xf32, #tpu.memory_space<vmem>>) target(%dma_start3A_161 : memref<10240x128xf32, #tpu.memory_space<vmem_shared>>) offsets(%arg13 : memref<80xi32, #tpu.memory_space<vmem>>) semaphore(%arg26 : memref<!tpu.dma_semaphore, #tpu.memory_space<semaphore_mem>>) {add = true}
      %add3A_162 = arith.constant 3 : i32
      %add3A_163 = arith.addi %add3A_101, %add3A_162 : i32
      %add3A_164 = arith.constant 2 : i32
      %add3A_165 = arith.addi %add3A_163, %add3A_164 : i32
      %lt3A_166 = arith.constant 125 : i32
      %lt3A_167 = arith.cmpi slt, %add3A_165, %lt3A_166 : i32
      %convert_element_type3A_168 = arith.extui %lt3A_167 : i1 to i32
      %cond3A_169 = arith.constant 0 : i32
      %cond3A_170 = arith.cmpi ne, %convert_element_type3A_168, %cond3A_169 : i32
      scf.if %cond3A_170 {
        %add3A_171 = arith.constant 3 : i32
        %add3A_172 = arith.addi %add3A_101, %add3A_171 : i32
        %add3A_173 = arith.constant 2 : i32
        %add3A_174 = arith.addi %add3A_172, %add3A_173 : i32
        %mul3A_175 = arith.constant 80 : i32
        %mul3A_176 = arith.muli %add3A_174, %mul3A_175 : i32
        %add3A_177 = arith.addi %mul3A_2, %mul3A_176 : i32
        "tpu.region"() ({
          %run_scoped3A = tpu.sem_alloc : memref<!tpu.dma_semaphore, #tpu.memory_space<semaphore_mem>>
          %dma_start3A_181 = tpu.memref_slice %arg3[%add3A_177] : memref<320000xi32, #tpu.memory_space<hbm>> -> memref<80xi32, #tpu.memory_space<hbm>>
          %dma_start3A_182 = tpu.memref_slice %arg3[%add3A_177] : memref<320000xi32, #tpu.memory_space<hbm>> -> memref<80xi32, #tpu.memory_space<hbm>>
          tpu.enqueue_dma source(%dma_start3A_182 : memref<80xi32, #tpu.memory_space<hbm>>) target(%arg7 : memref<80xi32, #tpu.memory_space<vmem>>) target_semaphore(%run_scoped3A : memref<!tpu.dma_semaphore, #tpu.memory_space<semaphore_mem>>)
          %dma_wait3A_183 = tpu.memref_slice %arg3[%add3A_177] : memref<320000xi32, #tpu.memory_space<hbm>> -> memref<80xi32, #tpu.memory_space<hbm>>
          %dma_wait3A_184 = tpu.memref_slice %arg3[%add3A_177] : memref<320000xi32, #tpu.memory_space<hbm>> -> memref<80xi32, #tpu.memory_space<hbm>>
          tpu.wait_dma2 semaphore(%run_scoped3A : memref<!tpu.dma_semaphore, #tpu.memory_space<semaphore_mem>>) src(%dma_wait3A_184 : memref<80xi32, #tpu.memory_space<hbm>>) dst(%arg7 : memref<80xi32, #tpu.memory_space<vmem>>)
          tpu.yield
        }) : () -> ()
        "tpu.region"() ({
          %run_scoped3A = tpu.sem_alloc : memref<!tpu.dma_semaphore, #tpu.memory_space<semaphore_mem>>
          %dma_start3A_181 = tpu.memref_slice %arg4[%add3A_177] : memref<320000xi32, #tpu.memory_space<hbm>> -> memref<80xi32, #tpu.memory_space<hbm>>
          %dma_start3A_182 = tpu.memref_slice %arg4[%add3A_177] : memref<320000xi32, #tpu.memory_space<hbm>> -> memref<80xi32, #tpu.memory_space<hbm>>
          tpu.enqueue_dma source(%dma_start3A_182 : memref<80xi32, #tpu.memory_space<hbm>>) target(%arg11 : memref<80xi32, #tpu.memory_space<vmem>>) target_semaphore(%run_scoped3A : memref<!tpu.dma_semaphore, #tpu.memory_space<semaphore_mem>>)
          %dma_wait3A_183 = tpu.memref_slice %arg4[%add3A_177] : memref<320000xi32, #tpu.memory_space<hbm>> -> memref<80xi32, #tpu.memory_space<hbm>>
          %dma_wait3A_184 = tpu.memref_slice %arg4[%add3A_177] : memref<320000xi32, #tpu.memory_space<hbm>> -> memref<80xi32, #tpu.memory_space<hbm>>
          tpu.wait_dma2 semaphore(%run_scoped3A : memref<!tpu.dma_semaphore, #tpu.memory_space<semaphore_mem>>) src(%dma_wait3A_184 : memref<80xi32, #tpu.memory_space<hbm>>) dst(%arg11 : memref<80xi32, #tpu.memory_space<vmem>>)
          tpu.yield
        }) : () -> ()
        %dma_start3A_178 = arith.constant 0 : i32
        %dma_start3A_179 = arith.constant 0 : i32
        %dma_start3A_180 = tpu.memref_slice %arg2[%dma_start3A_178, %dma_start3A_179] : memref<10000x128xf32, #tpu.memory_space<hbm>> -> memref<10000x128xf32, #tpu.memory_space<hbm>>
        tpu.enqueue_indirect_dma source(%dma_start3A_180 : memref<10000x128xf32, #tpu.memory_space<hbm>>) target(%arg15 : memref<80x128xf32, #tpu.memory_space<vmem>>) offsets(%arg7 : memref<80xi32, #tpu.memory_space<vmem>>) semaphore(%arg20 : memref<!tpu.dma_semaphore, #tpu.memory_space<semaphore_mem>>)
      } else {
      }
    }
    %scan3A_75 = arith.constant 30 : i32
    %dma_wait3A_76 = arith.constant 0 : i32
    %dma_wait3A_77 = arith.constant 0 : i32
    %dma_wait3A_78 = tpu.memref_slice %arg2[%dma_wait3A_76, %dma_wait3A_77] : memref<10000x128xf32, #tpu.memory_space<hbm>> -> memref<10000x128xf32, #tpu.memory_space<hbm>>
    tpu.wait_indirect_dma semaphore(%arg19 : memref<!tpu.dma_semaphore, #tpu.memory_space<semaphore_mem>>) src(%dma_wait3A_78 : memref<10000x128xf32, #tpu.memory_space<hbm>>) dst(%arg14 : memref<80x128xf32, #tpu.memory_space<vmem>>)
    %dma_wait3A_79 = arith.constant 0 : i32
    %dma_wait3A_80 = arith.constant 0 : i32
    %dma_wait3A_81 = tpu.memref_slice %arg18[%dma_wait3A_79, %dma_wait3A_80] : memref<10240x128xf32, #tpu.memory_space<vmem_shared>> -> memref<10240x128xf32, #tpu.memory_space<vmem_shared>>
    tpu.wait_indirect_dma semaphore(%arg25 : memref<!tpu.dma_semaphore, #tpu.memory_space<semaphore_mem>>) src(%arg16 : memref<80x128xf32, #tpu.memory_space<vmem>>) dst(%dma_wait3A_81 : memref<10240x128xf32, #tpu.memory_space<vmem_shared>>)
    %dma_start3A_82 = arith.constant 0 : i32
    %dma_start3A_83 = arith.constant 0 : i32
    %dma_start3A_84 = tpu.memref_slice %arg18[%dma_start3A_82, %dma_start3A_83] : memref<10240x128xf32, #tpu.memory_space<vmem_shared>> -> memref<10240x128xf32, #tpu.memory_space<vmem_shared>>
    tpu.enqueue_indirect_dma source(%arg14 : memref<80x128xf32, #tpu.memory_space<vmem>>) target(%dma_start3A_84 : memref<10240x128xf32, #tpu.memory_space<vmem_shared>>) offsets(%arg10 : memref<80xi32, #tpu.memory_space<vmem>>) semaphore(%arg23 : memref<!tpu.dma_semaphore, #tpu.memory_space<semaphore_mem>>) {add = true}
    %dma_wait3A_85 = arith.constant 0 : i32
    %dma_wait3A_86 = arith.constant 0 : i32
    %dma_wait3A_87 = tpu.memref_slice %arg18[%dma_wait3A_85, %dma_wait3A_86] : memref<10240x128xf32, #tpu.memory_space<vmem_shared>> -> memref<10240x128xf32, #tpu.memory_space<vmem_shared>>
    tpu.wait_indirect_dma semaphore(%arg26 : memref<!tpu.dma_semaphore, #tpu.memory_space<semaphore_mem>>) src(%arg17 : memref<80x128xf32, #tpu.memory_space<vmem>>) dst(%dma_wait3A_87 : memref<10240x128xf32, #tpu.memory_space<vmem_shared>>)
    %dma_wait3A_88 = arith.constant 0 : i32
    %dma_wait3A_89 = arith.constant 0 : i32
    %dma_wait3A_90 = tpu.memref_slice %arg18[%dma_wait3A_88, %dma_wait3A_89] : memref<10240x128xf32, #tpu.memory_space<vmem_shared>> -> memref<10240x128xf32, #tpu.memory_space<vmem_shared>>
    tpu.wait_indirect_dma semaphore(%arg23 : memref<!tpu.dma_semaphore, #tpu.memory_space<semaphore_mem>>) src(%arg14 : memref<80x128xf32, #tpu.memory_space<vmem>>) dst(%dma_wait3A_90 : memref<10240x128xf32, #tpu.memory_space<vmem_shared>>)
    %barrier3A_91 = arith.constant 0 : index
    tpu.barrier barrier_id(%barrier3A_91)
    %mul3A_92 = arith.constant 640 : i32
    %mul3A_93 = arith.muli %arg1, %mul3A_92 : i32
    %mul3A_94 = arith.constant 10240 : i32
    %mul3A_95 = arith.muli %arg0, %mul3A_94 : i32
    %add3A_96 = arith.addi %mul3A_95, %mul3A_93 : i32
    "tpu.region"() ({
      %run_scoped3A = tpu.sem_alloc : memref<!tpu.dma_semaphore, #tpu.memory_space<semaphore_mem>>
      %dma_start3A_97 = arith.constant 0 : i32
      %dma_start3A_98 = tpu.memref_slice %arg5[%add3A_96, %dma_start3A_97] : memref<20480x128xf32, #tpu.memory_space<hbm>> -> memref<640x128xf32, #tpu.memory_space<hbm>>
      %dma_start3A_99 = arith.constant 0 : i32
      %dma_start3A_100 = tpu.memref_slice %arg18[%mul3A_93, %dma_start3A_99] : memref<10240x128xf32, #tpu.memory_space<vmem_shared>> -> memref<640x128xf32, #tpu.memory_space<vmem_shared>>
      tpu.enqueue_dma source(%dma_start3A_100 : memref<640x128xf32, #tpu.memory_space<vmem_shared>>) target(%dma_start3A_98 : memref<640x128xf32, #tpu.memory_space<hbm>>) target_semaphore(%run_scoped3A : memref<!tpu.dma_semaphore, #tpu.memory_space<semaphore_mem>>)
      %dma_wait3A_101 = arith.constant 0 : i32
      %dma_wait3A_102 = tpu.memref_slice %arg5[%add3A_96, %dma_wait3A_101] : memref<20480x128xf32, #tpu.memory_space<hbm>> -> memref<640x128xf32, #tpu.memory_space<hbm>>
      %dma_wait3A_103 = arith.constant 0 : i32
      %dma_wait3A_104 = tpu.memref_slice %arg18[%mul3A_93, %dma_wait3A_103] : memref<10240x128xf32, #tpu.memory_space<vmem_shared>> -> memref<640x128xf32, #tpu.memory_space<vmem_shared>>
      tpu.wait_dma2 semaphore(%run_scoped3A : memref<!tpu.dma_semaphore, #tpu.memory_space<semaphore_mem>>) src(%dma_wait3A_104 : memref<640x128xf32, #tpu.memory_space<vmem_shared>>) dst(%dma_wait3A_102 : memref<640x128xf32, #tpu.memory_space<hbm>>)
      tpu.yield
    }) : () -> ()
    return
  }
}

#map = affine_map<(d0, d1) -> (0, 0)>
#map1 = affine_map<(d0, d1) -> (0)>
module attributes {stable_mosaic.version = 14 : i64} {
  func.func @scatter_kernel(%arg0: i32, %arg1: i32, %arg2: memref<10000x128xf32, #tpu.memory_space<hbm>>, %arg3: memref<320000xi32, #tpu.memory_space<hbm>>, %arg4: memref<320000xi32, #tpu.memory_space<hbm>>, %arg5: memref<20480x128xf32, #tpu.memory_space<hbm>>, %arg6: memref<80xi32, #tpu.memory_space<vmem>>, %arg7: memref<80xi32, #tpu.memory_space<vmem>>, %arg8: memref<80xi32, #tpu.memory_space<vmem>>, %arg9: memref<80xi32, #tpu.memory_space<vmem>>, %arg10: memref<80xi32, #tpu.memory_space<vmem>>, %arg11: memref<80xi32, #tpu.memory_space<vmem>>, %arg12: memref<80xi32, #tpu.memory_space<vmem>>, %arg13: memref<80xi32, #tpu.memory_space<vmem>>, %arg14: memref<80x128xf32, #tpu.memory_space<vmem>>, %arg15: memref<80x128xf32, #tpu.memory_space<vmem>>, %arg16: memref<80x128xf32, #tpu.memory_space<vmem>>, %arg17: memref<80x128xf32, #tpu.memory_space<vmem>>, %arg18: memref<10240x128xf32, #tpu.memory_space<vmem_shared>>, %arg19: memref<!tpu.dma_semaphore, #tpu.memory_space<semaphore_mem>>, %arg20: memref<!tpu.dma_semaphore, #tpu.memory_space<semaphore_mem>>, %arg21: memref<!tpu.dma_semaphore, #tpu.memory_space<semaphore_mem>>, %arg22: memref<!tpu.dma_semaphore, #tpu.memory_space<semaphore_mem>>, %arg23: memref<!tpu.dma_semaphore, #tpu.memory_space<semaphore_mem>>, %arg24: memref<!tpu.dma_semaphore, #tpu.memory_space<semaphore_mem>>, %arg25: memref<!tpu.dma_semaphore, #tpu.memory_space<semaphore_mem>>, %arg26: memref<!tpu.dma_semaphore, #tpu.memory_space<semaphore_mem>>) attributes {dimension_semantics = [#tpu.dimension_semantics<core_parallel>, #tpu.dimension_semantics<subcore_parallel>], iteration_bounds = array<i64: 2, 16>, scalar_prefetch = 0 : i64, scratch_operands = 21 : i64, tpu.core_type = #tpu.core_type<sc_vector_subcore>, window_params = [{transform_indices = #map}, {transform_indices = #map1}, {transform_indices = #map1}, {transform_indices = #map}]} {
    %mul3A = arith.constant 16 : i32
    %mul3A_0 = arith.muli %arg0, %mul3A : i32
    %add3A = arith.addi %mul3A_0, %arg1 : i32
    %mul3A_1 = arith.constant 10000 : i32
    %mul3A_2 = arith.muli %add3A, %mul3A_1 : i32
    %broadcast_in_dim3A = arith.constant 0.000000e+00 : f32
    %broadcast_in_dim3A_3 = vector.broadcast %broadcast_in_dim3A : f32 to vector<16xf32>
    %scan3A = arith.constant 0 : i32
    %scan3A_4 = arith.constant 80 : i32
    %scan3A_5 = arith.addi %scan3A, %scan3A_4 : i32
    %scan3A_6 = arith.constant 1 : i32
    scf.for %scan3A_97 = %scan3A to %scan3A_5 step %scan3A_6  : i32 {
      %mul3A_98 = arith.constant 1 : i32
      %mul3A_99 = arith.muli %scan3A_97, %mul3A_98 : i32
      %add3A_100 = arith.constant 0 : i32
      %add3A_101 = arith.addi %add3A_100, %mul3A_99 : i32
      %swap3A = arith.index_cast %add3A_101 : i32 to index
      %swap3A_102 = arith.constant 0 : index
      %swap3A_103 = tpu.vector_load %arg14[%swap3A, %swap3A_102] {strides = array<i32>} : memref<80x128xf32, #tpu.memory_space<vmem>>, vector<1x16xf32>,
      %swap3A_104 = vector.shape_cast %swap3A_103 : vector<1x16xf32> to vector<16xf32>
      %swap3A_105 = vector.shape_cast %broadcast_in_dim3A_3 : vector<16xf32> to vector<1x16xf32>
      tpu.vector_store %arg14[%swap3A, %swap3A_102], %swap3A_105 {strides = array<i32>} : memref<80x128xf32, #tpu.memory_space<vmem>>, vector<1x16xf32>,
      %swap3A_106 = arith.index_cast %add3A_101 : i32 to index
      %swap3A_107 = arith.constant 16 : index
      %swap3A_108 = tpu.vector_load %arg14[%swap3A_106, %swap3A_107] {strides = array<i32>} : memref<80x128xf32, #tpu.memory_space<vmem>>, vector<1x16xf32>,
      %swap3A_109 = vector.shape_cast %swap3A_108 : vector<1x16xf32> to vector<16xf32>
      %swap3A_110 = vector.shape_cast %broadcast_in_dim3A_3 : vector<16xf32> to vector<1x16xf32>
      tpu.vector_store %arg14[%swap3A_106, %swap3A_107], %swap3A_110 {strides = array<i32>} : memref<80x128xf32, #tpu.memory_space<vmem>>, vector<1x16xf32>,
      %swap3A_111 = arith.index_cast %add3A_101 : i32 to index
      %swap3A_112 = arith.constant 32 : index
      %swap3A_113 = tpu.vector_load %arg14[%swap3A_111, %swap3A_112] {strides = array<i32>} : memref<80x128xf32, #tpu.memory_space<vmem>>, vector<1x16xf32>,
      %swap3A_114 = vector.shape_cast %swap3A_113 : vector<1x16xf32> to vector<16xf32>
      %swap3A_115 = vector.shape_cast %broadcast_in_dim3A_3 : vector<16xf32> to vector<1x16xf32>
      tpu.vector_store %arg14[%swap3A_111, %swap3A_112], %swap3A_115 {strides = array<i32>} : memref<80x128xf32, #tpu.memory_space<vmem>>, vector<1x16xf32>,
      %swap3A_116 = arith.index_cast %add3A_101 : i32 to index
      %swap3A_117 = arith.constant 48 : index
      %swap3A_118 = tpu.vector_load %arg14[%swap3A_116, %swap3A_117] {strides = array<i32>} : memref<80x128xf32, #tpu.memory_space<vmem>>, vector<1x16xf32>,
      %swap3A_119 = vector.shape_cast %swap3A_118 : vector<1x16xf32> to vector<16xf32>
      %swap3A_120 = vector.shape_cast %broadcast_in_dim3A_3 : vector<16xf32> to vector<1x16xf32>
      tpu.vector_store %arg14[%swap3A_116, %swap3A_117], %swap3A_120 {strides = array<i32>} : memref<80x128xf32, #tpu.memory_space<vmem>>, vector<1x16xf32>,
      %swap3A_121 = arith.index_cast %add3A_101 : i32 to index
      %swap3A_122 = arith.constant 64 : index
      %swap3A_123 = tpu.vector_load %arg14[%swap3A_121, %swap3A_122] {strides = array<i32>} : memref<80x128xf32, #tpu.memory_space<vmem>>, vector<1x16xf32>,
      %swap3A_124 = vector.shape_cast %swap3A_123 : vector<1x16xf32> to vector<16xf32>
      %swap3A_125 = vector.shape_cast %broadcast_in_dim3A_3 : vector<16xf32> to vector<1x16xf32>
      tpu.vector_store %arg14[%swap3A_121, %swap3A_122], %swap3A_125 {strides = array<i32>} : memref<80x128xf32, #tpu.memory_space<vmem>>, vector<1x16xf32>,
      %swap3A_126 = arith.index_cast %add3A_101 : i32 to index
      %swap3A_127 = arith.constant 80 : index
      %swap3A_128 = tpu.vector_load %arg14[%swap3A_126, %swap3A_127] {strides = array<i32>} : memref<80x128xf32, #tpu.memory_space<vmem>>, vector<1x16xf32>,
      %swap3A_129 = vector.shape_cast %swap3A_128 : vector<1x16xf32> to vector<16xf32>
      %swap3A_130 = vector.shape_cast %broadcast_in_dim3A_3 : vector<16xf32> to vector<1x16xf32>
      tpu.vector_store %arg14[%swap3A_126, %swap3A_127], %swap3A_130 {strides = array<i32>} : memref<80x128xf32, #tpu.memory_space<vmem>>, vector<1x16xf32>,
      %swap3A_131 = arith.index_cast %add3A_101 : i32 to index
      %swap3A_132 = arith.constant 96 : index
      %swap3A_133 = tpu.vector_load %arg14[%swap3A_131, %swap3A_132] {strides = array<i32>} : memref<80x128xf32, #tpu.memory_space<vmem>>, vector<1x16xf32>,
      %swap3A_134 = vector.shape_cast %swap3A_133 : vector<1x16xf32> to vector<16xf32>
      %swap3A_135 = vector.shape_cast %broadcast_in_dim3A_3 : vector<16xf32> to vector<1x16xf32>
      tpu.vector_store %arg14[%swap3A_131, %swap3A_132], %swap3A_135 {strides = array<i32>} : memref<80x128xf32, #tpu.memory_space<vmem>>, vector<1x16xf32>,
      %swap3A_136 = arith.index_cast %add3A_101 : i32 to index
      %swap3A_137 = arith.constant 112 : index
      %swap3A_138 = tpu.vector_load %arg14[%swap3A_136, %swap3A_137] {strides = array<i32>} : memref<80x128xf32, #tpu.memory_space<vmem>>, vector<1x16xf32>,
      %swap3A_139 = vector.shape_cast %swap3A_138 : vector<1x16xf32> to vector<16xf32>
      %swap3A_140 = vector.shape_cast %broadcast_in_dim3A_3 : vector<16xf32> to vector<1x16xf32>
      tpu.vector_store %arg14[%swap3A_136, %swap3A_137], %swap3A_140 {strides = array<i32>} : memref<80x128xf32, #tpu.memory_space<vmem>>, vector<1x16xf32>,
    }
    %scan3A_7 = arith.constant 80 : i32
    %scan3A_8 = arith.constant 0 : i32
    %scan3A_9 = arith.constant 8 : i32
    %scan3A_10 = arith.addi %scan3A_8, %scan3A_9 : i32
    %scan3A_11 = arith.constant 1 : i32
    scf.for %scan3A_97 = %scan3A_8 to %scan3A_10 step %scan3A_11  : i32 {
      %mul3A_98 = arith.constant 1 : i32
      %mul3A_99 = arith.muli %scan3A_97, %mul3A_98 : i32
      %add3A_100 = arith.constant 0 : i32
      %add3A_101 = arith.addi %add3A_100, %mul3A_99 : i32
      %mul3A_102 = arith.constant 640 : i32
      %mul3A_103 = arith.muli %arg1, %mul3A_102 : i32
      %mul3A_104 = arith.constant 80 : i32
      %mul3A_105 = arith.muli %add3A_101, %mul3A_104 : i32
      %add3A_106 = arith.addi %mul3A_103, %mul3A_105 : i32
      "tpu.region"() ({
        %run_scoped3A = tpu.sem_alloc : memref<!tpu.dma_semaphore, #tpu.memory_space<semaphore_mem>>
        %dma_start3A_107 = arith.constant 0 : i32
        %dma_start3A_108 = tpu.memref_slice %arg18[%add3A_106, %dma_start3A_107] : memref<10240x128xf32, #tpu.memory_space<vmem_shared>> -> memref<80x128xf32, #tpu.memory_space<vmem_shared>>
        %dma_start3A_109 = arith.constant 0 : i32
        %dma_start3A_110 = tpu.memref_slice %arg18[%add3A_106, %dma_start3A_109] : memref<10240x128xf32, #tpu.memory_space<vmem_shared>> -> memref<80x128xf32, #tpu.memory_space<vmem_shared>>
        tpu.enqueue_dma source(%arg14 : memref<80x128xf32, #tpu.memory_space<vmem>>) target(%dma_start3A_110 : memref<80x128xf32, #tpu.memory_space<vmem_shared>>) target_semaphore(%run_scoped3A : memref<!tpu.dma_semaphore, #tpu.memory_space<semaphore_mem>>)
        %dma_wait3A_111 = arith.constant 0 : i32
        %dma_wait3A_112 = tpu.memref_slice %arg18[%add3A_106, %dma_wait3A_111] : memref<10240x128xf32, #tpu.memory_space<vmem_shared>> -> memref<80x128xf32, #tpu.memory_space<vmem_shared>>
        %dma_wait3A_113 = arith.constant 0 : i32
        %dma_wait3A_114 = tpu.memref_slice %arg18[%add3A_106, %dma_wait3A_113] : memref<10240x128xf32, #tpu.memory_space<vmem_shared>> -> memref<80x128xf32, #tpu.memory_space<vmem_shared>>
        tpu.wait_dma2 semaphore(%run_scoped3A : memref<!tpu.dma_semaphore, #tpu.memory_space<semaphore_mem>>) src(%arg14 : memref<80x128xf32, #tpu.memory_space<vmem>>) dst(%dma_wait3A_114 : memref<80x128xf32, #tpu.memory_space<vmem_shared>>)
        tpu.yield
      }) : () -> ()
    }
    %scan3A_12 = arith.constant 8 : i32
    %add3A_13 = arith.constant 0 : i32
    %add3A_14 = arith.addi %mul3A_2, %add3A_13 : i32
    "tpu.region"() ({
      %run_scoped3A = tpu.sem_alloc : memref<!tpu.dma_semaphore, #tpu.memory_space<semaphore_mem>>
      %dma_start3A_97 = tpu.memref_slice %arg3[%add3A_14] : memref<320000xi32, #tpu.memory_space<hbm>> -> memref<80xi32, #tpu.memory_space<hbm>>
      %dma_start3A_98 = tpu.memref_slice %arg3[%add3A_14] : memref<320000xi32, #tpu.memory_space<hbm>> -> memref<80xi32, #tpu.memory_space<hbm>>
      tpu.enqueue_dma source(%dma_start3A_98 : memref<80xi32, #tpu.memory_space<hbm>>) target(%arg6 : memref<80xi32, #tpu.memory_space<vmem>>) target_semaphore(%run_scoped3A : memref<!tpu.dma_semaphore, #tpu.memory_space<semaphore_mem>>)
      %dma_wait3A_99 = tpu.memref_slice %arg3[%add3A_14] : memref<320000xi32, #tpu.memory_space<hbm>> -> memref<80xi32, #tpu.memory_space<hbm>>
      %dma_wait3A_100 = tpu.memref_slice %arg3[%add3A_14] : memref<320000xi32, #tpu.memory_space<hbm>> -> memref<80xi32, #tpu.memory_space<hbm>>
      tpu.wait_dma2 semaphore(%run_scoped3A : memref<!tpu.dma_semaphore, #tpu.memory_space<semaphore_mem>>) src(%dma_wait3A_100 : memref<80xi32, #tpu.memory_space<hbm>>) dst(%arg6 : memref<80xi32, #tpu.memory_space<vmem>>)
      tpu.yield
    }) : () -> ()
    "tpu.region"() ({
      %run_scoped3A = tpu.sem_alloc : memref<!tpu.dma_semaphore, #tpu.memory_space<semaphore_mem>>
      %dma_start3A_97 = tpu.memref_slice %arg4[%add3A_14] : memref<320000xi32, #tpu.memory_space<hbm>> -> memref<80xi32, #tpu.memory_space<hbm>>
      %dma_start3A_98 = tpu.memref_slice %arg4[%add3A_14] : memref<320000xi32, #tpu.memory_space<hbm>> -> memref<80xi32, #tpu.memory_space<hbm>>
      tpu.enqueue_dma source(%dma_start3A_98 : memref<80xi32, #tpu.memory_space<hbm>>) target(%arg10 : memref<80xi32, #tpu.memory_space<vmem>>) target_semaphore(%run_scoped3A : memref<!tpu.dma_semaphore, #tpu.memory_space<semaphore_mem>>)
      %dma_wait3A_99 = tpu.memref_slice %arg4[%add3A_14] : memref<320000xi32, #tpu.memory_space<hbm>> -> memref<80xi32, #tpu.memory_space<hbm>>
      %dma_wait3A_100 = tpu.memref_slice %arg4[%add3A_14] : memref<320000xi32, #tpu.memory_space<hbm>> -> memref<80xi32, #tpu.memory_space<hbm>>
      tpu.wait_dma2 semaphore(%run_scoped3A : memref<!tpu.dma_semaphore, #tpu.memory_space<semaphore_mem>>) src(%dma_wait3A_100 : memref<80xi32, #tpu.memory_space<hbm>>) dst(%arg10 : memref<80xi32, #tpu.memory_space<vmem>>)
      tpu.yield
    }) : () -> ()
    %add3A_15 = arith.constant 80 : i32
    %add3A_16 = arith.addi %mul3A_2, %add3A_15 : i32
    "tpu.region"() ({
      %run_scoped3A = tpu.sem_alloc : memref<!tpu.dma_semaphore, #tpu.memory_space<semaphore_mem>>
      %dma_start3A_97 = tpu.memref_slice %arg3[%add3A_16] : memref<320000xi32, #tpu.memory_space<hbm>> -> memref<80xi32, #tpu.memory_space<hbm>>
      %dma_start3A_98 = tpu.memref_slice %arg3[%add3A_16] : memref<320000xi32, #tpu.memory_space<hbm>> -> memref<80xi32, #tpu.memory_space<hbm>>
      tpu.enqueue_dma source(%dma_start3A_98 : memref<80xi32, #tpu.memory_space<hbm>>) target(%arg7 : memref<80xi32, #tpu.memory_space<vmem>>) target_semaphore(%run_scoped3A : memref<!tpu.dma_semaphore, #tpu.memory_space<semaphore_mem>>)
      %dma_wait3A_99 = tpu.memref_slice %arg3[%add3A_16] : memref<320000xi32, #tpu.memory_space<hbm>> -> memref<80xi32, #tpu.memory_space<hbm>>
      %dma_wait3A_100 = tpu.memref_slice %arg3[%add3A_16] : memref<320000xi32, #tpu.memory_space<hbm>> -> memref<80xi32, #tpu.memory_space<hbm>>
      tpu.wait_dma2 semaphore(%run_scoped3A : memref<!tpu.dma_semaphore, #tpu.memory_space<semaphore_mem>>) src(%dma_wait3A_100 : memref<80xi32, #tpu.memory_space<hbm>>) dst(%arg7 : memref<80xi32, #tpu.memory_space<vmem>>)
      tpu.yield
    }) : () -> ()
    "tpu.region"() ({
      %run_scoped3A = tpu.sem_alloc : memref<!tpu.dma_semaphore, #tpu.memory_space<semaphore_mem>>
      %dma_start3A_97 = tpu.memref_slice %arg4[%add3A_16] : memref<320000xi32, #tpu.memory_space<hbm>> -> memref<80xi32, #tpu.memory_space<hbm>>
      %dma_start3A_98 = tpu.memref_slice %arg4[%add3A_16] : memref<320000xi32, #tpu.memory_space<hbm>> -> memref<80xi32, #tpu.memory_space<hbm>>
      tpu.enqueue_dma source(%dma_start3A_98 : memref<80xi32, #tpu.memory_space<hbm>>) target(%arg11 : memref<80xi32, #tpu.memory_space<vmem>>) target_semaphore(%run_scoped3A : memref<!tpu.dma_semaphore, #tpu.memory_space<semaphore_mem>>)
      %dma_wait3A_99 = tpu.memref_slice %arg4[%add3A_16] : memref<320000xi32, #tpu.memory_space<hbm>> -> memref<80xi32, #tpu.memory_space<hbm>>
      %dma_wait3A_100 = tpu.memref_slice %arg4[%add3A_16] : memref<320000xi32, #tpu.memory_space<hbm>> -> memref<80xi32, #tpu.memory_space<hbm>>
      tpu.wait_dma2 semaphore(%run_scoped3A : memref<!tpu.dma_semaphore, #tpu.memory_space<semaphore_mem>>) src(%dma_wait3A_100 : memref<80xi32, #tpu.memory_space<hbm>>) dst(%arg11 : memref<80xi32, #tpu.memory_space<vmem>>)
      tpu.yield
    }) : () -> ()
    %dma_start3A = arith.constant 0 : i32
    %dma_start3A_17 = arith.constant 0 : i32
    %dma_start3A_18 = tpu.memref_slice %arg2[%dma_start3A, %dma_start3A_17] : memref<10000x128xf32, #tpu.memory_space<hbm>> -> memref<10000x128xf32, #tpu.memory_space<hbm>>
    tpu.enqueue_indirect_dma source(%dma_start3A_18 : memref<10000x128xf32, #tpu.memory_space<hbm>>) target(%arg14 : memref<80x128xf32, #tpu.memory_space<vmem>>) offsets(%arg6 : memref<80xi32, #tpu.memory_space<vmem>>) semaphore(%arg19 : memref<!tpu.dma_semaphore, #tpu.memory_space<semaphore_mem>>)
    %dma_start3A_19 = arith.constant 0 : i32
    %dma_start3A_20 = arith.constant 0 : i32
    %dma_start3A_21 = tpu.memref_slice %arg2[%dma_start3A_19, %dma_start3A_20] : memref<10000x128xf32, #tpu.memory_space<hbm>> -> memref<10000x128xf32, #tpu.memory_space<hbm>>
    tpu.enqueue_indirect_dma source(%dma_start3A_21 : memref<10000x128xf32, #tpu.memory_space<hbm>>) target(%arg15 : memref<80x128xf32, #tpu.memory_space<vmem>>) offsets(%arg7 : memref<80xi32, #tpu.memory_space<vmem>>) semaphore(%arg20 : memref<!tpu.dma_semaphore, #tpu.memory_space<semaphore_mem>>)
    %barrier3A = arith.constant 0 : index
    tpu.barrier barrier_id(%barrier3A)
    %dma_wait3A = arith.constant 0 : i32
    %dma_wait3A_22 = arith.constant 0 : i32
    %dma_wait3A_23 = tpu.memref_slice %arg2[%dma_wait3A, %dma_wait3A_22] : memref<10000x128xf32, #tpu.memory_space<hbm>> -> memref<10000x128xf32, #tpu.memory_space<hbm>>
    tpu.wait_indirect_dma semaphore(%arg19 : memref<!tpu.dma_semaphore, #tpu.memory_space<semaphore_mem>>) src(%dma_wait3A_23 : memref<10000x128xf32, #tpu.memory_space<hbm>>) dst(%arg14 : memref<80x128xf32, #tpu.memory_space<vmem>>)
    %dma_start3A_24 = arith.constant 0 : i32
    %dma_start3A_25 = arith.constant 0 : i32
    %dma_start3A_26 = tpu.memref_slice %arg18[%dma_start3A_24, %dma_start3A_25] : memref<10240x128xf32, #tpu.memory_space<vmem_shared>> -> memref<10240x128xf32, #tpu.memory_space<vmem_shared>>
    tpu.enqueue_indirect_dma source(%arg14 : memref<80x128xf32, #tpu.memory_space<vmem>>) target(%dma_start3A_26 : memref<10240x128xf32, #tpu.memory_space<vmem_shared>>) offsets(%arg10 : memref<80xi32, #tpu.memory_space<vmem>>) semaphore(%arg23 : memref<!tpu.dma_semaphore, #tpu.memory_space<semaphore_mem>>) {add = true}
    %add3A_27 = arith.constant 160 : i32
    %add3A_28 = arith.addi %mul3A_2, %add3A_27 : i32
    "tpu.region"() ({
      %run_scoped3A = tpu.sem_alloc : memref<!tpu.dma_semaphore, #tpu.memory_space<semaphore_mem>>
      %dma_start3A_97 = tpu.memref_slice %arg3[%add3A_28] : memref<320000xi32, #tpu.memory_space<hbm>> -> memref<80xi32, #tpu.memory_space<hbm>>
      %dma_start3A_98 = tpu.memref_slice %arg3[%add3A_28] : memref<320000xi32, #tpu.memory_space<hbm>> -> memref<80xi32, #tpu.memory_space<hbm>>
      tpu.enqueue_dma source(%dma_start3A_98 : memref<80xi32, #tpu.memory_space<hbm>>) target(%arg8 : memref<80xi32, #tpu.memory_space<vmem>>) target_semaphore(%run_scoped3A : memref<!tpu.dma_semaphore, #tpu.memory_space<semaphore_mem>>)
      %dma_wait3A_99 = tpu.memref_slice %arg3[%add3A_28] : memref<320000xi32, #tpu.memory_space<hbm>> -> memref<80xi32, #tpu.memory_space<hbm>>
      %dma_wait3A_100 = tpu.memref_slice %arg3[%add3A_28] : memref<320000xi32, #tpu.memory_space<hbm>> -> memref<80xi32, #tpu.memory_space<hbm>>
      tpu.wait_dma2 semaphore(%run_scoped3A : memref<!tpu.dma_semaphore, #tpu.memory_space<semaphore_mem>>) src(%dma_wait3A_100 : memref<80xi32, #tpu.memory_space<hbm>>) dst(%arg8 : memref<80xi32, #tpu.memory_space<vmem>>)
      tpu.yield
    }) : () -> ()
    "tpu.region"() ({
      %run_scoped3A = tpu.sem_alloc : memref<!tpu.dma_semaphore, #tpu.memory_space<semaphore_mem>>
      %dma_start3A_97 = tpu.memref_slice %arg4[%add3A_28] : memref<320000xi32, #tpu.memory_space<hbm>> -> memref<80xi32, #tpu.memory_space<hbm>>
      %dma_start3A_98 = tpu.memref_slice %arg4[%add3A_28] : memref<320000xi32, #tpu.memory_space<hbm>> -> memref<80xi32, #tpu.memory_space<hbm>>
      tpu.enqueue_dma source(%dma_start3A_98 : memref<80xi32, #tpu.memory_space<hbm>>) target(%arg12 : memref<80xi32, #tpu.memory_space<vmem>>) target_semaphore(%run_scoped3A : memref<!tpu.dma_semaphore, #tpu.memory_space<semaphore_mem>>)
      %dma_wait3A_99 = tpu.memref_slice %arg4[%add3A_28] : memref<320000xi32, #tpu.memory_space<hbm>> -> memref<80xi32, #tpu.memory_space<hbm>>
      %dma_wait3A_100 = tpu.memref_slice %arg4[%add3A_28] : memref<320000xi32, #tpu.memory_space<hbm>> -> memref<80xi32, #tpu.memory_space<hbm>>
      tpu.wait_dma2 semaphore(%run_scoped3A : memref<!tpu.dma_semaphore, #tpu.memory_space<semaphore_mem>>) src(%dma_wait3A_100 : memref<80xi32, #tpu.memory_space<hbm>>) dst(%arg12 : memref<80xi32, #tpu.memory_space<vmem>>)
      tpu.yield
    }) : () -> ()
    %dma_start3A_29 = arith.constant 0 : i32
    %dma_start3A_30 = arith.constant 0 : i32
    %dma_start3A_31 = tpu.memref_slice %arg2[%dma_start3A_29, %dma_start3A_30] : memref<10000x128xf32, #tpu.memory_space<hbm>> -> memref<10000x128xf32, #tpu.memory_space<hbm>>
    tpu.enqueue_indirect_dma source(%dma_start3A_31 : memref<10000x128xf32, #tpu.memory_space<hbm>>) target(%arg16 : memref<80x128xf32, #tpu.memory_space<vmem>>) offsets(%arg8 : memref<80xi32, #tpu.memory_space<vmem>>) semaphore(%arg21 : memref<!tpu.dma_semaphore, #tpu.memory_space<semaphore_mem>>)
    %dma_wait3A_32 = arith.constant 0 : i32
    %dma_wait3A_33 = arith.constant 0 : i32
    %dma_wait3A_34 = tpu.memref_slice %arg2[%dma_wait3A_32, %dma_wait3A_33] : memref<10000x128xf32, #tpu.memory_space<hbm>> -> memref<10000x128xf32, #tpu.memory_space<hbm>>
    tpu.wait_indirect_dma semaphore(%arg20 : memref<!tpu.dma_semaphore, #tpu.memory_space<semaphore_mem>>) src(%dma_wait3A_34 : memref<10000x128xf32, #tpu.memory_space<hbm>>) dst(%arg15 : memref<80x128xf32, #tpu.memory_space<vmem>>)
    %dma_start3A_35 = arith.constant 0 : i32
    %dma_start3A_36 = arith.constant 0 : i32
    %dma_start3A_37 = tpu.memref_slice %arg18[%dma_start3A_35, %dma_start3A_36] : memref<10240x128xf32, #tpu.memory_space<vmem_shared>> -> memref<10240x128xf32, #tpu.memory_space<vmem_shared>>
    tpu.enqueue_indirect_dma source(%arg15 : memref<80x128xf32, #tpu.memory_space<vmem>>) target(%dma_start3A_37 : memref<10240x128xf32, #tpu.memory_space<vmem_shared>>) offsets(%arg11 : memref<80xi32, #tpu.memory_space<vmem>>) semaphore(%arg24 : memref<!tpu.dma_semaphore, #tpu.memory_space<semaphore_mem>>) {add = true}
    %add3A_38 = arith.constant 240 : i32
    %add3A_39 = arith.addi %mul3A_2, %add3A_38 : i32
    "tpu.region"() ({
      %run_scoped3A = tpu.sem_alloc : memref<!tpu.dma_semaphore, #tpu.memory_space<semaphore_mem>>
      %dma_start3A_97 = tpu.memref_slice %arg3[%add3A_39] : memref<320000xi32, #tpu.memory_space<hbm>> -> memref<80xi32, #tpu.memory_space<hbm>>
      %dma_start3A_98 = tpu.memref_slice %arg3[%add3A_39] : memref<320000xi32, #tpu.memory_space<hbm>> -> memref<80xi32, #tpu.memory_space<hbm>>
      tpu.enqueue_dma source(%dma_start3A_98 : memref<80xi32, #tpu.memory_space<hbm>>) target(%arg9 : memref<80xi32, #tpu.memory_space<vmem>>) target_semaphore(%run_scoped3A : memref<!tpu.dma_semaphore, #tpu.memory_space<semaphore_mem>>)
      %dma_wait3A_99 = tpu.memref_slice %arg3[%add3A_39] : memref<320000xi32, #tpu.memory_space<hbm>> -> memref<80xi32, #tpu.memory_space<hbm>>
      %dma_wait3A_100 = tpu.memref_slice %arg3[%add3A_39] : memref<320000xi32, #tpu.memory_space<hbm>> -> memref<80xi32, #tpu.memory_space<hbm>>
      tpu.wait_dma2 semaphore(%run_scoped3A : memref<!tpu.dma_semaphore, #tpu.memory_space<semaphore_mem>>) src(%dma_wait3A_100 : memref<80xi32, #tpu.memory_space<hbm>>) dst(%arg9 : memref<80xi32, #tpu.memory_space<vmem>>)
      tpu.yield
    }) : () -> ()
    "tpu.region"() ({
      %run_scoped3A = tpu.sem_alloc : memref<!tpu.dma_semaphore, #tpu.memory_space<semaphore_mem>>
      %dma_start3A_97 = tpu.memref_slice %arg4[%add3A_39] : memref<320000xi32, #tpu.memory_space<hbm>> -> memref<80xi32, #tpu.memory_space<hbm>>
      %dma_start3A_98 = tpu.memref_slice %arg4[%add3A_39] : memref<320000xi32, #tpu.memory_space<hbm>> -> memref<80xi32, #tpu.memory_space<hbm>>
      tpu.enqueue_dma source(%dma_start3A_98 : memref<80xi32, #tpu.memory_space<hbm>>) target(%arg13 : memref<80xi32, #tpu.memory_space<vmem>>) target_semaphore(%run_scoped3A : memref<!tpu.dma_semaphore, #tpu.memory_space<semaphore_mem>>)
      %dma_wait3A_99 = tpu.memref_slice %arg4[%add3A_39] : memref<320000xi32, #tpu.memory_space<hbm>> -> memref<80xi32, #tpu.memory_space<hbm>>
      %dma_wait3A_100 = tpu.memref_slice %arg4[%add3A_39] : memref<320000xi32, #tpu.memory_space<hbm>> -> memref<80xi32, #tpu.memory_space<hbm>>
      tpu.wait_dma2 semaphore(%run_scoped3A : memref<!tpu.dma_semaphore, #tpu.memory_space<semaphore_mem>>) src(%dma_wait3A_100 : memref<80xi32, #tpu.memory_space<hbm>>) dst(%arg13 : memref<80xi32, #tpu.memory_space<vmem>>)
      tpu.yield
    }) : () -> ()
    %dma_start3A_40 = arith.constant 0 : i32
    %dma_start3A_41 = arith.constant 0 : i32
    %dma_start3A_42 = tpu.memref_slice %arg2[%dma_start3A_40, %dma_start3A_41] : memref<10000x128xf32, #tpu.memory_space<hbm>> -> memref<10000x128xf32, #tpu.memory_space<hbm>>
    tpu.enqueue_indirect_dma source(%dma_start3A_42 : memref<10000x128xf32, #tpu.memory_space<hbm>>) target(%arg17 : memref<80x128xf32, #tpu.memory_space<vmem>>) offsets(%arg9 : memref<80xi32, #tpu.memory_space<vmem>>) semaphore(%arg22 : memref<!tpu.dma_semaphore, #tpu.memory_space<semaphore_mem>>)
    %dma_wait3A_43 = arith.constant 0 : i32
    %dma_wait3A_44 = arith.constant 0 : i32
    %dma_wait3A_45 = tpu.memref_slice %arg2[%dma_wait3A_43, %dma_wait3A_44] : memref<10000x128xf32, #tpu.memory_space<hbm>> -> memref<10000x128xf32, #tpu.memory_space<hbm>>
    tpu.wait_indirect_dma semaphore(%arg21 : memref<!tpu.dma_semaphore, #tpu.memory_space<semaphore_mem>>) src(%dma_wait3A_45 : memref<10000x128xf32, #tpu.memory_space<hbm>>) dst(%arg16 : memref<80x128xf32, #tpu.memory_space<vmem>>)
    %dma_wait3A_46 = arith.constant 0 : i32
    %dma_wait3A_47 = arith.constant 0 : i32
    %dma_wait3A_48 = tpu.memref_slice %arg18[%dma_wait3A_46, %dma_wait3A_47] : memref<10240x128xf32, #tpu.memory_space<vmem_shared>> -> memref<10240x128xf32, #tpu.memory_space<vmem_shared>>
    tpu.wait_indirect_dma semaphore(%arg23 : memref<!tpu.dma_semaphore, #tpu.memory_space<semaphore_mem>>) src(%arg14 : memref<80x128xf32, #tpu.memory_space<vmem>>) dst(%dma_wait3A_48 : memref<10240x128xf32, #tpu.memory_space<vmem_shared>>)
    %dma_start3A_49 = arith.constant 0 : i32
    %dma_start3A_50 = arith.constant 0 : i32
    %dma_start3A_51 = tpu.memref_slice %arg18[%dma_start3A_49, %dma_start3A_50] : memref<10240x128xf32, #tpu.memory_space<vmem_shared>> -> memref<10240x128xf32, #tpu.memory_space<vmem_shared>>
    tpu.enqueue_indirect_dma source(%arg16 : memref<80x128xf32, #tpu.memory_space<vmem>>) target(%dma_start3A_51 : memref<10240x128xf32, #tpu.memory_space<vmem_shared>>) offsets(%arg12 : memref<80xi32, #tpu.memory_space<vmem>>) semaphore(%arg25 : memref<!tpu.dma_semaphore, #tpu.memory_space<semaphore_mem>>) {add = true}
    %add3A_52 = arith.constant 320 : i32
    %add3A_53 = arith.addi %mul3A_2, %add3A_52 : i32
    "tpu.region"() ({
      %run_scoped3A = tpu.sem_alloc : memref<!tpu.dma_semaphore, #tpu.memory_space<semaphore_mem>>
      %dma_start3A_97 = tpu.memref_slice %arg3[%add3A_53] : memref<320000xi32, #tpu.memory_space<hbm>> -> memref<80xi32, #tpu.memory_space<hbm>>
      %dma_start3A_98 = tpu.memref_slice %arg3[%add3A_53] : memref<320000xi32, #tpu.memory_space<hbm>> -> memref<80xi32, #tpu.memory_space<hbm>>
      tpu.enqueue_dma source(%dma_start3A_98 : memref<80xi32, #tpu.memory_space<hbm>>) target(%arg6 : memref<80xi32, #tpu.memory_space<vmem>>) target_semaphore(%run_scoped3A : memref<!tpu.dma_semaphore, #tpu.memory_space<semaphore_mem>>)
      %dma_wait3A_99 = tpu.memref_slice %arg3[%add3A_53] : memref<320000xi32, #tpu.memory_space<hbm>> -> memref<80xi32, #tpu.memory_space<hbm>>
      %dma_wait3A_100 = tpu.memref_slice %arg3[%add3A_53] : memref<320000xi32, #tpu.memory_space<hbm>> -> memref<80xi32, #tpu.memory_space<hbm>>
      tpu.wait_dma2 semaphore(%run_scoped3A : memref<!tpu.dma_semaphore, #tpu.memory_space<semaphore_mem>>) src(%dma_wait3A_100 : memref<80xi32, #tpu.memory_space<hbm>>) dst(%arg6 : memref<80xi32, #tpu.memory_space<vmem>>)
      tpu.yield
    }) : () -> ()
    "tpu.region"() ({
      %run_scoped3A = tpu.sem_alloc : memref<!tpu.dma_semaphore, #tpu.memory_space<semaphore_mem>>
      %dma_start3A_97 = tpu.memref_slice %arg4[%add3A_53] : memref<320000xi32, #tpu.memory_space<hbm>> -> memref<80xi32, #tpu.memory_space<hbm>>
      %dma_start3A_98 = tpu.memref_slice %arg4[%add3A_53] : memref<320000xi32, #tpu.memory_space<hbm>> -> memref<80xi32, #tpu.memory_space<hbm>>
      tpu.enqueue_dma source(%dma_start3A_98 : memref<80xi32, #tpu.memory_space<hbm>>) target(%arg10 : memref<80xi32, #tpu.memory_space<vmem>>) target_semaphore(%run_scoped3A : memref<!tpu.dma_semaphore, #tpu.memory_space<semaphore_mem>>)
      %dma_wait3A_99 = tpu.memref_slice %arg4[%add3A_53] : memref<320000xi32, #tpu.memory_space<hbm>> -> memref<80xi32, #tpu.memory_space<hbm>>
      %dma_wait3A_100 = tpu.memref_slice %arg4[%add3A_53] : memref<320000xi32, #tpu.memory_space<hbm>> -> memref<80xi32, #tpu.memory_space<hbm>>
      tpu.wait_dma2 semaphore(%run_scoped3A : memref<!tpu.dma_semaphore, #tpu.memory_space<semaphore_mem>>) src(%dma_wait3A_100 : memref<80xi32, #tpu.memory_space<hbm>>) dst(%arg10 : memref<80xi32, #tpu.memory_space<vmem>>)
      tpu.yield
    }) : () -> ()
    %dma_start3A_54 = arith.constant 0 : i32
    %dma_start3A_55 = arith.constant 0 : i32
    %dma_start3A_56 = tpu.memref_slice %arg2[%dma_start3A_54, %dma_start3A_55] : memref<10000x128xf32, #tpu.memory_space<hbm>> -> memref<10000x128xf32, #tpu.memory_space<hbm>>
    tpu.enqueue_indirect_dma source(%dma_start3A_56 : memref<10000x128xf32, #tpu.memory_space<hbm>>) target(%arg14 : memref<80x128xf32, #tpu.memory_space<vmem>>) offsets(%arg6 : memref<80xi32, #tpu.memory_space<vmem>>) semaphore(%arg19 : memref<!tpu.dma_semaphore, #tpu.memory_space<semaphore_mem>>)
    %dma_wait3A_57 = arith.constant 0 : i32
    %dma_wait3A_58 = arith.constant 0 : i32
    %dma_wait3A_59 = tpu.memref_slice %arg2[%dma_wait3A_57, %dma_wait3A_58] : memref<10000x128xf32, #tpu.memory_space<hbm>> -> memref<10000x128xf32, #tpu.memory_space<hbm>>
    tpu.wait_indirect_dma semaphore(%arg22 : memref<!tpu.dma_semaphore, #tpu.memory_space<semaphore_mem>>) src(%dma_wait3A_59 : memref<10000x128xf32, #tpu.memory_space<hbm>>) dst(%arg17 : memref<80x128xf32, #tpu.memory_space<vmem>>)
    %dma_wait3A_60 = arith.constant 0 : i32
    %dma_wait3A_61 = arith.constant 0 : i32
    %dma_wait3A_62 = tpu.memref_slice %arg18[%dma_wait3A_60, %dma_wait3A_61] : memref<10240x128xf32, #tpu.memory_space<vmem_shared>> -> memref<10240x128xf32, #tpu.memory_space<vmem_shared>>
    tpu.wait_indirect_dma semaphore(%arg24 : memref<!tpu.dma_semaphore, #tpu.memory_space<semaphore_mem>>) src(%arg15 : memref<80x128xf32, #tpu.memory_space<vmem>>) dst(%dma_wait3A_62 : memref<10240x128xf32, #tpu.memory_space<vmem_shared>>)
    %dma_start3A_63 = arith.constant 0 : i32
    %dma_start3A_64 = arith.constant 0 : i32
    %dma_start3A_65 = tpu.memref_slice %arg18[%dma_start3A_63, %dma_start3A_64] : memref<10240x128xf32, #tpu.memory_space<vmem_shared>> -> memref<10240x128xf32, #tpu.memory_space<vmem_shared>>
    tpu.enqueue_indirect_dma source(%arg17 : memref<80x128xf32, #tpu.memory_space<vmem>>) target(%dma_start3A_65 : memref<10240x128xf32, #tpu.memory_space<vmem_shared>>) offsets(%arg13 : memref<80xi32, #tpu.memory_space<vmem>>) semaphore(%arg26 : memref<!tpu.dma_semaphore, #tpu.memory_space<semaphore_mem>>) {add = true}
    %add3A_66 = arith.constant 400 : i32
    %add3A_67 = arith.addi %mul3A_2, %add3A_66 : i32
    "tpu.region"() ({
      %run_scoped3A = tpu.sem_alloc : memref<!tpu.dma_semaphore, #tpu.memory_space<semaphore_mem>>
      %dma_start3A_97 = tpu.memref_slice %arg3[%add3A_67] : memref<320000xi32, #tpu.memory_space<hbm>> -> memref<80xi32, #tpu.memory_space<hbm>>
      %dma_start3A_98 = tpu.memref_slice %arg3[%add3A_67] : memref<320000xi32, #tpu.memory_space<hbm>> -> memref<80xi32, #tpu.memory_space<hbm>>
      tpu.enqueue_dma source(%dma_start3A_98 : memref<80xi32, #tpu.memory_space<hbm>>) target(%arg7 : memref<80xi32, #tpu.memory_space<vmem>>) target_semaphore(%run_scoped3A : memref<!tpu.dma_semaphore, #tpu.memory_space<semaphore_mem>>)
      %dma_wait3A_99 = tpu.memref_slice %arg3[%add3A_67] : memref<320000xi32, #tpu.memory_space<hbm>> -> memref<80xi32, #tpu.memory_space<hbm>>
      %dma_wait3A_100 = tpu.memref_slice %arg3[%add3A_67] : memref<320000xi32, #tpu.memory_space<hbm>> -> memref<80xi32, #tpu.memory_space<hbm>>
      tpu.wait_dma2 semaphore(%run_scoped3A : memref<!tpu.dma_semaphore, #tpu.memory_space<semaphore_mem>>) src(%dma_wait3A_100 : memref<80xi32, #tpu.memory_space<hbm>>) dst(%arg7 : memref<80xi32, #tpu.memory_space<vmem>>)
      tpu.yield
    }) : () -> ()
    "tpu.region"() ({
      %run_scoped3A = tpu.sem_alloc : memref<!tpu.dma_semaphore, #tpu.memory_space<semaphore_mem>>
      %dma_start3A_97 = tpu.memref_slice %arg4[%add3A_67] : memref<320000xi32, #tpu.memory_space<hbm>> -> memref<80xi32, #tpu.memory_space<hbm>>
      %dma_start3A_98 = tpu.memref_slice %arg4[%add3A_67] : memref<320000xi32, #tpu.memory_space<hbm>> -> memref<80xi32, #tpu.memory_space<hbm>>
      tpu.enqueue_dma source(%dma_start3A_98 : memref<80xi32, #tpu.memory_space<hbm>>) target(%arg11 : memref<80xi32, #tpu.memory_space<vmem>>) target_semaphore(%run_scoped3A : memref<!tpu.dma_semaphore, #tpu.memory_space<semaphore_mem>>)
      %dma_wait3A_99 = tpu.memref_slice %arg4[%add3A_67] : memref<320000xi32, #tpu.memory_space<hbm>> -> memref<80xi32, #tpu.memory_space<hbm>>
      %dma_wait3A_100 = tpu.memref_slice %arg4[%add3A_67] : memref<320000xi32, #tpu.memory_space<hbm>> -> memref<80xi32, #tpu.memory_space<hbm>>
      tpu.wait_dma2 semaphore(%run_scoped3A : memref<!tpu.dma_semaphore, #tpu.memory_space<semaphore_mem>>) src(%dma_wait3A_100 : memref<80xi32, #tpu.memory_space<hbm>>) dst(%arg11 : memref<80xi32, #tpu.memory_space<vmem>>)
      tpu.yield
    }) : () -> ()
    %dma_start3A_68 = arith.constant 0 : i32
    %dma_start3A_69 = arith.constant 0 : i32
    %dma_start3A_70 = tpu.memref_slice %arg2[%dma_start3A_68, %dma_start3A_69] : memref<10000x128xf32, #tpu.memory_space<hbm>> -> memref<10000x128xf32, #tpu.memory_space<hbm>>
    tpu.enqueue_indirect_dma source(%dma_start3A_70 : memref<10000x128xf32, #tpu.memory_space<hbm>>) target(%arg15 : memref<80x128xf32, #tpu.memory_space<vmem>>) offsets(%arg7 : memref<80xi32, #tpu.memory_space<vmem>>) semaphore(%arg20 : memref<!tpu.dma_semaphore, #tpu.memory_space<semaphore_mem>>)
    %scan3A_71 = arith.constant 0 : i32
    %scan3A_72 = arith.constant 30 : i32
    %scan3A_73 = arith.addi %scan3A_71, %scan3A_72 : i32
    %scan3A_74 = arith.constant 1 : i32
    scf.for %scan3A_97 = %scan3A_71 to %scan3A_73 step %scan3A_74  : i32 {
      %mul3A_98 = arith.constant 4 : i32
      %mul3A_99 = arith.muli %scan3A_97, %mul3A_98 : i32
      %add3A_100 = arith.constant 4 : i32
      %add3A_101 = arith.addi %add3A_100, %mul3A_99 : i32
      %dma_wait3A_102 = arith.constant 0 : i32
      %dma_wait3A_103 = arith.constant 0 : i32
      %dma_wait3A_104 = tpu.memref_slice %arg2[%dma_wait3A_102, %dma_wait3A_103] : memref<10000x128xf32, #tpu.memory_space<hbm>> -> memref<10000x128xf32, #tpu.memory_space<hbm>>
      tpu.wait_indirect_dma semaphore(%arg19 : memref<!tpu.dma_semaphore, #tpu.memory_space<semaphore_mem>>) src(%dma_wait3A_104 : memref<10000x128xf32, #tpu.memory_space<hbm>>) dst(%arg14 : memref<80x128xf32, #tpu.memory_space<vmem>>)
      %dma_wait3A_105 = arith.constant 0 : i32
      %dma_wait3A_106 = arith.constant 0 : i32
      %dma_wait3A_107 = tpu.memref_slice %arg18[%dma_wait3A_105, %dma_wait3A_106] : memref<10240x128xf32, #tpu.memory_space<vmem_shared>> -> memref<10240x128xf32, #tpu.memory_space<vmem_shared>>
      tpu.wait_indirect_dma semaphore(%arg25 : memref<!tpu.dma_semaphore, #tpu.memory_space<semaphore_mem>>) src(%arg16 : memref<80x128xf32, #tpu.memory_space<vmem>>) dst(%dma_wait3A_107 : memref<10240x128xf32, #tpu.memory_space<vmem_shared>>)
      %dma_start3A_108 = arith.constant 0 : i32
      %dma_start3A_109 = arith.constant 0 : i32
      %dma_start3A_110 = tpu.memref_slice %arg18[%dma_start3A_108, %dma_start3A_109] : memref<10240x128xf32, #tpu.memory_space<vmem_shared>> -> memref<10240x128xf32, #tpu.memory_space<vmem_shared>>
      tpu.enqueue_indirect_dma source(%arg14 : memref<80x128xf32, #tpu.memory_space<vmem>>) target(%dma_start3A_110 : memref<10240x128xf32, #tpu.memory_space<vmem_shared>>) offsets(%arg10 : memref<80xi32, #tpu.memory_space<vmem>>) semaphore(%arg23 : memref<!tpu.dma_semaphore, #tpu.memory_space<semaphore_mem>>) {add = true}
      %add3A_111 = arith.constant 0 : i32
      %add3A_112 = arith.addi %add3A_101, %add3A_111 : i32
      %add3A_113 = arith.constant 2 : i32
      %add3A_114 = arith.addi %add3A_112, %add3A_113 : i32
      %lt3A = arith.constant 125 : i32
      %lt3A_115 = arith.cmpi slt, %add3A_114, %lt3A : i32
      %convert_element_type3A = arith.extui %lt3A_115 : i1 to i32
      %cond3A = arith.constant 0 : i32
      %cond3A_116 = arith.cmpi ne, %convert_element_type3A, %cond3A : i32
      scf.if %cond3A_116 {
        %add3A_171 = arith.constant 0 : i32
        %add3A_172 = arith.addi %add3A_101, %add3A_171 : i32
        %add3A_173 = arith.constant 2 : i32
        %add3A_174 = arith.addi %add3A_172, %add3A_173 : i32
        %mul3A_175 = arith.constant 80 : i32
        %mul3A_176 = arith.muli %add3A_174, %mul3A_175 : i32
        %add3A_177 = arith.addi %mul3A_2, %mul3A_176 : i32
        "tpu.region"() ({
          %run_scoped3A = tpu.sem_alloc : memref<!tpu.dma_semaphore, #tpu.memory_space<semaphore_mem>>
          %dma_start3A_181 = tpu.memref_slice %arg3[%add3A_177] : memref<320000xi32, #tpu.memory_space<hbm>> -> memref<80xi32, #tpu.memory_space<hbm>>
          %dma_start3A_182 = tpu.memref_slice %arg3[%add3A_177] : memref<320000xi32, #tpu.memory_space<hbm>> -> memref<80xi32, #tpu.memory_space<hbm>>
          tpu.enqueue_dma source(%dma_start3A_182 : memref<80xi32, #tpu.memory_space<hbm>>) target(%arg8 : memref<80xi32, #tpu.memory_space<vmem>>) target_semaphore(%run_scoped3A : memref<!tpu.dma_semaphore, #tpu.memory_space<semaphore_mem>>)
          %dma_wait3A_183 = tpu.memref_slice %arg3[%add3A_177] : memref<320000xi32, #tpu.memory_space<hbm>> -> memref<80xi32, #tpu.memory_space<hbm>>
          %dma_wait3A_184 = tpu.memref_slice %arg3[%add3A_177] : memref<320000xi32, #tpu.memory_space<hbm>> -> memref<80xi32, #tpu.memory_space<hbm>>
          tpu.wait_dma2 semaphore(%run_scoped3A : memref<!tpu.dma_semaphore, #tpu.memory_space<semaphore_mem>>) src(%dma_wait3A_184 : memref<80xi32, #tpu.memory_space<hbm>>) dst(%arg8 : memref<80xi32, #tpu.memory_space<vmem>>)
          tpu.yield
        }) : () -> ()
        "tpu.region"() ({
          %run_scoped3A = tpu.sem_alloc : memref<!tpu.dma_semaphore, #tpu.memory_space<semaphore_mem>>
          %dma_start3A_181 = tpu.memref_slice %arg4[%add3A_177] : memref<320000xi32, #tpu.memory_space<hbm>> -> memref<80xi32, #tpu.memory_space<hbm>>
          %dma_start3A_182 = tpu.memref_slice %arg4[%add3A_177] : memref<320000xi32, #tpu.memory_space<hbm>> -> memref<80xi32, #tpu.memory_space<hbm>>
          tpu.enqueue_dma source(%dma_start3A_182 : memref<80xi32, #tpu.memory_space<hbm>>) target(%arg12 : memref<80xi32, #tpu.memory_space<vmem>>) target_semaphore(%run_scoped3A : memref<!tpu.dma_semaphore, #tpu.memory_space<semaphore_mem>>)
          %dma_wait3A_183 = tpu.memref_slice %arg4[%add3A_177] : memref<320000xi32, #tpu.memory_space<hbm>> -> memref<80xi32, #tpu.memory_space<hbm>>
          %dma_wait3A_184 = tpu.memref_slice %arg4[%add3A_177] : memref<320000xi32, #tpu.memory_space<hbm>> -> memref<80xi32, #tpu.memory_space<hbm>>
          tpu.wait_dma2 semaphore(%run_scoped3A : memref<!tpu.dma_semaphore, #tpu.memory_space<semaphore_mem>>) src(%dma_wait3A_184 : memref<80xi32, #tpu.memory_space<hbm>>) dst(%arg12 : memref<80xi32, #tpu.memory_space<vmem>>)
          tpu.yield
        }) : () -> ()
        %dma_start3A_178 = arith.constant 0 : i32
        %dma_start3A_179 = arith.constant 0 : i32
        %dma_start3A_180 = tpu.memref_slice %arg2[%dma_start3A_178, %dma_start3A_179] : memref<10000x128xf32, #tpu.memory_space<hbm>> -> memref<10000x128xf32, #tpu.memory_space<hbm>>
        tpu.enqueue_indirect_dma source(%dma_start3A_180 : memref<10000x128xf32, #tpu.memory_space<hbm>>) target(%arg16 : memref<80x128xf32, #tpu.memory_space<vmem>>) offsets(%arg8 : memref<80xi32, #tpu.memory_space<vmem>>) semaphore(%arg21 : memref<!tpu.dma_semaphore, #tpu.memory_space<semaphore_mem>>)
      } else {
      }
      %dma_wait3A_117 = arith.constant 0 : i32
      %dma_wait3A_118 = arith.constant 0 : i32
      %dma_wait3A_119 = tpu.memref_slice %arg2[%dma_wait3A_117, %dma_wait3A_118] : memref<10000x128xf32, #tpu.memory_space<hbm>> -> memref<10000x128xf32, #tpu.memory_space<hbm>>
      tpu.wait_indirect_dma semaphore(%arg20 : memref<!tpu.dma_semaphore, #tpu.memory_space<semaphore_mem>>) src(%dma_wait3A_119 : memref<10000x128xf32, #tpu.memory_space<hbm>>) dst(%arg15 : memref<80x128xf32, #tpu.memory_space<vmem>>)
      %dma_wait3A_120 = arith.constant 0 : i32
      %dma_wait3A_121 = arith.constant 0 : i32
      %dma_wait3A_122 = tpu.memref_slice %arg18[%dma_wait3A_120, %dma_wait3A_121] : memref<10240x128xf32, #tpu.memory_space<vmem_shared>> -> memref<10240x128xf32, #tpu.memory_space<vmem_shared>>
      tpu.wait_indirect_dma semaphore(%arg26 : memref<!tpu.dma_semaphore, #tpu.memory_space<semaphore_mem>>) src(%arg17 : memref<80x128xf32, #tpu.memory_space<vmem>>) dst(%dma_wait3A_122 : memref<10240x128xf32, #tpu.memory_space<vmem_shared>>)
      %dma_start3A_123 = arith.constant 0 : i32
      %dma_start3A_124 = arith.constant 0 : i32
      %dma_start3A_125 = tpu.memref_slice %arg18[%dma_start3A_123, %dma_start3A_124] : memref<10240x128xf32, #tpu.memory_space<vmem_shared>> -> memref<10240x128xf32, #tpu.memory_space<vmem_shared>>
      tpu.enqueue_indirect_dma source(%arg15 : memref<80x128xf32, #tpu.memory_space<vmem>>) target(%dma_start3A_125 : memref<10240x128xf32, #tpu.memory_space<vmem_shared>>) offsets(%arg11 : memref<80xi32, #tpu.memory_space<vmem>>) semaphore(%arg24 : memref<!tpu.dma_semaphore, #tpu.memory_space<semaphore_mem>>) {add = true}
      %add3A_126 = arith.constant 1 : i32
      %add3A_127 = arith.addi %add3A_101, %add3A_126 : i32
      %add3A_128 = arith.constant 2 : i32
      %add3A_129 = arith.addi %add3A_127, %add3A_128 : i32
      %lt3A_130 = arith.constant 125 : i32
      %lt3A_131 = arith.cmpi slt, %add3A_129, %lt3A_130 : i32
      %convert_element_type3A_132 = arith.extui %lt3A_131 : i1 to i32
      %cond3A_133 = arith.constant 0 : i32
      %cond3A_134 = arith.cmpi ne, %convert_element_type3A_132, %cond3A_133 : i32
      scf.if %cond3A_134 {
        %add3A_171 = arith.constant 1 : i32
        %add3A_172 = arith.addi %add3A_101, %add3A_171 : i32
        %add3A_173 = arith.constant 2 : i32
        %add3A_174 = arith.addi %add3A_172, %add3A_173 : i32
        %mul3A_175 = arith.constant 80 : i32
        %mul3A_176 = arith.muli %add3A_174, %mul3A_175 : i32
        %add3A_177 = arith.addi %mul3A_2, %mul3A_176 : i32
        "tpu.region"() ({
          %run_scoped3A = tpu.sem_alloc : memref<!tpu.dma_semaphore, #tpu.memory_space<semaphore_mem>>
          %dma_start3A_181 = tpu.memref_slice %arg3[%add3A_177] : memref<320000xi32, #tpu.memory_space<hbm>> -> memref<80xi32, #tpu.memory_space<hbm>>
          %dma_start3A_182 = tpu.memref_slice %arg3[%add3A_177] : memref<320000xi32, #tpu.memory_space<hbm>> -> memref<80xi32, #tpu.memory_space<hbm>>
          tpu.enqueue_dma source(%dma_start3A_182 : memref<80xi32, #tpu.memory_space<hbm>>) target(%arg9 : memref<80xi32, #tpu.memory_space<vmem>>) target_semaphore(%run_scoped3A : memref<!tpu.dma_semaphore, #tpu.memory_space<semaphore_mem>>)
          %dma_wait3A_183 = tpu.memref_slice %arg3[%add3A_177] : memref<320000xi32, #tpu.memory_space<hbm>> -> memref<80xi32, #tpu.memory_space<hbm>>
          %dma_wait3A_184 = tpu.memref_slice %arg3[%add3A_177] : memref<320000xi32, #tpu.memory_space<hbm>> -> memref<80xi32, #tpu.memory_space<hbm>>
          tpu.wait_dma2 semaphore(%run_scoped3A : memref<!tpu.dma_semaphore, #tpu.memory_space<semaphore_mem>>) src(%dma_wait3A_184 : memref<80xi32, #tpu.memory_space<hbm>>) dst(%arg9 : memref<80xi32, #tpu.memory_space<vmem>>)
          tpu.yield
        }) : () -> ()
        "tpu.region"() ({
          %run_scoped3A = tpu.sem_alloc : memref<!tpu.dma_semaphore, #tpu.memory_space<semaphore_mem>>
          %dma_start3A_181 = tpu.memref_slice %arg4[%add3A_177] : memref<320000xi32, #tpu.memory_space<hbm>> -> memref<80xi32, #tpu.memory_space<hbm>>
          %dma_start3A_182 = tpu.memref_slice %arg4[%add3A_177] : memref<320000xi32, #tpu.memory_space<hbm>> -> memref<80xi32, #tpu.memory_space<hbm>>
          tpu.enqueue_dma source(%dma_start3A_182 : memref<80xi32, #tpu.memory_space<hbm>>) target(%arg13 : memref<80xi32, #tpu.memory_space<vmem>>) target_semaphore(%run_scoped3A : memref<!tpu.dma_semaphore, #tpu.memory_space<semaphore_mem>>)
          %dma_wait3A_183 = tpu.memref_slice %arg4[%add3A_177] : memref<320000xi32, #tpu.memory_space<hbm>> -> memref<80xi32, #tpu.memory_space<hbm>>
          %dma_wait3A_184 = tpu.memref_slice %arg4[%add3A_177] : memref<320000xi32, #tpu.memory_space<hbm>> -> memref<80xi32, #tpu.memory_space<hbm>>
          tpu.wait_dma2 semaphore(%run_scoped3A : memref<!tpu.dma_semaphore, #tpu.memory_space<semaphore_mem>>) src(%dma_wait3A_184 : memref<80xi32, #tpu.memory_space<hbm>>) dst(%arg13 : memref<80xi32, #tpu.memory_space<vmem>>)
          tpu.yield
        }) : () -> ()
        %dma_start3A_178 = arith.constant 0 : i32
        %dma_start3A_179 = arith.constant 0 : i32
        %dma_start3A_180 = tpu.memref_slice %arg2[%dma_start3A_178, %dma_start3A_179] : memref<10000x128xf32, #tpu.memory_space<hbm>> -> memref<10000x128xf32, #tpu.memory_space<hbm>>
        tpu.enqueue_indirect_dma source(%dma_start3A_180 : memref<10000x128xf32, #tpu.memory_space<hbm>>) target(%arg17 : memref<80x128xf32, #tpu.memory_space<vmem>>) offsets(%arg9 : memref<80xi32, #tpu.memory_space<vmem>>) semaphore(%arg22 : memref<!tpu.dma_semaphore, #tpu.memory_space<semaphore_mem>>)
      } else {
      }
      %dma_wait3A_135 = arith.constant 0 : i32
      %dma_wait3A_136 = arith.constant 0 : i32
      %dma_wait3A_137 = tpu.memref_slice %arg2[%dma_wait3A_135, %dma_wait3A_136] : memref<10000x128xf32, #tpu.memory_space<hbm>> -> memref<10000x128xf32, #tpu.memory_space<hbm>>
      tpu.wait_indirect_dma semaphore(%arg21 : memref<!tpu.dma_semaphore, #tpu.memory_space<semaphore_mem>>) src(%dma_wait3A_137 : memref<10000x128xf32, #tpu.memory_space<hbm>>) dst(%arg16 : memref<80x128xf32, #tpu.memory_space<vmem>>)
      %dma_wait3A_138 = arith.constant 0 : i32
      %dma_wait3A_139 = arith.constant 0 : i32
      %dma_wait3A_140 = tpu.memref_slice %arg18[%dma_wait3A_138, %dma_wait3A_139] : memref<10240x128xf32, #tpu.memory_space<vmem_shared>> -> memref<10240x128xf32, #tpu.memory_space<vmem_shared>>
      tpu.wait_indirect_dma semaphore(%arg23 : memref<!tpu.dma_semaphore, #tpu.memory_space<semaphore_mem>>) src(%arg14 : memref<80x128xf32, #tpu.memory_space<vmem>>) dst(%dma_wait3A_140 : memref<10240x128xf32, #tpu.memory_space<vmem_shared>>)
      %dma_start3A_141 = arith.constant 0 : i32
      %dma_start3A_142 = arith.constant 0 : i32
      %dma_start3A_143 = tpu.memref_slice %arg18[%dma_start3A_141, %dma_start3A_142] : memref<10240x128xf32, #tpu.memory_space<vmem_shared>> -> memref<10240x128xf32, #tpu.memory_space<vmem_shared>>
      tpu.enqueue_indirect_dma source(%arg16 : memref<80x128xf32, #tpu.memory_space<vmem>>) target(%dma_start3A_143 : memref<10240x128xf32, #tpu.memory_space<vmem_shared>>) offsets(%arg12 : memref<80xi32, #tpu.memory_space<vmem>>) semaphore(%arg25 : memref<!tpu.dma_semaphore, #tpu.memory_space<semaphore_mem>>) {add = true}
      %add3A_144 = arith.constant 2 : i32
      %add3A_145 = arith.addi %add3A_101, %add3A_144 : i32
      %add3A_146 = arith.constant 2 : i32
      %add3A_147 = arith.addi %add3A_145, %add3A_146 : i32
      %lt3A_148 = arith.constant 125 : i32
      %lt3A_149 = arith.cmpi slt, %add3A_147, %lt3A_148 : i32
      %convert_element_type3A_150 = arith.extui %lt3A_149 : i1 to i32
      %cond3A_151 = arith.constant 0 : i32
      %cond3A_152 = arith.cmpi ne, %convert_element_type3A_150, %cond3A_151 : i32
      scf.if %cond3A_152 {
        %add3A_171 = arith.constant 2 : i32
        %add3A_172 = arith.addi %add3A_101, %add3A_171 : i32
        %add3A_173 = arith.constant 2 : i32
        %add3A_174 = arith.addi %add3A_172, %add3A_173 : i32
        %mul3A_175 = arith.constant 80 : i32
        %mul3A_176 = arith.muli %add3A_174, %mul3A_175 : i32
        %add3A_177 = arith.addi %mul3A_2, %mul3A_176 : i32
        "tpu.region"() ({
          %run_scoped3A = tpu.sem_alloc : memref<!tpu.dma_semaphore, #tpu.memory_space<semaphore_mem>>
          %dma_start3A_181 = tpu.memref_slice %arg3[%add3A_177] : memref<320000xi32, #tpu.memory_space<hbm>> -> memref<80xi32, #tpu.memory_space<hbm>>
          %dma_start3A_182 = tpu.memref_slice %arg3[%add3A_177] : memref<320000xi32, #tpu.memory_space<hbm>> -> memref<80xi32, #tpu.memory_space<hbm>>
          tpu.enqueue_dma source(%dma_start3A_182 : memref<80xi32, #tpu.memory_space<hbm>>) target(%arg6 : memref<80xi32, #tpu.memory_space<vmem>>) target_semaphore(%run_scoped3A : memref<!tpu.dma_semaphore, #tpu.memory_space<semaphore_mem>>)
          %dma_wait3A_183 = tpu.memref_slice %arg3[%add3A_177] : memref<320000xi32, #tpu.memory_space<hbm>> -> memref<80xi32, #tpu.memory_space<hbm>>
          %dma_wait3A_184 = tpu.memref_slice %arg3[%add3A_177] : memref<320000xi32, #tpu.memory_space<hbm>> -> memref<80xi32, #tpu.memory_space<hbm>>
          tpu.wait_dma2 semaphore(%run_scoped3A : memref<!tpu.dma_semaphore, #tpu.memory_space<semaphore_mem>>) src(%dma_wait3A_184 : memref<80xi32, #tpu.memory_space<hbm>>) dst(%arg6 : memref<80xi32, #tpu.memory_space<vmem>>)
          tpu.yield
        }) : () -> ()
        "tpu.region"() ({
          %run_scoped3A = tpu.sem_alloc : memref<!tpu.dma_semaphore, #tpu.memory_space<semaphore_mem>>
          %dma_start3A_181 = tpu.memref_slice %arg4[%add3A_177] : memref<320000xi32, #tpu.memory_space<hbm>> -> memref<80xi32, #tpu.memory_space<hbm>>
          %dma_start3A_182 = tpu.memref_slice %arg4[%add3A_177] : memref<320000xi32, #tpu.memory_space<hbm>> -> memref<80xi32, #tpu.memory_space<hbm>>
          tpu.enqueue_dma source(%dma_start3A_182 : memref<80xi32, #tpu.memory_space<hbm>>) target(%arg10 : memref<80xi32, #tpu.memory_space<vmem>>) target_semaphore(%run_scoped3A : memref<!tpu.dma_semaphore, #tpu.memory_space<semaphore_mem>>)
          %dma_wait3A_183 = tpu.memref_slice %arg4[%add3A_177] : memref<320000xi32, #tpu.memory_space<hbm>> -> memref<80xi32, #tpu.memory_space<hbm>>
          %dma_wait3A_184 = tpu.memref_slice %arg4[%add3A_177] : memref<320000xi32, #tpu.memory_space<hbm>> -> memref<80xi32, #tpu.memory_space<hbm>>
          tpu.wait_dma2 semaphore(%run_scoped3A : memref<!tpu.dma_semaphore, #tpu.memory_space<semaphore_mem>>) src(%dma_wait3A_184 : memref<80xi32, #tpu.memory_space<hbm>>) dst(%arg10 : memref<80xi32, #tpu.memory_space<vmem>>)
          tpu.yield
        }) : () -> ()
        %dma_start3A_178 = arith.constant 0 : i32
        %dma_start3A_179 = arith.constant 0 : i32
        %dma_start3A_180 = tpu.memref_slice %arg2[%dma_start3A_178, %dma_start3A_179] : memref<10000x128xf32, #tpu.memory_space<hbm>> -> memref<10000x128xf32, #tpu.memory_space<hbm>>
        tpu.enqueue_indirect_dma source(%dma_start3A_180 : memref<10000x128xf32, #tpu.memory_space<hbm>>) target(%arg14 : memref<80x128xf32, #tpu.memory_space<vmem>>) offsets(%arg6 : memref<80xi32, #tpu.memory_space<vmem>>) semaphore(%arg19 : memref<!tpu.dma_semaphore, #tpu.memory_space<semaphore_mem>>)
      } else {
      }
      %dma_wait3A_153 = arith.constant 0 : i32
      %dma_wait3A_154 = arith.constant 0 : i32
      %dma_wait3A_155 = tpu.memref_slice %arg2[%dma_wait3A_153, %dma_wait3A_154] : memref<10000x128xf32, #tpu.memory_space<hbm>> -> memref<10000x128xf32, #tpu.memory_space<hbm>>
      tpu.wait_indirect_dma semaphore(%arg22 : memref<!tpu.dma_semaphore, #tpu.memory_space<semaphore_mem>>) src(%dma_wait3A_155 : memref<10000x128xf32, #tpu.memory_space<hbm>>) dst(%arg17 : memref<80x128xf32, #tpu.memory_space<vmem>>)
      %dma_wait3A_156 = arith.constant 0 : i32
      %dma_wait3A_157 = arith.constant 0 : i32
      %dma_wait3A_158 = tpu.memref_slice %arg18[%dma_wait3A_156, %dma_wait3A_157] : memref<10240x128xf32, #tpu.memory_space<vmem_shared>> -> memref<10240x128xf32, #tpu.memory_space<vmem_shared>>
      tpu.wait_indirect_dma semaphore(%arg24 : memref<!tpu.dma_semaphore, #tpu.memory_space<semaphore_mem>>) src(%arg15 : memref<80x128xf32, #tpu.memory_space<vmem>>) dst(%dma_wait3A_158 : memref<10240x128xf32, #tpu.memory_space<vmem_shared>>)
      %dma_start3A_159 = arith.constant 0 : i32
      %dma_start3A_160 = arith.constant 0 : i32
      %dma_start3A_161 = tpu.memref_slice %arg18[%dma_start3A_159, %dma_start3A_160] : memref<10240x128xf32, #tpu.memory_space<vmem_shared>> -> memref<10240x128xf32, #tpu.memory_space<vmem_shared>>
      tpu.enqueue_indirect_dma source(%arg17 : memref<80x128xf32, #tpu.memory_space<vmem>>) target(%dma_start3A_161 : memref<10240x128xf32, #tpu.memory_space<vmem_shared>>) offsets(%arg13 : memref<80xi32, #tpu.memory_space<vmem>>) semaphore(%arg26 : memref<!tpu.dma_semaphore, #tpu.memory_space<semaphore_mem>>) {add = true}
      %add3A_162 = arith.constant 3 : i32
      %add3A_163 = arith.addi %add3A_101, %add3A_162 : i32
      %add3A_164 = arith.constant 2 : i32
      %add3A_165 = arith.addi %add3A_163, %add3A_164 : i32
      %lt3A_166 = arith.constant 125 : i32
      %lt3A_167 = arith.cmpi slt, %add3A_165, %lt3A_166 : i32
      %convert_element_type3A_168 = arith.extui %lt3A_167 : i1 to i32
      %cond3A_169 = arith.constant 0 : i32
      %cond3A_170 = arith.cmpi ne, %convert_element_type3A_168, %cond3A_169 : i32
      scf.if %cond3A_170 {
        %add3A_171 = arith.constant 3 : i32
        %add3A_172 = arith.addi %add3A_101, %add3A_171 : i32
        %add3A_173 = arith.constant 2 : i32
        %add3A_174 = arith.addi %add3A_172, %add3A_173 : i32
        %mul3A_175 = arith.constant 80 : i32
        %mul3A_176 = arith.muli %add3A_174, %mul3A_175 : i32
        %add3A_177 = arith.addi %mul3A_2, %mul3A_176 : i32
        "tpu.region"() ({
          %run_scoped3A = tpu.sem_alloc : memref<!tpu.dma_semaphore, #tpu.memory_space<semaphore_mem>>
          %dma_start3A_181 = tpu.memref_slice %arg3[%add3A_177] : memref<320000xi32, #tpu.memory_space<hbm>> -> memref<80xi32, #tpu.memory_space<hbm>>
          %dma_start3A_182 = tpu.memref_slice %arg3[%add3A_177] : memref<320000xi32, #tpu.memory_space<hbm>> -> memref<80xi32, #tpu.memory_space<hbm>>
          tpu.enqueue_dma source(%dma_start3A_182 : memref<80xi32, #tpu.memory_space<hbm>>) target(%arg7 : memref<80xi32, #tpu.memory_space<vmem>>) target_semaphore(%run_scoped3A : memref<!tpu.dma_semaphore, #tpu.memory_space<semaphore_mem>>)
          %dma_wait3A_183 = tpu.memref_slice %arg3[%add3A_177] : memref<320000xi32, #tpu.memory_space<hbm>> -> memref<80xi32, #tpu.memory_space<hbm>>
          %dma_wait3A_184 = tpu.memref_slice %arg3[%add3A_177] : memref<320000xi32, #tpu.memory_space<hbm>> -> memref<80xi32, #tpu.memory_space<hbm>>
          tpu.wait_dma2 semaphore(%run_scoped3A : memref<!tpu.dma_semaphore, #tpu.memory_space<semaphore_mem>>) src(%dma_wait3A_184 : memref<80xi32, #tpu.memory_space<hbm>>) dst(%arg7 : memref<80xi32, #tpu.memory_space<vmem>>)
          tpu.yield
        }) : () -> ()
        "tpu.region"() ({
          %run_scoped3A = tpu.sem_alloc : memref<!tpu.dma_semaphore, #tpu.memory_space<semaphore_mem>>
          %dma_start3A_181 = tpu.memref_slice %arg4[%add3A_177] : memref<320000xi32, #tpu.memory_space<hbm>> -> memref<80xi32, #tpu.memory_space<hbm>>
          %dma_start3A_182 = tpu.memref_slice %arg4[%add3A_177] : memref<320000xi32, #tpu.memory_space<hbm>> -> memref<80xi32, #tpu.memory_space<hbm>>
          tpu.enqueue_dma source(%dma_start3A_182 : memref<80xi32, #tpu.memory_space<hbm>>) target(%arg11 : memref<80xi32, #tpu.memory_space<vmem>>) target_semaphore(%run_scoped3A : memref<!tpu.dma_semaphore, #tpu.memory_space<semaphore_mem>>)
          %dma_wait3A_183 = tpu.memref_slice %arg4[%add3A_177] : memref<320000xi32, #tpu.memory_space<hbm>> -> memref<80xi32, #tpu.memory_space<hbm>>
          %dma_wait3A_184 = tpu.memref_slice %arg4[%add3A_177] : memref<320000xi32, #tpu.memory_space<hbm>> -> memref<80xi32, #tpu.memory_space<hbm>>
          tpu.wait_dma2 semaphore(%run_scoped3A : memref<!tpu.dma_semaphore, #tpu.memory_space<semaphore_mem>>) src(%dma_wait3A_184 : memref<80xi32, #tpu.memory_space<hbm>>) dst(%arg11 : memref<80xi32, #tpu.memory_space<vmem>>)
          tpu.yield
        }) : () -> ()
        %dma_start3A_178 = arith.constant 0 : i32
        %dma_start3A_179 = arith.constant 0 : i32
        %dma_start3A_180 = tpu.memref_slice %arg2[%dma_start3A_178, %dma_start3A_179] : memref<10000x128xf32, #tpu.memory_space<hbm>> -> memref<10000x128xf32, #tpu.memory_space<hbm>>
        tpu.enqueue_indirect_dma source(%dma_start3A_180 : memref<10000x128xf32, #tpu.memory_space<hbm>>) target(%arg15 : memref<80x128xf32, #tpu.memory_space<vmem>>) offsets(%arg7 : memref<80xi32, #tpu.memory_space<vmem>>) semaphore(%arg20 : memref<!tpu.dma_semaphore, #tpu.memory_space<semaphore_mem>>)
      } else {
      }
    }
    %scan3A_75 = arith.constant 30 : i32
    %dma_wait3A_76 = arith.constant 0 : i32
    %dma_wait3A_77 = arith.constant 0 : i32
    %dma_wait3A_78 = tpu.memref_slice %arg2[%dma_wait3A_76, %dma_wait3A_77] : memref<10000x128xf32, #tpu.memory_space<hbm>> -> memref<10000x128xf32, #tpu.memory_space<hbm>>
    tpu.wait_indirect_dma semaphore(%arg19 : memref<!tpu.dma_semaphore, #tpu.memory_space<semaphore_mem>>) src(%dma_wait3A_78 : memref<10000x128xf32, #tpu.memory_space<hbm>>) dst(%arg14 : memref<80x128xf32, #tpu.memory_space<vmem>>)
    %dma_wait3A_79 = arith.constant 0 : i32
    %dma_wait3A_80 = arith.constant 0 : i32
    %dma_wait3A_81 = tpu.memref_slice %arg18[%dma_wait3A_79, %dma_wait3A_80] : memref<10240x128xf32, #tpu.memory_space<vmem_shared>> -> memref<10240x128xf32, #tpu.memory_space<vmem_shared>>
    tpu.wait_indirect_dma semaphore(%arg25 : memref<!tpu.dma_semaphore, #tpu.memory_space<semaphore_mem>>) src(%arg16 : memref<80x128xf32, #tpu.memory_space<vmem>>) dst(%dma_wait3A_81 : memref<10240x128xf32, #tpu.memory_space<vmem_shared>>)
    %dma_start3A_82 = arith.constant 0 : i32
    %dma_start3A_83 = arith.constant 0 : i32
    %dma_start3A_84 = tpu.memref_slice %arg18[%dma_start3A_82, %dma_start3A_83] : memref<10240x128xf32, #tpu.memory_space<vmem_shared>> -> memref<10240x128xf32, #tpu.memory_space<vmem_shared>>
    tpu.enqueue_indirect_dma source(%arg14 : memref<80x128xf32, #tpu.memory_space<vmem>>) target(%dma_start3A_84 : memref<10240x128xf32, #tpu.memory_space<vmem_shared>>) offsets(%arg10 : memref<80xi32, #tpu.memory_space<vmem>>) semaphore(%arg23 : memref<!tpu.dma_semaphore, #tpu.memory_space<semaphore_mem>>) {add = true}
    %dma_wait3A_85 = arith.constant 0 : i32
    %dma_wait3A_86 = arith.constant 0 : i32
    %dma_wait3A_87 = tpu.memref_slice %arg18[%dma_wait3A_85, %dma_wait3A_86] : memref<10240x128xf32, #tpu.memory_space<vmem_shared>> -> memref<10240x128xf32, #tpu.memory_space<vmem_shared>>
    tpu.wait_indirect_dma semaphore(%arg26 : memref<!tpu.dma_semaphore, #tpu.memory_space<semaphore_mem>>) src(%arg17 : memref<80x128xf32, #tpu.memory_space<vmem>>) dst(%dma_wait3A_87 : memref<10240x128xf32, #tpu.memory_space<vmem_shared>>)
    %dma_wait3A_88 = arith.constant 0 : i32
    %dma_wait3A_89 = arith.constant 0 : i32
    %dma_wait3A_90 = tpu.memref_slice %arg18[%dma_wait3A_88, %dma_wait3A_89] : memref<10240x128xf32, #tpu.memory_space<vmem_shared>> -> memref<10240x128xf32, #tpu.memory_space<vmem_shared>>
    tpu.wait_indirect_dma semaphore(%arg23 : memref<!tpu.dma_semaphore, #tpu.memory_space<semaphore_mem>>) src(%arg14 : memref<80x128xf32, #tpu.memory_space<vmem>>) dst(%dma_wait3A_90 : memref<10240x128xf32, #tpu.memory_space<vmem_shared>>)
    %barrier3A_91 = arith.constant 0 : index
    tpu.barrier barrier_id(%barrier3A_91)
    %mul3A_92 = arith.constant 640 : i32
    %mul3A_93 = arith.muli %arg1, %mul3A_92 : i32
    %mul3A_94 = arith.constant 10240 : i32
    %mul3A_95 = arith.muli %arg0, %mul3A_94 : i32
    %add3A_96 = arith.addi %mul3A_95, %mul3A_93 : i32
    "tpu.region"() ({
      %run_scoped3A = tpu.sem_alloc : memref<!tpu.dma_semaphore, #tpu.memory_space<semaphore_mem>>
      %dma_start3A_97 = arith.constant 0 : i32
      %dma_start3A_98 = tpu.memref_slice %arg5[%add3A_96, %dma_start3A_97] : memref<20480x128xf32, #tpu.memory_space<hbm>> -> memref<640x128xf32, #tpu.memory_space<hbm>>
      %dma_start3A_99 = arith.constant 0 : i32
      %dma_start3A_100 = tpu.memref_slice %arg18[%mul3A_93, %dma_start3A_99] : memref<10240x128xf32, #tpu.memory_space<vmem_shared>> -> memref<640x128xf32, #tpu.memory_space<vmem_shared>>
      tpu.enqueue_dma source(%dma_start3A_100 : memref<640x128xf32, #tpu.memory_space<vmem_shared>>) target(%dma_start3A_98 : memref<640x128xf32, #tpu.memory_space<hbm>>) target_semaphore(%run_scoped3A : memref<!tpu.dma_semaphore, #tpu.memory_space<semaphore_mem>>)
      %dma_wait3A_101 = arith.constant 0 : i32
      %dma_wait3A_102 = tpu.memref_slice %arg5[%add3A_96, %dma_wait3A_101] : memref<20480x128xf32, #tpu.memory_space<hbm>> -> memref<640x128xf32, #tpu.memory_space<hbm>>
      %dma_wait3A_103 = arith.constant 0 : i32
      %dma_wait3A_104 = tpu.memref_slice %arg18[%mul3A_93, %dma_wait3A_103] : memref<10240x128xf32, #tpu.memory_space<vmem_shared>> -> memref<640x128xf32, #tpu.memory_space<vmem_shared>>
      tpu.wait_dma2 semaphore(%run_scoped3A : memref<!tpu.dma_semaphore, #tpu.memory_space<semaphore_mem>>) src(%dma_wait3A_104 : memref<640x128xf32, #tpu.memory_space<vmem_shared>>) dst(%dma_wait3A_102 : memref<640x128xf32, #tpu.memory_space<hbm>>)
      tpu.yield
    }) : () -> ()
    return
  }
}

#map = affine_map<(d0, d1) -> (0, 0)>
#map1 = affine_map<(d0, d1) -> (0)>
module attributes {stable_mosaic.version = 14 : i64} {
  func.func @scatter_kernel(%arg0: i32, %arg1: i32, %arg2: memref<10000x128xf32, #tpu.memory_space<hbm>>, %arg3: memref<320000xi32, #tpu.memory_space<hbm>>, %arg4: memref<320000xi32, #tpu.memory_space<hbm>>, %arg5: memref<20480x128xf32, #tpu.memory_space<hbm>>, %arg6: memref<80xi32, #tpu.memory_space<vmem>>, %arg7: memref<80xi32, #tpu.memory_space<vmem>>, %arg8: memref<80xi32, #tpu.memory_space<vmem>>, %arg9: memref<80xi32, #tpu.memory_space<vmem>>, %arg10: memref<80xi32, #tpu.memory_space<vmem>>, %arg11: memref<80xi32, #tpu.memory_space<vmem>>, %arg12: memref<80xi32, #tpu.memory_space<vmem>>, %arg13: memref<80xi32, #tpu.memory_space<vmem>>, %arg14: memref<80x128xf32, #tpu.memory_space<vmem>>, %arg15: memref<80x128xf32, #tpu.memory_space<vmem>>, %arg16: memref<80x128xf32, #tpu.memory_space<vmem>>, %arg17: memref<80x128xf32, #tpu.memory_space<vmem>>, %arg18: memref<10240x128xf32, #tpu.memory_space<vmem_shared>>, %arg19: memref<!tpu.dma_semaphore, #tpu.memory_space<semaphore_mem>>, %arg20: memref<!tpu.dma_semaphore, #tpu.memory_space<semaphore_mem>>, %arg21: memref<!tpu.dma_semaphore, #tpu.memory_space<semaphore_mem>>, %arg22: memref<!tpu.dma_semaphore, #tpu.memory_space<semaphore_mem>>, %arg23: memref<!tpu.dma_semaphore, #tpu.memory_space<semaphore_mem>>, %arg24: memref<!tpu.dma_semaphore, #tpu.memory_space<semaphore_mem>>, %arg25: memref<!tpu.dma_semaphore, #tpu.memory_space<semaphore_mem>>, %arg26: memref<!tpu.dma_semaphore, #tpu.memory_space<semaphore_mem>>) attributes {dimension_semantics = [#tpu.dimension_semantics<core_parallel>, #tpu.dimension_semantics<subcore_parallel>], iteration_bounds = array<i64: 2, 16>, scalar_prefetch = 0 : i64, scratch_operands = 21 : i64, tpu.core_type = #tpu.core_type<sc_vector_subcore>, window_params = [{transform_indices = #map}, {transform_indices = #map1}, {transform_indices = #map1}, {transform_indices = #map}]} {
    %mul3A = arith.constant 16 : i32
    %mul3A_0 = arith.muli %arg0, %mul3A : i32
    %add3A = arith.addi %mul3A_0, %arg1 : i32
    %mul3A_1 = arith.constant 10000 : i32
    %mul3A_2 = arith.muli %add3A, %mul3A_1 : i32
    %broadcast_in_dim3A = arith.constant 0.000000e+00 : f32
    %broadcast_in_dim3A_3 = vector.broadcast %broadcast_in_dim3A : f32 to vector<16xf32>
    %scan3A = arith.constant 0 : i32
    %scan3A_4 = arith.constant 80 : i32
    %scan3A_5 = arith.addi %scan3A, %scan3A_4 : i32
    %scan3A_6 = arith.constant 1 : i32
    scf.for %scan3A_97 = %scan3A to %scan3A_5 step %scan3A_6  : i32 {
      %mul3A_98 = arith.constant 1 : i32
      %mul3A_99 = arith.muli %scan3A_97, %mul3A_98 : i32
      %add3A_100 = arith.constant 0 : i32
      %add3A_101 = arith.addi %add3A_100, %mul3A_99 : i32
      %swap3A = arith.index_cast %add3A_101 : i32 to index
      %swap3A_102 = arith.constant 0 : index
      %swap3A_103 = tpu.vector_load %arg14[%swap3A, %swap3A_102] {strides = array<i32>} : memref<80x128xf32, #tpu.memory_space<vmem>>, vector<1x16xf32>,
      %swap3A_104 = vector.shape_cast %swap3A_103 : vector<1x16xf32> to vector<16xf32>
      %swap3A_105 = vector.shape_cast %broadcast_in_dim3A_3 : vector<16xf32> to vector<1x16xf32>
      tpu.vector_store %arg14[%swap3A, %swap3A_102], %swap3A_105 {strides = array<i32>} : memref<80x128xf32, #tpu.memory_space<vmem>>, vector<1x16xf32>,
      %swap3A_106 = arith.index_cast %add3A_101 : i32 to index
      %swap3A_107 = arith.constant 16 : index
      %swap3A_108 = tpu.vector_load %arg14[%swap3A_106, %swap3A_107] {strides = array<i32>} : memref<80x128xf32, #tpu.memory_space<vmem>>, vector<1x16xf32>,
      %swap3A_109 = vector.shape_cast %swap3A_108 : vector<1x16xf32> to vector<16xf32>
      %swap3A_110 = vector.shape_cast %broadcast_in_dim3A_3 : vector<16xf32> to vector<1x16xf32>
      tpu.vector_store %arg14[%swap3A_106, %swap3A_107], %swap3A_110 {strides = array<i32>} : memref<80x128xf32, #tpu.memory_space<vmem>>, vector<1x16xf32>,
      %swap3A_111 = arith.index_cast %add3A_101 : i32 to index
      %swap3A_112 = arith.constant 32 : index
      %swap3A_113 = tpu.vector_load %arg14[%swap3A_111, %swap3A_112] {strides = array<i32>} : memref<80x128xf32, #tpu.memory_space<vmem>>, vector<1x16xf32>,
      %swap3A_114 = vector.shape_cast %swap3A_113 : vector<1x16xf32> to vector<16xf32>
      %swap3A_115 = vector.shape_cast %broadcast_in_dim3A_3 : vector<16xf32> to vector<1x16xf32>
      tpu.vector_store %arg14[%swap3A_111, %swap3A_112], %swap3A_115 {strides = array<i32>} : memref<80x128xf32, #tpu.memory_space<vmem>>, vector<1x16xf32>,
      %swap3A_116 = arith.index_cast %add3A_101 : i32 to index
      %swap3A_117 = arith.constant 48 : index
      %swap3A_118 = tpu.vector_load %arg14[%swap3A_116, %swap3A_117] {strides = array<i32>} : memref<80x128xf32, #tpu.memory_space<vmem>>, vector<1x16xf32>,
      %swap3A_119 = vector.shape_cast %swap3A_118 : vector<1x16xf32> to vector<16xf32>
      %swap3A_120 = vector.shape_cast %broadcast_in_dim3A_3 : vector<16xf32> to vector<1x16xf32>
      tpu.vector_store %arg14[%swap3A_116, %swap3A_117], %swap3A_120 {strides = array<i32>} : memref<80x128xf32, #tpu.memory_space<vmem>>, vector<1x16xf32>,
      %swap3A_121 = arith.index_cast %add3A_101 : i32 to index
      %swap3A_122 = arith.constant 64 : index
      %swap3A_123 = tpu.vector_load %arg14[%swap3A_121, %swap3A_122] {strides = array<i32>} : memref<80x128xf32, #tpu.memory_space<vmem>>, vector<1x16xf32>,
      %swap3A_124 = vector.shape_cast %swap3A_123 : vector<1x16xf32> to vector<16xf32>
      %swap3A_125 = vector.shape_cast %broadcast_in_dim3A_3 : vector<16xf32> to vector<1x16xf32>
      tpu.vector_store %arg14[%swap3A_121, %swap3A_122], %swap3A_125 {strides = array<i32>} : memref<80x128xf32, #tpu.memory_space<vmem>>, vector<1x16xf32>,
      %swap3A_126 = arith.index_cast %add3A_101 : i32 to index
      %swap3A_127 = arith.constant 80 : index
      %swap3A_128 = tpu.vector_load %arg14[%swap3A_126, %swap3A_127] {strides = array<i32>} : memref<80x128xf32, #tpu.memory_space<vmem>>, vector<1x16xf32>,
      %swap3A_129 = vector.shape_cast %swap3A_128 : vector<1x16xf32> to vector<16xf32>
      %swap3A_130 = vector.shape_cast %broadcast_in_dim3A_3 : vector<16xf32> to vector<1x16xf32>
      tpu.vector_store %arg14[%swap3A_126, %swap3A_127], %swap3A_130 {strides = array<i32>} : memref<80x128xf32, #tpu.memory_space<vmem>>, vector<1x16xf32>,
      %swap3A_131 = arith.index_cast %add3A_101 : i32 to index
      %swap3A_132 = arith.constant 96 : index
      %swap3A_133 = tpu.vector_load %arg14[%swap3A_131, %swap3A_132] {strides = array<i32>} : memref<80x128xf32, #tpu.memory_space<vmem>>, vector<1x16xf32>,
      %swap3A_134 = vector.shape_cast %swap3A_133 : vector<1x16xf32> to vector<16xf32>
      %swap3A_135 = vector.shape_cast %broadcast_in_dim3A_3 : vector<16xf32> to vector<1x16xf32>
      tpu.vector_store %arg14[%swap3A_131, %swap3A_132], %swap3A_135 {strides = array<i32>} : memref<80x128xf32, #tpu.memory_space<vmem>>, vector<1x16xf32>,
      %swap3A_136 = arith.index_cast %add3A_101 : i32 to index
      %swap3A_137 = arith.constant 112 : index
      %swap3A_138 = tpu.vector_load %arg14[%swap3A_136, %swap3A_137] {strides = array<i32>} : memref<80x128xf32, #tpu.memory_space<vmem>>, vector<1x16xf32>,
      %swap3A_139 = vector.shape_cast %swap3A_138 : vector<1x16xf32> to vector<16xf32>
      %swap3A_140 = vector.shape_cast %broadcast_in_dim3A_3 : vector<16xf32> to vector<1x16xf32>
      tpu.vector_store %arg14[%swap3A_136, %swap3A_137], %swap3A_140 {strides = array<i32>} : memref<80x128xf32, #tpu.memory_space<vmem>>, vector<1x16xf32>,
    }
    %scan3A_7 = arith.constant 80 : i32
    %scan3A_8 = arith.constant 0 : i32
    %scan3A_9 = arith.constant 8 : i32
    %scan3A_10 = arith.addi %scan3A_8, %scan3A_9 : i32
    %scan3A_11 = arith.constant 1 : i32
    scf.for %scan3A_97 = %scan3A_8 to %scan3A_10 step %scan3A_11  : i32 {
      %mul3A_98 = arith.constant 1 : i32
      %mul3A_99 = arith.muli %scan3A_97, %mul3A_98 : i32
      %add3A_100 = arith.constant 0 : i32
      %add3A_101 = arith.addi %add3A_100, %mul3A_99 : i32
      %mul3A_102 = arith.constant 640 : i32
      %mul3A_103 = arith.muli %arg1, %mul3A_102 : i32
      %mul3A_104 = arith.constant 80 : i32
      %mul3A_105 = arith.muli %add3A_101, %mul3A_104 : i32
      %add3A_106 = arith.addi %mul3A_103, %mul3A_105 : i32
      "tpu.region"() ({
        %run_scoped3A = tpu.sem_alloc : memref<!tpu.dma_semaphore, #tpu.memory_space<semaphore_mem>>
        %dma_start3A_107 = arith.constant 0 : i32
        %dma_start3A_108 = tpu.memref_slice %arg18[%add3A_106, %dma_start3A_107] : memref<10240x128xf32, #tpu.memory_space<vmem_shared>> -> memref<80x128xf32, #tpu.memory_space<vmem_shared>>
        %dma_start3A_109 = arith.constant 0 : i32
        %dma_start3A_110 = tpu.memref_slice %arg18[%add3A_106, %dma_start3A_109] : memref<10240x128xf32, #tpu.memory_space<vmem_shared>> -> memref<80x128xf32, #tpu.memory_space<vmem_shared>>
        tpu.enqueue_dma source(%arg14 : memref<80x128xf32, #tpu.memory_space<vmem>>) target(%dma_start3A_110 : memref<80x128xf32, #tpu.memory_space<vmem_shared>>) target_semaphore(%run_scoped3A : memref<!tpu.dma_semaphore, #tpu.memory_space<semaphore_mem>>)
        %dma_wait3A_111 = arith.constant 0 : i32
        %dma_wait3A_112 = tpu.memref_slice %arg18[%add3A_106, %dma_wait3A_111] : memref<10240x128xf32, #tpu.memory_space<vmem_shared>> -> memref<80x128xf32, #tpu.memory_space<vmem_shared>>
        %dma_wait3A_113 = arith.constant 0 : i32
        %dma_wait3A_114 = tpu.memref_slice %arg18[%add3A_106, %dma_wait3A_113] : memref<10240x128xf32, #tpu.memory_space<vmem_shared>> -> memref<80x128xf32, #tpu.memory_space<vmem_shared>>
        tpu.wait_dma2 semaphore(%run_scoped3A : memref<!tpu.dma_semaphore, #tpu.memory_space<semaphore_mem>>) src(%arg14 : memref<80x128xf32, #tpu.memory_space<vmem>>) dst(%dma_wait3A_114 : memref<80x128xf32, #tpu.memory_space<vmem_shared>>)
        tpu.yield
      }) : () -> ()
    }
    %scan3A_12 = arith.constant 8 : i32
    %add3A_13 = arith.constant 0 : i32
    %add3A_14 = arith.addi %mul3A_2, %add3A_13 : i32
    "tpu.region"() ({
      %run_scoped3A = tpu.sem_alloc : memref<!tpu.dma_semaphore, #tpu.memory_space<semaphore_mem>>
      %dma_start3A_97 = tpu.memref_slice %arg3[%add3A_14] : memref<320000xi32, #tpu.memory_space<hbm>> -> memref<80xi32, #tpu.memory_space<hbm>>
      %dma_start3A_98 = tpu.memref_slice %arg3[%add3A_14] : memref<320000xi32, #tpu.memory_space<hbm>> -> memref<80xi32, #tpu.memory_space<hbm>>
      tpu.enqueue_dma source(%dma_start3A_98 : memref<80xi32, #tpu.memory_space<hbm>>) target(%arg6 : memref<80xi32, #tpu.memory_space<vmem>>) target_semaphore(%run_scoped3A : memref<!tpu.dma_semaphore, #tpu.memory_space<semaphore_mem>>)
      %dma_wait3A_99 = tpu.memref_slice %arg3[%add3A_14] : memref<320000xi32, #tpu.memory_space<hbm>> -> memref<80xi32, #tpu.memory_space<hbm>>
      %dma_wait3A_100 = tpu.memref_slice %arg3[%add3A_14] : memref<320000xi32, #tpu.memory_space<hbm>> -> memref<80xi32, #tpu.memory_space<hbm>>
      tpu.wait_dma2 semaphore(%run_scoped3A : memref<!tpu.dma_semaphore, #tpu.memory_space<semaphore_mem>>) src(%dma_wait3A_100 : memref<80xi32, #tpu.memory_space<hbm>>) dst(%arg6 : memref<80xi32, #tpu.memory_space<vmem>>)
      tpu.yield
    }) : () -> ()
    "tpu.region"() ({
      %run_scoped3A = tpu.sem_alloc : memref<!tpu.dma_semaphore, #tpu.memory_space<semaphore_mem>>
      %dma_start3A_97 = tpu.memref_slice %arg4[%add3A_14] : memref<320000xi32, #tpu.memory_space<hbm>> -> memref<80xi32, #tpu.memory_space<hbm>>
      %dma_start3A_98 = tpu.memref_slice %arg4[%add3A_14] : memref<320000xi32, #tpu.memory_space<hbm>> -> memref<80xi32, #tpu.memory_space<hbm>>
      tpu.enqueue_dma source(%dma_start3A_98 : memref<80xi32, #tpu.memory_space<hbm>>) target(%arg10 : memref<80xi32, #tpu.memory_space<vmem>>) target_semaphore(%run_scoped3A : memref<!tpu.dma_semaphore, #tpu.memory_space<semaphore_mem>>)
      %dma_wait3A_99 = tpu.memref_slice %arg4[%add3A_14] : memref<320000xi32, #tpu.memory_space<hbm>> -> memref<80xi32, #tpu.memory_space<hbm>>
      %dma_wait3A_100 = tpu.memref_slice %arg4[%add3A_14] : memref<320000xi32, #tpu.memory_space<hbm>> -> memref<80xi32, #tpu.memory_space<hbm>>
      tpu.wait_dma2 semaphore(%run_scoped3A : memref<!tpu.dma_semaphore, #tpu.memory_space<semaphore_mem>>) src(%dma_wait3A_100 : memref<80xi32, #tpu.memory_space<hbm>>) dst(%arg10 : memref<80xi32, #tpu.memory_space<vmem>>)
      tpu.yield
    }) : () -> ()
    %add3A_15 = arith.constant 80 : i32
    %add3A_16 = arith.addi %mul3A_2, %add3A_15 : i32
    "tpu.region"() ({
      %run_scoped3A = tpu.sem_alloc : memref<!tpu.dma_semaphore, #tpu.memory_space<semaphore_mem>>
      %dma_start3A_97 = tpu.memref_slice %arg3[%add3A_16] : memref<320000xi32, #tpu.memory_space<hbm>> -> memref<80xi32, #tpu.memory_space<hbm>>
      %dma_start3A_98 = tpu.memref_slice %arg3[%add3A_16] : memref<320000xi32, #tpu.memory_space<hbm>> -> memref<80xi32, #tpu.memory_space<hbm>>
      tpu.enqueue_dma source(%dma_start3A_98 : memref<80xi32, #tpu.memory_space<hbm>>) target(%arg7 : memref<80xi32, #tpu.memory_space<vmem>>) target_semaphore(%run_scoped3A : memref<!tpu.dma_semaphore, #tpu.memory_space<semaphore_mem>>)
      %dma_wait3A_99 = tpu.memref_slice %arg3[%add3A_16] : memref<320000xi32, #tpu.memory_space<hbm>> -> memref<80xi32, #tpu.memory_space<hbm>>
      %dma_wait3A_100 = tpu.memref_slice %arg3[%add3A_16] : memref<320000xi32, #tpu.memory_space<hbm>> -> memref<80xi32, #tpu.memory_space<hbm>>
      tpu.wait_dma2 semaphore(%run_scoped3A : memref<!tpu.dma_semaphore, #tpu.memory_space<semaphore_mem>>) src(%dma_wait3A_100 : memref<80xi32, #tpu.memory_space<hbm>>) dst(%arg7 : memref<80xi32, #tpu.memory_space<vmem>>)
      tpu.yield
    }) : () -> ()
    "tpu.region"() ({
      %run_scoped3A = tpu.sem_alloc : memref<!tpu.dma_semaphore, #tpu.memory_space<semaphore_mem>>
      %dma_start3A_97 = tpu.memref_slice %arg4[%add3A_16] : memref<320000xi32, #tpu.memory_space<hbm>> -> memref<80xi32, #tpu.memory_space<hbm>>
      %dma_start3A_98 = tpu.memref_slice %arg4[%add3A_16] : memref<320000xi32, #tpu.memory_space<hbm>> -> memref<80xi32, #tpu.memory_space<hbm>>
      tpu.enqueue_dma source(%dma_start3A_98 : memref<80xi32, #tpu.memory_space<hbm>>) target(%arg11 : memref<80xi32, #tpu.memory_space<vmem>>) target_semaphore(%run_scoped3A : memref<!tpu.dma_semaphore, #tpu.memory_space<semaphore_mem>>)
      %dma_wait3A_99 = tpu.memref_slice %arg4[%add3A_16] : memref<320000xi32, #tpu.memory_space<hbm>> -> memref<80xi32, #tpu.memory_space<hbm>>
      %dma_wait3A_100 = tpu.memref_slice %arg4[%add3A_16] : memref<320000xi32, #tpu.memory_space<hbm>> -> memref<80xi32, #tpu.memory_space<hbm>>
      tpu.wait_dma2 semaphore(%run_scoped3A : memref<!tpu.dma_semaphore, #tpu.memory_space<semaphore_mem>>) src(%dma_wait3A_100 : memref<80xi32, #tpu.memory_space<hbm>>) dst(%arg11 : memref<80xi32, #tpu.memory_space<vmem>>)
      tpu.yield
    }) : () -> ()
    %dma_start3A = arith.constant 0 : i32
    %dma_start3A_17 = arith.constant 0 : i32
    %dma_start3A_18 = tpu.memref_slice %arg2[%dma_start3A, %dma_start3A_17] : memref<10000x128xf32, #tpu.memory_space<hbm>> -> memref<10000x128xf32, #tpu.memory_space<hbm>>
    tpu.enqueue_indirect_dma source(%dma_start3A_18 : memref<10000x128xf32, #tpu.memory_space<hbm>>) target(%arg14 : memref<80x128xf32, #tpu.memory_space<vmem>>) offsets(%arg6 : memref<80xi32, #tpu.memory_space<vmem>>) semaphore(%arg19 : memref<!tpu.dma_semaphore, #tpu.memory_space<semaphore_mem>>)
    %dma_start3A_19 = arith.constant 0 : i32
    %dma_start3A_20 = arith.constant 0 : i32
    %dma_start3A_21 = tpu.memref_slice %arg2[%dma_start3A_19, %dma_start3A_20] : memref<10000x128xf32, #tpu.memory_space<hbm>> -> memref<10000x128xf32, #tpu.memory_space<hbm>>
    tpu.enqueue_indirect_dma source(%dma_start3A_21 : memref<10000x128xf32, #tpu.memory_space<hbm>>) target(%arg15 : memref<80x128xf32, #tpu.memory_space<vmem>>) offsets(%arg7 : memref<80xi32, #tpu.memory_space<vmem>>) semaphore(%arg20 : memref<!tpu.dma_semaphore, #tpu.memory_space<semaphore_mem>>)
    %barrier3A = arith.constant 0 : index
    tpu.barrier barrier_id(%barrier3A)
    %dma_wait3A = arith.constant 0 : i32
    %dma_wait3A_22 = arith.constant 0 : i32
    %dma_wait3A_23 = tpu.memref_slice %arg2[%dma_wait3A, %dma_wait3A_22] : memref<10000x128xf32, #tpu.memory_space<hbm>> -> memref<10000x128xf32, #tpu.memory_space<hbm>>
    tpu.wait_indirect_dma semaphore(%arg19 : memref<!tpu.dma_semaphore, #tpu.memory_space<semaphore_mem>>) src(%dma_wait3A_23 : memref<10000x128xf32, #tpu.memory_space<hbm>>) dst(%arg14 : memref<80x128xf32, #tpu.memory_space<vmem>>)
    %dma_start3A_24 = arith.constant 0 : i32
    %dma_start3A_25 = arith.constant 0 : i32
    %dma_start3A_26 = tpu.memref_slice %arg18[%dma_start3A_24, %dma_start3A_25] : memref<10240x128xf32, #tpu.memory_space<vmem_shared>> -> memref<10240x128xf32, #tpu.memory_space<vmem_shared>>
    tpu.enqueue_indirect_dma source(%arg14 : memref<80x128xf32, #tpu.memory_space<vmem>>) target(%dma_start3A_26 : memref<10240x128xf32, #tpu.memory_space<vmem_shared>>) offsets(%arg10 : memref<80xi32, #tpu.memory_space<vmem>>) semaphore(%arg23 : memref<!tpu.dma_semaphore, #tpu.memory_space<semaphore_mem>>) {add = true}
    %add3A_27 = arith.constant 160 : i32
    %add3A_28 = arith.addi %mul3A_2, %add3A_27 : i32
    "tpu.region"() ({
      %run_scoped3A = tpu.sem_alloc : memref<!tpu.dma_semaphore, #tpu.memory_space<semaphore_mem>>
      %dma_start3A_97 = tpu.memref_slice %arg3[%add3A_28] : memref<320000xi32, #tpu.memory_space<hbm>> -> memref<80xi32, #tpu.memory_space<hbm>>
      %dma_start3A_98 = tpu.memref_slice %arg3[%add3A_28] : memref<320000xi32, #tpu.memory_space<hbm>> -> memref<80xi32, #tpu.memory_space<hbm>>
      tpu.enqueue_dma source(%dma_start3A_98 : memref<80xi32, #tpu.memory_space<hbm>>) target(%arg8 : memref<80xi32, #tpu.memory_space<vmem>>) target_semaphore(%run_scoped3A : memref<!tpu.dma_semaphore, #tpu.memory_space<semaphore_mem>>)
      %dma_wait3A_99 = tpu.memref_slice %arg3[%add3A_28] : memref<320000xi32, #tpu.memory_space<hbm>> -> memref<80xi32, #tpu.memory_space<hbm>>
      %dma_wait3A_100 = tpu.memref_slice %arg3[%add3A_28] : memref<320000xi32, #tpu.memory_space<hbm>> -> memref<80xi32, #tpu.memory_space<hbm>>
      tpu.wait_dma2 semaphore(%run_scoped3A : memref<!tpu.dma_semaphore, #tpu.memory_space<semaphore_mem>>) src(%dma_wait3A_100 : memref<80xi32, #tpu.memory_space<hbm>>) dst(%arg8 : memref<80xi32, #tpu.memory_space<vmem>>)
      tpu.yield
    }) : () -> ()
    "tpu.region"() ({
      %run_scoped3A = tpu.sem_alloc : memref<!tpu.dma_semaphore, #tpu.memory_space<semaphore_mem>>
      %dma_start3A_97 = tpu.memref_slice %arg4[%add3A_28] : memref<320000xi32, #tpu.memory_space<hbm>> -> memref<80xi32, #tpu.memory_space<hbm>>
      %dma_start3A_98 = tpu.memref_slice %arg4[%add3A_28] : memref<320000xi32, #tpu.memory_space<hbm>> -> memref<80xi32, #tpu.memory_space<hbm>>
      tpu.enqueue_dma source(%dma_start3A_98 : memref<80xi32, #tpu.memory_space<hbm>>) target(%arg12 : memref<80xi32, #tpu.memory_space<vmem>>) target_semaphore(%run_scoped3A : memref<!tpu.dma_semaphore, #tpu.memory_space<semaphore_mem>>)
      %dma_wait3A_99 = tpu.memref_slice %arg4[%add3A_28] : memref<320000xi32, #tpu.memory_space<hbm>> -> memref<80xi32, #tpu.memory_space<hbm>>
      %dma_wait3A_100 = tpu.memref_slice %arg4[%add3A_28] : memref<320000xi32, #tpu.memory_space<hbm>> -> memref<80xi32, #tpu.memory_space<hbm>>
      tpu.wait_dma2 semaphore(%run_scoped3A : memref<!tpu.dma_semaphore, #tpu.memory_space<semaphore_mem>>) src(%dma_wait3A_100 : memref<80xi32, #tpu.memory_space<hbm>>) dst(%arg12 : memref<80xi32, #tpu.memory_space<vmem>>)
      tpu.yield
    }) : () -> ()
    %dma_start3A_29 = arith.constant 0 : i32
    %dma_start3A_30 = arith.constant 0 : i32
    %dma_start3A_31 = tpu.memref_slice %arg2[%dma_start3A_29, %dma_start3A_30] : memref<10000x128xf32, #tpu.memory_space<hbm>> -> memref<10000x128xf32, #tpu.memory_space<hbm>>
    tpu.enqueue_indirect_dma source(%dma_start3A_31 : memref<10000x128xf32, #tpu.memory_space<hbm>>) target(%arg16 : memref<80x128xf32, #tpu.memory_space<vmem>>) offsets(%arg8 : memref<80xi32, #tpu.memory_space<vmem>>) semaphore(%arg21 : memref<!tpu.dma_semaphore, #tpu.memory_space<semaphore_mem>>)
    %dma_wait3A_32 = arith.constant 0 : i32
    %dma_wait3A_33 = arith.constant 0 : i32
    %dma_wait3A_34 = tpu.memref_slice %arg2[%dma_wait3A_32, %dma_wait3A_33] : memref<10000x128xf32, #tpu.memory_space<hbm>> -> memref<10000x128xf32, #tpu.memory_space<hbm>>
    tpu.wait_indirect_dma semaphore(%arg20 : memref<!tpu.dma_semaphore, #tpu.memory_space<semaphore_mem>>) src(%dma_wait3A_34 : memref<10000x128xf32, #tpu.memory_space<hbm>>) dst(%arg15 : memref<80x128xf32, #tpu.memory_space<vmem>>)
    %dma_start3A_35 = arith.constant 0 : i32
    %dma_start3A_36 = arith.constant 0 : i32
    %dma_start3A_37 = tpu.memref_slice %arg18[%dma_start3A_35, %dma_start3A_36] : memref<10240x128xf32, #tpu.memory_space<vmem_shared>> -> memref<10240x128xf32, #tpu.memory_space<vmem_shared>>
    tpu.enqueue_indirect_dma source(%arg15 : memref<80x128xf32, #tpu.memory_space<vmem>>) target(%dma_start3A_37 : memref<10240x128xf32, #tpu.memory_space<vmem_shared>>) offsets(%arg11 : memref<80xi32, #tpu.memory_space<vmem>>) semaphore(%arg24 : memref<!tpu.dma_semaphore, #tpu.memory_space<semaphore_mem>>) {add = true}
    %add3A_38 = arith.constant 240 : i32
    %add3A_39 = arith.addi %mul3A_2, %add3A_38 : i32
    "tpu.region"() ({
      %run_scoped3A = tpu.sem_alloc : memref<!tpu.dma_semaphore, #tpu.memory_space<semaphore_mem>>
      %dma_start3A_97 = tpu.memref_slice %arg3[%add3A_39] : memref<320000xi32, #tpu.memory_space<hbm>> -> memref<80xi32, #tpu.memory_space<hbm>>
      %dma_start3A_98 = tpu.memref_slice %arg3[%add3A_39] : memref<320000xi32, #tpu.memory_space<hbm>> -> memref<80xi32, #tpu.memory_space<hbm>>
      tpu.enqueue_dma source(%dma_start3A_98 : memref<80xi32, #tpu.memory_space<hbm>>) target(%arg9 : memref<80xi32, #tpu.memory_space<vmem>>) target_semaphore(%run_scoped3A : memref<!tpu.dma_semaphore, #tpu.memory_space<semaphore_mem>>)
      %dma_wait3A_99 = tpu.memref_slice %arg3[%add3A_39] : memref<320000xi32, #tpu.memory_space<hbm>> -> memref<80xi32, #tpu.memory_space<hbm>>
      %dma_wait3A_100 = tpu.memref_slice %arg3[%add3A_39] : memref<320000xi32, #tpu.memory_space<hbm>> -> memref<80xi32, #tpu.memory_space<hbm>>
      tpu.wait_dma2 semaphore(%run_scoped3A : memref<!tpu.dma_semaphore, #tpu.memory_space<semaphore_mem>>) src(%dma_wait3A_100 : memref<80xi32, #tpu.memory_space<hbm>>) dst(%arg9 : memref<80xi32, #tpu.memory_space<vmem>>)
      tpu.yield
    }) : () -> ()
    "tpu.region"() ({
      %run_scoped3A = tpu.sem_alloc : memref<!tpu.dma_semaphore, #tpu.memory_space<semaphore_mem>>
      %dma_start3A_97 = tpu.memref_slice %arg4[%add3A_39] : memref<320000xi32, #tpu.memory_space<hbm>> -> memref<80xi32, #tpu.memory_space<hbm>>
      %dma_start3A_98 = tpu.memref_slice %arg4[%add3A_39] : memref<320000xi32, #tpu.memory_space<hbm>> -> memref<80xi32, #tpu.memory_space<hbm>>
      tpu.enqueue_dma source(%dma_start3A_98 : memref<80xi32, #tpu.memory_space<hbm>>) target(%arg13 : memref<80xi32, #tpu.memory_space<vmem>>) target_semaphore(%run_scoped3A : memref<!tpu.dma_semaphore, #tpu.memory_space<semaphore_mem>>)
      %dma_wait3A_99 = tpu.memref_slice %arg4[%add3A_39] : memref<320000xi32, #tpu.memory_space<hbm>> -> memref<80xi32, #tpu.memory_space<hbm>>
      %dma_wait3A_100 = tpu.memref_slice %arg4[%add3A_39] : memref<320000xi32, #tpu.memory_space<hbm>> -> memref<80xi32, #tpu.memory_space<hbm>>
      tpu.wait_dma2 semaphore(%run_scoped3A : memref<!tpu.dma_semaphore, #tpu.memory_space<semaphore_mem>>) src(%dma_wait3A_100 : memref<80xi32, #tpu.memory_space<hbm>>) dst(%arg13 : memref<80xi32, #tpu.memory_space<vmem>>)
      tpu.yield
    }) : () -> ()
    %dma_start3A_40 = arith.constant 0 : i32
    %dma_start3A_41 = arith.constant 0 : i32
    %dma_start3A_42 = tpu.memref_slice %arg2[%dma_start3A_40, %dma_start3A_41] : memref<10000x128xf32, #tpu.memory_space<hbm>> -> memref<10000x128xf32, #tpu.memory_space<hbm>>
    tpu.enqueue_indirect_dma source(%dma_start3A_42 : memref<10000x128xf32, #tpu.memory_space<hbm>>) target(%arg17 : memref<80x128xf32, #tpu.memory_space<vmem>>) offsets(%arg9 : memref<80xi32, #tpu.memory_space<vmem>>) semaphore(%arg22 : memref<!tpu.dma_semaphore, #tpu.memory_space<semaphore_mem>>)
    %dma_wait3A_43 = arith.constant 0 : i32
    %dma_wait3A_44 = arith.constant 0 : i32
    %dma_wait3A_45 = tpu.memref_slice %arg2[%dma_wait3A_43, %dma_wait3A_44] : memref<10000x128xf32, #tpu.memory_space<hbm>> -> memref<10000x128xf32, #tpu.memory_space<hbm>>
    tpu.wait_indirect_dma semaphore(%arg21 : memref<!tpu.dma_semaphore, #tpu.memory_space<semaphore_mem>>) src(%dma_wait3A_45 : memref<10000x128xf32, #tpu.memory_space<hbm>>) dst(%arg16 : memref<80x128xf32, #tpu.memory_space<vmem>>)
    %dma_wait3A_46 = arith.constant 0 : i32
    %dma_wait3A_47 = arith.constant 0 : i32
    %dma_wait3A_48 = tpu.memref_slice %arg18[%dma_wait3A_46, %dma_wait3A_47] : memref<10240x128xf32, #tpu.memory_space<vmem_shared>> -> memref<10240x128xf32, #tpu.memory_space<vmem_shared>>
    tpu.wait_indirect_dma semaphore(%arg23 : memref<!tpu.dma_semaphore, #tpu.memory_space<semaphore_mem>>) src(%arg14 : memref<80x128xf32, #tpu.memory_space<vmem>>) dst(%dma_wait3A_48 : memref<10240x128xf32, #tpu.memory_space<vmem_shared>>)
    %dma_start3A_49 = arith.constant 0 : i32
    %dma_start3A_50 = arith.constant 0 : i32
    %dma_start3A_51 = tpu.memref_slice %arg18[%dma_start3A_49, %dma_start3A_50] : memref<10240x128xf32, #tpu.memory_space<vmem_shared>> -> memref<10240x128xf32, #tpu.memory_space<vmem_shared>>
    tpu.enqueue_indirect_dma source(%arg16 : memref<80x128xf32, #tpu.memory_space<vmem>>) target(%dma_start3A_51 : memref<10240x128xf32, #tpu.memory_space<vmem_shared>>) offsets(%arg12 : memref<80xi32, #tpu.memory_space<vmem>>) semaphore(%arg25 : memref<!tpu.dma_semaphore, #tpu.memory_space<semaphore_mem>>) {add = true}
    %add3A_52 = arith.constant 320 : i32
    %add3A_53 = arith.addi %mul3A_2, %add3A_52 : i32
    "tpu.region"() ({
      %run_scoped3A = tpu.sem_alloc : memref<!tpu.dma_semaphore, #tpu.memory_space<semaphore_mem>>
      %dma_start3A_97 = tpu.memref_slice %arg3[%add3A_53] : memref<320000xi32, #tpu.memory_space<hbm>> -> memref<80xi32, #tpu.memory_space<hbm>>
      %dma_start3A_98 = tpu.memref_slice %arg3[%add3A_53] : memref<320000xi32, #tpu.memory_space<hbm>> -> memref<80xi32, #tpu.memory_space<hbm>>
      tpu.enqueue_dma source(%dma_start3A_98 : memref<80xi32, #tpu.memory_space<hbm>>) target(%arg6 : memref<80xi32, #tpu.memory_space<vmem>>) target_semaphore(%run_scoped3A : memref<!tpu.dma_semaphore, #tpu.memory_space<semaphore_mem>>)
      %dma_wait3A_99 = tpu.memref_slice %arg3[%add3A_53] : memref<320000xi32, #tpu.memory_space<hbm>> -> memref<80xi32, #tpu.memory_space<hbm>>
      %dma_wait3A_100 = tpu.memref_slice %arg3[%add3A_53] : memref<320000xi32, #tpu.memory_space<hbm>> -> memref<80xi32, #tpu.memory_space<hbm>>
      tpu.wait_dma2 semaphore(%run_scoped3A : memref<!tpu.dma_semaphore, #tpu.memory_space<semaphore_mem>>) src(%dma_wait3A_100 : memref<80xi32, #tpu.memory_space<hbm>>) dst(%arg6 : memref<80xi32, #tpu.memory_space<vmem>>)
      tpu.yield
    }) : () -> ()
    "tpu.region"() ({
      %run_scoped3A = tpu.sem_alloc : memref<!tpu.dma_semaphore, #tpu.memory_space<semaphore_mem>>
      %dma_start3A_97 = tpu.memref_slice %arg4[%add3A_53] : memref<320000xi32, #tpu.memory_space<hbm>> -> memref<80xi32, #tpu.memory_space<hbm>>
      %dma_start3A_98 = tpu.memref_slice %arg4[%add3A_53] : memref<320000xi32, #tpu.memory_space<hbm>> -> memref<80xi32, #tpu.memory_space<hbm>>
      tpu.enqueue_dma source(%dma_start3A_98 : memref<80xi32, #tpu.memory_space<hbm>>) target(%arg10 : memref<80xi32, #tpu.memory_space<vmem>>) target_semaphore(%run_scoped3A : memref<!tpu.dma_semaphore, #tpu.memory_space<semaphore_mem>>)
      %dma_wait3A_99 = tpu.memref_slice %arg4[%add3A_53] : memref<320000xi32, #tpu.memory_space<hbm>> -> memref<80xi32, #tpu.memory_space<hbm>>
      %dma_wait3A_100 = tpu.memref_slice %arg4[%add3A_53] : memref<320000xi32, #tpu.memory_space<hbm>> -> memref<80xi32, #tpu.memory_space<hbm>>
      tpu.wait_dma2 semaphore(%run_scoped3A : memref<!tpu.dma_semaphore, #tpu.memory_space<semaphore_mem>>) src(%dma_wait3A_100 : memref<80xi32, #tpu.memory_space<hbm>>) dst(%arg10 : memref<80xi32, #tpu.memory_space<vmem>>)
      tpu.yield
    }) : () -> ()
    %dma_start3A_54 = arith.constant 0 : i32
    %dma_start3A_55 = arith.constant 0 : i32
    %dma_start3A_56 = tpu.memref_slice %arg2[%dma_start3A_54, %dma_start3A_55] : memref<10000x128xf32, #tpu.memory_space<hbm>> -> memref<10000x128xf32, #tpu.memory_space<hbm>>
    tpu.enqueue_indirect_dma source(%dma_start3A_56 : memref<10000x128xf32, #tpu.memory_space<hbm>>) target(%arg14 : memref<80x128xf32, #tpu.memory_space<vmem>>) offsets(%arg6 : memref<80xi32, #tpu.memory_space<vmem>>) semaphore(%arg19 : memref<!tpu.dma_semaphore, #tpu.memory_space<semaphore_mem>>)
    %dma_wait3A_57 = arith.constant 0 : i32
    %dma_wait3A_58 = arith.constant 0 : i32
    %dma_wait3A_59 = tpu.memref_slice %arg2[%dma_wait3A_57, %dma_wait3A_58] : memref<10000x128xf32, #tpu.memory_space<hbm>> -> memref<10000x128xf32, #tpu.memory_space<hbm>>
    tpu.wait_indirect_dma semaphore(%arg22 : memref<!tpu.dma_semaphore, #tpu.memory_space<semaphore_mem>>) src(%dma_wait3A_59 : memref<10000x128xf32, #tpu.memory_space<hbm>>) dst(%arg17 : memref<80x128xf32, #tpu.memory_space<vmem>>)
    %dma_wait3A_60 = arith.constant 0 : i32
    %dma_wait3A_61 = arith.constant 0 : i32
    %dma_wait3A_62 = tpu.memref_slice %arg18[%dma_wait3A_60, %dma_wait3A_61] : memref<10240x128xf32, #tpu.memory_space<vmem_shared>> -> memref<10240x128xf32, #tpu.memory_space<vmem_shared>>
    tpu.wait_indirect_dma semaphore(%arg24 : memref<!tpu.dma_semaphore, #tpu.memory_space<semaphore_mem>>) src(%arg15 : memref<80x128xf32, #tpu.memory_space<vmem>>) dst(%dma_wait3A_62 : memref<10240x128xf32, #tpu.memory_space<vmem_shared>>)
    %dma_start3A_63 = arith.constant 0 : i32
    %dma_start3A_64 = arith.constant 0 : i32
    %dma_start3A_65 = tpu.memref_slice %arg18[%dma_start3A_63, %dma_start3A_64] : memref<10240x128xf32, #tpu.memory_space<vmem_shared>> -> memref<10240x128xf32, #tpu.memory_space<vmem_shared>>
    tpu.enqueue_indirect_dma source(%arg17 : memref<80x128xf32, #tpu.memory_space<vmem>>) target(%dma_start3A_65 : memref<10240x128xf32, #tpu.memory_space<vmem_shared>>) offsets(%arg13 : memref<80xi32, #tpu.memory_space<vmem>>) semaphore(%arg26 : memref<!tpu.dma_semaphore, #tpu.memory_space<semaphore_mem>>) {add = true}
    %add3A_66 = arith.constant 400 : i32
    %add3A_67 = arith.addi %mul3A_2, %add3A_66 : i32
    "tpu.region"() ({
      %run_scoped3A = tpu.sem_alloc : memref<!tpu.dma_semaphore, #tpu.memory_space<semaphore_mem>>
      %dma_start3A_97 = tpu.memref_slice %arg3[%add3A_67] : memref<320000xi32, #tpu.memory_space<hbm>> -> memref<80xi32, #tpu.memory_space<hbm>>
      %dma_start3A_98 = tpu.memref_slice %arg3[%add3A_67] : memref<320000xi32, #tpu.memory_space<hbm>> -> memref<80xi32, #tpu.memory_space<hbm>>
      tpu.enqueue_dma source(%dma_start3A_98 : memref<80xi32, #tpu.memory_space<hbm>>) target(%arg7 : memref<80xi32, #tpu.memory_space<vmem>>) target_semaphore(%run_scoped3A : memref<!tpu.dma_semaphore, #tpu.memory_space<semaphore_mem>>)
      %dma_wait3A_99 = tpu.memref_slice %arg3[%add3A_67] : memref<320000xi32, #tpu.memory_space<hbm>> -> memref<80xi32, #tpu.memory_space<hbm>>
      %dma_wait3A_100 = tpu.memref_slice %arg3[%add3A_67] : memref<320000xi32, #tpu.memory_space<hbm>> -> memref<80xi32, #tpu.memory_space<hbm>>
      tpu.wait_dma2 semaphore(%run_scoped3A : memref<!tpu.dma_semaphore, #tpu.memory_space<semaphore_mem>>) src(%dma_wait3A_100 : memref<80xi32, #tpu.memory_space<hbm>>) dst(%arg7 : memref<80xi32, #tpu.memory_space<vmem>>)
      tpu.yield
    }) : () -> ()
    "tpu.region"() ({
      %run_scoped3A = tpu.sem_alloc : memref<!tpu.dma_semaphore, #tpu.memory_space<semaphore_mem>>
      %dma_start3A_97 = tpu.memref_slice %arg4[%add3A_67] : memref<320000xi32, #tpu.memory_space<hbm>> -> memref<80xi32, #tpu.memory_space<hbm>>
      %dma_start3A_98 = tpu.memref_slice %arg4[%add3A_67] : memref<320000xi32, #tpu.memory_space<hbm>> -> memref<80xi32, #tpu.memory_space<hbm>>
      tpu.enqueue_dma source(%dma_start3A_98 : memref<80xi32, #tpu.memory_space<hbm>>) target(%arg11 : memref<80xi32, #tpu.memory_space<vmem>>) target_semaphore(%run_scoped3A : memref<!tpu.dma_semaphore, #tpu.memory_space<semaphore_mem>>)
      %dma_wait3A_99 = tpu.memref_slice %arg4[%add3A_67] : memref<320000xi32, #tpu.memory_space<hbm>> -> memref<80xi32, #tpu.memory_space<hbm>>
      %dma_wait3A_100 = tpu.memref_slice %arg4[%add3A_67] : memref<320000xi32, #tpu.memory_space<hbm>> -> memref<80xi32, #tpu.memory_space<hbm>>
      tpu.wait_dma2 semaphore(%run_scoped3A : memref<!tpu.dma_semaphore, #tpu.memory_space<semaphore_mem>>) src(%dma_wait3A_100 : memref<80xi32, #tpu.memory_space<hbm>>) dst(%arg11 : memref<80xi32, #tpu.memory_space<vmem>>)
      tpu.yield
    }) : () -> ()
    %dma_start3A_68 = arith.constant 0 : i32
    %dma_start3A_69 = arith.constant 0 : i32
    %dma_start3A_70 = tpu.memref_slice %arg2[%dma_start3A_68, %dma_start3A_69] : memref<10000x128xf32, #tpu.memory_space<hbm>> -> memref<10000x128xf32, #tpu.memory_space<hbm>>
    tpu.enqueue_indirect_dma source(%dma_start3A_70 : memref<10000x128xf32, #tpu.memory_space<hbm>>) target(%arg15 : memref<80x128xf32, #tpu.memory_space<vmem>>) offsets(%arg7 : memref<80xi32, #tpu.memory_space<vmem>>) semaphore(%arg20 : memref<!tpu.dma_semaphore, #tpu.memory_space<semaphore_mem>>)
    %scan3A_71 = arith.constant 0 : i32
    %scan3A_72 = arith.constant 30 : i32
    %scan3A_73 = arith.addi %scan3A_71, %scan3A_72 : i32
    %scan3A_74 = arith.constant 1 : i32
    scf.for %scan3A_97 = %scan3A_71 to %scan3A_73 step %scan3A_74  : i32 {
      %mul3A_98 = arith.constant 4 : i32
      %mul3A_99 = arith.muli %scan3A_97, %mul3A_98 : i32
      %add3A_100 = arith.constant 4 : i32
      %add3A_101 = arith.addi %add3A_100, %mul3A_99 : i32
      %dma_wait3A_102 = arith.constant 0 : i32
      %dma_wait3A_103 = arith.constant 0 : i32
      %dma_wait3A_104 = tpu.memref_slice %arg2[%dma_wait3A_102, %dma_wait3A_103] : memref<10000x128xf32, #tpu.memory_space<hbm>> -> memref<10000x128xf32, #tpu.memory_space<hbm>>
      tpu.wait_indirect_dma semaphore(%arg19 : memref<!tpu.dma_semaphore, #tpu.memory_space<semaphore_mem>>) src(%dma_wait3A_104 : memref<10000x128xf32, #tpu.memory_space<hbm>>) dst(%arg14 : memref<80x128xf32, #tpu.memory_space<vmem>>)
      %dma_wait3A_105 = arith.constant 0 : i32
      %dma_wait3A_106 = arith.constant 0 : i32
      %dma_wait3A_107 = tpu.memref_slice %arg18[%dma_wait3A_105, %dma_wait3A_106] : memref<10240x128xf32, #tpu.memory_space<vmem_shared>> -> memref<10240x128xf32, #tpu.memory_space<vmem_shared>>
      tpu.wait_indirect_dma semaphore(%arg25 : memref<!tpu.dma_semaphore, #tpu.memory_space<semaphore_mem>>) src(%arg16 : memref<80x128xf32, #tpu.memory_space<vmem>>) dst(%dma_wait3A_107 : memref<10240x128xf32, #tpu.memory_space<vmem_shared>>)
      %dma_start3A_108 = arith.constant 0 : i32
      %dma_start3A_109 = arith.constant 0 : i32
      %dma_start3A_110 = tpu.memref_slice %arg18[%dma_start3A_108, %dma_start3A_109] : memref<10240x128xf32, #tpu.memory_space<vmem_shared>> -> memref<10240x128xf32, #tpu.memory_space<vmem_shared>>
      tpu.enqueue_indirect_dma source(%arg14 : memref<80x128xf32, #tpu.memory_space<vmem>>) target(%dma_start3A_110 : memref<10240x128xf32, #tpu.memory_space<vmem_shared>>) offsets(%arg10 : memref<80xi32, #tpu.memory_space<vmem>>) semaphore(%arg23 : memref<!tpu.dma_semaphore, #tpu.memory_space<semaphore_mem>>) {add = true}
      %add3A_111 = arith.constant 0 : i32
      %add3A_112 = arith.addi %add3A_101, %add3A_111 : i32
      %add3A_113 = arith.constant 2 : i32
      %add3A_114 = arith.addi %add3A_112, %add3A_113 : i32
      %lt3A = arith.constant 125 : i32
      %lt3A_115 = arith.cmpi slt, %add3A_114, %lt3A : i32
      %convert_element_type3A = arith.extui %lt3A_115 : i1 to i32
      %cond3A = arith.constant 0 : i32
      %cond3A_116 = arith.cmpi ne, %convert_element_type3A, %cond3A : i32
      scf.if %cond3A_116 {
        %add3A_171 = arith.constant 0 : i32
        %add3A_172 = arith.addi %add3A_101, %add3A_171 : i32
        %add3A_173 = arith.constant 2 : i32
        %add3A_174 = arith.addi %add3A_172, %add3A_173 : i32
        %mul3A_175 = arith.constant 80 : i32
        %mul3A_176 = arith.muli %add3A_174, %mul3A_175 : i32
        %add3A_177 = arith.addi %mul3A_2, %mul3A_176 : i32
        "tpu.region"() ({
          %run_scoped3A = tpu.sem_alloc : memref<!tpu.dma_semaphore, #tpu.memory_space<semaphore_mem>>
          %dma_start3A_181 = tpu.memref_slice %arg3[%add3A_177] : memref<320000xi32, #tpu.memory_space<hbm>> -> memref<80xi32, #tpu.memory_space<hbm>>
          %dma_start3A_182 = tpu.memref_slice %arg3[%add3A_177] : memref<320000xi32, #tpu.memory_space<hbm>> -> memref<80xi32, #tpu.memory_space<hbm>>
          tpu.enqueue_dma source(%dma_start3A_182 : memref<80xi32, #tpu.memory_space<hbm>>) target(%arg8 : memref<80xi32, #tpu.memory_space<vmem>>) target_semaphore(%run_scoped3A : memref<!tpu.dma_semaphore, #tpu.memory_space<semaphore_mem>>)
          %dma_wait3A_183 = tpu.memref_slice %arg3[%add3A_177] : memref<320000xi32, #tpu.memory_space<hbm>> -> memref<80xi32, #tpu.memory_space<hbm>>
          %dma_wait3A_184 = tpu.memref_slice %arg3[%add3A_177] : memref<320000xi32, #tpu.memory_space<hbm>> -> memref<80xi32, #tpu.memory_space<hbm>>
          tpu.wait_dma2 semaphore(%run_scoped3A : memref<!tpu.dma_semaphore, #tpu.memory_space<semaphore_mem>>) src(%dma_wait3A_184 : memref<80xi32, #tpu.memory_space<hbm>>) dst(%arg8 : memref<80xi32, #tpu.memory_space<vmem>>)
          tpu.yield
        }) : () -> ()
        "tpu.region"() ({
          %run_scoped3A = tpu.sem_alloc : memref<!tpu.dma_semaphore, #tpu.memory_space<semaphore_mem>>
          %dma_start3A_181 = tpu.memref_slice %arg4[%add3A_177] : memref<320000xi32, #tpu.memory_space<hbm>> -> memref<80xi32, #tpu.memory_space<hbm>>
          %dma_start3A_182 = tpu.memref_slice %arg4[%add3A_177] : memref<320000xi32, #tpu.memory_space<hbm>> -> memref<80xi32, #tpu.memory_space<hbm>>
          tpu.enqueue_dma source(%dma_start3A_182 : memref<80xi32, #tpu.memory_space<hbm>>) target(%arg12 : memref<80xi32, #tpu.memory_space<vmem>>) target_semaphore(%run_scoped3A : memref<!tpu.dma_semaphore, #tpu.memory_space<semaphore_mem>>)
          %dma_wait3A_183 = tpu.memref_slice %arg4[%add3A_177] : memref<320000xi32, #tpu.memory_space<hbm>> -> memref<80xi32, #tpu.memory_space<hbm>>
          %dma_wait3A_184 = tpu.memref_slice %arg4[%add3A_177] : memref<320000xi32, #tpu.memory_space<hbm>> -> memref<80xi32, #tpu.memory_space<hbm>>
          tpu.wait_dma2 semaphore(%run_scoped3A : memref<!tpu.dma_semaphore, #tpu.memory_space<semaphore_mem>>) src(%dma_wait3A_184 : memref<80xi32, #tpu.memory_space<hbm>>) dst(%arg12 : memref<80xi32, #tpu.memory_space<vmem>>)
          tpu.yield
        }) : () -> ()
        %dma_start3A_178 = arith.constant 0 : i32
        %dma_start3A_179 = arith.constant 0 : i32
        %dma_start3A_180 = tpu.memref_slice %arg2[%dma_start3A_178, %dma_start3A_179] : memref<10000x128xf32, #tpu.memory_space<hbm>> -> memref<10000x128xf32, #tpu.memory_space<hbm>>
        tpu.enqueue_indirect_dma source(%dma_start3A_180 : memref<10000x128xf32, #tpu.memory_space<hbm>>) target(%arg16 : memref<80x128xf32, #tpu.memory_space<vmem>>) offsets(%arg8 : memref<80xi32, #tpu.memory_space<vmem>>) semaphore(%arg21 : memref<!tpu.dma_semaphore, #tpu.memory_space<semaphore_mem>>)
      } else {
      }
      %dma_wait3A_117 = arith.constant 0 : i32
      %dma_wait3A_118 = arith.constant 0 : i32
      %dma_wait3A_119 = tpu.memref_slice %arg2[%dma_wait3A_117, %dma_wait3A_118] : memref<10000x128xf32, #tpu.memory_space<hbm>> -> memref<10000x128xf32, #tpu.memory_space<hbm>>
      tpu.wait_indirect_dma semaphore(%arg20 : memref<!tpu.dma_semaphore, #tpu.memory_space<semaphore_mem>>) src(%dma_wait3A_119 : memref<10000x128xf32, #tpu.memory_space<hbm>>) dst(%arg15 : memref<80x128xf32, #tpu.memory_space<vmem>>)
      %dma_wait3A_120 = arith.constant 0 : i32
      %dma_wait3A_121 = arith.constant 0 : i32
      %dma_wait3A_122 = tpu.memref_slice %arg18[%dma_wait3A_120, %dma_wait3A_121] : memref<10240x128xf32, #tpu.memory_space<vmem_shared>> -> memref<10240x128xf32, #tpu.memory_space<vmem_shared>>
      tpu.wait_indirect_dma semaphore(%arg26 : memref<!tpu.dma_semaphore, #tpu.memory_space<semaphore_mem>>) src(%arg17 : memref<80x128xf32, #tpu.memory_space<vmem>>) dst(%dma_wait3A_122 : memref<10240x128xf32, #tpu.memory_space<vmem_shared>>)
      %dma_start3A_123 = arith.constant 0 : i32
      %dma_start3A_124 = arith.constant 0 : i32
      %dma_start3A_125 = tpu.memref_slice %arg18[%dma_start3A_123, %dma_start3A_124] : memref<10240x128xf32, #tpu.memory_space<vmem_shared>> -> memref<10240x128xf32, #tpu.memory_space<vmem_shared>>
      tpu.enqueue_indirect_dma source(%arg15 : memref<80x128xf32, #tpu.memory_space<vmem>>) target(%dma_start3A_125 : memref<10240x128xf32, #tpu.memory_space<vmem_shared>>) offsets(%arg11 : memref<80xi32, #tpu.memory_space<vmem>>) semaphore(%arg24 : memref<!tpu.dma_semaphore, #tpu.memory_space<semaphore_mem>>) {add = true}
      %add3A_126 = arith.constant 1 : i32
      %add3A_127 = arith.addi %add3A_101, %add3A_126 : i32
      %add3A_128 = arith.constant 2 : i32
      %add3A_129 = arith.addi %add3A_127, %add3A_128 : i32
      %lt3A_130 = arith.constant 125 : i32
      %lt3A_131 = arith.cmpi slt, %add3A_129, %lt3A_130 : i32
      %convert_element_type3A_132 = arith.extui %lt3A_131 : i1 to i32
      %cond3A_133 = arith.constant 0 : i32
      %cond3A_134 = arith.cmpi ne, %convert_element_type3A_132, %cond3A_133 : i32
      scf.if %cond3A_134 {
        %add3A_171 = arith.constant 1 : i32
        %add3A_172 = arith.addi %add3A_101, %add3A_171 : i32
        %add3A_173 = arith.constant 2 : i32
        %add3A_174 = arith.addi %add3A_172, %add3A_173 : i32
        %mul3A_175 = arith.constant 80 : i32
        %mul3A_176 = arith.muli %add3A_174, %mul3A_175 : i32
        %add3A_177 = arith.addi %mul3A_2, %mul3A_176 : i32
        "tpu.region"() ({
          %run_scoped3A = tpu.sem_alloc : memref<!tpu.dma_semaphore, #tpu.memory_space<semaphore_mem>>
          %dma_start3A_181 = tpu.memref_slice %arg3[%add3A_177] : memref<320000xi32, #tpu.memory_space<hbm>> -> memref<80xi32, #tpu.memory_space<hbm>>
          %dma_start3A_182 = tpu.memref_slice %arg3[%add3A_177] : memref<320000xi32, #tpu.memory_space<hbm>> -> memref<80xi32, #tpu.memory_space<hbm>>
          tpu.enqueue_dma source(%dma_start3A_182 : memref<80xi32, #tpu.memory_space<hbm>>) target(%arg9 : memref<80xi32, #tpu.memory_space<vmem>>) target_semaphore(%run_scoped3A : memref<!tpu.dma_semaphore, #tpu.memory_space<semaphore_mem>>)
          %dma_wait3A_183 = tpu.memref_slice %arg3[%add3A_177] : memref<320000xi32, #tpu.memory_space<hbm>> -> memref<80xi32, #tpu.memory_space<hbm>>
          %dma_wait3A_184 = tpu.memref_slice %arg3[%add3A_177] : memref<320000xi32, #tpu.memory_space<hbm>> -> memref<80xi32, #tpu.memory_space<hbm>>
          tpu.wait_dma2 semaphore(%run_scoped3A : memref<!tpu.dma_semaphore, #tpu.memory_space<semaphore_mem>>) src(%dma_wait3A_184 : memref<80xi32, #tpu.memory_space<hbm>>) dst(%arg9 : memref<80xi32, #tpu.memory_space<vmem>>)
          tpu.yield
        }) : () -> ()
        "tpu.region"() ({
          %run_scoped3A = tpu.sem_alloc : memref<!tpu.dma_semaphore, #tpu.memory_space<semaphore_mem>>
          %dma_start3A_181 = tpu.memref_slice %arg4[%add3A_177] : memref<320000xi32, #tpu.memory_space<hbm>> -> memref<80xi32, #tpu.memory_space<hbm>>
          %dma_start3A_182 = tpu.memref_slice %arg4[%add3A_177] : memref<320000xi32, #tpu.memory_space<hbm>> -> memref<80xi32, #tpu.memory_space<hbm>>
          tpu.enqueue_dma source(%dma_start3A_182 : memref<80xi32, #tpu.memory_space<hbm>>) target(%arg13 : memref<80xi32, #tpu.memory_space<vmem>>) target_semaphore(%run_scoped3A : memref<!tpu.dma_semaphore, #tpu.memory_space<semaphore_mem>>)
          %dma_wait3A_183 = tpu.memref_slice %arg4[%add3A_177] : memref<320000xi32, #tpu.memory_space<hbm>> -> memref<80xi32, #tpu.memory_space<hbm>>
          %dma_wait3A_184 = tpu.memref_slice %arg4[%add3A_177] : memref<320000xi32, #tpu.memory_space<hbm>> -> memref<80xi32, #tpu.memory_space<hbm>>
          tpu.wait_dma2 semaphore(%run_scoped3A : memref<!tpu.dma_semaphore, #tpu.memory_space<semaphore_mem>>) src(%dma_wait3A_184 : memref<80xi32, #tpu.memory_space<hbm>>) dst(%arg13 : memref<80xi32, #tpu.memory_space<vmem>>)
          tpu.yield
        }) : () -> ()
        %dma_start3A_178 = arith.constant 0 : i32
        %dma_start3A_179 = arith.constant 0 : i32
        %dma_start3A_180 = tpu.memref_slice %arg2[%dma_start3A_178, %dma_start3A_179] : memref<10000x128xf32, #tpu.memory_space<hbm>> -> memref<10000x128xf32, #tpu.memory_space<hbm>>
        tpu.enqueue_indirect_dma source(%dma_start3A_180 : memref<10000x128xf32, #tpu.memory_space<hbm>>) target(%arg17 : memref<80x128xf32, #tpu.memory_space<vmem>>) offsets(%arg9 : memref<80xi32, #tpu.memory_space<vmem>>) semaphore(%arg22 : memref<!tpu.dma_semaphore, #tpu.memory_space<semaphore_mem>>)
      } else {
      }
      %dma_wait3A_135 = arith.constant 0 : i32
      %dma_wait3A_136 = arith.constant 0 : i32
      %dma_wait3A_137 = tpu.memref_slice %arg2[%dma_wait3A_135, %dma_wait3A_136] : memref<10000x128xf32, #tpu.memory_space<hbm>> -> memref<10000x128xf32, #tpu.memory_space<hbm>>
      tpu.wait_indirect_dma semaphore(%arg21 : memref<!tpu.dma_semaphore, #tpu.memory_space<semaphore_mem>>) src(%dma_wait3A_137 : memref<10000x128xf32, #tpu.memory_space<hbm>>) dst(%arg16 : memref<80x128xf32, #tpu.memory_space<vmem>>)
      %dma_wait3A_138 = arith.constant 0 : i32
      %dma_wait3A_139 = arith.constant 0 : i32
      %dma_wait3A_140 = tpu.memref_slice %arg18[%dma_wait3A_138, %dma_wait3A_139] : memref<10240x128xf32, #tpu.memory_space<vmem_shared>> -> memref<10240x128xf32, #tpu.memory_space<vmem_shared>>
      tpu.wait_indirect_dma semaphore(%arg23 : memref<!tpu.dma_semaphore, #tpu.memory_space<semaphore_mem>>) src(%arg14 : memref<80x128xf32, #tpu.memory_space<vmem>>) dst(%dma_wait3A_140 : memref<10240x128xf32, #tpu.memory_space<vmem_shared>>)
      %dma_start3A_141 = arith.constant 0 : i32
      %dma_start3A_142 = arith.constant 0 : i32
      %dma_start3A_143 = tpu.memref_slice %arg18[%dma_start3A_141, %dma_start3A_142] : memref<10240x128xf32, #tpu.memory_space<vmem_shared>> -> memref<10240x128xf32, #tpu.memory_space<vmem_shared>>
      tpu.enqueue_indirect_dma source(%arg16 : memref<80x128xf32, #tpu.memory_space<vmem>>) target(%dma_start3A_143 : memref<10240x128xf32, #tpu.memory_space<vmem_shared>>) offsets(%arg12 : memref<80xi32, #tpu.memory_space<vmem>>) semaphore(%arg25 : memref<!tpu.dma_semaphore, #tpu.memory_space<semaphore_mem>>) {add = true}
      %add3A_144 = arith.constant 2 : i32
      %add3A_145 = arith.addi %add3A_101, %add3A_144 : i32
      %add3A_146 = arith.constant 2 : i32
      %add3A_147 = arith.addi %add3A_145, %add3A_146 : i32
      %lt3A_148 = arith.constant 125 : i32
      %lt3A_149 = arith.cmpi slt, %add3A_147, %lt3A_148 : i32
      %convert_element_type3A_150 = arith.extui %lt3A_149 : i1 to i32
      %cond3A_151 = arith.constant 0 : i32
      %cond3A_152 = arith.cmpi ne, %convert_element_type3A_150, %cond3A_151 : i32
      scf.if %cond3A_152 {
        %add3A_171 = arith.constant 2 : i32
        %add3A_172 = arith.addi %add3A_101, %add3A_171 : i32
        %add3A_173 = arith.constant 2 : i32
        %add3A_174 = arith.addi %add3A_172, %add3A_173 : i32
        %mul3A_175 = arith.constant 80 : i32
        %mul3A_176 = arith.muli %add3A_174, %mul3A_175 : i32
        %add3A_177 = arith.addi %mul3A_2, %mul3A_176 : i32
        "tpu.region"() ({
          %run_scoped3A = tpu.sem_alloc : memref<!tpu.dma_semaphore, #tpu.memory_space<semaphore_mem>>
          %dma_start3A_181 = tpu.memref_slice %arg3[%add3A_177] : memref<320000xi32, #tpu.memory_space<hbm>> -> memref<80xi32, #tpu.memory_space<hbm>>
          %dma_start3A_182 = tpu.memref_slice %arg3[%add3A_177] : memref<320000xi32, #tpu.memory_space<hbm>> -> memref<80xi32, #tpu.memory_space<hbm>>
          tpu.enqueue_dma source(%dma_start3A_182 : memref<80xi32, #tpu.memory_space<hbm>>) target(%arg6 : memref<80xi32, #tpu.memory_space<vmem>>) target_semaphore(%run_scoped3A : memref<!tpu.dma_semaphore, #tpu.memory_space<semaphore_mem>>)
          %dma_wait3A_183 = tpu.memref_slice %arg3[%add3A_177] : memref<320000xi32, #tpu.memory_space<hbm>> -> memref<80xi32, #tpu.memory_space<hbm>>
          %dma_wait3A_184 = tpu.memref_slice %arg3[%add3A_177] : memref<320000xi32, #tpu.memory_space<hbm>> -> memref<80xi32, #tpu.memory_space<hbm>>
          tpu.wait_dma2 semaphore(%run_scoped3A : memref<!tpu.dma_semaphore, #tpu.memory_space<semaphore_mem>>) src(%dma_wait3A_184 : memref<80xi32, #tpu.memory_space<hbm>>) dst(%arg6 : memref<80xi32, #tpu.memory_space<vmem>>)
          tpu.yield
        }) : () -> ()
        "tpu.region"() ({
          %run_scoped3A = tpu.sem_alloc : memref<!tpu.dma_semaphore, #tpu.memory_space<semaphore_mem>>
          %dma_start3A_181 = tpu.memref_slice %arg4[%add3A_177] : memref<320000xi32, #tpu.memory_space<hbm>> -> memref<80xi32, #tpu.memory_space<hbm>>
          %dma_start3A_182 = tpu.memref_slice %arg4[%add3A_177] : memref<320000xi32, #tpu.memory_space<hbm>> -> memref<80xi32, #tpu.memory_space<hbm>>
          tpu.enqueue_dma source(%dma_start3A_182 : memref<80xi32, #tpu.memory_space<hbm>>) target(%arg10 : memref<80xi32, #tpu.memory_space<vmem>>) target_semaphore(%run_scoped3A : memref<!tpu.dma_semaphore, #tpu.memory_space<semaphore_mem>>)
          %dma_wait3A_183 = tpu.memref_slice %arg4[%add3A_177] : memref<320000xi32, #tpu.memory_space<hbm>> -> memref<80xi32, #tpu.memory_space<hbm>>
          %dma_wait3A_184 = tpu.memref_slice %arg4[%add3A_177] : memref<320000xi32, #tpu.memory_space<hbm>> -> memref<80xi32, #tpu.memory_space<hbm>>
          tpu.wait_dma2 semaphore(%run_scoped3A : memref<!tpu.dma_semaphore, #tpu.memory_space<semaphore_mem>>) src(%dma_wait3A_184 : memref<80xi32, #tpu.memory_space<hbm>>) dst(%arg10 : memref<80xi32, #tpu.memory_space<vmem>>)
          tpu.yield
        }) : () -> ()
        %dma_start3A_178 = arith.constant 0 : i32
        %dma_start3A_179 = arith.constant 0 : i32
        %dma_start3A_180 = tpu.memref_slice %arg2[%dma_start3A_178, %dma_start3A_179] : memref<10000x128xf32, #tpu.memory_space<hbm>> -> memref<10000x128xf32, #tpu.memory_space<hbm>>
        tpu.enqueue_indirect_dma source(%dma_start3A_180 : memref<10000x128xf32, #tpu.memory_space<hbm>>) target(%arg14 : memref<80x128xf32, #tpu.memory_space<vmem>>) offsets(%arg6 : memref<80xi32, #tpu.memory_space<vmem>>) semaphore(%arg19 : memref<!tpu.dma_semaphore, #tpu.memory_space<semaphore_mem>>)
      } else {
      }
      %dma_wait3A_153 = arith.constant 0 : i32
      %dma_wait3A_154 = arith.constant 0 : i32
      %dma_wait3A_155 = tpu.memref_slice %arg2[%dma_wait3A_153, %dma_wait3A_154] : memref<10000x128xf32, #tpu.memory_space<hbm>> -> memref<10000x128xf32, #tpu.memory_space<hbm>>
      tpu.wait_indirect_dma semaphore(%arg22 : memref<!tpu.dma_semaphore, #tpu.memory_space<semaphore_mem>>) src(%dma_wait3A_155 : memref<10000x128xf32, #tpu.memory_space<hbm>>) dst(%arg17 : memref<80x128xf32, #tpu.memory_space<vmem>>)
      %dma_wait3A_156 = arith.constant 0 : i32
      %dma_wait3A_157 = arith.constant 0 : i32
      %dma_wait3A_158 = tpu.memref_slice %arg18[%dma_wait3A_156, %dma_wait3A_157] : memref<10240x128xf32, #tpu.memory_space<vmem_shared>> -> memref<10240x128xf32, #tpu.memory_space<vmem_shared>>
      tpu.wait_indirect_dma semaphore(%arg24 : memref<!tpu.dma_semaphore, #tpu.memory_space<semaphore_mem>>) src(%arg15 : memref<80x128xf32, #tpu.memory_space<vmem>>) dst(%dma_wait3A_158 : memref<10240x128xf32, #tpu.memory_space<vmem_shared>>)
      %dma_start3A_159 = arith.constant 0 : i32
      %dma_start3A_160 = arith.constant 0 : i32
      %dma_start3A_161 = tpu.memref_slice %arg18[%dma_start3A_159, %dma_start3A_160] : memref<10240x128xf32, #tpu.memory_space<vmem_shared>> -> memref<10240x128xf32, #tpu.memory_space<vmem_shared>>
      tpu.enqueue_indirect_dma source(%arg17 : memref<80x128xf32, #tpu.memory_space<vmem>>) target(%dma_start3A_161 : memref<10240x128xf32, #tpu.memory_space<vmem_shared>>) offsets(%arg13 : memref<80xi32, #tpu.memory_space<vmem>>) semaphore(%arg26 : memref<!tpu.dma_semaphore, #tpu.memory_space<semaphore_mem>>) {add = true}
      %add3A_162 = arith.constant 3 : i32
      %add3A_163 = arith.addi %add3A_101, %add3A_162 : i32
      %add3A_164 = arith.constant 2 : i32
      %add3A_165 = arith.addi %add3A_163, %add3A_164 : i32
      %lt3A_166 = arith.constant 125 : i32
      %lt3A_167 = arith.cmpi slt, %add3A_165, %lt3A_166 : i32
      %convert_element_type3A_168 = arith.extui %lt3A_167 : i1 to i32
      %cond3A_169 = arith.constant 0 : i32
      %cond3A_170 = arith.cmpi ne, %convert_element_type3A_168, %cond3A_169 : i32
      scf.if %cond3A_170 {
        %add3A_171 = arith.constant 3 : i32
        %add3A_172 = arith.addi %add3A_101, %add3A_171 : i32
        %add3A_173 = arith.constant 2 : i32
        %add3A_174 = arith.addi %add3A_172, %add3A_173 : i32
        %mul3A_175 = arith.constant 80 : i32
        %mul3A_176 = arith.muli %add3A_174, %mul3A_175 : i32
        %add3A_177 = arith.addi %mul3A_2, %mul3A_176 : i32
        "tpu.region"() ({
          %run_scoped3A = tpu.sem_alloc : memref<!tpu.dma_semaphore, #tpu.memory_space<semaphore_mem>>
          %dma_start3A_181 = tpu.memref_slice %arg3[%add3A_177] : memref<320000xi32, #tpu.memory_space<hbm>> -> memref<80xi32, #tpu.memory_space<hbm>>
          %dma_start3A_182 = tpu.memref_slice %arg3[%add3A_177] : memref<320000xi32, #tpu.memory_space<hbm>> -> memref<80xi32, #tpu.memory_space<hbm>>
          tpu.enqueue_dma source(%dma_start3A_182 : memref<80xi32, #tpu.memory_space<hbm>>) target(%arg7 : memref<80xi32, #tpu.memory_space<vmem>>) target_semaphore(%run_scoped3A : memref<!tpu.dma_semaphore, #tpu.memory_space<semaphore_mem>>)
          %dma_wait3A_183 = tpu.memref_slice %arg3[%add3A_177] : memref<320000xi32, #tpu.memory_space<hbm>> -> memref<80xi32, #tpu.memory_space<hbm>>
          %dma_wait3A_184 = tpu.memref_slice %arg3[%add3A_177] : memref<320000xi32, #tpu.memory_space<hbm>> -> memref<80xi32, #tpu.memory_space<hbm>>
          tpu.wait_dma2 semaphore(%run_scoped3A : memref<!tpu.dma_semaphore, #tpu.memory_space<semaphore_mem>>) src(%dma_wait3A_184 : memref<80xi32, #tpu.memory_space<hbm>>) dst(%arg7 : memref<80xi32, #tpu.memory_space<vmem>>)
          tpu.yield
        }) : () -> ()
        "tpu.region"() ({
          %run_scoped3A = tpu.sem_alloc : memref<!tpu.dma_semaphore, #tpu.memory_space<semaphore_mem>>
          %dma_start3A_181 = tpu.memref_slice %arg4[%add3A_177] : memref<320000xi32, #tpu.memory_space<hbm>> -> memref<80xi32, #tpu.memory_space<hbm>>
          %dma_start3A_182 = tpu.memref_slice %arg4[%add3A_177] : memref<320000xi32, #tpu.memory_space<hbm>> -> memref<80xi32, #tpu.memory_space<hbm>>
          tpu.enqueue_dma source(%dma_start3A_182 : memref<80xi32, #tpu.memory_space<hbm>>) target(%arg11 : memref<80xi32, #tpu.memory_space<vmem>>) target_semaphore(%run_scoped3A : memref<!tpu.dma_semaphore, #tpu.memory_space<semaphore_mem>>)
          %dma_wait3A_183 = tpu.memref_slice %arg4[%add3A_177] : memref<320000xi32, #tpu.memory_space<hbm>> -> memref<80xi32, #tpu.memory_space<hbm>>
          %dma_wait3A_184 = tpu.memref_slice %arg4[%add3A_177] : memref<320000xi32, #tpu.memory_space<hbm>> -> memref<80xi32, #tpu.memory_space<hbm>>
          tpu.wait_dma2 semaphore(%run_scoped3A : memref<!tpu.dma_semaphore, #tpu.memory_space<semaphore_mem>>) src(%dma_wait3A_184 : memref<80xi32, #tpu.memory_space<hbm>>) dst(%arg11 : memref<80xi32, #tpu.memory_space<vmem>>)
          tpu.yield
        }) : () -> ()
        %dma_start3A_178 = arith.constant 0 : i32
        %dma_start3A_179 = arith.constant 0 : i32
        %dma_start3A_180 = tpu.memref_slice %arg2[%dma_start3A_178, %dma_start3A_179] : memref<10000x128xf32, #tpu.memory_space<hbm>> -> memref<10000x128xf32, #tpu.memory_space<hbm>>
        tpu.enqueue_indirect_dma source(%dma_start3A_180 : memref<10000x128xf32, #tpu.memory_space<hbm>>) target(%arg15 : memref<80x128xf32, #tpu.memory_space<vmem>>) offsets(%arg7 : memref<80xi32, #tpu.memory_space<vmem>>) semaphore(%arg20 : memref<!tpu.dma_semaphore, #tpu.memory_space<semaphore_mem>>)
      } else {
      }
    }
    %scan3A_75 = arith.constant 30 : i32
    %dma_wait3A_76 = arith.constant 0 : i32
    %dma_wait3A_77 = arith.constant 0 : i32
    %dma_wait3A_78 = tpu.memref_slice %arg2[%dma_wait3A_76, %dma_wait3A_77] : memref<10000x128xf32, #tpu.memory_space<hbm>> -> memref<10000x128xf32, #tpu.memory_space<hbm>>
    tpu.wait_indirect_dma semaphore(%arg19 : memref<!tpu.dma_semaphore, #tpu.memory_space<semaphore_mem>>) src(%dma_wait3A_78 : memref<10000x128xf32, #tpu.memory_space<hbm>>) dst(%arg14 : memref<80x128xf32, #tpu.memory_space<vmem>>)
    %dma_wait3A_79 = arith.constant 0 : i32
    %dma_wait3A_80 = arith.constant 0 : i32
    %dma_wait3A_81 = tpu.memref_slice %arg18[%dma_wait3A_79, %dma_wait3A_80] : memref<10240x128xf32, #tpu.memory_space<vmem_shared>> -> memref<10240x128xf32, #tpu.memory_space<vmem_shared>>
    tpu.wait_indirect_dma semaphore(%arg25 : memref<!tpu.dma_semaphore, #tpu.memory_space<semaphore_mem>>) src(%arg16 : memref<80x128xf32, #tpu.memory_space<vmem>>) dst(%dma_wait3A_81 : memref<10240x128xf32, #tpu.memory_space<vmem_shared>>)
    %dma_start3A_82 = arith.constant 0 : i32
    %dma_start3A_83 = arith.constant 0 : i32
    %dma_start3A_84 = tpu.memref_slice %arg18[%dma_start3A_82, %dma_start3A_83] : memref<10240x128xf32, #tpu.memory_space<vmem_shared>> -> memref<10240x128xf32, #tpu.memory_space<vmem_shared>>
    tpu.enqueue_indirect_dma source(%arg14 : memref<80x128xf32, #tpu.memory_space<vmem>>) target(%dma_start3A_84 : memref<10240x128xf32, #tpu.memory_space<vmem_shared>>) offsets(%arg10 : memref<80xi32, #tpu.memory_space<vmem>>) semaphore(%arg23 : memref<!tpu.dma_semaphore, #tpu.memory_space<semaphore_mem>>) {add = true}
    %dma_wait3A_85 = arith.constant 0 : i32
    %dma_wait3A_86 = arith.constant 0 : i32
    %dma_wait3A_87 = tpu.memref_slice %arg18[%dma_wait3A_85, %dma_wait3A_86] : memref<10240x128xf32, #tpu.memory_space<vmem_shared>> -> memref<10240x128xf32, #tpu.memory_space<vmem_shared>>
    tpu.wait_indirect_dma semaphore(%arg26 : memref<!tpu.dma_semaphore, #tpu.memory_space<semaphore_mem>>) src(%arg17 : memref<80x128xf32, #tpu.memory_space<vmem>>) dst(%dma_wait3A_87 : memref<10240x128xf32, #tpu.memory_space<vmem_shared>>)
    %dma_wait3A_88 = arith.constant 0 : i32
    %dma_wait3A_89 = arith.constant 0 : i32
    %dma_wait3A_90 = tpu.memref_slice %arg18[%dma_wait3A_88, %dma_wait3A_89] : memref<10240x128xf32, #tpu.memory_space<vmem_shared>> -> memref<10240x128xf32, #tpu.memory_space<vmem_shared>>
    tpu.wait_indirect_dma semaphore(%arg23 : memref<!tpu.dma_semaphore, #tpu.memory_space<semaphore_mem>>) src(%arg14 : memref<80x128xf32, #tpu.memory_space<vmem>>) dst(%dma_wait3A_90 : memref<10240x128xf32, #tpu.memory_space<vmem_shared>>)
    %barrier3A_91 = arith.constant 0 : index
    tpu.barrier barrier_id(%barrier3A_91)
    %mul3A_92 = arith.constant 640 : i32
    %mul3A_93 = arith.muli %arg1, %mul3A_92 : i32
    %mul3A_94 = arith.constant 10240 : i32
    %mul3A_95 = arith.muli %arg0, %mul3A_94 : i32
    %add3A_96 = arith.addi %mul3A_95, %mul3A_93 : i32
    "tpu.region"() ({
      %run_scoped3A = tpu.sem_alloc : memref<!tpu.dma_semaphore, #tpu.memory_space<semaphore_mem>>
      %dma_start3A_97 = arith.constant 0 : i32
      %dma_start3A_98 = tpu.memref_slice %arg5[%add3A_96, %dma_start3A_97] : memref<20480x128xf32, #tpu.memory_space<hbm>> -> memref<640x128xf32, #tpu.memory_space<hbm>>
      %dma_start3A_99 = arith.constant 0 : i32
      %dma_start3A_100 = tpu.memref_slice %arg18[%mul3A_93, %dma_start3A_99] : memref<10240x128xf32, #tpu.memory_space<vmem_shared>> -> memref<640x128xf32, #tpu.memory_space<vmem_shared>>
      tpu.enqueue_dma source(%dma_start3A_100 : memref<640x128xf32, #tpu.memory_space<vmem_shared>>) target(%dma_start3A_98 : memref<640x128xf32, #tpu.memory_space<hbm>>) target_semaphore(%run_scoped3A : memref<!tpu.dma_semaphore, #tpu.memory_space<semaphore_mem>>)
      %dma_wait3A_101 = arith.constant 0 : i32
      %dma_wait3A_102 = tpu.memref_slice %arg5[%add3A_96, %dma_wait3A_101] : memref<20480x128xf32, #tpu.memory_space<hbm>> -> memref<640x128xf32, #tpu.memory_space<hbm>>
      %dma_wait3A_103 = arith.constant 0 : i32
      %dma_wait3A_104 = tpu.memref_slice %arg18[%mul3A_93, %dma_wait3A_103] : memref<10240x128xf32, #tpu.memory_space<vmem_shared>> -> memref<640x128xf32, #tpu.memory_space<vmem_shared>>
      tpu.wait_dma2 semaphore(%run_scoped3A : memref<!tpu.dma_semaphore, #tpu.memory_space<semaphore_mem>>) src(%dma_wait3A_104 : memref<640x128xf32, #tpu.memory_space<vmem_shared>>) dst(%dma_wait3A_102 : memref<640x128xf32, #tpu.memory_space<hbm>>)
      tpu.yield
    }) : () -> ()
    return
  }
}

#map = affine_map<(d0, d1) -> (0, 0)>
#map1 = affine_map<(d0, d1) -> (0)>
module attributes {stable_mosaic.version = 14 : i64} {
  func.func @scatter_kernel(%arg0: i32, %arg1: i32, %arg2: memref<10000x128xf32, #tpu.memory_space<hbm>>, %arg3: memref<320000xi32, #tpu.memory_space<hbm>>, %arg4: memref<320000xi32, #tpu.memory_space<hbm>>, %arg5: memref<20480x128xf32, #tpu.memory_space<hbm>>, %arg6: memref<80xi32, #tpu.memory_space<vmem>>, %arg7: memref<80xi32, #tpu.memory_space<vmem>>, %arg8: memref<80xi32, #tpu.memory_space<vmem>>, %arg9: memref<80xi32, #tpu.memory_space<vmem>>, %arg10: memref<80xi32, #tpu.memory_space<vmem>>, %arg11: memref<80xi32, #tpu.memory_space<vmem>>, %arg12: memref<80xi32, #tpu.memory_space<vmem>>, %arg13: memref<80xi32, #tpu.memory_space<vmem>>, %arg14: memref<80x128xf32, #tpu.memory_space<vmem>>, %arg15: memref<80x128xf32, #tpu.memory_space<vmem>>, %arg16: memref<80x128xf32, #tpu.memory_space<vmem>>, %arg17: memref<80x128xf32, #tpu.memory_space<vmem>>, %arg18: memref<10240x128xf32, #tpu.memory_space<vmem_shared>>, %arg19: memref<!tpu.dma_semaphore, #tpu.memory_space<semaphore_mem>>, %arg20: memref<!tpu.dma_semaphore, #tpu.memory_space<semaphore_mem>>, %arg21: memref<!tpu.dma_semaphore, #tpu.memory_space<semaphore_mem>>, %arg22: memref<!tpu.dma_semaphore, #tpu.memory_space<semaphore_mem>>, %arg23: memref<!tpu.dma_semaphore, #tpu.memory_space<semaphore_mem>>, %arg24: memref<!tpu.dma_semaphore, #tpu.memory_space<semaphore_mem>>, %arg25: memref<!tpu.dma_semaphore, #tpu.memory_space<semaphore_mem>>, %arg26: memref<!tpu.dma_semaphore, #tpu.memory_space<semaphore_mem>>) attributes {dimension_semantics = [#tpu.dimension_semantics<core_parallel>, #tpu.dimension_semantics<subcore_parallel>], iteration_bounds = array<i64: 2, 16>, scalar_prefetch = 0 : i64, scratch_operands = 21 : i64, tpu.core_type = #tpu.core_type<sc_vector_subcore>, window_params = [{transform_indices = #map}, {transform_indices = #map1}, {transform_indices = #map1}, {transform_indices = #map}]} {
    %mul3A = arith.constant 16 : i32
    %mul3A_0 = arith.muli %arg0, %mul3A : i32
    %add3A = arith.addi %mul3A_0, %arg1 : i32
    %mul3A_1 = arith.constant 10000 : i32
    %mul3A_2 = arith.muli %add3A, %mul3A_1 : i32
    %broadcast_in_dim3A = arith.constant 0.000000e+00 : f32
    %broadcast_in_dim3A_3 = vector.broadcast %broadcast_in_dim3A : f32 to vector<16xf32>
    %scan3A = arith.constant 0 : i32
    %scan3A_4 = arith.constant 80 : i32
    %scan3A_5 = arith.addi %scan3A, %scan3A_4 : i32
    %scan3A_6 = arith.constant 1 : i32
    scf.for %scan3A_97 = %scan3A to %scan3A_5 step %scan3A_6  : i32 {
      %mul3A_98 = arith.constant 1 : i32
      %mul3A_99 = arith.muli %scan3A_97, %mul3A_98 : i32
      %add3A_100 = arith.constant 0 : i32
      %add3A_101 = arith.addi %add3A_100, %mul3A_99 : i32
      %swap3A = arith.index_cast %add3A_101 : i32 to index
      %swap3A_102 = arith.constant 0 : index
      %swap3A_103 = tpu.vector_load %arg14[%swap3A, %swap3A_102] {strides = array<i32>} : memref<80x128xf32, #tpu.memory_space<vmem>>, vector<1x16xf32>,
      %swap3A_104 = vector.shape_cast %swap3A_103 : vector<1x16xf32> to vector<16xf32>
      %swap3A_105 = vector.shape_cast %broadcast_in_dim3A_3 : vector<16xf32> to vector<1x16xf32>
      tpu.vector_store %arg14[%swap3A, %swap3A_102], %swap3A_105 {strides = array<i32>} : memref<80x128xf32, #tpu.memory_space<vmem>>, vector<1x16xf32>,
      %swap3A_106 = arith.index_cast %add3A_101 : i32 to index
      %swap3A_107 = arith.constant 16 : index
      %swap3A_108 = tpu.vector_load %arg14[%swap3A_106, %swap3A_107] {strides = array<i32>} : memref<80x128xf32, #tpu.memory_space<vmem>>, vector<1x16xf32>,
      %swap3A_109 = vector.shape_cast %swap3A_108 : vector<1x16xf32> to vector<16xf32>
      %swap3A_110 = vector.shape_cast %broadcast_in_dim3A_3 : vector<16xf32> to vector<1x16xf32>
      tpu.vector_store %arg14[%swap3A_106, %swap3A_107], %swap3A_110 {strides = array<i32>} : memref<80x128xf32, #tpu.memory_space<vmem>>, vector<1x16xf32>,
      %swap3A_111 = arith.index_cast %add3A_101 : i32 to index
      %swap3A_112 = arith.constant 32 : index
      %swap3A_113 = tpu.vector_load %arg14[%swap3A_111, %swap3A_112] {strides = array<i32>} : memref<80x128xf32, #tpu.memory_space<vmem>>, vector<1x16xf32>,
      %swap3A_114 = vector.shape_cast %swap3A_113 : vector<1x16xf32> to vector<16xf32>
      %swap3A_115 = vector.shape_cast %broadcast_in_dim3A_3 : vector<16xf32> to vector<1x16xf32>
      tpu.vector_store %arg14[%swap3A_111, %swap3A_112], %swap3A_115 {strides = array<i32>} : memref<80x128xf32, #tpu.memory_space<vmem>>, vector<1x16xf32>,
      %swap3A_116 = arith.index_cast %add3A_101 : i32 to index
      %swap3A_117 = arith.constant 48 : index
      %swap3A_118 = tpu.vector_load %arg14[%swap3A_116, %swap3A_117] {strides = array<i32>} : memref<80x128xf32, #tpu.memory_space<vmem>>, vector<1x16xf32>,
      %swap3A_119 = vector.shape_cast %swap3A_118 : vector<1x16xf32> to vector<16xf32>
      %swap3A_120 = vector.shape_cast %broadcast_in_dim3A_3 : vector<16xf32> to vector<1x16xf32>
      tpu.vector_store %arg14[%swap3A_116, %swap3A_117], %swap3A_120 {strides = array<i32>} : memref<80x128xf32, #tpu.memory_space<vmem>>, vector<1x16xf32>,
      %swap3A_121 = arith.index_cast %add3A_101 : i32 to index
      %swap3A_122 = arith.constant 64 : index
      %swap3A_123 = tpu.vector_load %arg14[%swap3A_121, %swap3A_122] {strides = array<i32>} : memref<80x128xf32, #tpu.memory_space<vmem>>, vector<1x16xf32>,
      %swap3A_124 = vector.shape_cast %swap3A_123 : vector<1x16xf32> to vector<16xf32>
      %swap3A_125 = vector.shape_cast %broadcast_in_dim3A_3 : vector<16xf32> to vector<1x16xf32>
      tpu.vector_store %arg14[%swap3A_121, %swap3A_122], %swap3A_125 {strides = array<i32>} : memref<80x128xf32, #tpu.memory_space<vmem>>, vector<1x16xf32>,
      %swap3A_126 = arith.index_cast %add3A_101 : i32 to index
      %swap3A_127 = arith.constant 80 : index
      %swap3A_128 = tpu.vector_load %arg14[%swap3A_126, %swap3A_127] {strides = array<i32>} : memref<80x128xf32, #tpu.memory_space<vmem>>, vector<1x16xf32>,
      %swap3A_129 = vector.shape_cast %swap3A_128 : vector<1x16xf32> to vector<16xf32>
      %swap3A_130 = vector.shape_cast %broadcast_in_dim3A_3 : vector<16xf32> to vector<1x16xf32>
      tpu.vector_store %arg14[%swap3A_126, %swap3A_127], %swap3A_130 {strides = array<i32>} : memref<80x128xf32, #tpu.memory_space<vmem>>, vector<1x16xf32>,
      %swap3A_131 = arith.index_cast %add3A_101 : i32 to index
      %swap3A_132 = arith.constant 96 : index
      %swap3A_133 = tpu.vector_load %arg14[%swap3A_131, %swap3A_132] {strides = array<i32>} : memref<80x128xf32, #tpu.memory_space<vmem>>, vector<1x16xf32>,
      %swap3A_134 = vector.shape_cast %swap3A_133 : vector<1x16xf32> to vector<16xf32>
      %swap3A_135 = vector.shape_cast %broadcast_in_dim3A_3 : vector<16xf32> to vector<1x16xf32>
      tpu.vector_store %arg14[%swap3A_131, %swap3A_132], %swap3A_135 {strides = array<i32>} : memref<80x128xf32, #tpu.memory_space<vmem>>, vector<1x16xf32>,
      %swap3A_136 = arith.index_cast %add3A_101 : i32 to index
      %swap3A_137 = arith.constant 112 : index
      %swap3A_138 = tpu.vector_load %arg14[%swap3A_136, %swap3A_137] {strides = array<i32>} : memref<80x128xf32, #tpu.memory_space<vmem>>, vector<1x16xf32>,
      %swap3A_139 = vector.shape_cast %swap3A_138 : vector<1x16xf32> to vector<16xf32>
      %swap3A_140 = vector.shape_cast %broadcast_in_dim3A_3 : vector<16xf32> to vector<1x16xf32>
      tpu.vector_store %arg14[%swap3A_136, %swap3A_137], %swap3A_140 {strides = array<i32>} : memref<80x128xf32, #tpu.memory_space<vmem>>, vector<1x16xf32>,
    }
    %scan3A_7 = arith.constant 80 : i32
    %scan3A_8 = arith.constant 0 : i32
    %scan3A_9 = arith.constant 8 : i32
    %scan3A_10 = arith.addi %scan3A_8, %scan3A_9 : i32
    %scan3A_11 = arith.constant 1 : i32
    scf.for %scan3A_97 = %scan3A_8 to %scan3A_10 step %scan3A_11  : i32 {
      %mul3A_98 = arith.constant 1 : i32
      %mul3A_99 = arith.muli %scan3A_97, %mul3A_98 : i32
      %add3A_100 = arith.constant 0 : i32
      %add3A_101 = arith.addi %add3A_100, %mul3A_99 : i32
      %mul3A_102 = arith.constant 640 : i32
      %mul3A_103 = arith.muli %arg1, %mul3A_102 : i32
      %mul3A_104 = arith.constant 80 : i32
      %mul3A_105 = arith.muli %add3A_101, %mul3A_104 : i32
      %add3A_106 = arith.addi %mul3A_103, %mul3A_105 : i32
      "tpu.region"() ({
        %run_scoped3A = tpu.sem_alloc : memref<!tpu.dma_semaphore, #tpu.memory_space<semaphore_mem>>
        %dma_start3A_107 = arith.constant 0 : i32
        %dma_start3A_108 = tpu.memref_slice %arg18[%add3A_106, %dma_start3A_107] : memref<10240x128xf32, #tpu.memory_space<vmem_shared>> -> memref<80x128xf32, #tpu.memory_space<vmem_shared>>
        %dma_start3A_109 = arith.constant 0 : i32
        %dma_start3A_110 = tpu.memref_slice %arg18[%add3A_106, %dma_start3A_109] : memref<10240x128xf32, #tpu.memory_space<vmem_shared>> -> memref<80x128xf32, #tpu.memory_space<vmem_shared>>
        tpu.enqueue_dma source(%arg14 : memref<80x128xf32, #tpu.memory_space<vmem>>) target(%dma_start3A_110 : memref<80x128xf32, #tpu.memory_space<vmem_shared>>) target_semaphore(%run_scoped3A : memref<!tpu.dma_semaphore, #tpu.memory_space<semaphore_mem>>)
        %dma_wait3A_111 = arith.constant 0 : i32
        %dma_wait3A_112 = tpu.memref_slice %arg18[%add3A_106, %dma_wait3A_111] : memref<10240x128xf32, #tpu.memory_space<vmem_shared>> -> memref<80x128xf32, #tpu.memory_space<vmem_shared>>
        %dma_wait3A_113 = arith.constant 0 : i32
        %dma_wait3A_114 = tpu.memref_slice %arg18[%add3A_106, %dma_wait3A_113] : memref<10240x128xf32, #tpu.memory_space<vmem_shared>> -> memref<80x128xf32, #tpu.memory_space<vmem_shared>>
        tpu.wait_dma2 semaphore(%run_scoped3A : memref<!tpu.dma_semaphore, #tpu.memory_space<semaphore_mem>>) src(%arg14 : memref<80x128xf32, #tpu.memory_space<vmem>>) dst(%dma_wait3A_114 : memref<80x128xf32, #tpu.memory_space<vmem_shared>>)
        tpu.yield
      }) : () -> ()
    }
    %scan3A_12 = arith.constant 8 : i32
    %add3A_13 = arith.constant 0 : i32
    %add3A_14 = arith.addi %mul3A_2, %add3A_13 : i32
    "tpu.region"() ({
      %run_scoped3A = tpu.sem_alloc : memref<!tpu.dma_semaphore, #tpu.memory_space<semaphore_mem>>
      %dma_start3A_97 = tpu.memref_slice %arg3[%add3A_14] : memref<320000xi32, #tpu.memory_space<hbm>> -> memref<80xi32, #tpu.memory_space<hbm>>
      %dma_start3A_98 = tpu.memref_slice %arg3[%add3A_14] : memref<320000xi32, #tpu.memory_space<hbm>> -> memref<80xi32, #tpu.memory_space<hbm>>
      tpu.enqueue_dma source(%dma_start3A_98 : memref<80xi32, #tpu.memory_space<hbm>>) target(%arg6 : memref<80xi32, #tpu.memory_space<vmem>>) target_semaphore(%run_scoped3A : memref<!tpu.dma_semaphore, #tpu.memory_space<semaphore_mem>>)
      %dma_wait3A_99 = tpu.memref_slice %arg3[%add3A_14] : memref<320000xi32, #tpu.memory_space<hbm>> -> memref<80xi32, #tpu.memory_space<hbm>>
      %dma_wait3A_100 = tpu.memref_slice %arg3[%add3A_14] : memref<320000xi32, #tpu.memory_space<hbm>> -> memref<80xi32, #tpu.memory_space<hbm>>
      tpu.wait_dma2 semaphore(%run_scoped3A : memref<!tpu.dma_semaphore, #tpu.memory_space<semaphore_mem>>) src(%dma_wait3A_100 : memref<80xi32, #tpu.memory_space<hbm>>) dst(%arg6 : memref<80xi32, #tpu.memory_space<vmem>>)
      tpu.yield
    }) : () -> ()
    "tpu.region"() ({
      %run_scoped3A = tpu.sem_alloc : memref<!tpu.dma_semaphore, #tpu.memory_space<semaphore_mem>>
      %dma_start3A_97 = tpu.memref_slice %arg4[%add3A_14] : memref<320000xi32, #tpu.memory_space<hbm>> -> memref<80xi32, #tpu.memory_space<hbm>>
      %dma_start3A_98 = tpu.memref_slice %arg4[%add3A_14] : memref<320000xi32, #tpu.memory_space<hbm>> -> memref<80xi32, #tpu.memory_space<hbm>>
      tpu.enqueue_dma source(%dma_start3A_98 : memref<80xi32, #tpu.memory_space<hbm>>) target(%arg10 : memref<80xi32, #tpu.memory_space<vmem>>) target_semaphore(%run_scoped3A : memref<!tpu.dma_semaphore, #tpu.memory_space<semaphore_mem>>)
      %dma_wait3A_99 = tpu.memref_slice %arg4[%add3A_14] : memref<320000xi32, #tpu.memory_space<hbm>> -> memref<80xi32, #tpu.memory_space<hbm>>
      %dma_wait3A_100 = tpu.memref_slice %arg4[%add3A_14] : memref<320000xi32, #tpu.memory_space<hbm>> -> memref<80xi32, #tpu.memory_space<hbm>>
      tpu.wait_dma2 semaphore(%run_scoped3A : memref<!tpu.dma_semaphore, #tpu.memory_space<semaphore_mem>>) src(%dma_wait3A_100 : memref<80xi32, #tpu.memory_space<hbm>>) dst(%arg10 : memref<80xi32, #tpu.memory_space<vmem>>)
      tpu.yield
    }) : () -> ()
    %add3A_15 = arith.constant 80 : i32
    %add3A_16 = arith.addi %mul3A_2, %add3A_15 : i32
    "tpu.region"() ({
      %run_scoped3A = tpu.sem_alloc : memref<!tpu.dma_semaphore, #tpu.memory_space<semaphore_mem>>
      %dma_start3A_97 = tpu.memref_slice %arg3[%add3A_16] : memref<320000xi32, #tpu.memory_space<hbm>> -> memref<80xi32, #tpu.memory_space<hbm>>
      %dma_start3A_98 = tpu.memref_slice %arg3[%add3A_16] : memref<320000xi32, #tpu.memory_space<hbm>> -> memref<80xi32, #tpu.memory_space<hbm>>
      tpu.enqueue_dma source(%dma_start3A_98 : memref<80xi32, #tpu.memory_space<hbm>>) target(%arg7 : memref<80xi32, #tpu.memory_space<vmem>>) target_semaphore(%run_scoped3A : memref<!tpu.dma_semaphore, #tpu.memory_space<semaphore_mem>>)
      %dma_wait3A_99 = tpu.memref_slice %arg3[%add3A_16] : memref<320000xi32, #tpu.memory_space<hbm>> -> memref<80xi32, #tpu.memory_space<hbm>>
      %dma_wait3A_100 = tpu.memref_slice %arg3[%add3A_16] : memref<320000xi32, #tpu.memory_space<hbm>> -> memref<80xi32, #tpu.memory_space<hbm>>
      tpu.wait_dma2 semaphore(%run_scoped3A : memref<!tpu.dma_semaphore, #tpu.memory_space<semaphore_mem>>) src(%dma_wait3A_100 : memref<80xi32, #tpu.memory_space<hbm>>) dst(%arg7 : memref<80xi32, #tpu.memory_space<vmem>>)
      tpu.yield
    }) : () -> ()
    "tpu.region"() ({
      %run_scoped3A = tpu.sem_alloc : memref<!tpu.dma_semaphore, #tpu.memory_space<semaphore_mem>>
      %dma_start3A_97 = tpu.memref_slice %arg4[%add3A_16] : memref<320000xi32, #tpu.memory_space<hbm>> -> memref<80xi32, #tpu.memory_space<hbm>>
      %dma_start3A_98 = tpu.memref_slice %arg4[%add3A_16] : memref<320000xi32, #tpu.memory_space<hbm>> -> memref<80xi32, #tpu.memory_space<hbm>>
      tpu.enqueue_dma source(%dma_start3A_98 : memref<80xi32, #tpu.memory_space<hbm>>) target(%arg11 : memref<80xi32, #tpu.memory_space<vmem>>) target_semaphore(%run_scoped3A : memref<!tpu.dma_semaphore, #tpu.memory_space<semaphore_mem>>)
      %dma_wait3A_99 = tpu.memref_slice %arg4[%add3A_16] : memref<320000xi32, #tpu.memory_space<hbm>> -> memref<80xi32, #tpu.memory_space<hbm>>
      %dma_wait3A_100 = tpu.memref_slice %arg4[%add3A_16] : memref<320000xi32, #tpu.memory_space<hbm>> -> memref<80xi32, #tpu.memory_space<hbm>>
      tpu.wait_dma2 semaphore(%run_scoped3A : memref<!tpu.dma_semaphore, #tpu.memory_space<semaphore_mem>>) src(%dma_wait3A_100 : memref<80xi32, #tpu.memory_space<hbm>>) dst(%arg11 : memref<80xi32, #tpu.memory_space<vmem>>)
      tpu.yield
    }) : () -> ()
    %dma_start3A = arith.constant 0 : i32
    %dma_start3A_17 = arith.constant 0 : i32
    %dma_start3A_18 = tpu.memref_slice %arg2[%dma_start3A, %dma_start3A_17] : memref<10000x128xf32, #tpu.memory_space<hbm>> -> memref<10000x128xf32, #tpu.memory_space<hbm>>
    tpu.enqueue_indirect_dma source(%dma_start3A_18 : memref<10000x128xf32, #tpu.memory_space<hbm>>) target(%arg14 : memref<80x128xf32, #tpu.memory_space<vmem>>) offsets(%arg6 : memref<80xi32, #tpu.memory_space<vmem>>) semaphore(%arg19 : memref<!tpu.dma_semaphore, #tpu.memory_space<semaphore_mem>>)
    %dma_start3A_19 = arith.constant 0 : i32
    %dma_start3A_20 = arith.constant 0 : i32
    %dma_start3A_21 = tpu.memref_slice %arg2[%dma_start3A_19, %dma_start3A_20] : memref<10000x128xf32, #tpu.memory_space<hbm>> -> memref<10000x128xf32, #tpu.memory_space<hbm>>
    tpu.enqueue_indirect_dma source(%dma_start3A_21 : memref<10000x128xf32, #tpu.memory_space<hbm>>) target(%arg15 : memref<80x128xf32, #tpu.memory_space<vmem>>) offsets(%arg7 : memref<80xi32, #tpu.memory_space<vmem>>) semaphore(%arg20 : memref<!tpu.dma_semaphore, #tpu.memory_space<semaphore_mem>>)
    %barrier3A = arith.constant 0 : index
    tpu.barrier barrier_id(%barrier3A)
    %dma_wait3A = arith.constant 0 : i32
    %dma_wait3A_22 = arith.constant 0 : i32
    %dma_wait3A_23 = tpu.memref_slice %arg2[%dma_wait3A, %dma_wait3A_22] : memref<10000x128xf32, #tpu.memory_space<hbm>> -> memref<10000x128xf32, #tpu.memory_space<hbm>>
    tpu.wait_indirect_dma semaphore(%arg19 : memref<!tpu.dma_semaphore, #tpu.memory_space<semaphore_mem>>) src(%dma_wait3A_23 : memref<10000x128xf32, #tpu.memory_space<hbm>>) dst(%arg14 : memref<80x128xf32, #tpu.memory_space<vmem>>)
    %dma_start3A_24 = arith.constant 0 : i32
    %dma_start3A_25 = arith.constant 0 : i32
    %dma_start3A_26 = tpu.memref_slice %arg18[%dma_start3A_24, %dma_start3A_25] : memref<10240x128xf32, #tpu.memory_space<vmem_shared>> -> memref<10240x128xf32, #tpu.memory_space<vmem_shared>>
    tpu.enqueue_indirect_dma source(%arg14 : memref<80x128xf32, #tpu.memory_space<vmem>>) target(%dma_start3A_26 : memref<10240x128xf32, #tpu.memory_space<vmem_shared>>) offsets(%arg10 : memref<80xi32, #tpu.memory_space<vmem>>) semaphore(%arg23 : memref<!tpu.dma_semaphore, #tpu.memory_space<semaphore_mem>>) {add = true}
    %add3A_27 = arith.constant 160 : i32
    %add3A_28 = arith.addi %mul3A_2, %add3A_27 : i32
    "tpu.region"() ({
      %run_scoped3A = tpu.sem_alloc : memref<!tpu.dma_semaphore, #tpu.memory_space<semaphore_mem>>
      %dma_start3A_97 = tpu.memref_slice %arg3[%add3A_28] : memref<320000xi32, #tpu.memory_space<hbm>> -> memref<80xi32, #tpu.memory_space<hbm>>
      %dma_start3A_98 = tpu.memref_slice %arg3[%add3A_28] : memref<320000xi32, #tpu.memory_space<hbm>> -> memref<80xi32, #tpu.memory_space<hbm>>
      tpu.enqueue_dma source(%dma_start3A_98 : memref<80xi32, #tpu.memory_space<hbm>>) target(%arg8 : memref<80xi32, #tpu.memory_space<vmem>>) target_semaphore(%run_scoped3A : memref<!tpu.dma_semaphore, #tpu.memory_space<semaphore_mem>>)
      %dma_wait3A_99 = tpu.memref_slice %arg3[%add3A_28] : memref<320000xi32, #tpu.memory_space<hbm>> -> memref<80xi32, #tpu.memory_space<hbm>>
      %dma_wait3A_100 = tpu.memref_slice %arg3[%add3A_28] : memref<320000xi32, #tpu.memory_space<hbm>> -> memref<80xi32, #tpu.memory_space<hbm>>
      tpu.wait_dma2 semaphore(%run_scoped3A : memref<!tpu.dma_semaphore, #tpu.memory_space<semaphore_mem>>) src(%dma_wait3A_100 : memref<80xi32, #tpu.memory_space<hbm>>) dst(%arg8 : memref<80xi32, #tpu.memory_space<vmem>>)
      tpu.yield
    }) : () -> ()
    "tpu.region"() ({
      %run_scoped3A = tpu.sem_alloc : memref<!tpu.dma_semaphore, #tpu.memory_space<semaphore_mem>>
      %dma_start3A_97 = tpu.memref_slice %arg4[%add3A_28] : memref<320000xi32, #tpu.memory_space<hbm>> -> memref<80xi32, #tpu.memory_space<hbm>>
      %dma_start3A_98 = tpu.memref_slice %arg4[%add3A_28] : memref<320000xi32, #tpu.memory_space<hbm>> -> memref<80xi32, #tpu.memory_space<hbm>>
      tpu.enqueue_dma source(%dma_start3A_98 : memref<80xi32, #tpu.memory_space<hbm>>) target(%arg12 : memref<80xi32, #tpu.memory_space<vmem>>) target_semaphore(%run_scoped3A : memref<!tpu.dma_semaphore, #tpu.memory_space<semaphore_mem>>)
      %dma_wait3A_99 = tpu.memref_slice %arg4[%add3A_28] : memref<320000xi32, #tpu.memory_space<hbm>> -> memref<80xi32, #tpu.memory_space<hbm>>
      %dma_wait3A_100 = tpu.memref_slice %arg4[%add3A_28] : memref<320000xi32, #tpu.memory_space<hbm>> -> memref<80xi32, #tpu.memory_space<hbm>>
      tpu.wait_dma2 semaphore(%run_scoped3A : memref<!tpu.dma_semaphore, #tpu.memory_space<semaphore_mem>>) src(%dma_wait3A_100 : memref<80xi32, #tpu.memory_space<hbm>>) dst(%arg12 : memref<80xi32, #tpu.memory_space<vmem>>)
      tpu.yield
    }) : () -> ()
    %dma_start3A_29 = arith.constant 0 : i32
    %dma_start3A_30 = arith.constant 0 : i32
    %dma_start3A_31 = tpu.memref_slice %arg2[%dma_start3A_29, %dma_start3A_30] : memref<10000x128xf32, #tpu.memory_space<hbm>> -> memref<10000x128xf32, #tpu.memory_space<hbm>>
    tpu.enqueue_indirect_dma source(%dma_start3A_31 : memref<10000x128xf32, #tpu.memory_space<hbm>>) target(%arg16 : memref<80x128xf32, #tpu.memory_space<vmem>>) offsets(%arg8 : memref<80xi32, #tpu.memory_space<vmem>>) semaphore(%arg21 : memref<!tpu.dma_semaphore, #tpu.memory_space<semaphore_mem>>)
    %dma_wait3A_32 = arith.constant 0 : i32
    %dma_wait3A_33 = arith.constant 0 : i32
    %dma_wait3A_34 = tpu.memref_slice %arg2[%dma_wait3A_32, %dma_wait3A_33] : memref<10000x128xf32, #tpu.memory_space<hbm>> -> memref<10000x128xf32, #tpu.memory_space<hbm>>
    tpu.wait_indirect_dma semaphore(%arg20 : memref<!tpu.dma_semaphore, #tpu.memory_space<semaphore_mem>>) src(%dma_wait3A_34 : memref<10000x128xf32, #tpu.memory_space<hbm>>) dst(%arg15 : memref<80x128xf32, #tpu.memory_space<vmem>>)
    %dma_start3A_35 = arith.constant 0 : i32
    %dma_start3A_36 = arith.constant 0 : i32
    %dma_start3A_37 = tpu.memref_slice %arg18[%dma_start3A_35, %dma_start3A_36] : memref<10240x128xf32, #tpu.memory_space<vmem_shared>> -> memref<10240x128xf32, #tpu.memory_space<vmem_shared>>
    tpu.enqueue_indirect_dma source(%arg15 : memref<80x128xf32, #tpu.memory_space<vmem>>) target(%dma_start3A_37 : memref<10240x128xf32, #tpu.memory_space<vmem_shared>>) offsets(%arg11 : memref<80xi32, #tpu.memory_space<vmem>>) semaphore(%arg24 : memref<!tpu.dma_semaphore, #tpu.memory_space<semaphore_mem>>) {add = true}
    %add3A_38 = arith.constant 240 : i32
    %add3A_39 = arith.addi %mul3A_2, %add3A_38 : i32
    "tpu.region"() ({
      %run_scoped3A = tpu.sem_alloc : memref<!tpu.dma_semaphore, #tpu.memory_space<semaphore_mem>>
      %dma_start3A_97 = tpu.memref_slice %arg3[%add3A_39] : memref<320000xi32, #tpu.memory_space<hbm>> -> memref<80xi32, #tpu.memory_space<hbm>>
      %dma_start3A_98 = tpu.memref_slice %arg3[%add3A_39] : memref<320000xi32, #tpu.memory_space<hbm>> -> memref<80xi32, #tpu.memory_space<hbm>>
      tpu.enqueue_dma source(%dma_start3A_98 : memref<80xi32, #tpu.memory_space<hbm>>) target(%arg9 : memref<80xi32, #tpu.memory_space<vmem>>) target_semaphore(%run_scoped3A : memref<!tpu.dma_semaphore, #tpu.memory_space<semaphore_mem>>)
      %dma_wait3A_99 = tpu.memref_slice %arg3[%add3A_39] : memref<320000xi32, #tpu.memory_space<hbm>> -> memref<80xi32, #tpu.memory_space<hbm>>
      %dma_wait3A_100 = tpu.memref_slice %arg3[%add3A_39] : memref<320000xi32, #tpu.memory_space<hbm>> -> memref<80xi32, #tpu.memory_space<hbm>>
      tpu.wait_dma2 semaphore(%run_scoped3A : memref<!tpu.dma_semaphore, #tpu.memory_space<semaphore_mem>>) src(%dma_wait3A_100 : memref<80xi32, #tpu.memory_space<hbm>>) dst(%arg9 : memref<80xi32, #tpu.memory_space<vmem>>)
      tpu.yield
    }) : () -> ()
    "tpu.region"() ({
      %run_scoped3A = tpu.sem_alloc : memref<!tpu.dma_semaphore, #tpu.memory_space<semaphore_mem>>
      %dma_start3A_97 = tpu.memref_slice %arg4[%add3A_39] : memref<320000xi32, #tpu.memory_space<hbm>> -> memref<80xi32, #tpu.memory_space<hbm>>
      %dma_start3A_98 = tpu.memref_slice %arg4[%add3A_39] : memref<320000xi32, #tpu.memory_space<hbm>> -> memref<80xi32, #tpu.memory_space<hbm>>
      tpu.enqueue_dma source(%dma_start3A_98 : memref<80xi32, #tpu.memory_space<hbm>>) target(%arg13 : memref<80xi32, #tpu.memory_space<vmem>>) target_semaphore(%run_scoped3A : memref<!tpu.dma_semaphore, #tpu.memory_space<semaphore_mem>>)
      %dma_wait3A_99 = tpu.memref_slice %arg4[%add3A_39] : memref<320000xi32, #tpu.memory_space<hbm>> -> memref<80xi32, #tpu.memory_space<hbm>>
      %dma_wait3A_100 = tpu.memref_slice %arg4[%add3A_39] : memref<320000xi32, #tpu.memory_space<hbm>> -> memref<80xi32, #tpu.memory_space<hbm>>
      tpu.wait_dma2 semaphore(%run_scoped3A : memref<!tpu.dma_semaphore, #tpu.memory_space<semaphore_mem>>) src(%dma_wait3A_100 : memref<80xi32, #tpu.memory_space<hbm>>) dst(%arg13 : memref<80xi32, #tpu.memory_space<vmem>>)
      tpu.yield
    }) : () -> ()
    %dma_start3A_40 = arith.constant 0 : i32
    %dma_start3A_41 = arith.constant 0 : i32
    %dma_start3A_42 = tpu.memref_slice %arg2[%dma_start3A_40, %dma_start3A_41] : memref<10000x128xf32, #tpu.memory_space<hbm>> -> memref<10000x128xf32, #tpu.memory_space<hbm>>
    tpu.enqueue_indirect_dma source(%dma_start3A_42 : memref<10000x128xf32, #tpu.memory_space<hbm>>) target(%arg17 : memref<80x128xf32, #tpu.memory_space<vmem>>) offsets(%arg9 : memref<80xi32, #tpu.memory_space<vmem>>) semaphore(%arg22 : memref<!tpu.dma_semaphore, #tpu.memory_space<semaphore_mem>>)
    %dma_wait3A_43 = arith.constant 0 : i32
    %dma_wait3A_44 = arith.constant 0 : i32
    %dma_wait3A_45 = tpu.memref_slice %arg2[%dma_wait3A_43, %dma_wait3A_44] : memref<10000x128xf32, #tpu.memory_space<hbm>> -> memref<10000x128xf32, #tpu.memory_space<hbm>>
    tpu.wait_indirect_dma semaphore(%arg21 : memref<!tpu.dma_semaphore, #tpu.memory_space<semaphore_mem>>) src(%dma_wait3A_45 : memref<10000x128xf32, #tpu.memory_space<hbm>>) dst(%arg16 : memref<80x128xf32, #tpu.memory_space<vmem>>)
    %dma_wait3A_46 = arith.constant 0 : i32
    %dma_wait3A_47 = arith.constant 0 : i32
    %dma_wait3A_48 = tpu.memref_slice %arg18[%dma_wait3A_46, %dma_wait3A_47] : memref<10240x128xf32, #tpu.memory_space<vmem_shared>> -> memref<10240x128xf32, #tpu.memory_space<vmem_shared>>
    tpu.wait_indirect_dma semaphore(%arg23 : memref<!tpu.dma_semaphore, #tpu.memory_space<semaphore_mem>>) src(%arg14 : memref<80x128xf32, #tpu.memory_space<vmem>>) dst(%dma_wait3A_48 : memref<10240x128xf32, #tpu.memory_space<vmem_shared>>)
    %dma_start3A_49 = arith.constant 0 : i32
    %dma_start3A_50 = arith.constant 0 : i32
    %dma_start3A_51 = tpu.memref_slice %arg18[%dma_start3A_49, %dma_start3A_50] : memref<10240x128xf32, #tpu.memory_space<vmem_shared>> -> memref<10240x128xf32, #tpu.memory_space<vmem_shared>>
    tpu.enqueue_indirect_dma source(%arg16 : memref<80x128xf32, #tpu.memory_space<vmem>>) target(%dma_start3A_51 : memref<10240x128xf32, #tpu.memory_space<vmem_shared>>) offsets(%arg12 : memref<80xi32, #tpu.memory_space<vmem>>) semaphore(%arg25 : memref<!tpu.dma_semaphore, #tpu.memory_space<semaphore_mem>>) {add = true}
    %add3A_52 = arith.constant 320 : i32
    %add3A_53 = arith.addi %mul3A_2, %add3A_52 : i32
    "tpu.region"() ({
      %run_scoped3A = tpu.sem_alloc : memref<!tpu.dma_semaphore, #tpu.memory_space<semaphore_mem>>
      %dma_start3A_97 = tpu.memref_slice %arg3[%add3A_53] : memref<320000xi32, #tpu.memory_space<hbm>> -> memref<80xi32, #tpu.memory_space<hbm>>
      %dma_start3A_98 = tpu.memref_slice %arg3[%add3A_53] : memref<320000xi32, #tpu.memory_space<hbm>> -> memref<80xi32, #tpu.memory_space<hbm>>
      tpu.enqueue_dma source(%dma_start3A_98 : memref<80xi32, #tpu.memory_space<hbm>>) target(%arg6 : memref<80xi32, #tpu.memory_space<vmem>>) target_semaphore(%run_scoped3A : memref<!tpu.dma_semaphore, #tpu.memory_space<semaphore_mem>>)
      %dma_wait3A_99 = tpu.memref_slice %arg3[%add3A_53] : memref<320000xi32, #tpu.memory_space<hbm>> -> memref<80xi32, #tpu.memory_space<hbm>>
      %dma_wait3A_100 = tpu.memref_slice %arg3[%add3A_53] : memref<320000xi32, #tpu.memory_space<hbm>> -> memref<80xi32, #tpu.memory_space<hbm>>
      tpu.wait_dma2 semaphore(%run_scoped3A : memref<!tpu.dma_semaphore, #tpu.memory_space<semaphore_mem>>) src(%dma_wait3A_100 : memref<80xi32, #tpu.memory_space<hbm>>) dst(%arg6 : memref<80xi32, #tpu.memory_space<vmem>>)
      tpu.yield
    }) : () -> ()
    "tpu.region"() ({
      %run_scoped3A = tpu.sem_alloc : memref<!tpu.dma_semaphore, #tpu.memory_space<semaphore_mem>>
      %dma_start3A_97 = tpu.memref_slice %arg4[%add3A_53] : memref<320000xi32, #tpu.memory_space<hbm>> -> memref<80xi32, #tpu.memory_space<hbm>>
      %dma_start3A_98 = tpu.memref_slice %arg4[%add3A_53] : memref<320000xi32, #tpu.memory_space<hbm>> -> memref<80xi32, #tpu.memory_space<hbm>>
      tpu.enqueue_dma source(%dma_start3A_98 : memref<80xi32, #tpu.memory_space<hbm>>) target(%arg10 : memref<80xi32, #tpu.memory_space<vmem>>) target_semaphore(%run_scoped3A : memref<!tpu.dma_semaphore, #tpu.memory_space<semaphore_mem>>)
      %dma_wait3A_99 = tpu.memref_slice %arg4[%add3A_53] : memref<320000xi32, #tpu.memory_space<hbm>> -> memref<80xi32, #tpu.memory_space<hbm>>
      %dma_wait3A_100 = tpu.memref_slice %arg4[%add3A_53] : memref<320000xi32, #tpu.memory_space<hbm>> -> memref<80xi32, #tpu.memory_space<hbm>>
      tpu.wait_dma2 semaphore(%run_scoped3A : memref<!tpu.dma_semaphore, #tpu.memory_space<semaphore_mem>>) src(%dma_wait3A_100 : memref<80xi32, #tpu.memory_space<hbm>>) dst(%arg10 : memref<80xi32, #tpu.memory_space<vmem>>)
      tpu.yield
    }) : () -> ()
    %dma_start3A_54 = arith.constant 0 : i32
    %dma_start3A_55 = arith.constant 0 : i32
    %dma_start3A_56 = tpu.memref_slice %arg2[%dma_start3A_54, %dma_start3A_55] : memref<10000x128xf32, #tpu.memory_space<hbm>> -> memref<10000x128xf32, #tpu.memory_space<hbm>>
    tpu.enqueue_indirect_dma source(%dma_start3A_56 : memref<10000x128xf32, #tpu.memory_space<hbm>>) target(%arg14 : memref<80x128xf32, #tpu.memory_space<vmem>>) offsets(%arg6 : memref<80xi32, #tpu.memory_space<vmem>>) semaphore(%arg19 : memref<!tpu.dma_semaphore, #tpu.memory_space<semaphore_mem>>)
    %dma_wait3A_57 = arith.constant 0 : i32
    %dma_wait3A_58 = arith.constant 0 : i32
    %dma_wait3A_59 = tpu.memref_slice %arg2[%dma_wait3A_57, %dma_wait3A_58] : memref<10000x128xf32, #tpu.memory_space<hbm>> -> memref<10000x128xf32, #tpu.memory_space<hbm>>
    tpu.wait_indirect_dma semaphore(%arg22 : memref<!tpu.dma_semaphore, #tpu.memory_space<semaphore_mem>>) src(%dma_wait3A_59 : memref<10000x128xf32, #tpu.memory_space<hbm>>) dst(%arg17 : memref<80x128xf32, #tpu.memory_space<vmem>>)
    %dma_wait3A_60 = arith.constant 0 : i32
    %dma_wait3A_61 = arith.constant 0 : i32
    %dma_wait3A_62 = tpu.memref_slice %arg18[%dma_wait3A_60, %dma_wait3A_61] : memref<10240x128xf32, #tpu.memory_space<vmem_shared>> -> memref<10240x128xf32, #tpu.memory_space<vmem_shared>>
    tpu.wait_indirect_dma semaphore(%arg24 : memref<!tpu.dma_semaphore, #tpu.memory_space<semaphore_mem>>) src(%arg15 : memref<80x128xf32, #tpu.memory_space<vmem>>) dst(%dma_wait3A_62 : memref<10240x128xf32, #tpu.memory_space<vmem_shared>>)
    %dma_start3A_63 = arith.constant 0 : i32
    %dma_start3A_64 = arith.constant 0 : i32
    %dma_start3A_65 = tpu.memref_slice %arg18[%dma_start3A_63, %dma_start3A_64] : memref<10240x128xf32, #tpu.memory_space<vmem_shared>> -> memref<10240x128xf32, #tpu.memory_space<vmem_shared>>
    tpu.enqueue_indirect_dma source(%arg17 : memref<80x128xf32, #tpu.memory_space<vmem>>) target(%dma_start3A_65 : memref<10240x128xf32, #tpu.memory_space<vmem_shared>>) offsets(%arg13 : memref<80xi32, #tpu.memory_space<vmem>>) semaphore(%arg26 : memref<!tpu.dma_semaphore, #tpu.memory_space<semaphore_mem>>) {add = true}
    %add3A_66 = arith.constant 400 : i32
    %add3A_67 = arith.addi %mul3A_2, %add3A_66 : i32
    "tpu.region"() ({
      %run_scoped3A = tpu.sem_alloc : memref<!tpu.dma_semaphore, #tpu.memory_space<semaphore_mem>>
      %dma_start3A_97 = tpu.memref_slice %arg3[%add3A_67] : memref<320000xi32, #tpu.memory_space<hbm>> -> memref<80xi32, #tpu.memory_space<hbm>>
      %dma_start3A_98 = tpu.memref_slice %arg3[%add3A_67] : memref<320000xi32, #tpu.memory_space<hbm>> -> memref<80xi32, #tpu.memory_space<hbm>>
      tpu.enqueue_dma source(%dma_start3A_98 : memref<80xi32, #tpu.memory_space<hbm>>) target(%arg7 : memref<80xi32, #tpu.memory_space<vmem>>) target_semaphore(%run_scoped3A : memref<!tpu.dma_semaphore, #tpu.memory_space<semaphore_mem>>)
      %dma_wait3A_99 = tpu.memref_slice %arg3[%add3A_67] : memref<320000xi32, #tpu.memory_space<hbm>> -> memref<80xi32, #tpu.memory_space<hbm>>
      %dma_wait3A_100 = tpu.memref_slice %arg3[%add3A_67] : memref<320000xi32, #tpu.memory_space<hbm>> -> memref<80xi32, #tpu.memory_space<hbm>>
      tpu.wait_dma2 semaphore(%run_scoped3A : memref<!tpu.dma_semaphore, #tpu.memory_space<semaphore_mem>>) src(%dma_wait3A_100 : memref<80xi32, #tpu.memory_space<hbm>>) dst(%arg7 : memref<80xi32, #tpu.memory_space<vmem>>)
      tpu.yield
    }) : () -> ()
    "tpu.region"() ({
      %run_scoped3A = tpu.sem_alloc : memref<!tpu.dma_semaphore, #tpu.memory_space<semaphore_mem>>
      %dma_start3A_97 = tpu.memref_slice %arg4[%add3A_67] : memref<320000xi32, #tpu.memory_space<hbm>> -> memref<80xi32, #tpu.memory_space<hbm>>
      %dma_start3A_98 = tpu.memref_slice %arg4[%add3A_67] : memref<320000xi32, #tpu.memory_space<hbm>> -> memref<80xi32, #tpu.memory_space<hbm>>
      tpu.enqueue_dma source(%dma_start3A_98 : memref<80xi32, #tpu.memory_space<hbm>>) target(%arg11 : memref<80xi32, #tpu.memory_space<vmem>>) target_semaphore(%run_scoped3A : memref<!tpu.dma_semaphore, #tpu.memory_space<semaphore_mem>>)
      %dma_wait3A_99 = tpu.memref_slice %arg4[%add3A_67] : memref<320000xi32, #tpu.memory_space<hbm>> -> memref<80xi32, #tpu.memory_space<hbm>>
      %dma_wait3A_100 = tpu.memref_slice %arg4[%add3A_67] : memref<320000xi32, #tpu.memory_space<hbm>> -> memref<80xi32, #tpu.memory_space<hbm>>
      tpu.wait_dma2 semaphore(%run_scoped3A : memref<!tpu.dma_semaphore, #tpu.memory_space<semaphore_mem>>) src(%dma_wait3A_100 : memref<80xi32, #tpu.memory_space<hbm>>) dst(%arg11 : memref<80xi32, #tpu.memory_space<vmem>>)
      tpu.yield
    }) : () -> ()
    %dma_start3A_68 = arith.constant 0 : i32
    %dma_start3A_69 = arith.constant 0 : i32
    %dma_start3A_70 = tpu.memref_slice %arg2[%dma_start3A_68, %dma_start3A_69] : memref<10000x128xf32, #tpu.memory_space<hbm>> -> memref<10000x128xf32, #tpu.memory_space<hbm>>
    tpu.enqueue_indirect_dma source(%dma_start3A_70 : memref<10000x128xf32, #tpu.memory_space<hbm>>) target(%arg15 : memref<80x128xf32, #tpu.memory_space<vmem>>) offsets(%arg7 : memref<80xi32, #tpu.memory_space<vmem>>) semaphore(%arg20 : memref<!tpu.dma_semaphore, #tpu.memory_space<semaphore_mem>>)
    %scan3A_71 = arith.constant 0 : i32
    %scan3A_72 = arith.constant 30 : i32
    %scan3A_73 = arith.addi %scan3A_71, %scan3A_72 : i32
    %scan3A_74 = arith.constant 1 : i32
    scf.for %scan3A_97 = %scan3A_71 to %scan3A_73 step %scan3A_74  : i32 {
      %mul3A_98 = arith.constant 4 : i32
      %mul3A_99 = arith.muli %scan3A_97, %mul3A_98 : i32
      %add3A_100 = arith.constant 4 : i32
      %add3A_101 = arith.addi %add3A_100, %mul3A_99 : i32
      %dma_wait3A_102 = arith.constant 0 : i32
      %dma_wait3A_103 = arith.constant 0 : i32
      %dma_wait3A_104 = tpu.memref_slice %arg2[%dma_wait3A_102, %dma_wait3A_103] : memref<10000x128xf32, #tpu.memory_space<hbm>> -> memref<10000x128xf32, #tpu.memory_space<hbm>>
      tpu.wait_indirect_dma semaphore(%arg19 : memref<!tpu.dma_semaphore, #tpu.memory_space<semaphore_mem>>) src(%dma_wait3A_104 : memref<10000x128xf32, #tpu.memory_space<hbm>>) dst(%arg14 : memref<80x128xf32, #tpu.memory_space<vmem>>)
      %dma_wait3A_105 = arith.constant 0 : i32
      %dma_wait3A_106 = arith.constant 0 : i32
      %dma_wait3A_107 = tpu.memref_slice %arg18[%dma_wait3A_105, %dma_wait3A_106] : memref<10240x128xf32, #tpu.memory_space<vmem_shared>> -> memref<10240x128xf32, #tpu.memory_space<vmem_shared>>
      tpu.wait_indirect_dma semaphore(%arg25 : memref<!tpu.dma_semaphore, #tpu.memory_space<semaphore_mem>>) src(%arg16 : memref<80x128xf32, #tpu.memory_space<vmem>>) dst(%dma_wait3A_107 : memref<10240x128xf32, #tpu.memory_space<vmem_shared>>)
      %dma_start3A_108 = arith.constant 0 : i32
      %dma_start3A_109 = arith.constant 0 : i32
      %dma_start3A_110 = tpu.memref_slice %arg18[%dma_start3A_108, %dma_start3A_109] : memref<10240x128xf32, #tpu.memory_space<vmem_shared>> -> memref<10240x128xf32, #tpu.memory_space<vmem_shared>>
      tpu.enqueue_indirect_dma source(%arg14 : memref<80x128xf32, #tpu.memory_space<vmem>>) target(%dma_start3A_110 : memref<10240x128xf32, #tpu.memory_space<vmem_shared>>) offsets(%arg10 : memref<80xi32, #tpu.memory_space<vmem>>) semaphore(%arg23 : memref<!tpu.dma_semaphore, #tpu.memory_space<semaphore_mem>>) {add = true}
      %add3A_111 = arith.constant 0 : i32
      %add3A_112 = arith.addi %add3A_101, %add3A_111 : i32
      %add3A_113 = arith.constant 2 : i32
      %add3A_114 = arith.addi %add3A_112, %add3A_113 : i32
      %lt3A = arith.constant 125 : i32
      %lt3A_115 = arith.cmpi slt, %add3A_114, %lt3A : i32
      %convert_element_type3A = arith.extui %lt3A_115 : i1 to i32
      %cond3A = arith.constant 0 : i32
      %cond3A_116 = arith.cmpi ne, %convert_element_type3A, %cond3A : i32
      scf.if %cond3A_116 {
        %add3A_171 = arith.constant 0 : i32
        %add3A_172 = arith.addi %add3A_101, %add3A_171 : i32
        %add3A_173 = arith.constant 2 : i32
        %add3A_174 = arith.addi %add3A_172, %add3A_173 : i32
        %mul3A_175 = arith.constant 80 : i32
        %mul3A_176 = arith.muli %add3A_174, %mul3A_175 : i32
        %add3A_177 = arith.addi %mul3A_2, %mul3A_176 : i32
        "tpu.region"() ({
          %run_scoped3A = tpu.sem_alloc : memref<!tpu.dma_semaphore, #tpu.memory_space<semaphore_mem>>
          %dma_start3A_181 = tpu.memref_slice %arg3[%add3A_177] : memref<320000xi32, #tpu.memory_space<hbm>> -> memref<80xi32, #tpu.memory_space<hbm>>
          %dma_start3A_182 = tpu.memref_slice %arg3[%add3A_177] : memref<320000xi32, #tpu.memory_space<hbm>> -> memref<80xi32, #tpu.memory_space<hbm>>
          tpu.enqueue_dma source(%dma_start3A_182 : memref<80xi32, #tpu.memory_space<hbm>>) target(%arg8 : memref<80xi32, #tpu.memory_space<vmem>>) target_semaphore(%run_scoped3A : memref<!tpu.dma_semaphore, #tpu.memory_space<semaphore_mem>>)
          %dma_wait3A_183 = tpu.memref_slice %arg3[%add3A_177] : memref<320000xi32, #tpu.memory_space<hbm>> -> memref<80xi32, #tpu.memory_space<hbm>>
          %dma_wait3A_184 = tpu.memref_slice %arg3[%add3A_177] : memref<320000xi32, #tpu.memory_space<hbm>> -> memref<80xi32, #tpu.memory_space<hbm>>
          tpu.wait_dma2 semaphore(%run_scoped3A : memref<!tpu.dma_semaphore, #tpu.memory_space<semaphore_mem>>) src(%dma_wait3A_184 : memref<80xi32, #tpu.memory_space<hbm>>) dst(%arg8 : memref<80xi32, #tpu.memory_space<vmem>>)
          tpu.yield
        }) : () -> ()
        "tpu.region"() ({
          %run_scoped3A = tpu.sem_alloc : memref<!tpu.dma_semaphore, #tpu.memory_space<semaphore_mem>>
          %dma_start3A_181 = tpu.memref_slice %arg4[%add3A_177] : memref<320000xi32, #tpu.memory_space<hbm>> -> memref<80xi32, #tpu.memory_space<hbm>>
          %dma_start3A_182 = tpu.memref_slice %arg4[%add3A_177] : memref<320000xi32, #tpu.memory_space<hbm>> -> memref<80xi32, #tpu.memory_space<hbm>>
          tpu.enqueue_dma source(%dma_start3A_182 : memref<80xi32, #tpu.memory_space<hbm>>) target(%arg12 : memref<80xi32, #tpu.memory_space<vmem>>) target_semaphore(%run_scoped3A : memref<!tpu.dma_semaphore, #tpu.memory_space<semaphore_mem>>)
          %dma_wait3A_183 = tpu.memref_slice %arg4[%add3A_177] : memref<320000xi32, #tpu.memory_space<hbm>> -> memref<80xi32, #tpu.memory_space<hbm>>
          %dma_wait3A_184 = tpu.memref_slice %arg4[%add3A_177] : memref<320000xi32, #tpu.memory_space<hbm>> -> memref<80xi32, #tpu.memory_space<hbm>>
          tpu.wait_dma2 semaphore(%run_scoped3A : memref<!tpu.dma_semaphore, #tpu.memory_space<semaphore_mem>>) src(%dma_wait3A_184 : memref<80xi32, #tpu.memory_space<hbm>>) dst(%arg12 : memref<80xi32, #tpu.memory_space<vmem>>)
          tpu.yield
        }) : () -> ()
        %dma_start3A_178 = arith.constant 0 : i32
        %dma_start3A_179 = arith.constant 0 : i32
        %dma_start3A_180 = tpu.memref_slice %arg2[%dma_start3A_178, %dma_start3A_179] : memref<10000x128xf32, #tpu.memory_space<hbm>> -> memref<10000x128xf32, #tpu.memory_space<hbm>>
        tpu.enqueue_indirect_dma source(%dma_start3A_180 : memref<10000x128xf32, #tpu.memory_space<hbm>>) target(%arg16 : memref<80x128xf32, #tpu.memory_space<vmem>>) offsets(%arg8 : memref<80xi32, #tpu.memory_space<vmem>>) semaphore(%arg21 : memref<!tpu.dma_semaphore, #tpu.memory_space<semaphore_mem>>)
      } else {
      }
      %dma_wait3A_117 = arith.constant 0 : i32
      %dma_wait3A_118 = arith.constant 0 : i32
      %dma_wait3A_119 = tpu.memref_slice %arg2[%dma_wait3A_117, %dma_wait3A_118] : memref<10000x128xf32, #tpu.memory_space<hbm>> -> memref<10000x128xf32, #tpu.memory_space<hbm>>
      tpu.wait_indirect_dma semaphore(%arg20 : memref<!tpu.dma_semaphore, #tpu.memory_space<semaphore_mem>>) src(%dma_wait3A_119 : memref<10000x128xf32, #tpu.memory_space<hbm>>) dst(%arg15 : memref<80x128xf32, #tpu.memory_space<vmem>>)
      %dma_wait3A_120 = arith.constant 0 : i32
      %dma_wait3A_121 = arith.constant 0 : i32
      %dma_wait3A_122 = tpu.memref_slice %arg18[%dma_wait3A_120, %dma_wait3A_121] : memref<10240x128xf32, #tpu.memory_space<vmem_shared>> -> memref<10240x128xf32, #tpu.memory_space<vmem_shared>>
      tpu.wait_indirect_dma semaphore(%arg26 : memref<!tpu.dma_semaphore, #tpu.memory_space<semaphore_mem>>) src(%arg17 : memref<80x128xf32, #tpu.memory_space<vmem>>) dst(%dma_wait3A_122 : memref<10240x128xf32, #tpu.memory_space<vmem_shared>>)
      %dma_start3A_123 = arith.constant 0 : i32
      %dma_start3A_124 = arith.constant 0 : i32
      %dma_start3A_125 = tpu.memref_slice %arg18[%dma_start3A_123, %dma_start3A_124] : memref<10240x128xf32, #tpu.memory_space<vmem_shared>> -> memref<10240x128xf32, #tpu.memory_space<vmem_shared>>
      tpu.enqueue_indirect_dma source(%arg15 : memref<80x128xf32, #tpu.memory_space<vmem>>) target(%dma_start3A_125 : memref<10240x128xf32, #tpu.memory_space<vmem_shared>>) offsets(%arg11 : memref<80xi32, #tpu.memory_space<vmem>>) semaphore(%arg24 : memref<!tpu.dma_semaphore, #tpu.memory_space<semaphore_mem>>) {add = true}
      %add3A_126 = arith.constant 1 : i32
      %add3A_127 = arith.addi %add3A_101, %add3A_126 : i32
      %add3A_128 = arith.constant 2 : i32
      %add3A_129 = arith.addi %add3A_127, %add3A_128 : i32
      %lt3A_130 = arith.constant 125 : i32
      %lt3A_131 = arith.cmpi slt, %add3A_129, %lt3A_130 : i32
      %convert_element_type3A_132 = arith.extui %lt3A_131 : i1 to i32
      %cond3A_133 = arith.constant 0 : i32
      %cond3A_134 = arith.cmpi ne, %convert_element_type3A_132, %cond3A_133 : i32
      scf.if %cond3A_134 {
        %add3A_171 = arith.constant 1 : i32
        %add3A_172 = arith.addi %add3A_101, %add3A_171 : i32
        %add3A_173 = arith.constant 2 : i32
        %add3A_174 = arith.addi %add3A_172, %add3A_173 : i32
        %mul3A_175 = arith.constant 80 : i32
        %mul3A_176 = arith.muli %add3A_174, %mul3A_175 : i32
        %add3A_177 = arith.addi %mul3A_2, %mul3A_176 : i32
        "tpu.region"() ({
          %run_scoped3A = tpu.sem_alloc : memref<!tpu.dma_semaphore, #tpu.memory_space<semaphore_mem>>
          %dma_start3A_181 = tpu.memref_slice %arg3[%add3A_177] : memref<320000xi32, #tpu.memory_space<hbm>> -> memref<80xi32, #tpu.memory_space<hbm>>
          %dma_start3A_182 = tpu.memref_slice %arg3[%add3A_177] : memref<320000xi32, #tpu.memory_space<hbm>> -> memref<80xi32, #tpu.memory_space<hbm>>
          tpu.enqueue_dma source(%dma_start3A_182 : memref<80xi32, #tpu.memory_space<hbm>>) target(%arg9 : memref<80xi32, #tpu.memory_space<vmem>>) target_semaphore(%run_scoped3A : memref<!tpu.dma_semaphore, #tpu.memory_space<semaphore_mem>>)
          %dma_wait3A_183 = tpu.memref_slice %arg3[%add3A_177] : memref<320000xi32, #tpu.memory_space<hbm>> -> memref<80xi32, #tpu.memory_space<hbm>>
          %dma_wait3A_184 = tpu.memref_slice %arg3[%add3A_177] : memref<320000xi32, #tpu.memory_space<hbm>> -> memref<80xi32, #tpu.memory_space<hbm>>
          tpu.wait_dma2 semaphore(%run_scoped3A : memref<!tpu.dma_semaphore, #tpu.memory_space<semaphore_mem>>) src(%dma_wait3A_184 : memref<80xi32, #tpu.memory_space<hbm>>) dst(%arg9 : memref<80xi32, #tpu.memory_space<vmem>>)
          tpu.yield
        }) : () -> ()
        "tpu.region"() ({
          %run_scoped3A = tpu.sem_alloc : memref<!tpu.dma_semaphore, #tpu.memory_space<semaphore_mem>>
          %dma_start3A_181 = tpu.memref_slice %arg4[%add3A_177] : memref<320000xi32, #tpu.memory_space<hbm>> -> memref<80xi32, #tpu.memory_space<hbm>>
          %dma_start3A_182 = tpu.memref_slice %arg4[%add3A_177] : memref<320000xi32, #tpu.memory_space<hbm>> -> memref<80xi32, #tpu.memory_space<hbm>>
          tpu.enqueue_dma source(%dma_start3A_182 : memref<80xi32, #tpu.memory_space<hbm>>) target(%arg13 : memref<80xi32, #tpu.memory_space<vmem>>) target_semaphore(%run_scoped3A : memref<!tpu.dma_semaphore, #tpu.memory_space<semaphore_mem>>)
          %dma_wait3A_183 = tpu.memref_slice %arg4[%add3A_177] : memref<320000xi32, #tpu.memory_space<hbm>> -> memref<80xi32, #tpu.memory_space<hbm>>
          %dma_wait3A_184 = tpu.memref_slice %arg4[%add3A_177] : memref<320000xi32, #tpu.memory_space<hbm>> -> memref<80xi32, #tpu.memory_space<hbm>>
          tpu.wait_dma2 semaphore(%run_scoped3A : memref<!tpu.dma_semaphore, #tpu.memory_space<semaphore_mem>>) src(%dma_wait3A_184 : memref<80xi32, #tpu.memory_space<hbm>>) dst(%arg13 : memref<80xi32, #tpu.memory_space<vmem>>)
          tpu.yield
        }) : () -> ()
        %dma_start3A_178 = arith.constant 0 : i32
        %dma_start3A_179 = arith.constant 0 : i32
        %dma_start3A_180 = tpu.memref_slice %arg2[%dma_start3A_178, %dma_start3A_179] : memref<10000x128xf32, #tpu.memory_space<hbm>> -> memref<10000x128xf32, #tpu.memory_space<hbm>>
        tpu.enqueue_indirect_dma source(%dma_start3A_180 : memref<10000x128xf32, #tpu.memory_space<hbm>>) target(%arg17 : memref<80x128xf32, #tpu.memory_space<vmem>>) offsets(%arg9 : memref<80xi32, #tpu.memory_space<vmem>>) semaphore(%arg22 : memref<!tpu.dma_semaphore, #tpu.memory_space<semaphore_mem>>)
      } else {
      }
      %dma_wait3A_135 = arith.constant 0 : i32
      %dma_wait3A_136 = arith.constant 0 : i32
      %dma_wait3A_137 = tpu.memref_slice %arg2[%dma_wait3A_135, %dma_wait3A_136] : memref<10000x128xf32, #tpu.memory_space<hbm>> -> memref<10000x128xf32, #tpu.memory_space<hbm>>
      tpu.wait_indirect_dma semaphore(%arg21 : memref<!tpu.dma_semaphore, #tpu.memory_space<semaphore_mem>>) src(%dma_wait3A_137 : memref<10000x128xf32, #tpu.memory_space<hbm>>) dst(%arg16 : memref<80x128xf32, #tpu.memory_space<vmem>>)
      %dma_wait3A_138 = arith.constant 0 : i32
      %dma_wait3A_139 = arith.constant 0 : i32
      %dma_wait3A_140 = tpu.memref_slice %arg18[%dma_wait3A_138, %dma_wait3A_139] : memref<10240x128xf32, #tpu.memory_space<vmem_shared>> -> memref<10240x128xf32, #tpu.memory_space<vmem_shared>>
      tpu.wait_indirect_dma semaphore(%arg23 : memref<!tpu.dma_semaphore, #tpu.memory_space<semaphore_mem>>) src(%arg14 : memref<80x128xf32, #tpu.memory_space<vmem>>) dst(%dma_wait3A_140 : memref<10240x128xf32, #tpu.memory_space<vmem_shared>>)
      %dma_start3A_141 = arith.constant 0 : i32
      %dma_start3A_142 = arith.constant 0 : i32
      %dma_start3A_143 = tpu.memref_slice %arg18[%dma_start3A_141, %dma_start3A_142] : memref<10240x128xf32, #tpu.memory_space<vmem_shared>> -> memref<10240x128xf32, #tpu.memory_space<vmem_shared>>
      tpu.enqueue_indirect_dma source(%arg16 : memref<80x128xf32, #tpu.memory_space<vmem>>) target(%dma_start3A_143 : memref<10240x128xf32, #tpu.memory_space<vmem_shared>>) offsets(%arg12 : memref<80xi32, #tpu.memory_space<vmem>>) semaphore(%arg25 : memref<!tpu.dma_semaphore, #tpu.memory_space<semaphore_mem>>) {add = true}
      %add3A_144 = arith.constant 2 : i32
      %add3A_145 = arith.addi %add3A_101, %add3A_144 : i32
      %add3A_146 = arith.constant 2 : i32
      %add3A_147 = arith.addi %add3A_145, %add3A_146 : i32
      %lt3A_148 = arith.constant 125 : i32
      %lt3A_149 = arith.cmpi slt, %add3A_147, %lt3A_148 : i32
      %convert_element_type3A_150 = arith.extui %lt3A_149 : i1 to i32
      %cond3A_151 = arith.constant 0 : i32
      %cond3A_152 = arith.cmpi ne, %convert_element_type3A_150, %cond3A_151 : i32
      scf.if %cond3A_152 {
        %add3A_171 = arith.constant 2 : i32
        %add3A_172 = arith.addi %add3A_101, %add3A_171 : i32
        %add3A_173 = arith.constant 2 : i32
        %add3A_174 = arith.addi %add3A_172, %add3A_173 : i32
        %mul3A_175 = arith.constant 80 : i32
        %mul3A_176 = arith.muli %add3A_174, %mul3A_175 : i32
        %add3A_177 = arith.addi %mul3A_2, %mul3A_176 : i32
        "tpu.region"() ({
          %run_scoped3A = tpu.sem_alloc : memref<!tpu.dma_semaphore, #tpu.memory_space<semaphore_mem>>
          %dma_start3A_181 = tpu.memref_slice %arg3[%add3A_177] : memref<320000xi32, #tpu.memory_space<hbm>> -> memref<80xi32, #tpu.memory_space<hbm>>
          %dma_start3A_182 = tpu.memref_slice %arg3[%add3A_177] : memref<320000xi32, #tpu.memory_space<hbm>> -> memref<80xi32, #tpu.memory_space<hbm>>
          tpu.enqueue_dma source(%dma_start3A_182 : memref<80xi32, #tpu.memory_space<hbm>>) target(%arg6 : memref<80xi32, #tpu.memory_space<vmem>>) target_semaphore(%run_scoped3A : memref<!tpu.dma_semaphore, #tpu.memory_space<semaphore_mem>>)
          %dma_wait3A_183 = tpu.memref_slice %arg3[%add3A_177] : memref<320000xi32, #tpu.memory_space<hbm>> -> memref<80xi32, #tpu.memory_space<hbm>>
          %dma_wait3A_184 = tpu.memref_slice %arg3[%add3A_177] : memref<320000xi32, #tpu.memory_space<hbm>> -> memref<80xi32, #tpu.memory_space<hbm>>
          tpu.wait_dma2 semaphore(%run_scoped3A : memref<!tpu.dma_semaphore, #tpu.memory_space<semaphore_mem>>) src(%dma_wait3A_184 : memref<80xi32, #tpu.memory_space<hbm>>) dst(%arg6 : memref<80xi32, #tpu.memory_space<vmem>>)
          tpu.yield
        }) : () -> ()
        "tpu.region"() ({
          %run_scoped3A = tpu.sem_alloc : memref<!tpu.dma_semaphore, #tpu.memory_space<semaphore_mem>>
          %dma_start3A_181 = tpu.memref_slice %arg4[%add3A_177] : memref<320000xi32, #tpu.memory_space<hbm>> -> memref<80xi32, #tpu.memory_space<hbm>>
          %dma_start3A_182 = tpu.memref_slice %arg4[%add3A_177] : memref<320000xi32, #tpu.memory_space<hbm>> -> memref<80xi32, #tpu.memory_space<hbm>>
          tpu.enqueue_dma source(%dma_start3A_182 : memref<80xi32, #tpu.memory_space<hbm>>) target(%arg10 : memref<80xi32, #tpu.memory_space<vmem>>) target_semaphore(%run_scoped3A : memref<!tpu.dma_semaphore, #tpu.memory_space<semaphore_mem>>)
          %dma_wait3A_183 = tpu.memref_slice %arg4[%add3A_177] : memref<320000xi32, #tpu.memory_space<hbm>> -> memref<80xi32, #tpu.memory_space<hbm>>
          %dma_wait3A_184 = tpu.memref_slice %arg4[%add3A_177] : memref<320000xi32, #tpu.memory_space<hbm>> -> memref<80xi32, #tpu.memory_space<hbm>>
          tpu.wait_dma2 semaphore(%run_scoped3A : memref<!tpu.dma_semaphore, #tpu.memory_space<semaphore_mem>>) src(%dma_wait3A_184 : memref<80xi32, #tpu.memory_space<hbm>>) dst(%arg10 : memref<80xi32, #tpu.memory_space<vmem>>)
          tpu.yield
        }) : () -> ()
        %dma_start3A_178 = arith.constant 0 : i32
        %dma_start3A_179 = arith.constant 0 : i32
        %dma_start3A_180 = tpu.memref_slice %arg2[%dma_start3A_178, %dma_start3A_179] : memref<10000x128xf32, #tpu.memory_space<hbm>> -> memref<10000x128xf32, #tpu.memory_space<hbm>>
        tpu.enqueue_indirect_dma source(%dma_start3A_180 : memref<10000x128xf32, #tpu.memory_space<hbm>>) target(%arg14 : memref<80x128xf32, #tpu.memory_space<vmem>>) offsets(%arg6 : memref<80xi32, #tpu.memory_space<vmem>>) semaphore(%arg19 : memref<!tpu.dma_semaphore, #tpu.memory_space<semaphore_mem>>)
      } else {
      }
      %dma_wait3A_153 = arith.constant 0 : i32
      %dma_wait3A_154 = arith.constant 0 : i32
      %dma_wait3A_155 = tpu.memref_slice %arg2[%dma_wait3A_153, %dma_wait3A_154] : memref<10000x128xf32, #tpu.memory_space<hbm>> -> memref<10000x128xf32, #tpu.memory_space<hbm>>
      tpu.wait_indirect_dma semaphore(%arg22 : memref<!tpu.dma_semaphore, #tpu.memory_space<semaphore_mem>>) src(%dma_wait3A_155 : memref<10000x128xf32, #tpu.memory_space<hbm>>) dst(%arg17 : memref<80x128xf32, #tpu.memory_space<vmem>>)
      %dma_wait3A_156 = arith.constant 0 : i32
      %dma_wait3A_157 = arith.constant 0 : i32
      %dma_wait3A_158 = tpu.memref_slice %arg18[%dma_wait3A_156, %dma_wait3A_157] : memref<10240x128xf32, #tpu.memory_space<vmem_shared>> -> memref<10240x128xf32, #tpu.memory_space<vmem_shared>>
      tpu.wait_indirect_dma semaphore(%arg24 : memref<!tpu.dma_semaphore, #tpu.memory_space<semaphore_mem>>) src(%arg15 : memref<80x128xf32, #tpu.memory_space<vmem>>) dst(%dma_wait3A_158 : memref<10240x128xf32, #tpu.memory_space<vmem_shared>>)
      %dma_start3A_159 = arith.constant 0 : i32
      %dma_start3A_160 = arith.constant 0 : i32
      %dma_start3A_161 = tpu.memref_slice %arg18[%dma_start3A_159, %dma_start3A_160] : memref<10240x128xf32, #tpu.memory_space<vmem_shared>> -> memref<10240x128xf32, #tpu.memory_space<vmem_shared>>
      tpu.enqueue_indirect_dma source(%arg17 : memref<80x128xf32, #tpu.memory_space<vmem>>) target(%dma_start3A_161 : memref<10240x128xf32, #tpu.memory_space<vmem_shared>>) offsets(%arg13 : memref<80xi32, #tpu.memory_space<vmem>>) semaphore(%arg26 : memref<!tpu.dma_semaphore, #tpu.memory_space<semaphore_mem>>) {add = true}
      %add3A_162 = arith.constant 3 : i32
      %add3A_163 = arith.addi %add3A_101, %add3A_162 : i32
      %add3A_164 = arith.constant 2 : i32
      %add3A_165 = arith.addi %add3A_163, %add3A_164 : i32
      %lt3A_166 = arith.constant 125 : i32
      %lt3A_167 = arith.cmpi slt, %add3A_165, %lt3A_166 : i32
      %convert_element_type3A_168 = arith.extui %lt3A_167 : i1 to i32
      %cond3A_169 = arith.constant 0 : i32
      %cond3A_170 = arith.cmpi ne, %convert_element_type3A_168, %cond3A_169 : i32
      scf.if %cond3A_170 {
        %add3A_171 = arith.constant 3 : i32
        %add3A_172 = arith.addi %add3A_101, %add3A_171 : i32
        %add3A_173 = arith.constant 2 : i32
        %add3A_174 = arith.addi %add3A_172, %add3A_173 : i32
        %mul3A_175 = arith.constant 80 : i32
        %mul3A_176 = arith.muli %add3A_174, %mul3A_175 : i32
        %add3A_177 = arith.addi %mul3A_2, %mul3A_176 : i32
        "tpu.region"() ({
          %run_scoped3A = tpu.sem_alloc : memref<!tpu.dma_semaphore, #tpu.memory_space<semaphore_mem>>
          %dma_start3A_181 = tpu.memref_slice %arg3[%add3A_177] : memref<320000xi32, #tpu.memory_space<hbm>> -> memref<80xi32, #tpu.memory_space<hbm>>
          %dma_start3A_182 = tpu.memref_slice %arg3[%add3A_177] : memref<320000xi32, #tpu.memory_space<hbm>> -> memref<80xi32, #tpu.memory_space<hbm>>
          tpu.enqueue_dma source(%dma_start3A_182 : memref<80xi32, #tpu.memory_space<hbm>>) target(%arg7 : memref<80xi32, #tpu.memory_space<vmem>>) target_semaphore(%run_scoped3A : memref<!tpu.dma_semaphore, #tpu.memory_space<semaphore_mem>>)
          %dma_wait3A_183 = tpu.memref_slice %arg3[%add3A_177] : memref<320000xi32, #tpu.memory_space<hbm>> -> memref<80xi32, #tpu.memory_space<hbm>>
          %dma_wait3A_184 = tpu.memref_slice %arg3[%add3A_177] : memref<320000xi32, #tpu.memory_space<hbm>> -> memref<80xi32, #tpu.memory_space<hbm>>
          tpu.wait_dma2 semaphore(%run_scoped3A : memref<!tpu.dma_semaphore, #tpu.memory_space<semaphore_mem>>) src(%dma_wait3A_184 : memref<80xi32, #tpu.memory_space<hbm>>) dst(%arg7 : memref<80xi32, #tpu.memory_space<vmem>>)
          tpu.yield
        }) : () -> ()
        "tpu.region"() ({
          %run_scoped3A = tpu.sem_alloc : memref<!tpu.dma_semaphore, #tpu.memory_space<semaphore_mem>>
          %dma_start3A_181 = tpu.memref_slice %arg4[%add3A_177] : memref<320000xi32, #tpu.memory_space<hbm>> -> memref<80xi32, #tpu.memory_space<hbm>>
          %dma_start3A_182 = tpu.memref_slice %arg4[%add3A_177] : memref<320000xi32, #tpu.memory_space<hbm>> -> memref<80xi32, #tpu.memory_space<hbm>>
          tpu.enqueue_dma source(%dma_start3A_182 : memref<80xi32, #tpu.memory_space<hbm>>) target(%arg11 : memref<80xi32, #tpu.memory_space<vmem>>) target_semaphore(%run_scoped3A : memref<!tpu.dma_semaphore, #tpu.memory_space<semaphore_mem>>)
          %dma_wait3A_183 = tpu.memref_slice %arg4[%add3A_177] : memref<320000xi32, #tpu.memory_space<hbm>> -> memref<80xi32, #tpu.memory_space<hbm>>
          %dma_wait3A_184 = tpu.memref_slice %arg4[%add3A_177] : memref<320000xi32, #tpu.memory_space<hbm>> -> memref<80xi32, #tpu.memory_space<hbm>>
          tpu.wait_dma2 semaphore(%run_scoped3A : memref<!tpu.dma_semaphore, #tpu.memory_space<semaphore_mem>>) src(%dma_wait3A_184 : memref<80xi32, #tpu.memory_space<hbm>>) dst(%arg11 : memref<80xi32, #tpu.memory_space<vmem>>)
          tpu.yield
        }) : () -> ()
        %dma_start3A_178 = arith.constant 0 : i32
        %dma_start3A_179 = arith.constant 0 : i32
        %dma_start3A_180 = tpu.memref_slice %arg2[%dma_start3A_178, %dma_start3A_179] : memref<10000x128xf32, #tpu.memory_space<hbm>> -> memref<10000x128xf32, #tpu.memory_space<hbm>>
        tpu.enqueue_indirect_dma source(%dma_start3A_180 : memref<10000x128xf32, #tpu.memory_space<hbm>>) target(%arg15 : memref<80x128xf32, #tpu.memory_space<vmem>>) offsets(%arg7 : memref<80xi32, #tpu.memory_space<vmem>>) semaphore(%arg20 : memref<!tpu.dma_semaphore, #tpu.memory_space<semaphore_mem>>)
      } else {
      }
    }
    %scan3A_75 = arith.constant 30 : i32
    %dma_wait3A_76 = arith.constant 0 : i32
    %dma_wait3A_77 = arith.constant 0 : i32
    %dma_wait3A_78 = tpu.memref_slice %arg2[%dma_wait3A_76, %dma_wait3A_77] : memref<10000x128xf32, #tpu.memory_space<hbm>> -> memref<10000x128xf32, #tpu.memory_space<hbm>>
    tpu.wait_indirect_dma semaphore(%arg19 : memref<!tpu.dma_semaphore, #tpu.memory_space<semaphore_mem>>) src(%dma_wait3A_78 : memref<10000x128xf32, #tpu.memory_space<hbm>>) dst(%arg14 : memref<80x128xf32, #tpu.memory_space<vmem>>)
    %dma_wait3A_79 = arith.constant 0 : i32
    %dma_wait3A_80 = arith.constant 0 : i32
    %dma_wait3A_81 = tpu.memref_slice %arg18[%dma_wait3A_79, %dma_wait3A_80] : memref<10240x128xf32, #tpu.memory_space<vmem_shared>> -> memref<10240x128xf32, #tpu.memory_space<vmem_shared>>
    tpu.wait_indirect_dma semaphore(%arg25 : memref<!tpu.dma_semaphore, #tpu.memory_space<semaphore_mem>>) src(%arg16 : memref<80x128xf32, #tpu.memory_space<vmem>>) dst(%dma_wait3A_81 : memref<10240x128xf32, #tpu.memory_space<vmem_shared>>)
    %dma_start3A_82 = arith.constant 0 : i32
    %dma_start3A_83 = arith.constant 0 : i32
    %dma_start3A_84 = tpu.memref_slice %arg18[%dma_start3A_82, %dma_start3A_83] : memref<10240x128xf32, #tpu.memory_space<vmem_shared>> -> memref<10240x128xf32, #tpu.memory_space<vmem_shared>>
    tpu.enqueue_indirect_dma source(%arg14 : memref<80x128xf32, #tpu.memory_space<vmem>>) target(%dma_start3A_84 : memref<10240x128xf32, #tpu.memory_space<vmem_shared>>) offsets(%arg10 : memref<80xi32, #tpu.memory_space<vmem>>) semaphore(%arg23 : memref<!tpu.dma_semaphore, #tpu.memory_space<semaphore_mem>>) {add = true}
    %dma_wait3A_85 = arith.constant 0 : i32
    %dma_wait3A_86 = arith.constant 0 : i32
    %dma_wait3A_87 = tpu.memref_slice %arg18[%dma_wait3A_85, %dma_wait3A_86] : memref<10240x128xf32, #tpu.memory_space<vmem_shared>> -> memref<10240x128xf32, #tpu.memory_space<vmem_shared>>
    tpu.wait_indirect_dma semaphore(%arg26 : memref<!tpu.dma_semaphore, #tpu.memory_space<semaphore_mem>>) src(%arg17 : memref<80x128xf32, #tpu.memory_space<vmem>>) dst(%dma_wait3A_87 : memref<10240x128xf32, #tpu.memory_space<vmem_shared>>)
    %dma_wait3A_88 = arith.constant 0 : i32
    %dma_wait3A_89 = arith.constant 0 : i32
    %dma_wait3A_90 = tpu.memref_slice %arg18[%dma_wait3A_88, %dma_wait3A_89] : memref<10240x128xf32, #tpu.memory_space<vmem_shared>> -> memref<10240x128xf32, #tpu.memory_space<vmem_shared>>
    tpu.wait_indirect_dma semaphore(%arg23 : memref<!tpu.dma_semaphore, #tpu.memory_space<semaphore_mem>>) src(%arg14 : memref<80x128xf32, #tpu.memory_space<vmem>>) dst(%dma_wait3A_90 : memref<10240x128xf32, #tpu.memory_space<vmem_shared>>)
    %barrier3A_91 = arith.constant 0 : index
    tpu.barrier barrier_id(%barrier3A_91)
    %mul3A_92 = arith.constant 640 : i32
    %mul3A_93 = arith.muli %arg1, %mul3A_92 : i32
    %mul3A_94 = arith.constant 10240 : i32
    %mul3A_95 = arith.muli %arg0, %mul3A_94 : i32
    %add3A_96 = arith.addi %mul3A_95, %mul3A_93 : i32
    "tpu.region"() ({
      %run_scoped3A = tpu.sem_alloc : memref<!tpu.dma_semaphore, #tpu.memory_space<semaphore_mem>>
      %dma_start3A_97 = arith.constant 0 : i32
      %dma_start3A_98 = tpu.memref_slice %arg5[%add3A_96, %dma_start3A_97] : memref<20480x128xf32, #tpu.memory_space<hbm>> -> memref<640x128xf32, #tpu.memory_space<hbm>>
      %dma_start3A_99 = arith.constant 0 : i32
      %dma_start3A_100 = tpu.memref_slice %arg18[%mul3A_93, %dma_start3A_99] : memref<10240x128xf32, #tpu.memory_space<vmem_shared>> -> memref<640x128xf32, #tpu.memory_space<vmem_shared>>
      tpu.enqueue_dma source(%dma_start3A_100 : memref<640x128xf32, #tpu.memory_space<vmem_shared>>) target(%dma_start3A_98 : memref<640x128xf32, #tpu.memory_space<hbm>>) target_semaphore(%run_scoped3A : memref<!tpu.dma_semaphore, #tpu.memory_space<semaphore_mem>>)
      %dma_wait3A_101 = arith.constant 0 : i32
      %dma_wait3A_102 = tpu.memref_slice %arg5[%add3A_96, %dma_wait3A_101] : memref<20480x128xf32, #tpu.memory_space<hbm>> -> memref<640x128xf32, #tpu.memory_space<hbm>>
      %dma_wait3A_103 = arith.constant 0 : i32
      %dma_wait3A_104 = tpu.memref_slice %arg18[%mul3A_93, %dma_wait3A_103] : memref<10240x128xf32, #tpu.memory_space<vmem_shared>> -> memref<640x128xf32, #tpu.memory_space<vmem_shared>>
      tpu.wait_dma2 semaphore(%run_scoped3A : memref<!tpu.dma_semaphore, #tpu.memory_space<semaphore_mem>>) src(%dma_wait3A_104 : memref<640x128xf32, #tpu.memory_space<vmem_shared>>) dst(%dma_wait3A_102 : memref<640x128xf32, #tpu.memory_space<hbm>>)
      tpu.yield
    }) : () -> ()
    return
  }
}

module attributes {stable_mosaic.version = 14 : i64} {
  func.func @_encoder_body(%arg0: i32, %arg1: memref<1000x128xf32, #tpu.memory_space<vmem>>, %arg2: memref<128x128xf32, #tpu.memory_space<vmem>>, %arg3: memref<1x128xf32, #tpu.memory_space<vmem>>, %arg4: memref<1000x128xf32, #tpu.memory_space<vmem>>) attributes {dimension_semantics = [#tpu.dimension_semantics<arbitrary>], iteration_bounds = array<i64: 10>, scalar_prefetch = 0 : i64, scratch_operands = 0 : i64, tpu.core_type = #tpu.core_type<tc>, window_params = [{transform_indices = @transform_0, window_bounds = array<i64: 1000, 128>}, {pipeline_mode = #tpu.pipeline_mode<synchronous>, transform_indices = @transform_1, window_bounds = array<i64: 128, 128>}, {pipeline_mode = #tpu.pipeline_mode<synchronous>, transform_indices = @transform_2, window_bounds = array<i64: 1, 128>}, {transform_indices = @transform_3, window_bounds = array<i64: 1000, 128>}]} {
    %get3A = arith.constant 0 : index
    %get3A_0 = arith.constant 0 : index
    %get3A_1 = vector.load %arg1[%get3A, %get3A_0] : memref<1000x128xf32, #tpu.memory_space<vmem>>, vector<1000x128xf32>
    %get3A_2 = arith.constant 0 : index
    %get3A_3 = arith.constant 0 : index
    %get3A_4 = vector.load %arg2[%get3A_2, %get3A_3] : memref<128x128xf32, #tpu.memory_space<vmem>>, vector<128x128xf32>
    %dot_general3A = arith.constant dense<0.000000e+00> : vector<1000x128xf32>
    %dot_general3A_5 = tpu.matmul %get3A_1, %get3A_4, %dot_general3A {dimension_numbers = #tpu.dot_dimension_numbers<[1], [0], [0], [1], [0, 0, 1, 1], [], []>, transpose_lhs_hint = false} : vector<1000x128xf32>, vector<128x128xf32>, vector<1000x128xf32> -> vector<1000x128xf32>
    %get3A_6 = arith.constant 0 : index
    %get3A_7 = arith.constant 0 : index
    %get3A_8 = vector.load %arg3[%get3A_6, %get3A_7] : memref<1x128xf32, #tpu.memory_space<vmem>>, vector<1x128xf32>
    %add3A = vector.broadcast %get3A_8 : vector<1x128xf32> to vector<1000x128xf32>
    %add3A_9 = arith.addf %dot_general3A_5, %add3A : vector<1000x128xf32>
    %max3A = arith.constant 0.000000e+00 : f32
    %max3A_10 = vector.broadcast %max3A : f32 to vector<1000x128xf32>
    %max3A_11 = arith.maximumf %add3A_9, %max3A_10 : vector<1000x128xf32>
    %swap3A = arith.constant 0 : index
    %swap3A_12 = arith.constant 0 : index
    %swap3A_13 = vector.load %arg4[%swap3A, %swap3A_12] : memref<1000x128xf32, #tpu.memory_space<vmem>>, vector<1000x128xf32>
    tpu.vector_store %arg4[%swap3A, %swap3A_12], %max3A_11 {strides = array<i32>} : memref<1000x128xf32, #tpu.memory_space<vmem>>, vector<1000x128xf32>,
    return
  }
  func.func @transform_0(%arg0: i32) -> (i32, i32) {
    %c0_i32 = arith.constant 0 : i32
    %c0_i32_0 = arith.constant 0 : i32
    return %arg0, %c0_i32 : i32, i32
  }
  func.func @transform_1(%arg0: i32) -> (i32, i32) {
    %c0_i32 = arith.constant 0 : i32
    %c0_i32_0 = arith.constant 0 : i32
    %c0_i32_1 = arith.constant 0 : i32
    return %c0_i32, %c0_i32_0 : i32, i32
  }
  func.func @transform_2(%arg0: i32) -> (i32, i32) {
    %c0_i32 = arith.constant 0 : i32
    %c0_i32_0 = arith.constant 0 : i32
    %c0_i32_1 = arith.constant 0 : i32
    return %c0_i32, %c0_i32_0 : i32, i32
  }
  func.func @transform_3(%arg0: i32) -> (i32, i32) {
    %c0_i32 = arith.constant 0 : i32
    %c0_i32_0 = arith.constant 0 : i32
    return %arg0, %c0_i32 : i32, i32
  }
}

module attributes {stable_mosaic.version = 14 : i64} {
  func.func @_gin_body(%arg0: i32, %arg1: memref<1x128xf32, #tpu.memory_space<vmem>>, %arg2: memref<1000x128xf32, #tpu.memory_space<vmem>>, %arg3: memref<2x1000x128xf32, #tpu.memory_space<vmem>>, %arg4: memref<128x128xf32, #tpu.memory_space<vmem>>, %arg5: memref<1x128xf32, #tpu.memory_space<vmem>>, %arg6: memref<128x128xf32, #tpu.memory_space<vmem>>, %arg7: memref<1x128xf32, #tpu.memory_space<vmem>>, %arg8: memref<1000x128xf32, #tpu.memory_space<vmem>>) attributes {dimension_semantics = [#tpu.dimension_semantics<arbitrary>], iteration_bounds = array<i64: 10>, scalar_prefetch = 0 : i64, scratch_operands = 0 : i64, tpu.core_type = #tpu.core_type<tc>, window_params = [{pipeline_mode = #tpu.pipeline_mode<synchronous>, transform_indices = @transform_0, window_bounds = array<i64: 1, 128>}, {transform_indices = @transform_1, window_bounds = array<i64: 1000, 128>}, {transform_indices = @transform_2, window_bounds = array<i64: 2, 1000, 128>}, {pipeline_mode = #tpu.pipeline_mode<synchronous>, transform_indices = @transform_3, window_bounds = array<i64: 128, 128>}, {pipeline_mode = #tpu.pipeline_mode<synchronous>, transform_indices = @transform_4, window_bounds = array<i64: 1, 128>}, {pipeline_mode = #tpu.pipeline_mode<synchronous>, transform_indices = @transform_5, window_bounds = array<i64: 128, 128>}, {pipeline_mode = #tpu.pipeline_mode<synchronous>, transform_indices = @transform_6, window_bounds = array<i64: 1, 128>}, {transform_indices = @transform_7, window_bounds = array<i64: 1000, 128>}]} {
    %get3A = arith.constant 0 : index
    %get3A_0 = arith.constant 0 : index
    %get3A_1 = vector.load %arg1[%get3A, %get3A_0] : memref<1x128xf32, #tpu.memory_space<vmem>>, vector<1x128xf32>
    %get3A_2 = arith.constant 0 : index
    %get3A_3 = arith.constant 0 : index
    %get3A_4 = vector.load %arg2[%get3A_2, %get3A_3] : memref<1000x128xf32, #tpu.memory_space<vmem>>, vector<1000x128xf32>
    %mul3A = vector.broadcast %get3A_1 : vector<1x128xf32> to vector<1000x128xf32>
    %mul3A_5 = arith.mulf %mul3A, %get3A_4 : vector<1000x128xf32>
    %get3A_6 = arith.constant 0 : index
    %get3A_7 = arith.constant 0 : index
    %get3A_8 = arith.constant 0 : index
    %get3A_9 = vector.load %arg3[%get3A_6, %get3A_7, %get3A_8] : memref<2x1000x128xf32, #tpu.memory_space<vmem>>, vector<1x1000x128xf32>
    %get3A_10 = vector.shape_cast %get3A_9 : vector<1x1000x128xf32> to vector<1000x128xf32>
    %add3A = arith.addf %mul3A_5, %get3A_10 : vector<1000x128xf32>
    %get3A_11 = arith.constant 1 : index
    %get3A_12 = arith.constant 0 : index
    %get3A_13 = arith.constant 0 : index
    %get3A_14 = vector.load %arg3[%get3A_11, %get3A_12, %get3A_13] : memref<2x1000x128xf32, #tpu.memory_space<vmem>>, vector<1x1000x128xf32>
    %get3A_15 = vector.shape_cast %get3A_14 : vector<1x1000x128xf32> to vector<1000x128xf32>
    %add3A_16 = arith.addf %add3A, %get3A_15 : vector<1000x128xf32>
    %get3A_17 = arith.constant 0 : index
    %get3A_18 = arith.constant 0 : index
    %get3A_19 = vector.load %arg4[%get3A_17, %get3A_18] : memref<128x128xf32, #tpu.memory_space<vmem>>, vector<128x128xf32>
    %dot_general3A = arith.constant dense<0.000000e+00> : vector<1000x128xf32>
    %dot_general3A_20 = tpu.matmul %add3A_16, %get3A_19, %dot_general3A {dimension_numbers = #tpu.dot_dimension_numbers<[1], [0], [0], [1], [0, 0, 1, 1], [], []>, transpose_lhs_hint = false} : vector<1000x128xf32>, vector<128x128xf32>, vector<1000x128xf32> -> vector<1000x128xf32>
    %get3A_21 = arith.constant 0 : index
    %get3A_22 = arith.constant 0 : index
    %get3A_23 = vector.load %arg5[%get3A_21, %get3A_22] : memref<1x128xf32, #tpu.memory_space<vmem>>, vector<1x128xf32>
    %add3A_24 = vector.broadcast %get3A_23 : vector<1x128xf32> to vector<1000x128xf32>
    %add3A_25 = arith.addf %dot_general3A_20, %add3A_24 : vector<1000x128xf32>
    %max3A = arith.constant 0.000000e+00 : f32
    %max3A_26 = vector.broadcast %max3A : f32 to vector<1000x128xf32>
    %max3A_27 = arith.maximumf %add3A_25, %max3A_26 : vector<1000x128xf32>
    %get3A_28 = arith.constant 0 : index
    %get3A_29 = arith.constant 0 : index
    %get3A_30 = vector.load %arg6[%get3A_28, %get3A_29] : memref<128x128xf32, #tpu.memory_space<vmem>>, vector<128x128xf32>
    %dot_general3A_31 = arith.constant dense<0.000000e+00> : vector<1000x128xf32>
    %dot_general3A_32 = tpu.matmul %max3A_27, %get3A_30, %dot_general3A_31 {dimension_numbers = #tpu.dot_dimension_numbers<[1], [0], [0], [1], [0, 0, 1, 1], [], []>, transpose_lhs_hint = false} : vector<1000x128xf32>, vector<128x128xf32>, vector<1000x128xf32> -> vector<1000x128xf32>
    %get3A_33 = arith.constant 0 : index
    %get3A_34 = arith.constant 0 : index
    %get3A_35 = vector.load %arg7[%get3A_33, %get3A_34] : memref<1x128xf32, #tpu.memory_space<vmem>>, vector<1x128xf32>
    %add3A_36 = vector.broadcast %get3A_35 : vector<1x128xf32> to vector<1000x128xf32>
    %add3A_37 = arith.addf %dot_general3A_32, %add3A_36 : vector<1000x128xf32>
    %max3A_38 = arith.constant 0.000000e+00 : f32
    %max3A_39 = vector.broadcast %max3A_38 : f32 to vector<1000x128xf32>
    %max3A_40 = arith.maximumf %add3A_37, %max3A_39 : vector<1000x128xf32>
    %swap3A = arith.constant 0 : index
    %swap3A_41 = arith.constant 0 : index
    %swap3A_42 = vector.load %arg8[%swap3A, %swap3A_41] : memref<1000x128xf32, #tpu.memory_space<vmem>>, vector<1000x128xf32>
    tpu.vector_store %arg8[%swap3A, %swap3A_41], %max3A_40 {strides = array<i32>} : memref<1000x128xf32, #tpu.memory_space<vmem>>, vector<1000x128xf32>,
    return
  }
  func.func @transform_0(%arg0: i32) -> (i32, i32) {
    %c0_i32 = arith.constant 0 : i32
    %c0_i32_0 = arith.constant 0 : i32
    %c0_i32_1 = arith.constant 0 : i32
    return %c0_i32, %c0_i32_0 : i32, i32
  }
  func.func @transform_1(%arg0: i32) -> (i32, i32) {
    %c0_i32 = arith.constant 0 : i32
    %c0_i32_0 = arith.constant 0 : i32
    return %arg0, %c0_i32 : i32, i32
  }
  func.func @transform_2(%arg0: i32) -> (i32, i32, i32) {
    %c0_i32 = arith.constant 0 : i32
    %c0_i32_0 = arith.constant 0 : i32
    %c0_i32_1 = arith.constant 0 : i32
    return %c0_i32, %arg0, %c0_i32_0 : i32, i32, i32
  }
  func.func @transform_3(%arg0: i32) -> (i32, i32) {
    %c0_i32 = arith.constant 0 : i32
    %c0_i32_0 = arith.constant 0 : i32
    %c0_i32_1 = arith.constant 0 : i32
    return %c0_i32, %c0_i32_0 : i32, i32
  }
  func.func @transform_4(%arg0: i32) -> (i32, i32) {
    %c0_i32 = arith.constant 0 : i32
    %c0_i32_0 = arith.constant 0 : i32
    %c0_i32_1 = arith.constant 0 : i32
    return %c0_i32, %c0_i32_0 : i32, i32
  }
  func.func @transform_5(%arg0: i32) -> (i32, i32) {
    %c0_i32 = arith.constant 0 : i32
    %c0_i32_0 = arith.constant 0 : i32
    %c0_i32_1 = arith.constant 0 : i32
    return %c0_i32, %c0_i32_0 : i32, i32
  }
  func.func @transform_6(%arg0: i32) -> (i32, i32) {
    %c0_i32 = arith.constant 0 : i32
    %c0_i32_0 = arith.constant 0 : i32
    %c0_i32_1 = arith.constant 0 : i32
    return %c0_i32, %c0_i32_0 : i32, i32
  }
  func.func @transform_7(%arg0: i32) -> (i32, i32) {
    %c0_i32 = arith.constant 0 : i32
    %c0_i32_0 = arith.constant 0 : i32
    return %arg0, %c0_i32 : i32, i32
  }
}

module attributes {stable_mosaic.version = 14 : i64} {
  func.func @_pool_head_body(%arg0: i32, %arg1: memref<1000x128xf32, #tpu.memory_space<vmem>>, %arg2: memref<1000x128xi32, #tpu.memory_space<vmem>>, %arg3: memref<128x128xf32, #tpu.memory_space<vmem>>, %arg4: memref<1x128xf32, #tpu.memory_space<vmem>>, %arg5: memref<128x128xf32, #tpu.memory_space<vmem>>, %arg6: memref<1x128xf32, #tpu.memory_space<vmem>>, %arg7: memref<128x128xf32, #tpu.memory_space<vmem>>, %arg8: memref<128x128xf32, #tpu.memory_space<vmem>>, %arg9: memref<128x128xf32, #tpu.memory_space<vmem>>) attributes {dimension_semantics = [#tpu.dimension_semantics<arbitrary>], iteration_bounds = array<i64: 10>, scalar_prefetch = 0 : i64, scratch_operands = 2 : i64, tpu.core_type = #tpu.core_type<tc>, window_params = [{transform_indices = @transform_0, window_bounds = array<i64: 1000, 128>}, {transform_indices = @transform_1, window_bounds = array<i64: 1000, 128>}, {pipeline_mode = #tpu.pipeline_mode<synchronous>, transform_indices = @transform_2, window_bounds = array<i64: 128, 128>}, {pipeline_mode = #tpu.pipeline_mode<synchronous>, transform_indices = @transform_3, window_bounds = array<i64: 1, 128>}, {pipeline_mode = #tpu.pipeline_mode<synchronous>, transform_indices = @transform_4, window_bounds = array<i64: 128, 128>}, {pipeline_mode = #tpu.pipeline_mode<synchronous>, transform_indices = @transform_5, window_bounds = array<i64: 1, 128>}, {pipeline_mode = #tpu.pipeline_mode<synchronous>, transform_indices = @transform_6, window_bounds = array<i64: 128, 128>}]} {
    %eq3A = arith.constant 0 : i32
    %eq3A_0 = arith.cmpi eq, %arg0, %eq3A : i32
    %convert_element_type3A = arith.extui %eq3A_0 : i1 to i32
    %cond3A = arith.constant 0 : i32
    %cond3A_1 = arith.cmpi ne, %convert_element_type3A, %cond3A : i32
    scf.if %cond3A_1 {
      %broadcast_in_dim3A_31 = arith.constant 0.000000e+00 : f32
      %broadcast_in_dim3A_32 = vector.broadcast %broadcast_in_dim3A_31 : f32 to vector<128x128xf32>
      %swap3A_33 = arith.constant 0 : index
      %swap3A_34 = arith.constant 0 : index
      %swap3A_35 = vector.load %arg8[%swap3A_33, %swap3A_34] : memref<128x128xf32, #tpu.memory_space<vmem>>, vector<128x128xf32>
      tpu.vector_store %arg8[%swap3A_33, %swap3A_34], %broadcast_in_dim3A_32 {strides = array<i32>} : memref<128x128xf32, #tpu.memory_space<vmem>>, vector<128x128xf32>,
      %broadcast_in_dim3A_36 = arith.constant 0.000000e+00 : f32
      %broadcast_in_dim3A_37 = vector.broadcast %broadcast_in_dim3A_36 : f32 to vector<128x128xf32>
      %swap3A_38 = arith.constant 0 : index
      %swap3A_39 = arith.constant 0 : index
      %swap3A_40 = vector.load %arg9[%swap3A_38, %swap3A_39] : memref<128x128xf32, #tpu.memory_space<vmem>>, vector<128x128xf32>
      tpu.vector_store %arg9[%swap3A_38, %swap3A_39], %broadcast_in_dim3A_37 {strides = array<i32>} : memref<128x128xf32, #tpu.memory_space<vmem>>, vector<128x128xf32>,
    } else {
    }
    %iota3A = tpu.iota {dimensions = array<i32: 1>} : vector<1000x128xi32>
    %get3A = arith.constant 0 : index
    %get3A_2 = arith.constant 0 : index
    %get3A_3 = vector.load %arg2[%get3A, %get3A_2] : memref<1000x128xi32, #tpu.memory_space<vmem>>, vector<1000x128xi32>
    %eq3A_4 = arith.cmpi eq, %get3A_3, %iota3A : vector<1000x128xi32>
    %convert_element_type3A_5 = arith.extui %eq3A_4 : vector<1000x128xi1> to vector<1000x128xi32>
    %convert_element_type3A_6 = arith.sitofp %convert_element_type3A_5 : vector<1000x128xi32> to vector<1000x128xf32>
    %get3A_7 = arith.constant 0 : index
    %get3A_8 = arith.constant 0 : index
    %get3A_9 = vector.load %arg8[%get3A_7, %get3A_8] : memref<128x128xf32, #tpu.memory_space<vmem>>, vector<128x128xf32>
    %get3A_10 = arith.constant 0 : index
    %get3A_11 = arith.constant 0 : index
    %get3A_12 = vector.load %arg1[%get3A_10, %get3A_11] : memref<1000x128xf32, #tpu.memory_space<vmem>>, vector<1000x128xf32>
    %dot_general3A = arith.constant dense<0.000000e+00> : vector<128x128xf32>
    %dot_general3A_13 = tpu.matmul %convert_element_type3A_6, %get3A_12, %dot_general3A {dimension_numbers = #tpu.dot_dimension_numbers<[0], [0], [1], [1], [0, 1, 1, 1], [], []>, transpose_lhs_hint = false} : vector<1000x128xf32>, vector<1000x128xf32>, vector<128x128xf32> -> vector<128x128xf32>
    %add3A = arith.addf %get3A_9, %dot_general3A_13 : vector<128x128xf32>
    %swap3A = arith.constant 0 : index
    %swap3A_14 = arith.constant 0 : index
    %swap3A_15 = vector.load %arg8[%swap3A, %swap3A_14] : memref<128x128xf32, #tpu.memory_space<vmem>>, vector<128x128xf32>
    tpu.vector_store %arg8[%swap3A, %swap3A_14], %add3A {strides = array<i32>} : memref<128x128xf32, #tpu.memory_space<vmem>>, vector<128x128xf32>,
    %get3A_16 = arith.constant 0 : index
    %get3A_17 = arith.constant 0 : index
    %get3A_18 = vector.load %arg9[%get3A_16, %get3A_17] : memref<128x128xf32, #tpu.memory_space<vmem>>, vector<128x128xf32>
    %broadcast_in_dim3A = arith.constant 1.000000e+00 : f32
    %broadcast_in_dim3A_19 = vector.broadcast %broadcast_in_dim3A : f32 to vector<1000x128xf32>
    %dot_general3A_20 = arith.constant dense<0.000000e+00> : vector<128x128xf32>
    %dot_general3A_21 = tpu.matmul %convert_element_type3A_6, %broadcast_in_dim3A_19, %dot_general3A_20 {dimension_numbers = #tpu.dot_dimension_numbers<[0], [0], [1], [1], [0, 1, 1, 1], [], []>, transpose_lhs_hint = false} : vector<1000x128xf32>, vector<1000x128xf32>, vector<128x128xf32> -> vector<128x128xf32>
    %add3A_22 = arith.addf %get3A_18, %dot_general3A_21 : vector<128x128xf32>
    %swap3A_23 = arith.constant 0 : index
    %swap3A_24 = arith.constant 0 : index
    %swap3A_25 = vector.load %arg9[%swap3A_23, %swap3A_24] : memref<128x128xf32, #tpu.memory_space<vmem>>, vector<128x128xf32>
    tpu.vector_store %arg9[%swap3A_23, %swap3A_24], %add3A_22 {strides = array<i32>} : memref<128x128xf32, #tpu.memory_space<vmem>>, vector<128x128xf32>,
    %eq3A_26 = arith.constant 9 : i32
    %eq3A_27 = arith.cmpi eq, %arg0, %eq3A_26 : i32
    %convert_element_type3A_28 = arith.extui %eq3A_27 : i1 to i32
    %cond3A_29 = arith.constant 0 : i32
    %cond3A_30 = arith.cmpi ne, %convert_element_type3A_28, %cond3A_29 : i32
    scf.if %cond3A_30 {
      %get3A_31 = arith.constant 0 : index
      %get3A_32 = arith.constant 0 : index
      %get3A_33 = vector.load %arg8[%get3A_31, %get3A_32] : memref<128x128xf32, #tpu.memory_space<vmem>>, vector<128x128xf32>
      %get3A_34 = arith.constant 0 : index
      %get3A_35 = arith.constant 0 : index
      %get3A_36 = vector.load %arg9[%get3A_34, %get3A_35] : memref<128x128xf32, #tpu.memory_space<vmem>>, vector<128x128xf32>
      %max3A = arith.constant 1.000000e+00 : f32
      %max3A_37 = vector.broadcast %max3A : f32 to vector<128x128xf32>
      %max3A_38 = arith.maximumf %get3A_36, %max3A_37 : vector<128x128xf32>
      %div3A = arith.divf %get3A_33, %max3A_38 : vector<128x128xf32>
      %get3A_39 = arith.constant 0 : index
      %get3A_40 = arith.constant 0 : index
      %get3A_41 = vector.load %arg3[%get3A_39, %get3A_40] : memref<128x128xf32, #tpu.memory_space<vmem>>, vector<128x128xf32>
      %dot_general3A_42 = arith.constant dense<0.000000e+00> : vector<128x128xf32>
      %dot_general3A_43 = tpu.matmul %div3A, %get3A_41, %dot_general3A_42 {dimension_numbers = #tpu.dot_dimension_numbers<[1], [0], [0], [1], [0, 0, 1, 1], [], []>, transpose_lhs_hint = false} : vector<128x128xf32>, vector<128x128xf32>, vector<128x128xf32> -> vector<128x128xf32>
      %get3A_44 = arith.constant 0 : index
      %get3A_45 = arith.constant 0 : index
      %get3A_46 = vector.load %arg4[%get3A_44, %get3A_45] : memref<1x128xf32, #tpu.memory_space<vmem>>, vector<1x128xf32>
      %add3A_47 = vector.broadcast %get3A_46 : vector<1x128xf32> to vector<128x128xf32>
      %add3A_48 = arith.addf %dot_general3A_43, %add3A_47 : vector<128x128xf32>
      %max3A_49 = arith.constant 0.000000e+00 : f32
      %max3A_50 = vector.broadcast %max3A_49 : f32 to vector<128x128xf32>
      %max3A_51 = arith.maximumf %add3A_48, %max3A_50 : vector<128x128xf32>
      %get3A_52 = arith.constant 0 : index
      %get3A_53 = arith.constant 0 : index
      %get3A_54 = vector.load %arg5[%get3A_52, %get3A_53] : memref<128x128xf32, #tpu.memory_space<vmem>>, vector<128x128xf32>
      %dot_general3A_55 = arith.constant dense<0.000000e+00> : vector<128x128xf32>
      %dot_general3A_56 = tpu.matmul %max3A_51, %get3A_54, %dot_general3A_55 {dimension_numbers = #tpu.dot_dimension_numbers<[1], [0], [0], [1], [0, 0, 1, 1], [], []>, transpose_lhs_hint = false} : vector<128x128xf32>, vector<128x128xf32>, vector<128x128xf32> -> vector<128x128xf32>
      %get3A_57 = arith.constant 0 : index
      %get3A_58 = arith.constant 0 : index
      %get3A_59 = vector.load %arg6[%get3A_57, %get3A_58] : memref<1x128xf32, #tpu.memory_space<vmem>>, vector<1x128xf32>
      %add3A_60 = vector.broadcast %get3A_59 : vector<1x128xf32> to vector<128x128xf32>
      %add3A_61 = arith.addf %dot_general3A_56, %add3A_60 : vector<128x128xf32>
      %swap3A_62 = arith.constant 0 : index
      %swap3A_63 = arith.constant 0 : index
      %swap3A_64 = vector.load %arg7[%swap3A_62, %swap3A_63] : memref<128x128xf32, #tpu.memory_space<vmem>>, vector<128x128xf32>
      tpu.vector_store %arg7[%swap3A_62, %swap3A_63], %add3A_61 {strides = array<i32>} : memref<128x128xf32, #tpu.memory_space<vmem>>, vector<128x128xf32>,
    } else {
    }
    return
  }
  func.func @transform_0(%arg0: i32) -> (i32, i32) {
    %c0_i32 = arith.constant 0 : i32
    %c0_i32_0 = arith.constant 0 : i32
    return %arg0, %c0_i32 : i32, i32
  }
  func.func @transform_1(%arg0: i32) -> (i32, i32) {
    %c0_i32 = arith.constant 0 : i32
    %c0_i32_0 = arith.constant 0 : i32
    return %arg0, %c0_i32 : i32, i32
  }
  func.func @transform_2(%arg0: i32) -> (i32, i32) {
    %c0_i32 = arith.constant 0 : i32
    %c0_i32_0 = arith.constant 0 : i32
    %c0_i32_1 = arith.constant 0 : i32
    return %c0_i32, %c0_i32_0 : i32, i32
  }
  func.func @transform_3(%arg0: i32) -> (i32, i32) {
    %c0_i32 = arith.constant 0 : i32
    %c0_i32_0 = arith.constant 0 : i32
    %c0_i32_1 = arith.constant 0 : i32
    return %c0_i32, %c0_i32_0 : i32, i32
  }
  func.func @transform_4(%arg0: i32) -> (i32, i32) {
    %c0_i32 = arith.constant 0 : i32
    %c0_i32_0 = arith.constant 0 : i32
    %c0_i32_1 = arith.constant 0 : i32
    return %c0_i32, %c0_i32_0 : i32, i32
  }
  func.func @transform_5(%arg0: i32) -> (i32, i32) {
    %c0_i32 = arith.constant 0 : i32
    %c0_i32_0 = arith.constant 0 : i32
    %c0_i32_1 = arith.constant 0 : i32
    return %c0_i32, %c0_i32_0 : i32, i32
  }
  func.func @transform_6(%arg0: i32) -> (i32, i32) {
    %c0_i32 = arith.constant 0 : i32
    %c0_i32_0 = arith.constant 0 : i32
    %c0_i32_1 = arith.constant 0 : i32
    return %c0_i32, %c0_i32_0 : i32, i32
  }
}

</mosaic_0001>

<sc_bundles>
// kernel: kernel.14.cloned.1.call-start
scs
__scs_entry_jumppad:
0x0: {  	(pc) =	sbr.rel $0x88, $3  }
0x1: {  	(tag) =	ssettag $0x0;
	lr =	simm.s32 $0x1  }
0x2: {  	[smem:$0x3F93] =	sst lr;
	_ =	strace $0xD0000000  }
0x3: {  	_ = 	snop  }
0x4: {  	_ = 	snop  }
0x5: {  	_ = 	snop  }
0x6: {  	_ = 	snop  }
0x7: {  	_ = 	snop  }
__scs_overlays_trampoline_lowered:
0x8: {  	[smem:$0x3FA2] =	sst s0  }
0x9: {  	[smem:$0x3FA3] =	sst s1  }
0xa: {  	[smem:$0x3FA4] =	sst s2  }
0xb: {  	[smem:$0x3FA5] =	sst s3  }
0xc: {  	[smem:$0x3FA6] =	sst s4  }
0xd: {  	[smem:$0x3FA7] =	sst s5  }
0xe: {  	[smem:$0x3FA8] =	sst s6  }
0xf: {  	[smem:$0x3FA9] =	sst s7  }
0x10: {  	[smem:$0x3FAA] =	sst s8  }
0x11: {  	[smem:$0x3FAB] =	sst s9;
	s0 =	simm.s32 @!p0 $0x0  }
0x12: {  	s1 =	sld [smem:$0x3F91];
	s0 =	simm.s32 @p0 $0x1  }
0x13: {  	[smem:$0x3FAC] =	sst s0;
	s0 =	simm.s32 @!p1 $0x0  }
0x14: {  	s2 =	sld [smem:$0x3F90];
	s0 =	simm.s32 @p1 $0x1  }
0x15: {  	[smem:$0x3FAD] =	sst s0;
	s0 =	simm.s32 @!p2 $0x0  }
0x16: {  	s3 =	sld [smem:$0x3FDB];
	s0 =	simm.s32 @p2 $0x1  }
0x17: {  	s4 =	simm.s32 $0x1BF5;
	[smem:$0x3FAF] =	sst s0  }
0x18: {  	s0 =	sld [smem:$0x3F92];
	_ =	swait.ge [sflag:s4], $0x0  }
0x19: {  	s7 =	sld [smem:$0x3F93]  }
0x1a: {  	s8 =	sadd.s32 $0xFFFFE003, lr  }
0x1b: {  	s9 =	sadd.s32 $0xFFFFFEF7, lr;
	s5 =	simm.s32 $0xFFFFFFFF;
	p2 =	slt.u32 s8, $0xFFFFF086  }
0x1c: {  	p1 =	slt.u32 s9, $0xF7A;
	s5 =	simm.s32 @!p2 $0x0  }
0x1d: {  	s5 =	simm.s32 @p1 $0x1;
	p0 =	seq.s32 s7, s2  }
0x1e: {  	s7 =	smul.u32 @!p0 $0xF7A, s2;
	p2 =	seq.s32 @!p0 s5, $0x0  }
0x1f: {  	s9 =	smul.u32 $0xF7A, s1;
	s8 =	simm.s32 @!p0 $0x1BF5;
	p2 =	por !p2, p0  }
0x20: {  	[sflag:s8] =	ssyncset.s32 @!p0 $0xFFFFF086;
	s6 =	sadd.s32 @!p0 s3, s7;
	s7 =	simm.s32 @!p0 $0x108  }
0x21: {  	s3 =	sadd.s32 s3, s9;
	s6 =	sadd.s32 @!p0 $0x88, s6;
	s7 =	simm.s32 @p2 $0x1082  }
0x22: {  	[simem:s7], [sflag:s8] =	dma.local @!p0 [hbm:s6], $0xF7A  }
0x23: {  	s9 =	sor.u32 $0xD0000000, s2;
	s6 =	simm.s32 $0x108;
	_ =	swait.ge @!p0 [sflag:s8], $0x0  }
0x24: {  	s3 =	sadd.s32 $0x88, s3;
	s6 =	simm.s32 @!p1 $0x1082;
	[sflag:s4] =	ssyncset.s32 $0xFFFFF086  }
0x25: {  	[simem:s6], [sflag:s4] =	dma.local [hbm:s3], $0xF7A  }
0x26: {  	[smem:$0x3F93] =	sst s1;
	(tag) =	ssettag s2;
	_ =	strace s9  }
0x27: {  	s1 =	sld [smem:$0x3FA3]  }
0x28: {  	s2 =	sld [smem:$0x3FA4]  }
0x29: {  	s4 =	sld [smem:$0x3FA6]  }
0x2a: {  	p0 =	seq.s32 s5, $0x0;
	s5 =	sld [smem:$0x3FA7]  }
0x2b: {  	s6 =	sld [smem:$0x3FA8]  }
0x2c: {  	s7 =	sld [smem:$0x3FA9]  }
0x2d: {  	s3 =	simm.s32 $0x108;
	s8 =	sld [smem:$0x3FAA]  }
0x2e: {  	s3 =	simm.s32 @!p0 $0x1082;
	s9 =	sld [smem:$0x3FAB]  }
0x2f: {  	lr =	sadd.s32 s0, s3;
	s0 =	sld [smem:$0x3FA2]  }
0x30: {  	s3 =	sld [smem:$0x3FA5]  }
0x31: {  	[smem:$0x3FAE] =	sst s10  }
0x32: {  	s10 =	sld [smem:$0x3FAC];
	_ =	sdelay $0x3  }
0x33: {  	p0 =	seq.s32 s10, $0x1;
	s10 =	sld [smem:$0x3FAE];
	_ =	sdelay $0x3  }
0x34: {  	[smem:$0x3FAE] =	sst s10  }
0x35: {  	s10 =	sld [smem:$0x3FAD];
	_ =	sdelay $0x3  }
0x36: {  	p1 =	seq.s32 s10, $0x1;
	s10 =	sld [smem:$0x3FAE];
	_ =	sdelay $0x3  }
0x37: {  	[smem:$0x3FAE] =	sst s10  }
0x38: {  	s10 =	sld [smem:$0x3FAF]  }
0x39: {  	_ = 	snop;
	(pc) =	sbr.ind lr, $3  }
0x3a: {  	_ = 	snop  }
0x3b: {  	_ = 	snop  }
0x3c: {  	p2 =	seq.s32 s10, $0x1;
	s10 =	sld [smem:$0x3FAE]  }
0x3d: {  	_ =	shalt  }
0x3e: {  	_ =	shalt  }
0x3f: {  	_ =	shalt  }
0x40: {  	_ =	shalt  }
0x41: {  	_ =	shalt  }
0x42: {  	_ =	shalt  }
0x43: {  	_ =	shalt  }
0x44: {  	_ =	shalt  }
0x45: {  	_ =	shalt  }
0x46: {  	_ =	shalt  }
0x47: {  	_ =	shalt  }
0x48: {  	_ =	shalt  }
0x49: {  	_ =	shalt  }
0x4a: {  	_ =	shalt  }
0x4b: {  	_ =	shalt  }
0x4c: {  	_ =	shalt  }
0x4d: {  	_ =	shalt  }
0x4e: {  	_ =	shalt  }
0x4f: {  	_ =	shalt  }
0x50: {  	_ =	shalt  }
0x51: {  	_ =	shalt  }
0x52: {  	_ =	shalt  }
0x53: {  	_ =	shalt  }
0x54: {  	_ =	shalt  }
0x55: {  	_ =	shalt  }
0x56: {  	_ =	shalt  }
0x57: {  	_ =	shalt  }
0x58: {  	_ =	shalt  }
0x59: {  	_ =	shalt  }
0x5a: {  	_ =	shalt  }
0x5b: {  	_ =	shalt  }
0x5c: {  	_ =	shalt  }
0x5d: {  	_ =	shalt  }
0x5e: {  	_ =	shalt  }
0x5f: {  	_ =	shalt  }
0x60: {  	_ =	shalt  }
0x61: {  	_ =	shalt  }
0x62: {  	_ =	shalt  }
0x63: {  	_ =	shalt  }
0x64: {  	_ =	shalt  }
0x65: {  	_ =	shalt  }
0x66: {  	_ =	shalt  }
0x67: {  	_ =	shalt  }
0x68: {  	_ =	shalt  }
0x69: {  	_ =	shalt  }
0x6a: {  	_ =	shalt  }
0x6b: {  	_ =	shalt  }
0x6c: {  	_ =	shalt  }
0x6d: {  	_ =	shalt  }
0x6e: {  	_ =	shalt  }
0x6f: {  	_ =	shalt  }
0x70: {  	_ =	shalt  }
0x71: {  	_ =	shalt  }
0x72: {  	_ =	shalt  }
0x73: {  	_ =	shalt  }
0x74: {  	_ =	shalt  }
0x75: {  	_ =	shalt  }
0x76: {  	_ =	shalt  }
0x77: {  	_ =	shalt  }
0x78: {  	_ =	shalt  }
0x79: {  	_ =	shalt  }
0x7a: {  	_ =	shalt  }
0x7b: {  	_ =	shalt  }
0x7c: {  	_ =	shalt  }
0x7d: {  	_ =	shalt  }
0x7e: {  	_ =	shalt  }
0x7f: {  	_ =	shalt  }
0x80: {  	_ =	shalt  }
0x81: {  	_ =	shalt  }
0x82: {  	_ =	shalt  }
0x83: {  	_ =	shalt  }
0x84: {  	_ =	shalt  }
0x85: {  	_ =	shalt  }
0x86: {  	_ =	shalt  }
0x87: {  	_ =	shalt  }
.Lfunc_end0:
.L_simem_size_0:
called_computation_lowered:
.L_overlay_start_0:
0x88: {  	s2 =	sld [smem:$0x3FD9]  }
0x89: {  	s3 =	sld [smem:$0x3FFE];
	_ =	sdelay $0x1  }
0x8a: {  	s1 =	srdreg.scid  }
0x8b: {  	s0 =	sand.u32 $0x1, s1  }
0x8c: {  	s16 =	sshll.u32 s0, $0xA;
	s2 =	sadd.s32 s3, s2  }
0x8d: {  	s2 =	sadd.s32 s2, s16  }
0x8e: {  	[smem:$0x3FBA] =	sst s2  }
0x8f: {  	_ = 	snop  }
0x90: {  	(tm) =	ssettm $0x1  }
0x91: {  	s17 =	sld [smem:$0x3FFB];
	_ =	sdelay $0x3  }
0x92: {  	_ =	strace s17  }
0x93: {  	s2 =	sld [smem:$0x3FFC];
	_ =	sdelay $0x3  }
0x94: {  	_ =	strace s2  }
0x95: {  	s2 =	sld [smem:$0x3FFD];
	_ =	sdelay $0x3  }
0x96: {  	_ =	strace s2  }
0x97: {  	_ =	strace $0x8FFFFFFF  }
0x98: {  	s18 =	sld [smem:$0x3FDB];
	_ =	sdelay $0x1  }
0x99: {  	s19 =	simm.s32 $_scs_section_size  }
0x9a: {  	s4 =	simm.s32 $_size__tile_overlayer_lowered;
	s5 =	simm.s32 $_tile_overlayer_lowered  }
0x9b: {  	s22 =	simm.s32 $0x1BFF;
	s21 =	sshll.u32 s5, $0x1;
	s2 =	sadd.s32 s19, s18  }
0x9c: {  	s6 =	simm.s32 $0x0;
	s20 =	sshll.u32 s4, $0x1;
	s4 =	sadd.s32 s21, s2  }
0x9d: {  	[timem:s6], [sflag:s22] =	dma.local [hbm:s4], s20  }
0x9e: {  	_ =	swait.ge [sflag:s22], s20  }
0x9f: {  	s3 =	ssub.s32 $0x0, s20;
	[sflag:s22] =	ssyncset.done $0x0  }
0xa0: {  	[sflag:s22] =	ssyncadd.s32 s3;
	_ =	sdelay $0x1  }
0xa1: {  	s23 =	simm.s32 $0x1B8B  }
0xa2: {  	_ =	swait.ge [sflag:s23], $0x1  }
0xa3: {  	[sflag:s23] =	ssyncset.done $0x0  }
0xa4: {  	s25 =	simm.s32 $0x1B8E;
	s24 =	sld [smem:$0x3FFE];
	[sflag:s23] =	ssyncadd.s32 $0xFFFFFFFF  }
0xa5: {  	s26 =	simm.s32 $execute0_lowered;
	[smem:$0x3FD2] =	sst s25  }
0xa6: {  	s4 =	sshll.u32 s26, $0x1;
	_ =	strace $0x80000046;
	[dreg:$0x1] =	wrdreg $0xFFFFFFFF  }
0xa7: {  	s28 =	simm.s32 $_size_execute0_lowered;
	s2 =	sadd.s32 s2, s4;
	[dreg:$0x0] =	wrdreg $0x0  }
0xa8: {  	s4 =	sshll.u32 s28, $0x1;
	[dreg:$0x2] =	wrdreg s2  }
0xa9: {  	[dreg:$0x3] =	wrdreg s4  }
0xaa: {  	[dreg:$0x4] =	wrdreg $0xC0  }
0xab: {  	_ =	task [dreg:s6], $0x5FFFF  }
0xac: {  	[dreg:$0x1] =	wrdreg $0xFFFFFFFF  }
0xad: {  	[dreg:$0x0] =	wrdreg $0x60  }
0xae: {  	[dreg:$0x2] =	wrdreg s24  }
0xaf: {  	[dreg:$0x3] =	wrdreg $0xA4000  }
0xb0: {  	[dreg:$0x4] =	wrdreg $0x9  }
0xb1: {  	_ =	task.clear_ibuf [dreg:s6], $0x5FFFF;
	_ =	strace $0x90000046  }
0xb2: {  	s29 =	simm.s32 $0x9;
	_ =	strace $0x80000048  }
0xb3: {  	_ =	swait.ge [sflag:s29], $0x1  }
0xb4: {  	[sflag:s29] =	ssyncadd.s32 $0xFFFFFFFF  }
0xb5: {  	_ =	strace $0x90000048  }
0xb6: {  	_ =	sfence  }
0xb7: {  	s30 =	sld [smem:$0x0];
	_ =	sdelay $0x2  }
0xb8: {  	s31 =	sshll.u32 s1, $0xD;
	s1 =	sshrl.u32 s1, $0x2  }
0xb9: {  	s3 =	sand.u32 $0x4000, s31;
	s1 =	sadd.s32 s1, s30  }
0xba: {  	s0 =	sor.u32 s3, s0;
	s1 =	sshll.u32 s1, $0x11  }
0xbb: {  	s0 =	sor.u32 s1, s0  }
0xbc: {  	s0 =	sadd.s32 $0x8F2B, s0  }
0xbd: {  	[sflag:s0] =	ssyncadd.remote.s32 $0x1  }
0xbe: {  	_ =	sfence.sel $0xFFFF  }
0xbf: {  	[dreg:$0x0] =	wrdreg $0xFFFFFFFF;
	(pc) =	sbr.abs _section_cstart, $3  }
0xc0: {  	[dreg:$0x1] =	wrdreg $0xFFFFFFFF  }
0xc1: {  	_ =	task.clear_ibuf [dreg:s6], $0x2FFFF;
	_ =	strace $0x9FFFFFFF  }
0xc2: {  	(tm) =	ssettm $0x7FFFFFFF  }
0xc3: {  	_ =	shalt  }
tec
execute0_lowered:
.L_overlay_start_1:
0x0: {  	(tag) =	ssettag $0x1  }
0x1: {  	s0 =	srdreg.scid  }
0x2: {  	s0 =	sand.u32 $0x1, s0  }
0x3: {  	s2 =	rddreg [dreg:$0x0];
	s11 =	stileid.u32;
	s4 =	sshll.u32 s0, $0x4  }
0x4: {  	s1 =	simm.s32 $0x0;
	s5 =	smul.u32 $0x2800, s11;
	s4 =	sor.u32 s11, s4  }
0x5: {  	s28 =	simm.s32 $0x2;
	[smem:$0x7FF] =	sst s1;
	s4 =	smul.u32 $0x2710, s4  }
0x6: {  	s7 =	sadd.s32 $0xE200, s2;
	s3 =	smul.u32 $0x28000, s0;
	s6 =	ssub.s32 $0x2, s0  }
0x7: {  	s8 =	sadd.s32 $0x4400, s2;
	s9 =	sshrl.u32 s6, $0x1;
	s4 =	sshrl.u32 s4, $0x3  }
0x8: {  	s3 =	sadd.s32 s5, s3;
	s5 =	ssub.s32 s6, s9;
	s26 =	sadd.s32 s7, s4  }
0x9: {  	s9 =	sadd.s32 s8, s4;
	s10 =	sadd.s32 $0xA, s4;
	[dreg:$0x3] =	wrdreg s26  }
0xa: {  	s29 =	simm.s32 $0x180;
	[dreg:$0x4] =	wrdreg s9;
	s12 =	sadd.s32 s7, s10  }
0xb: {  	s14 =	sadd.s32 $0x1E, s4;
	s6 =	sadd.s32 s8, s10;
	[dreg:$0x5] =	wrdreg s12  }
0xc: {  	s13 =	sadd.s32 $0x14, s4;
	s15 =	sadd.s32 s7, s14;
	[dreg:$0x6] =	wrdreg s6  }
0xd: {  	s17 =	sadd.s32 $0x28, s4;
	s16 =	sadd.s32 s8, s14;
	[dreg:$0x9] =	wrdreg s15  }
0xe: {  	s4 =	sadd.s32 $0x32, s4;
	s18 =	sadd.s32 s7, s17;
	[dreg:$0xa] =	wrdreg s16  }
0xf: {  	s30 =	simm.s32 $0x380;
	s20 =	sadd.s32 s7, s4;
	[dreg:$0xb] =	wrdreg s18  }
0x10: {  	s31 =	simm.s32 $0x7C00;
	s4 =	sadd.s32 s8, s4;
	[dreg:$0xd] =	wrdreg s20  }
0x11: {  	s0 =	smul.u32 $0x27100, s0;
	s12 =	sadd.s32 s7, s13;
	[dreg:$0xe] =	wrdreg s4  }
0x12: {  	s10 =	smul.u32 $0x2710, s11;
	s6 =	sadd.s32 s8, s13;
	[dreg:$0x7] =	wrdreg s12  }
0x13: {  	s9 =	sadd.s32 s3, s2;
	s3 =	simm.s32 $0x6;
	[dreg:$0x8] =	wrdreg s6  }
0x14: {  	s0 =	sadd.s32 s10, s0;
	s6 =	sadd.s32 s8, s17;
	s12 =	smax.u32 s5, $0x1  }
0x15: {  	s5 =	simm.s32 $0x9;
	s19 =	sadd.s32 $0x2D0, s0;
	[dreg:$0xc] =	wrdreg s6  }
0x16: {  	s23 =	sadd.s32 $0x280, s0;
	s24 =	sadd.s32 $0x230, s0;
	s0 =	sadd.s32 $0x1E0, s0  }
0x17: {  	s21 =	sshrl.u32 s19, $0x3;
	s4 =	sshrl.u32 s23, $0x3;
	s26 =	sshrl.u32 s24, $0x3  }
0x18: {  	s22 =	sadd.s32 s21, s8;
	s6 =	sadd.s32 s21, s7;
	s21 =	rddreg [dreg:$0x1]  }
0x19: {  	s0 =	sshrl.u32 s0, $0x3;
	s24 =	sadd.s32 $0x18000, s2;
	[dreg:$0xf] =	wrdreg s22  }
0x1a: {  	s2 =	simm.s32 $0x4;
	s25 =	sadd.s32 s4, s8;
	[dreg:$0x10] =	wrdreg s6  }
0x1b: {  	s17 =	sadd.s32 s4, s7;
	s23 =	sadd.s32 s0, s7;
	[dreg:$0x11] =	wrdreg s25  }
0x1c: {  	s6 =	smul.u32 $0x50000, s11;
	s22 =	sadd.s32 s0, s8;
	s0 =	sadd.s32 $0x3F200, s9  }
0x1d: {  	s18 =	sadd.s32 s26, s8;
	_ =	strace $0x80000047;
	[dreg:$0x13] =	wrdreg s0  }
0x1e: {  	s19 =	sadd.s32 s26, s7;
	[dreg:$0x14] =	wrdreg s12;
	s10 =	sshrl.u32 s6, $0x2  }
0x1f: {  	s4 =	simm.s32 $0x400;
	[dreg:$0x1e] =	wrdreg s17;
	s11 =	sadd.s32 s10, s21  }
0x20: {  	s7 =	simm.s32 $0x80;
	s13 =	sadd.s32 $0x2800, s11;
	[dreg:$0x12] =	wrdreg s11  }
0x21: {  	s8 =	simm.s32 $0x280;
	s14 =	sadd.s32 $0x5000, s11;
	[dreg:$0x15] =	wrdreg s13  }
0x22: {  	s9 =	simm.s32 $0x50;
	s15 =	sadd.s32 $0x7800, s11;
	[dreg:$0x16] =	wrdreg s14  }
0x23: {  	s12 =	simm.s32 $0x100;
	s16 =	sadd.s32 $0xA000, s11;
	[dreg:$0x17] =	wrdreg s15  }
0x24: {  	s0 =	simm.s32 $0x5;
	s20 =	sadd.s32 $0xC800, s11;
	[dreg:$0x18] =	wrdreg s16  }
.Ltmp0:
0x25: {  	s25 =	sadd.s32 $0xF000, s11;
	[dreg:$0x19] =	wrdreg s20;
	(pc) =	sbr.rel .LBB2_1-.Ltmp0, $4  }
0x26: {  	s6 =	simm.s32 $0x200;
	s26 =	sadd.s32 $0x11800, s11;
	[dreg:$0x1a] =	wrdreg s25  }
0x27: {  	s10 =	simm.s32 $0x2C00;
	s11 =	simm.s32 $0x1;
	[dreg:$0x1b] =	wrdreg s26  }
0x28: {  	s13 =	simm.s32 $0x300;
	s26 =	simm.s32 $0x5400;
	s20 =	simm.s32 $0x3  }
0x29: {  	v0 =	vimm.f32 $0.0e+00;
	s25 =	simm.s32 $0x7;
	s14 =	simm.s32 $0x8;
	s16 =	simm.s32 $0x0  }
.LBB2_6:
0x2a: {  	_ =	swait.ge [sflag:s11], $0x2800  }
0x2b: {  	[sflag:s11] =	ssyncset.done $0x0  }
0x2c: {  	[sflag:s11] =	ssyncadd.s32 $0xFFFFD800  }
0x2d: {  	_ =	swait.ge [sflag:s25], $0x2800  }
0x2e: {  	[sflag:s25] =	ssyncset.done $0x0  }
0x2f: {  	[sflag:s25] =	ssyncadd.s32 $0xFFFFD800  }
0x30: {  	[spmem:s21] =	stream.indirect.scatter.add.f32 [tilespmem:s4], [sflag:$0x5], $0x80, s6, s9, $0xb8;
	[tilespmem:$0x1E400] =	vst v63  }
0x31: {  	_ =	swait.ge [sflag:s14], $0x2800  }
0x32: {  	[sflag:s14] =	ssyncset.done $0x0  }
0x33: {  	[sflag:s14] =	ssyncadd.s32 $0xFFFFD800  }
0x34: {  	_ =	swait.ge [sflag:s0], $0x2800  }
0x35: {  	s15 =	stileid.u32;
	[sflag:s0] =	ssyncset.done $0x0  }
0x36: {  	s15 =	sshll.u32 s15, $0x6;
	[sflag:s0] =	ssyncadd.s32 $0xFFFFD800  }
0x37: {  	s15 =	sor.u32 $0x1C09, s15;
	[bflag:$0x0] =	sbarrier.arrive $0xFFFF  }
0x38: {  	[dreg:$0x1d] =	wrdreg s15  }
0x39: {  	s16 =	rddreg [dreg:$0x12]  }
0x3a: {  	s15 =	rddreg [dreg:$0x13]  }
0x3b: {  	s16 =	sshrl.u32 s16, $0x3;
	s17 =	rddreg [dreg:$0x1d]  }
0x3c: {  	[hbm:s15], [sflag:s17] =	dma.local [spmem:s16], $0x2800  }
0x3d: {  	s17 =	rddreg [dreg:$0x1e];
	_ =	swait.ge [sflag:s5], $0x2800  }
0x3e: {  	s15 =	rddreg [dreg:$0x1c]  }
0x3f: {  	s16 =	sadd.s32 $0x1, s15;
	s15 =	rddreg [dreg:$0x14]  }
0x40: {  	p0 =	sne.s32 s16, s15  }
.Ltmp1:
0x41: {  	_ = 	snop;
	(pc) =	sbr.rel @!p0 .LBB2_7-.Ltmp1, $3  }
0x42: {  	_ =	sdelay $0x1  }
0x43: {  	[sflag:s5] =	ssyncset.done $0x0  }
0x44: {  	[sflag:s5] =	ssyncadd.s32 $0xFFFFD800  }
.LBB2_1:
0x45: {  	[dreg:$0x1c] =	wrdreg s16;
	s15 =	simm.s32 $0x0;
	s16 =	simm.s32 $0x200  }
.LBB2_2:
0x46: {  	p0 =	sne.s32 s16, $0x9E00;
	[tilespmem:s15+$0x470] =	vst v0  }
0x47: {  	[tilespmem:s15+$0x400] =	vst v0  }
0x48: {  	[tilespmem:s15+$0x410] =	vst v0  }
.Ltmp2:
0x49: {  	[tilespmem:s15+$0x420] =	vst v0;
	(pc) =	sbr.rel @p0 .LBB2_2-.Ltmp2, $4  }
0x4a: {  	[tilespmem:s15+$0x430] =	vst v0  }
0x4b: {  	[tilespmem:s15+$0x440] =	vst v0  }
0x4c: {  	[tilespmem:s15+$0x450] =	vst v0  }
0x4d: {  	[tilespmem:s15+$0x460] =	vst v0;
	s15 =	sshra.s32 s16, $0x2;
	s16 =	sadd.s32 $0x200, s16  }
0x4e: {  	[tilespmem:s15+$0x470] =	vst v0  }
0x4f: {  	[tilespmem:s15+$0x400] =	vst v0  }
0x50: {  	[tilespmem:s15+$0x410] =	vst v0  }
0x51: {  	[tilespmem:s15+$0x420] =	vst v0  }
0x52: {  	[tilespmem:s15+$0x430] =	vst v0  }
0x53: {  	[tilespmem:s15+$0x440] =	vst v0  }
0x54: {  	[tilespmem:s15+$0x450] =	vst v0  }
0x55: {  	[tilespmem:s15+$0x460] =	vst v0;
	s16 =	rddreg [dreg:$0x12]  }
0x56: {  	[spmem:s16] =	stream.linear.scatter [tilespmem:s4], [sflag:$0x9], $0x2800, $0x38;
	[tilespmem:$0x1E400] =	vst v63  }
0x57: {  	_ =	swait.ge [sflag:s5], $0x2800  }
0x58: {  	[sflag:s5] =	ssyncset.done $0x0  }
0x59: {  	s16 =	rddreg [dreg:$0x15];
	[sflag:s5] =	ssyncadd.s32 $0xFFFFD800  }
0x5a: {  	[spmem:s16] =	stream.linear.scatter [tilespmem:s4], [sflag:$0x9], $0x2800, $0x38;
	[tilespmem:$0x1E400] =	vst v63  }
0x5b: {  	_ =	swait.ge [sflag:s5], $0x2800  }
0x5c: {  	[sflag:s5] =	ssyncset.done $0x0  }
0x5d: {  	s16 =	rddreg [dreg:$0x16];
	[sflag:s5] =	ssyncadd.s32 $0xFFFFD800  }
0x5e: {  	[spmem:s16] =	stream.linear.scatter [tilespmem:s4], [sflag:$0x9], $0x2800, $0x38;
	[tilespmem:$0x1E400] =	vst v63  }
0x5f: {  	_ =	swait.ge [sflag:s5], $0x2800  }
0x60: {  	[sflag:s5] =	ssyncset.done $0x0  }
0x61: {  	s16 =	rddreg [dreg:$0x17];
	[sflag:s5] =	ssyncadd.s32 $0xFFFFD800  }
0x62: {  	[spmem:s16] =	stream.linear.scatter [tilespmem:s4], [sflag:$0x9], $0x2800, $0x38;
	[tilespmem:$0x1E400] =	vst v63  }
0x63: {  	_ =	swait.ge [sflag:s5], $0x2800  }
0x64: {  	[sflag:s5] =	ssyncset.done $0x0  }
0x65: {  	s16 =	rddreg [dreg:$0x18];
	[sflag:s5] =	ssyncadd.s32 $0xFFFFD800  }
0x66: {  	[spmem:s16] =	stream.linear.scatter [tilespmem:s4], [sflag:$0x9], $0x2800, $0x38;
	[tilespmem:$0x1E400] =	vst v63  }
0x67: {  	_ =	swait.ge [sflag:s5], $0x2800  }
0x68: {  	[sflag:s5] =	ssyncset.done $0x0  }
0x69: {  	s16 =	rddreg [dreg:$0x19];
	[sflag:s5] =	ssyncadd.s32 $0xFFFFD800  }
0x6a: {  	[spmem:s16] =	stream.linear.scatter [tilespmem:s4], [sflag:$0x9], $0x2800, $0x38;
	[tilespmem:$0x1E400] =	vst v63  }
0x6b: {  	_ =	swait.ge [sflag:s5], $0x2800  }
0x6c: {  	[sflag:s5] =	ssyncset.done $0x0  }
0x6d: {  	s16 =	rddreg [dreg:$0x1a];
	[sflag:s5] =	ssyncadd.s32 $0xFFFFD800  }
0x6e: {  	[spmem:s16] =	stream.linear.scatter [tilespmem:s4], [sflag:$0x9], $0x2800, $0x38;
	[tilespmem:$0x1E400] =	vst v63  }
0x6f: {  	_ =	swait.ge [sflag:s5], $0x2800  }
0x70: {  	[sflag:s5] =	ssyncset.done $0x0  }
0x71: {  	s16 =	rddreg [dreg:$0x1b];
	[sflag:s5] =	ssyncadd.s32 $0xFFFFD800  }
0x72: {  	[spmem:s16] =	stream.linear.scatter [tilespmem:s4], [sflag:$0x9], $0x2800, $0x38;
	[tilespmem:$0x1E400] =	vst v63  }
0x73: {  	_ =	swait.ge [sflag:s5], $0x2800  }
0x74: {  	[sflag:s5] =	ssyncset.done $0x0  }
0x75: {  	s15 =	simm.s32 $0x0;
	s16 =	rddreg [dreg:$0x3];
	[sflag:s5] =	ssyncadd.s32 $0xFFFFD800  }
0x76: {  	[tilespmem:s15], [sflag:$0x9] =	stream.linear.gather [hbm4b:s16+s15], $0x50, $0x38;
	[tilespmem:$0x1E400] =	vst v63  }
0x77: {  	_ =	swait.ge [sflag:s5], $0x50  }
0x78: {  	[sflag:s5] =	ssyncset.done $0x0  }
0x79: {  	s16 =	rddreg [dreg:$0x4];
	[sflag:s5] =	ssyncadd.s32 $0xFFFFFFB0  }
0x7a: {  	[tilespmem:s6], [sflag:$0x9] =	stream.linear.gather [hbm4b:s16+s15], $0x50, $0x38;
	[tilespmem:$0x1E400] =	vst v63  }
0x7b: {  	_ =	swait.ge [sflag:s5], $0x50  }
0x7c: {  	[sflag:s5] =	ssyncset.done $0x0  }
0x7d: {  	s16 =	rddreg [dreg:$0x5];
	[sflag:s5] =	ssyncadd.s32 $0xFFFFFFB0  }
0x7e: {  	[tilespmem:s7], [sflag:$0x9] =	stream.linear.gather [hbm4b:s16+s15], $0x50, $0x38;
	[tilespmem:$0x1E400] =	vst v63  }
0x7f: {  	_ =	swait.ge [sflag:s5], $0x50  }
0x80: {  	[sflag:s5] =	ssyncset.done $0x0  }
0x81: {  	s16 =	rddreg [dreg:$0x6];
	[sflag:s5] =	ssyncadd.s32 $0xFFFFFFB0  }
0x82: {  	[tilespmem:s8], [sflag:$0x9] =	stream.linear.gather [hbm4b:s16+s15], $0x50, $0x38;
	[tilespmem:$0x1E400] =	vst v63  }
0x83: {  	_ =	swait.ge [sflag:s5], $0x50  }
0x84: {  	[sflag:s5] =	ssyncset.done $0x0  }
0x85: {  	[sflag:s5] =	ssyncadd.s32 $0xFFFFFFB0  }
0x86: {  	[tilespmem:s4], [sflag:$0x1] =	stream.indirect.gather [hbm4b:s24+s9], $0x80, s15, s9, $0xb8;
	[tilespmem:$0x1E400] =	vst v63  }
0x87: {  	_ = 	snop  }
0x88: {  	[tilespmem:s10], [sflag:$0x2] =	stream.indirect.gather [hbm4b:s24+s9], $0x80, s7, s9, $0xb8;
	[tilespmem:$0x1E400] =	vst v63  }
0x89: {  	[bflag:$0x0] =	sbarrier.arrive $0xFFFF  }
0x8a: {  	_ =	swait.ge [sflag:s11], $0x2800  }
0x8b: {  	[sflag:s11] =	ssyncset.done $0x0  }
0x8c: {  	[sflag:s11] =	ssyncadd.s32 $0xFFFFD800  }
0x8d: {  	[spmem:s21] =	stream.indirect.scatter.add.f32 [tilespmem:s4], [sflag:$0x5], $0x80, s6, s9, $0xb8;
	[tilespmem:$0x1E400] =	vst v63  }
0x8e: {  	s16 =	rddreg [dreg:$0x7]  }
0x8f: {  	[tilespmem:s12], [sflag:$0x9] =	stream.linear.gather [hbm4b:s16+s15], $0x50, $0x38;
	[tilespmem:$0x1E400] =	vst v63  }
0x90: {  	_ =	swait.ge [sflag:s5], $0x50  }
0x91: {  	[sflag:s5] =	ssyncset.done $0x0  }
0x92: {  	s16 =	rddreg [dreg:$0x8];
	[sflag:s5] =	ssyncadd.s32 $0xFFFFFFB0  }
0x93: {  	[tilespmem:s13], [sflag:$0x9] =	stream.linear.gather [hbm4b:s16+s15], $0x50, $0x38;
	[tilespmem:$0x1E400] =	vst v63  }
0x94: {  	_ =	swait.ge [sflag:s5], $0x50  }
0x95: {  	[sflag:s5] =	ssyncset.done $0x0  }
0x96: {  	[sflag:s5] =	ssyncadd.s32 $0xFFFFFFB0  }
0x97: {  	[tilespmem:s26], [sflag:$0x3] =	stream.indirect.gather [hbm4b:s24+s9], $0x80, s12, s9, $0xb8;
	[tilespmem:$0x1E400] =	vst v63  }
0x98: {  	_ =	swait.ge [sflag:s28], $0x2800  }
0x99: {  	[sflag:s28] =	ssyncset.done $0x0  }
0x9a: {  	[sflag:s28] =	ssyncadd.s32 $0xFFFFD800  }
0x9b: {  	[spmem:s21] =	stream.indirect.scatter.add.f32 [tilespmem:s10], [sflag:$0x6], $0x80, s8, s9, $0xb8;
	[tilespmem:$0x1E400] =	vst v63  }
0x9c: {  	s16 =	rddreg [dreg:$0x9]  }
0x9d: {  	[tilespmem:s29], [sflag:$0x9] =	stream.linear.gather [hbm4b:s16+s15], $0x50, $0x38;
	[tilespmem:$0x1E400] =	vst v63  }
0x9e: {  	_ =	swait.ge [sflag:s5], $0x50  }
0x9f: {  	[sflag:s5] =	ssyncset.done $0x0  }
0xa0: {  	s16 =	rddreg [dreg:$0xa];
	[sflag:s5] =	ssyncadd.s32 $0xFFFFFFB0  }
0xa1: {  	[tilespmem:s30], [sflag:$0x9] =	stream.linear.gather [hbm4b:s16+s15], $0x50, $0x38;
	[tilespmem:$0x1E400] =	vst v63  }
0xa2: {  	_ =	swait.ge [sflag:s5], $0x50  }
0xa3: {  	[sflag:s5] =	ssyncset.done $0x0  }
0xa4: {  	[sflag:s5] =	ssyncadd.s32 $0xFFFFFFB0  }
0xa5: {  	[tilespmem:s31], [sflag:$0x4] =	stream.indirect.gather [hbm4b:s24+s9], $0x80, s29, s9, $0xb8;
	[tilespmem:$0x1E400] =	vst v63  }
0xa6: {  	_ =	swait.ge [sflag:s20], $0x2800  }
0xa7: {  	[sflag:s20] =	ssyncset.done $0x0  }
0xa8: {  	[sflag:s20] =	ssyncadd.s32 $0xFFFFD800  }
0xa9: {  	_ =	swait.ge [sflag:s0], $0x2800  }
0xaa: {  	[sflag:s0] =	ssyncset.done $0x0  }
0xab: {  	[sflag:s0] =	ssyncadd.s32 $0xFFFFD800  }
0xac: {  	[spmem:s21] =	stream.indirect.scatter.add.f32 [tilespmem:s26], [sflag:$0x7], $0x80, s13, s9, $0xb8;
	[tilespmem:$0x1E400] =	vst v63  }
0xad: {  	s16 =	rddreg [dreg:$0xb]  }
0xae: {  	[tilespmem:s15], [sflag:$0x9] =	stream.linear.gather [hbm4b:s16+s15], $0x50, $0x38;
	[tilespmem:$0x1E400] =	vst v63  }
0xaf: {  	_ =	swait.ge [sflag:s5], $0x50  }
0xb0: {  	[sflag:s5] =	ssyncset.done $0x0  }
0xb1: {  	s16 =	rddreg [dreg:$0xc];
	[sflag:s5] =	ssyncadd.s32 $0xFFFFFFB0  }
0xb2: {  	[tilespmem:s6], [sflag:$0x9] =	stream.linear.gather [hbm4b:s16+s15], $0x50, $0x38;
	[tilespmem:$0x1E400] =	vst v63  }
0xb3: {  	_ =	swait.ge [sflag:s5], $0x50  }
0xb4: {  	[sflag:s5] =	ssyncset.done $0x0  }
0xb5: {  	[sflag:s5] =	ssyncadd.s32 $0xFFFFFFB0  }
0xb6: {  	[tilespmem:s4], [sflag:$0x1] =	stream.indirect.gather [hbm4b:s24+s9], $0x80, s15, s9, $0xb8;
	[tilespmem:$0x1E400] =	vst v63  }
0xb7: {  	_ =	swait.ge [sflag:s2], $0x2800  }
0xb8: {  	[sflag:s2] =	ssyncset.done $0x0  }
0xb9: {  	[sflag:s2] =	ssyncadd.s32 $0xFFFFD800  }
0xba: {  	_ =	swait.ge [sflag:s3], $0x2800  }
0xbb: {  	[sflag:s3] =	ssyncset.done $0x0  }
0xbc: {  	[sflag:s3] =	ssyncadd.s32 $0xFFFFD800  }
0xbd: {  	[spmem:s21] =	stream.indirect.scatter.add.f32 [tilespmem:s31], [sflag:$0x8], $0x80, s30, s9, $0xb8;
	[tilespmem:$0x1E400] =	vst v63  }
0xbe: {  	s16 =	rddreg [dreg:$0xd]  }
0xbf: {  	[tilespmem:s7], [sflag:$0x9] =	stream.linear.gather [hbm4b:s16+s15], $0x50, $0x38;
	[tilespmem:$0x1E400] =	vst v63  }
0xc0: {  	_ =	swait.ge [sflag:s5], $0x50  }
0xc1: {  	[sflag:s5] =	ssyncset.done $0x0  }
0xc2: {  	s16 =	rddreg [dreg:$0xe];
	[sflag:s5] =	ssyncadd.s32 $0xFFFFFFB0  }
0xc3: {  	[tilespmem:s8], [sflag:$0x9] =	stream.linear.gather [hbm4b:s16+s15], $0x50, $0x38;
	[tilespmem:$0x1E400] =	vst v63  }
0xc4: {  	_ =	swait.ge [sflag:s5], $0x50  }
0xc5: {  	[sflag:s5] =	ssyncset.done $0x0  }
0xc6: {  	[sflag:s5] =	ssyncadd.s32 $0xFFFFFFB0  }
0xc7: {  	[tilespmem:s10], [sflag:$0x2] =	stream.indirect.gather [hbm4b:s24+s9], $0x80, s7, s9, $0xb8;
	[tilespmem:$0x1E400] =	vst v63  }
.LBB2_4:
0xc8: {  	_ =	swait.ge [sflag:s11], $0x2800  }
0xc9: {  	[sflag:s11] =	ssyncset.done $0x0  }
0xca: {  	[sflag:s11] =	ssyncadd.s32 $0xFFFFD800  }
0xcb: {  	_ =	swait.ge [sflag:s25], $0x2800  }
0xcc: {  	[sflag:s25] =	ssyncset.done $0x0  }
0xcd: {  	[sflag:s25] =	ssyncadd.s32 $0xFFFFD800  }
0xce: {  	[spmem:s21] =	stream.indirect.scatter.add.f32 [tilespmem:s4], [sflag:$0x5], $0x80, s6, s9, $0xb8;
	[tilespmem:$0x1E400] =	vst v63  }
0xcf: {  	s16 =	sadd.s32 s15, s23  }
0xd0: {  	[tilespmem:s12], [sflag:$0x9] =	stream.linear.gather [hbm4b:s16+s1], $0x50, $0x38;
	[tilespmem:$0x1E400] =	vst v63  }
0xd1: {  	_ =	swait.ge [sflag:s5], $0x50  }
0xd2: {  	[sflag:s5] =	ssyncset.done $0x0  }
0xd3: {  	s16 =	sadd.s32 s15, s22;
	[sflag:s5] =	ssyncadd.s32 $0xFFFFFFB0  }
0xd4: {  	[tilespmem:s13], [sflag:$0x9] =	stream.linear.gather [hbm4b:s16+s1], $0x50, $0x38;
	[tilespmem:$0x1E400] =	vst v63  }
0xd5: {  	_ =	swait.ge [sflag:s5], $0x50  }
0xd6: {  	[sflag:s5] =	ssyncset.done $0x0  }
0xd7: {  	[sflag:s5] =	ssyncadd.s32 $0xFFFFFFB0  }
0xd8: {  	[tilespmem:s26], [sflag:$0x3] =	stream.indirect.gather [hbm4b:s24+s9], $0x80, s12, s9, $0xb8;
	[tilespmem:$0x1E400] =	vst v63  }
0xd9: {  	_ =	swait.ge [sflag:s28], $0x2800  }
0xda: {  	[sflag:s28] =	ssyncset.done $0x0  }
0xdb: {  	[sflag:s28] =	ssyncadd.s32 $0xFFFFD800  }
0xdc: {  	_ =	swait.ge [sflag:s14], $0x2800  }
0xdd: {  	[sflag:s14] =	ssyncset.done $0x0  }
0xde: {  	[sflag:s14] =	ssyncadd.s32 $0xFFFFD800  }
0xdf: {  	[spmem:s21] =	stream.indirect.scatter.add.f32 [tilespmem:s10], [sflag:$0x6], $0x80, s8, s9, $0xb8;
	[tilespmem:$0x1E400] =	vst v63  }
0xe0: {  	s16 =	sadd.s32 s15, s19  }
0xe1: {  	[tilespmem:s29], [sflag:$0x9] =	stream.linear.gather [hbm4b:s16+s1], $0x50, $0x38;
	[tilespmem:$0x1E400] =	vst v63  }
0xe2: {  	_ =	swait.ge [sflag:s5], $0x50  }
0xe3: {  	[sflag:s5] =	ssyncset.done $0x0  }
0xe4: {  	s16 =	sadd.s32 s15, s18;
	[sflag:s5] =	ssyncadd.s32 $0xFFFFFFB0  }
0xe5: {  	[tilespmem:s30], [sflag:$0x9] =	stream.linear.gather [hbm4b:s16+s1], $0x50, $0x38;
	[tilespmem:$0x1E400] =	vst v63  }
0xe6: {  	_ =	swait.ge [sflag:s5], $0x50  }
0xe7: {  	[sflag:s5] =	ssyncset.done $0x0  }
0xe8: {  	[sflag:s5] =	ssyncadd.s32 $0xFFFFFFB0  }
0xe9: {  	[tilespmem:s31], [sflag:$0x4] =	stream.indirect.gather [hbm4b:s24+s9], $0x80, s29, s9, $0xb8;
	[tilespmem:$0x1E400] =	vst v63  }
0xea: {  	_ =	swait.ge [sflag:s20], $0x2800  }
0xeb: {  	[sflag:s20] =	ssyncset.done $0x0  }
0xec: {  	[sflag:s20] =	ssyncadd.s32 $0xFFFFD800  }
0xed: {  	_ =	swait.ge [sflag:s0], $0x2800  }
0xee: {  	[sflag:s0] =	ssyncset.done $0x0  }
0xef: {  	[sflag:s0] =	ssyncadd.s32 $0xFFFFD800  }
0xf0: {  	[spmem:s21] =	stream.indirect.scatter.add.f32 [tilespmem:s26], [sflag:$0x7], $0x80, s13, s9, $0xb8;
	[tilespmem:$0x1E400] =	vst v63  }
0xf1: {  	s16 =	sadd.s32 s15, s17  }
0xf2: {  	[tilespmem:s1], [sflag:$0x9] =	stream.linear.gather [hbm4b:s16+s1], $0x50, $0x38;
	[tilespmem:$0x1E400] =	vst v63  }
0xf3: {  	_ =	swait.ge [sflag:s5], $0x50  }
0xf4: {  	[sflag:s5] =	ssyncset.done $0x0;
	s16 =	rddreg [dreg:$0x11]  }
0xf5: {  	[sflag:s5] =	ssyncadd.s32 $0xFFFFFFB0;
	s16 =	sadd.s32 s15, s16  }
0xf6: {  	[tilespmem:s6], [sflag:$0x9] =	stream.linear.gather [hbm4b:s16+s1], $0x50, $0x38;
	[tilespmem:$0x1E400] =	vst v63  }
0xf7: {  	_ =	swait.ge [sflag:s5], $0x50  }
0xf8: {  	[sflag:s5] =	ssyncset.done $0x0  }
0xf9: {  	[sflag:s5] =	ssyncadd.s32 $0xFFFFFFB0  }
0xfa: {  	[tilespmem:s4], [sflag:$0x1] =	stream.indirect.gather [hbm4b:s24+s9], $0x80, s1, s9, $0xb8;
	[tilespmem:$0x1E400] =	vst v63  }
0xfb: {  	_ =	swait.ge [sflag:s2], $0x2800  }
0xfc: {  	p0 =	seq.s32 s15, $0x488;
	[sflag:s2] =	ssyncset.done $0x0  }
.Ltmp3:
0xfd: {  	[sflag:s2] =	ssyncadd.s32 $0xFFFFD800;
	(pc) =	sbr.rel @p0 .LBB2_6-.Ltmp3, $4  }
0xfe: {  	_ =	swait.ge [sflag:s3], $0x2800  }
0xff: {  	[sflag:s3] =	ssyncset.done $0x0  }
0x100: {  	[sflag:s3] =	ssyncadd.s32 $0xFFFFD800  }
0x101: {  	[spmem:s21] =	stream.indirect.scatter.add.f32 [tilespmem:s31], [sflag:$0x8], $0x80, s30, s9, $0xb8;
	[tilespmem:$0x1E400] =	vst v63  }
0x102: {  	s16 =	rddreg [dreg:$0x10]  }
0x103: {  	s16 =	sadd.s32 s15, s16  }
0x104: {  	[tilespmem:s7], [sflag:$0x9] =	stream.linear.gather [hbm4b:s16+s1], $0x50, $0x38;
	[tilespmem:$0x1E400] =	vst v63  }
0x105: {  	_ =	swait.ge [sflag:s5], $0x50  }
0x106: {  	[sflag:s5] =	ssyncset.done $0x0;
	s16 =	rddreg [dreg:$0xf]  }
0x107: {  	[sflag:s5] =	ssyncadd.s32 $0xFFFFFFB0;
	s16 =	sadd.s32 s15, s16  }
0x108: {  	[tilespmem:s8], [sflag:$0x9] =	stream.linear.gather [hbm4b:s16+s1], $0x50, $0x38;
	[tilespmem:$0x1E400] =	vst v63  }
.Ltmp4:
0x109: {  	_ = 	snop;
	(pc) =	sbr.rel .LBB2_4-.Ltmp4, $4  }
0x10a: {  	_ =	swait.ge [sflag:s5], $0x50  }
0x10b: {  	[sflag:s5] =	ssyncset.done $0x0  }
0x10c: {  	s15 =	sadd.s32 $0x28, s15;
	[sflag:s5] =	ssyncadd.s32 $0xFFFFFFB0  }
0x10d: {  	[tilespmem:s10], [sflag:$0x2] =	stream.indirect.gather [hbm4b:s24+s9], $0x80, s7, s9, $0xb8;
	[tilespmem:$0x1E400] =	vst v63  }
.LBB2_7:
0x10e: {  	_ =	sfence.sel $0x180000  }
0x10f: {  	[bflag:$0x0] =	sbarrier.arrive $0xFFFF  }
0x110: {  	_ =	strace $0x90000047  }
0x111: {  	s0 =	stileid.u32;
	[bflag:$0x2] =	sbarrier.arrive $0xFFFF  }
0x112: {  	p0 =	sne.s32 s0, $0x0;
	s0 =	rddreg [dreg:$0x2]  }
0x113: {  	s0 =	sadd.s32 @!p0 $0x100000, s0  }
0x114: {  	[sflag:s0] =	ssyncadd.tile.s32 @!p0 $0x1;
	_ =	shalt  }
.Lfunc_end2:
_tile_overlayer_lowered:
.L_overlay_start_2:
0x115: {  	(tag) =	ssettag $0x2  }
0x116: {  	s0 =	rddreg [dreg:$0x0];
	s2 =	stileid.u32  }
0x117: {  	s1 =	rddreg [dreg:$0x1];
	p0 =	sne.s32 s2, $0x0  }
0x118: {  	s3 =	rddreg [dreg:$0x2];
	[bflag:$0x3] =	sbarrier.arrive $0xFFFF;
	s2 =	simm.s32 @!p0 $0x1C09  }
0x119: {  	[timem:s3], [sflag:s2] =	dma.local @!p0 [hbm:s0], s1  }
0x11a: {  	s0 =	simm.s32 @!p0 $0x9  }
0x11b: {  	_ =	swait.ge @!p0 [sflag:s0], s1  }
0x11c: {  	s1 =	ssub.s32 @!p0 $0x0, s1;
	[sflag:s0] =	ssyncset.done @!p0 $0x0  }
0x11d: {  	[sflag:s0] =	ssyncadd.s32 @!p0 s1  }
0x11e: {  	[bflag:$0x3] =	sbarrier.arrive $0xFFFF  }
0x11f: {  	_ =	shalt  }

// kernel: kernel.17.cloned.1.call-start
scs
__scs_entry_jumppad:
0x0: {  	(pc) =	sbr.rel $0x88, $3  }
0x1: {  	(tag) =	ssettag $0x0;
	lr =	simm.s32 $0x1  }
0x2: {  	[smem:$0x3F93] =	sst lr;
	_ =	strace $0xD0000000  }
0x3: {  	_ = 	snop  }
0x4: {  	_ = 	snop  }
0x5: {  	_ = 	snop  }
0x6: {  	_ = 	snop  }
0x7: {  	_ = 	snop  }
__scs_overlays_trampoline_lowered:
0x8: {  	[smem:$0x3FA2] =	sst s0  }
0x9: {  	[smem:$0x3FA3] =	sst s1  }
0xa: {  	[smem:$0x3FA4] =	sst s2  }
0xb: {  	[smem:$0x3FA5] =	sst s3  }
0xc: {  	[smem:$0x3FA6] =	sst s4  }
0xd: {  	[smem:$0x3FA7] =	sst s5  }
0xe: {  	[smem:$0x3FA8] =	sst s6  }
0xf: {  	[smem:$0x3FA9] =	sst s7  }
0x10: {  	[smem:$0x3FAA] =	sst s8  }
0x11: {  	[smem:$0x3FAB] =	sst s9;
	s0 =	simm.s32 @!p0 $0x0  }
0x12: {  	s1 =	sld [smem:$0x3F91];
	s0 =	simm.s32 @p0 $0x1  }
0x13: {  	[smem:$0x3FAC] =	sst s0;
	s0 =	simm.s32 @!p1 $0x0  }
0x14: {  	s2 =	sld [smem:$0x3F90];
	s0 =	simm.s32 @p1 $0x1  }
0x15: {  	[smem:$0x3FAD] =	sst s0;
	s0 =	simm.s32 @!p2 $0x0  }
0x16: {  	s3 =	sld [smem:$0x3FDB];
	s0 =	simm.s32 @p2 $0x1  }
0x17: {  	s4 =	simm.s32 $0x1BF5;
	[smem:$0x3FAF] =	sst s0  }
0x18: {  	s0 =	sld [smem:$0x3F92];
	_ =	swait.ge [sflag:s4], $0x0  }
0x19: {  	s7 =	sld [smem:$0x3F93]  }
0x1a: {  	s8 =	sadd.s32 $0xFFFFE003, lr  }
0x1b: {  	s9 =	sadd.s32 $0xFFFFFEF7, lr;
	s5 =	simm.s32 $0xFFFFFFFF;
	p2 =	slt.u32 s8, $0xFFFFF086  }
0x1c: {  	p1 =	slt.u32 s9, $0xF7A;
	s5 =	simm.s32 @!p2 $0x0  }
0x1d: {  	s5 =	simm.s32 @p1 $0x1;
	p0 =	seq.s32 s7, s2  }
0x1e: {  	s7 =	smul.u32 @!p0 $0xF7A, s2;
	p2 =	seq.s32 @!p0 s5, $0x0  }
0x1f: {  	s9 =	smul.u32 $0xF7A, s1;
	s8 =	simm.s32 @!p0 $0x1BF5;
	p2 =	por !p2, p0  }
0x20: {  	[sflag:s8] =	ssyncset.s32 @!p0 $0xFFFFF086;
	s6 =	sadd.s32 @!p0 s3, s7;
	s7 =	simm.s32 @!p0 $0x108  }
0x21: {  	s3 =	sadd.s32 s3, s9;
	s6 =	sadd.s32 @!p0 $0x88, s6;
	s7 =	simm.s32 @p2 $0x1082  }
0x22: {  	[simem:s7], [sflag:s8] =	dma.local @!p0 [hbm:s6], $0xF7A  }
0x23: {  	s9 =	sor.u32 $0xD0000000, s2;
	s6 =	simm.s32 $0x108;
	_ =	swait.ge @!p0 [sflag:s8], $0x0  }
0x24: {  	s3 =	sadd.s32 $0x88, s3;
	s6 =	simm.s32 @!p1 $0x1082;
	[sflag:s4] =	ssyncset.s32 $0xFFFFF086  }
0x25: {  	[simem:s6], [sflag:s4] =	dma.local [hbm:s3], $0xF7A  }
0x26: {  	[smem:$0x3F93] =	sst s1;
	(tag) =	ssettag s2;
	_ =	strace s9  }
0x27: {  	s1 =	sld [smem:$0x3FA3]  }
0x28: {  	s2 =	sld [smem:$0x3FA4]  }
0x29: {  	s4 =	sld [smem:$0x3FA6]  }
0x2a: {  	p0 =	seq.s32 s5, $0x0;
	s5 =	sld [smem:$0x3FA7]  }
0x2b: {  	s6 =	sld [smem:$0x3FA8]  }
0x2c: {  	s7 =	sld [smem:$0x3FA9]  }
0x2d: {  	s3 =	simm.s32 $0x108;
	s8 =	sld [smem:$0x3FAA]  }
0x2e: {  	s3 =	simm.s32 @!p0 $0x1082;
	s9 =	sld [smem:$0x3FAB]  }
0x2f: {  	lr =	sadd.s32 s0, s3;
	s0 =	sld [smem:$0x3FA2]  }
0x30: {  	s3 =	sld [smem:$0x3FA5]  }
0x31: {  	[smem:$0x3FAE] =	sst s10  }
0x32: {  	s10 =	sld [smem:$0x3FAC];
	_ =	sdelay $0x3  }
0x33: {  	p0 =	seq.s32 s10, $0x1;
	s10 =	sld [smem:$0x3FAE];
	_ =	sdelay $0x3  }
0x34: {  	[smem:$0x3FAE] =	sst s10  }
0x35: {  	s10 =	sld [smem:$0x3FAD];
	_ =	sdelay $0x3  }
0x36: {  	p1 =	seq.s32 s10, $0x1;
	s10 =	sld [smem:$0x3FAE];
	_ =	sdelay $0x3  }
0x37: {  	[smem:$0x3FAE] =	sst s10  }
0x38: {  	s10 =	sld [smem:$0x3FAF]  }
0x39: {  	_ = 	snop;
	(pc) =	sbr.ind lr, $3  }
0x3a: {  	_ = 	snop  }
0x3b: {  	_ = 	snop  }
0x3c: {  	p2 =	seq.s32 s10, $0x1;
	s10 =	sld [smem:$0x3FAE]  }
0x3d: {  	_ =	shalt  }
0x3e: {  	_ =	shalt  }
0x3f: {  	_ =	shalt  }
0x40: {  	_ =	shalt  }
0x41: {  	_ =	shalt  }
0x42: {  	_ =	shalt  }
0x43: {  	_ =	shalt  }
0x44: {  	_ =	shalt  }
0x45: {  	_ =	shalt  }
0x46: {  	_ =	shalt  }
0x47: {  	_ =	shalt  }
0x48: {  	_ =	shalt  }
0x49: {  	_ =	shalt  }
0x4a: {  	_ =	shalt  }
0x4b: {  	_ =	shalt  }
0x4c: {  	_ =	shalt  }
0x4d: {  	_ =	shalt  }
0x4e: {  	_ =	shalt  }
0x4f: {  	_ =	shalt  }
0x50: {  	_ =	shalt  }
0x51: {  	_ =	shalt  }
0x52: {  	_ =	shalt  }
0x53: {  	_ =	shalt  }
0x54: {  	_ =	shalt  }
0x55: {  	_ =	shalt  }
0x56: {  	_ =	shalt  }
0x57: {  	_ =	shalt  }
0x58: {  	_ =	shalt  }
0x59: {  	_ =	shalt  }
0x5a: {  	_ =	shalt  }
0x5b: {  	_ =	shalt  }
0x5c: {  	_ =	shalt  }
0x5d: {  	_ =	shalt  }
0x5e: {  	_ =	shalt  }
0x5f: {  	_ =	shalt  }
0x60: {  	_ =	shalt  }
0x61: {  	_ =	shalt  }
0x62: {  	_ =	shalt  }
0x63: {  	_ =	shalt  }
0x64: {  	_ =	shalt  }
0x65: {  	_ =	shalt  }
0x66: {  	_ =	shalt  }
0x67: {  	_ =	shalt  }
0x68: {  	_ =	shalt  }
0x69: {  	_ =	shalt  }
0x6a: {  	_ =	shalt  }
0x6b: {  	_ =	shalt  }
0x6c: {  	_ =	shalt  }
0x6d: {  	_ =	shalt  }
0x6e: {  	_ =	shalt  }
0x6f: {  	_ =	shalt  }
0x70: {  	_ =	shalt  }
0x71: {  	_ =	shalt  }
0x72: {  	_ =	shalt  }
0x73: {  	_ =	shalt  }
0x74: {  	_ =	shalt  }
0x75: {  	_ =	shalt  }
0x76: {  	_ =	shalt  }
0x77: {  	_ =	shalt  }
0x78: {  	_ =	shalt  }
0x79: {  	_ =	shalt  }
0x7a: {  	_ =	shalt  }
0x7b: {  	_ =	shalt  }
0x7c: {  	_ =	shalt  }
0x7d: {  	_ =	shalt  }
0x7e: {  	_ =	shalt  }
0x7f: {  	_ =	shalt  }
0x80: {  	_ =	shalt  }
0x81: {  	_ =	shalt  }
0x82: {  	_ =	shalt  }
0x83: {  	_ =	shalt  }
0x84: {  	_ =	shalt  }
0x85: {  	_ =	shalt  }
0x86: {  	_ =	shalt  }
0x87: {  	_ =	shalt  }
.Lfunc_end0:
.L_simem_size_0:
called_computation.1_lowered:
.L_overlay_start_0:
0x88: {  	s2 =	sld [smem:$0x3FD9]  }
0x89: {  	s3 =	sld [smem:$0x3FFE];
	_ =	sdelay $0x1  }
0x8a: {  	s1 =	srdreg.scid  }
0x8b: {  	s0 =	sand.u32 $0x1, s1  }
0x8c: {  	s16 =	sshll.u32 s0, $0xA;
	s2 =	sadd.s32 s3, s2  }
0x8d: {  	s2 =	sadd.s32 s2, s16  }
0x8e: {  	[smem:$0x3FBA] =	sst s2  }
0x8f: {  	_ = 	snop  }
0x90: {  	(tm) =	ssettm $0x1  }
0x91: {  	s17 =	sld [smem:$0x3FFB];
	_ =	sdelay $0x3  }
0x92: {  	_ =	strace s17  }
0x93: {  	s2 =	sld [smem:$0x3FFC];
	_ =	sdelay $0x3  }
0x94: {  	_ =	strace s2  }
0x95: {  	s2 =	sld [smem:$0x3FFD];
	_ =	sdelay $0x3  }
0x96: {  	_ =	strace s2  }
0x97: {  	_ =	strace $0x8FFFFFFF  }
0x98: {  	s18 =	sld [smem:$0x3FDB];
	_ =	sdelay $0x1  }
0x99: {  	s19 =	simm.s32 $_scs_section_size  }
0x9a: {  	s4 =	simm.s32 $_size__tile_overlayer_lowered;
	s5 =	simm.s32 $_tile_overlayer_lowered  }
0x9b: {  	s22 =	simm.s32 $0x1BFF;
	s21 =	sshll.u32 s5, $0x1;
	s2 =	sadd.s32 s19, s18  }
0x9c: {  	s6 =	simm.s32 $0x0;
	s20 =	sshll.u32 s4, $0x1;
	s4 =	sadd.s32 s21, s2  }
0x9d: {  	[timem:s6], [sflag:s22] =	dma.local [hbm:s4], s20  }
0x9e: {  	_ =	swait.ge [sflag:s22], s20  }
0x9f: {  	s3 =	ssub.s32 $0x0, s20;
	[sflag:s22] =	ssyncset.done $0x0  }
0xa0: {  	[sflag:s22] =	ssyncadd.s32 s3;
	_ =	sdelay $0x1  }
0xa1: {  	s23 =	simm.s32 $0x1B8B  }
0xa2: {  	_ =	swait.ge [sflag:s23], $0x1  }
0xa3: {  	[sflag:s23] =	ssyncset.done $0x0  }
0xa4: {  	s25 =	simm.s32 $0x1B8E;
	s24 =	sld [smem:$0x3FFE];
	[sflag:s23] =	ssyncadd.s32 $0xFFFFFFFF  }
0xa5: {  	s26 =	simm.s32 $execute0_lowered;
	[smem:$0x3FD2] =	sst s25  }
0xa6: {  	s4 =	sshll.u32 s26, $0x1;
	_ =	strace $0x80000049;
	[dreg:$0x1] =	wrdreg $0xFFFFFFFF  }
0xa7: {  	s28 =	simm.s32 $_size_execute0_lowered;
	s2 =	sadd.s32 s2, s4;
	[dreg:$0x0] =	wrdreg $0x0  }
0xa8: {  	s4 =	sshll.u32 s28, $0x1;
	[dreg:$0x2] =	wrdreg s2  }
0xa9: {  	[dreg:$0x3] =	wrdreg s4  }
0xaa: {  	[dreg:$0x4] =	wrdreg $0xC0  }
0xab: {  	_ =	task [dreg:s6], $0x5FFFF  }
0xac: {  	[dreg:$0x1] =	wrdreg $0xFFFFFFFF  }
0xad: {  	[dreg:$0x0] =	wrdreg $0x60  }
0xae: {  	[dreg:$0x2] =	wrdreg s24  }
0xaf: {  	[dreg:$0x3] =	wrdreg $0xA4000  }
0xb0: {  	[dreg:$0x4] =	wrdreg $0x9  }
0xb1: {  	_ =	task.clear_ibuf [dreg:s6], $0x5FFFF;
	_ =	strace $0x90000049  }
0xb2: {  	s29 =	simm.s32 $0x9;
	_ =	strace $0x8000004B  }
0xb3: {  	_ =	swait.ge [sflag:s29], $0x1  }
0xb4: {  	[sflag:s29] =	ssyncadd.s32 $0xFFFFFFFF  }
0xb5: {  	_ =	strace $0x9000004B  }
0xb6: {  	_ =	sfence  }
0xb7: {  	s30 =	sld [smem:$0x0];
	_ =	sdelay $0x2  }
0xb8: {  	s31 =	sshll.u32 s1, $0xD;
	s1 =	sshrl.u32 s1, $0x2  }
0xb9: {  	s3 =	sand.u32 $0x4000, s31;
	s1 =	sadd.s32 s1, s30  }
0xba: {  	s0 =	sor.u32 s3, s0;
	s1 =	sshll.u32 s1, $0x11  }
0xbb: {  	s0 =	sor.u32 s1, s0  }
0xbc: {  	s0 =	sadd.s32 $0x8F2B, s0  }
0xbd: {  	[sflag:s0] =	ssyncadd.remote.s32 $0x1  }
0xbe: {  	_ =	sfence.sel $0xFFFF  }
0xbf: {  	[dreg:$0x0] =	wrdreg $0xFFFFFFFF;
	(pc) =	sbr.abs _section_cstart, $3  }
0xc0: {  	[dreg:$0x1] =	wrdreg $0xFFFFFFFF  }
0xc1: {  	_ =	task.clear_ibuf [dreg:s6], $0x2FFFF;
	_ =	strace $0x9FFFFFFF  }
0xc2: {  	(tm) =	ssettm $0x7FFFFFFF  }
0xc3: {  	_ =	shalt  }
tec
execute0_lowered:
.L_overlay_start_1:
0x0: {  	(tag) =	ssettag $0x1  }
0x1: {  	s0 =	srdreg.scid  }
0x2: {  	s0 =	sand.u32 $0x1, s0  }
0x3: {  	s2 =	rddreg [dreg:$0x0];
	s11 =	stileid.u32;
	s4 =	sshll.u32 s0, $0x4  }
0x4: {  	s1 =	simm.s32 $0x0;
	s5 =	smul.u32 $0x2800, s11;
	s4 =	sor.u32 s11, s4  }
0x5: {  	s28 =	simm.s32 $0x2;
	[smem:$0x7FF] =	sst s1;
	s4 =	smul.u32 $0x2710, s4  }
0x6: {  	s7 =	sadd.s32 $0xE200, s2;
	s3 =	smul.u32 $0x28000, s0;
	s6 =	ssub.s32 $0x2, s0  }
0x7: {  	s8 =	sadd.s32 $0x4400, s2;
	s9 =	sshrl.u32 s6, $0x1;
	s4 =	sshrl.u32 s4, $0x3  }
0x8: {  	s3 =	sadd.s32 s5, s3;
	s5 =	ssub.s32 s6, s9;
	s26 =	sadd.s32 s7, s4  }
0x9: {  	s9 =	sadd.s32 s8, s4;
	s10 =	sadd.s32 $0xA, s4;
	[dreg:$0x3] =	wrdreg s26  }
0xa: {  	s29 =	simm.s32 $0x180;
	[dreg:$0x4] =	wrdreg s9;
	s12 =	sadd.s32 s7, s10  }
0xb: {  	s14 =	sadd.s32 $0x1E, s4;
	s6 =	sadd.s32 s8, s10;
	[dreg:$0x5] =	wrdreg s12  }
0xc: {  	s13 =	sadd.s32 $0x14, s4;
	s15 =	sadd.s32 s7, s14;
	[dreg:$0x6] =	wrdreg s6  }
0xd: {  	s17 =	sadd.s32 $0x28, s4;
	s16 =	sadd.s32 s8, s14;
	[dreg:$0x9] =	wrdreg s15  }
0xe: {  	s4 =	sadd.s32 $0x32, s4;
	s18 =	sadd.s32 s7, s17;
	[dreg:$0xa] =	wrdreg s16  }
0xf: {  	s30 =	simm.s32 $0x380;
	s20 =	sadd.s32 s7, s4;
	[dreg:$0xb] =	wrdreg s18  }
0x10: {  	s31 =	simm.s32 $0x7C00;
	s4 =	sadd.s32 s8, s4;
	[dreg:$0xd] =	wrdreg s20  }
0x11: {  	s0 =	smul.u32 $0x27100, s0;
	s12 =	sadd.s32 s7, s13;
	[dreg:$0xe] =	wrdreg s4  }
0x12: {  	s10 =	smul.u32 $0x2710, s11;
	s6 =	sadd.s32 s8, s13;
	[dreg:$0x7] =	wrdreg s12  }
0x13: {  	s9 =	sadd.s32 s3, s2;
	s3 =	simm.s32 $0x6;
	[dreg:$0x8] =	wrdreg s6  }
0x14: {  	s0 =	sadd.s32 s10, s0;
	s6 =	sadd.s32 s8, s17;
	s12 =	smax.u32 s5, $0x1  }
0x15: {  	s5 =	simm.s32 $0x9;
	s19 =	sadd.s32 $0x2D0, s0;
	[dreg:$0xc] =	wrdreg s6  }
0x16: {  	s23 =	sadd.s32 $0x280, s0;
	s24 =	sadd.s32 $0x230, s0;
	s0 =	sadd.s32 $0x1E0, s0  }
0x17: {  	s21 =	sshrl.u32 s19, $0x3;
	s4 =	sshrl.u32 s23, $0x3;
	s26 =	sshrl.u32 s24, $0x3  }
0x18: {  	s22 =	sadd.s32 s21, s8;
	s6 =	sadd.s32 s21, s7;
	s21 =	rddreg [dreg:$0x1]  }
0x19: {  	s0 =	sshrl.u32 s0, $0x3;
	s24 =	sadd.s32 $0x18000, s2;
	[dreg:$0xf] =	wrdreg s22  }
0x1a: {  	s2 =	simm.s32 $0x4;
	s25 =	sadd.s32 s4, s8;
	[dreg:$0x10] =	wrdreg s6  }
0x1b: {  	s17 =	sadd.s32 s4, s7;
	s23 =	sadd.s32 s0, s7;
	[dreg:$0x11] =	wrdreg s25  }
0x1c: {  	s6 =	smul.u32 $0x50000, s11;
	s22 =	sadd.s32 s0, s8;
	s0 =	sadd.s32 $0x3F200, s9  }
0x1d: {  	s18 =	sadd.s32 s26, s8;
	_ =	strace $0x8000004A;
	[dreg:$0x13] =	wrdreg s0  }
0x1e: {  	s19 =	sadd.s32 s26, s7;
	[dreg:$0x14] =	wrdreg s12;
	s10 =	sshrl.u32 s6, $0x2  }
0x1f: {  	s4 =	simm.s32 $0x400;
	[dreg:$0x1e] =	wrdreg s17;
	s11 =	sadd.s32 s10, s21  }
0x20: {  	s7 =	simm.s32 $0x80;
	s13 =	sadd.s32 $0x2800, s11;
	[dreg:$0x12] =	wrdreg s11  }
0x21: {  	s8 =	simm.s32 $0x280;
	s14 =	sadd.s32 $0x5000, s11;
	[dreg:$0x15] =	wrdreg s13  }
0x22: {  	s9 =	simm.s32 $0x50;
	s15 =	sadd.s32 $0x7800, s11;
	[dreg:$0x16] =	wrdreg s14  }
0x23: {  	s12 =	simm.s32 $0x100;
	s16 =	sadd.s32 $0xA000, s11;
	[dreg:$0x17] =	wrdreg s15  }
0x24: {  	s0 =	simm.s32 $0x5;
	s20 =	sadd.s32 $0xC800, s11;
	[dreg:$0x18] =	wrdreg s16  }
.Ltmp0:
0x25: {  	s25 =	sadd.s32 $0xF000, s11;
	[dreg:$0x19] =	wrdreg s20;
	(pc) =	sbr.rel .LBB2_1-.Ltmp0, $4  }
0x26: {  	s6 =	simm.s32 $0x200;
	s26 =	sadd.s32 $0x11800, s11;
	[dreg:$0x1a] =	wrdreg s25  }
0x27: {  	s10 =	simm.s32 $0x2C00;
	s11 =	simm.s32 $0x1;
	[dreg:$0x1b] =	wrdreg s26  }
0x28: {  	s13 =	simm.s32 $0x300;
	s26 =	simm.s32 $0x5400;
	s20 =	simm.s32 $0x3  }
0x29: {  	v0 =	vimm.f32 $0.0e+00;
	s25 =	simm.s32 $0x7;
	s14 =	simm.s32 $0x8;
	s16 =	simm.s32 $0x0  }
.LBB2_6:
0x2a: {  	_ =	swait.ge [sflag:s11], $0x2800  }
0x2b: {  	[sflag:s11] =	ssyncset.done $0x0  }
0x2c: {  	[sflag:s11] =	ssyncadd.s32 $0xFFFFD800  }
0x2d: {  	_ =	swait.ge [sflag:s25], $0x2800  }
0x2e: {  	[sflag:s25] =	ssyncset.done $0x0  }
0x2f: {  	[sflag:s25] =	ssyncadd.s32 $0xFFFFD800  }
0x30: {  	[spmem:s21] =	stream.indirect.scatter.add.f32 [tilespmem:s4], [sflag:$0x5], $0x80, s6, s9, $0xb8;
	[tilespmem:$0x1E400] =	vst v63  }
0x31: {  	_ =	swait.ge [sflag:s14], $0x2800  }
0x32: {  	[sflag:s14] =	ssyncset.done $0x0  }
0x33: {  	[sflag:s14] =	ssyncadd.s32 $0xFFFFD800  }
0x34: {  	_ =	swait.ge [sflag:s0], $0x2800  }
0x35: {  	s15 =	stileid.u32;
	[sflag:s0] =	ssyncset.done $0x0  }
0x36: {  	s15 =	sshll.u32 s15, $0x6;
	[sflag:s0] =	ssyncadd.s32 $0xFFFFD800  }
0x37: {  	s15 =	sor.u32 $0x1C09, s15;
	[bflag:$0x0] =	sbarrier.arrive $0xFFFF  }
0x38: {  	[dreg:$0x1d] =	wrdreg s15  }
0x39: {  	s16 =	rddreg [dreg:$0x12]  }
0x3a: {  	s15 =	rddreg [dreg:$0x13]  }
0x3b: {  	s16 =	sshrl.u32 s16, $0x3;
	s17 =	rddreg [dreg:$0x1d]  }
0x3c: {  	[hbm:s15], [sflag:s17] =	dma.local [spmem:s16], $0x2800  }
0x3d: {  	s17 =	rddreg [dreg:$0x1e];
	_ =	swait.ge [sflag:s5], $0x2800  }
0x3e: {  	s15 =	rddreg [dreg:$0x1c]  }
0x3f: {  	s16 =	sadd.s32 $0x1, s15;
	s15 =	rddreg [dreg:$0x14]  }
0x40: {  	p0 =	sne.s32 s16, s15  }
.Ltmp1:
0x41: {  	_ = 	snop;
	(pc) =	sbr.rel @!p0 .LBB2_7-.Ltmp1, $3  }
0x42: {  	_ =	sdelay $0x1  }
0x43: {  	[sflag:s5] =	ssyncset.done $0x0  }
0x44: {  	[sflag:s5] =	ssyncadd.s32 $0xFFFFD800  }
.LBB2_1:
0x45: {  	[dreg:$0x1c] =	wrdreg s16;
	s15 =	simm.s32 $0x0;
	s16 =	simm.s32 $0x200  }
.LBB2_2:
0x46: {  	p0 =	sne.s32 s16, $0x9E00;
	[tilespmem:s15+$0x470] =	vst v0  }
0x47: {  	[tilespmem:s15+$0x400] =	vst v0  }
0x48: {  	[tilespmem:s15+$0x410] =	vst v0  }
.Ltmp2:
0x49: {  	[tilespmem:s15+$0x420] =	vst v0;
	(pc) =	sbr.rel @p0 .LBB2_2-.Ltmp2, $4  }
0x4a: {  	[tilespmem:s15+$0x430] =	vst v0  }
0x4b: {  	[tilespmem:s15+$0x440] =	vst v0  }
0x4c: {  	[tilespmem:s15+$0x450] =	vst v0  }
0x4d: {  	[tilespmem:s15+$0x460] =	vst v0;
	s15 =	sshra.s32 s16, $0x2;
	s16 =	sadd.s32 $0x200, s16  }
0x4e: {  	[tilespmem:s15+$0x470] =	vst v0  }
0x4f: {  	[tilespmem:s15+$0x400] =	vst v0  }
0x50: {  	[tilespmem:s15+$0x410] =	vst v0  }
0x51: {  	[tilespmem:s15+$0x420] =	vst v0  }
0x52: {  	[tilespmem:s15+$0x430] =	vst v0  }
0x53: {  	[tilespmem:s15+$0x440] =	vst v0  }
0x54: {  	[tilespmem:s15+$0x450] =	vst v0  }
0x55: {  	[tilespmem:s15+$0x460] =	vst v0;
	s16 =	rddreg [dreg:$0x12]  }
0x56: {  	[spmem:s16] =	stream.linear.scatter [tilespmem:s4], [sflag:$0x9], $0x2800, $0x38;
	[tilespmem:$0x1E400] =	vst v63  }
0x57: {  	_ =	swait.ge [sflag:s5], $0x2800  }
0x58: {  	[sflag:s5] =	ssyncset.done $0x0  }
0x59: {  	s16 =	rddreg [dreg:$0x15];
	[sflag:s5] =	ssyncadd.s32 $0xFFFFD800  }
0x5a: {  	[spmem:s16] =	stream.linear.scatter [tilespmem:s4], [sflag:$0x9], $0x2800, $0x38;
	[tilespmem:$0x1E400] =	vst v63  }
0x5b: {  	_ =	swait.ge [sflag:s5], $0x2800  }
0x5c: {  	[sflag:s5] =	ssyncset.done $0x0  }
0x5d: {  	s16 =	rddreg [dreg:$0x16];
	[sflag:s5] =	ssyncadd.s32 $0xFFFFD800  }
0x5e: {  	[spmem:s16] =	stream.linear.scatter [tilespmem:s4], [sflag:$0x9], $0x2800, $0x38;
	[tilespmem:$0x1E400] =	vst v63  }
0x5f: {  	_ =	swait.ge [sflag:s5], $0x2800  }
0x60: {  	[sflag:s5] =	ssyncset.done $0x0  }
0x61: {  	s16 =	rddreg [dreg:$0x17];
	[sflag:s5] =	ssyncadd.s32 $0xFFFFD800  }
0x62: {  	[spmem:s16] =	stream.linear.scatter [tilespmem:s4], [sflag:$0x9], $0x2800, $0x38;
	[tilespmem:$0x1E400] =	vst v63  }
0x63: {  	_ =	swait.ge [sflag:s5], $0x2800  }
0x64: {  	[sflag:s5] =	ssyncset.done $0x0  }
0x65: {  	s16 =	rddreg [dreg:$0x18];
	[sflag:s5] =	ssyncadd.s32 $0xFFFFD800  }
0x66: {  	[spmem:s16] =	stream.linear.scatter [tilespmem:s4], [sflag:$0x9], $0x2800, $0x38;
	[tilespmem:$0x1E400] =	vst v63  }
0x67: {  	_ =	swait.ge [sflag:s5], $0x2800  }
0x68: {  	[sflag:s5] =	ssyncset.done $0x0  }
0x69: {  	s16 =	rddreg [dreg:$0x19];
	[sflag:s5] =	ssyncadd.s32 $0xFFFFD800  }
0x6a: {  	[spmem:s16] =	stream.linear.scatter [tilespmem:s4], [sflag:$0x9], $0x2800, $0x38;
	[tilespmem:$0x1E400] =	vst v63  }
0x6b: {  	_ =	swait.ge [sflag:s5], $0x2800  }
0x6c: {  	[sflag:s5] =	ssyncset.done $0x0  }
0x6d: {  	s16 =	rddreg [dreg:$0x1a];
	[sflag:s5] =	ssyncadd.s32 $0xFFFFD800  }
0x6e: {  	[spmem:s16] =	stream.linear.scatter [tilespmem:s4], [sflag:$0x9], $0x2800, $0x38;
	[tilespmem:$0x1E400] =	vst v63  }
0x6f: {  	_ =	swait.ge [sflag:s5], $0x2800  }
0x70: {  	[sflag:s5] =	ssyncset.done $0x0  }
0x71: {  	s16 =	rddreg [dreg:$0x1b];
	[sflag:s5] =	ssyncadd.s32 $0xFFFFD800  }
0x72: {  	[spmem:s16] =	stream.linear.scatter [tilespmem:s4], [sflag:$0x9], $0x2800, $0x38;
	[tilespmem:$0x1E400] =	vst v63  }
0x73: {  	_ =	swait.ge [sflag:s5], $0x2800  }
0x74: {  	[sflag:s5] =	ssyncset.done $0x0  }
0x75: {  	s15 =	simm.s32 $0x0;
	s16 =	rddreg [dreg:$0x3];
	[sflag:s5] =	ssyncadd.s32 $0xFFFFD800  }
0x76: {  	[tilespmem:s15], [sflag:$0x9] =	stream.linear.gather [hbm4b:s16+s15], $0x50, $0x38;
	[tilespmem:$0x1E400] =	vst v63  }
0x77: {  	_ =	swait.ge [sflag:s5], $0x50  }
0x78: {  	[sflag:s5] =	ssyncset.done $0x0  }
0x79: {  	s16 =	rddreg [dreg:$0x4];
	[sflag:s5] =	ssyncadd.s32 $0xFFFFFFB0  }
0x7a: {  	[tilespmem:s6], [sflag:$0x9] =	stream.linear.gather [hbm4b:s16+s15], $0x50, $0x38;
	[tilespmem:$0x1E400] =	vst v63  }
0x7b: {  	_ =	swait.ge [sflag:s5], $0x50  }
0x7c: {  	[sflag:s5] =	ssyncset.done $0x0  }
0x7d: {  	s16 =	rddreg [dreg:$0x5];
	[sflag:s5] =	ssyncadd.s32 $0xFFFFFFB0  }
0x7e: {  	[tilespmem:s7], [sflag:$0x9] =	stream.linear.gather [hbm4b:s16+s15], $0x50, $0x38;
	[tilespmem:$0x1E400] =	vst v63  }
0x7f: {  	_ =	swait.ge [sflag:s5], $0x50  }
0x80: {  	[sflag:s5] =	ssyncset.done $0x0  }
0x81: {  	s16 =	rddreg [dreg:$0x6];
	[sflag:s5] =	ssyncadd.s32 $0xFFFFFFB0  }
0x82: {  	[tilespmem:s8], [sflag:$0x9] =	stream.linear.gather [hbm4b:s16+s15], $0x50, $0x38;
	[tilespmem:$0x1E400] =	vst v63  }
0x83: {  	_ =	swait.ge [sflag:s5], $0x50  }
0x84: {  	[sflag:s5] =	ssyncset.done $0x0  }
0x85: {  	[sflag:s5] =	ssyncadd.s32 $0xFFFFFFB0  }
0x86: {  	[tilespmem:s4], [sflag:$0x1] =	stream.indirect.gather [hbm4b:s24+s9], $0x80, s15, s9, $0xb8;
	[tilespmem:$0x1E400] =	vst v63  }
0x87: {  	_ = 	snop  }
0x88: {  	[tilespmem:s10], [sflag:$0x2] =	stream.indirect.gather [hbm4b:s24+s9], $0x80, s7, s9, $0xb8;
	[tilespmem:$0x1E400] =	vst v63  }
0x89: {  	[bflag:$0x0] =	sbarrier.arrive $0xFFFF  }
0x8a: {  	_ =	swait.ge [sflag:s11], $0x2800  }
0x8b: {  	[sflag:s11] =	ssyncset.done $0x0  }
0x8c: {  	[sflag:s11] =	ssyncadd.s32 $0xFFFFD800  }
0x8d: {  	[spmem:s21] =	stream.indirect.scatter.add.f32 [tilespmem:s4], [sflag:$0x5], $0x80, s6, s9, $0xb8;
	[tilespmem:$0x1E400] =	vst v63  }
0x8e: {  	s16 =	rddreg [dreg:$0x7]  }
0x8f: {  	[tilespmem:s12], [sflag:$0x9] =	stream.linear.gather [hbm4b:s16+s15], $0x50, $0x38;
	[tilespmem:$0x1E400] =	vst v63  }
0x90: {  	_ =	swait.ge [sflag:s5], $0x50  }
0x91: {  	[sflag:s5] =	ssyncset.done $0x0  }
0x92: {  	s16 =	rddreg [dreg:$0x8];
	[sflag:s5] =	ssyncadd.s32 $0xFFFFFFB0  }
0x93: {  	[tilespmem:s13], [sflag:$0x9] =	stream.linear.gather [hbm4b:s16+s15], $0x50, $0x38;
	[tilespmem:$0x1E400] =	vst v63  }
0x94: {  	_ =	swait.ge [sflag:s5], $0x50  }
0x95: {  	[sflag:s5] =	ssyncset.done $0x0  }
0x96: {  	[sflag:s5] =	ssyncadd.s32 $0xFFFFFFB0  }
0x97: {  	[tilespmem:s26], [sflag:$0x3] =	stream.indirect.gather [hbm4b:s24+s9], $0x80, s12, s9, $0xb8;
	[tilespmem:$0x1E400] =	vst v63  }
0x98: {  	_ =	swait.ge [sflag:s28], $0x2800  }
0x99: {  	[sflag:s28] =	ssyncset.done $0x0  }
0x9a: {  	[sflag:s28] =	ssyncadd.s32 $0xFFFFD800  }
0x9b: {  	[spmem:s21] =	stream.indirect.scatter.add.f32 [tilespmem:s10], [sflag:$0x6], $0x80, s8, s9, $0xb8;
	[tilespmem:$0x1E400] =	vst v63  }
0x9c: {  	s16 =	rddreg [dreg:$0x9]  }
0x9d: {  	[tilespmem:s29], [sflag:$0x9] =	stream.linear.gather [hbm4b:s16+s15], $0x50, $0x38;
	[tilespmem:$0x1E400] =	vst v63  }
0x9e: {  	_ =	swait.ge [sflag:s5], $0x50  }
0x9f: {  	[sflag:s5] =	ssyncset.done $0x0  }
0xa0: {  	s16 =	rddreg [dreg:$0xa];
	[sflag:s5] =	ssyncadd.s32 $0xFFFFFFB0  }
0xa1: {  	[tilespmem:s30], [sflag:$0x9] =	stream.linear.gather [hbm4b:s16+s15], $0x50, $0x38;
	[tilespmem:$0x1E400] =	vst v63  }
0xa2: {  	_ =	swait.ge [sflag:s5], $0x50  }
0xa3: {  	[sflag:s5] =	ssyncset.done $0x0  }
0xa4: {  	[sflag:s5] =	ssyncadd.s32 $0xFFFFFFB0  }
0xa5: {  	[tilespmem:s31], [sflag:$0x4] =	stream.indirect.gather [hbm4b:s24+s9], $0x80, s29, s9, $0xb8;
	[tilespmem:$0x1E400] =	vst v63  }
0xa6: {  	_ =	swait.ge [sflag:s20], $0x2800  }
0xa7: {  	[sflag:s20] =	ssyncset.done $0x0  }
0xa8: {  	[sflag:s20] =	ssyncadd.s32 $0xFFFFD800  }
0xa9: {  	_ =	swait.ge [sflag:s0], $0x2800  }
0xaa: {  	[sflag:s0] =	ssyncset.done $0x0  }
0xab: {  	[sflag:s0] =	ssyncadd.s32 $0xFFFFD800  }
0xac: {  	[spmem:s21] =	stream.indirect.scatter.add.f32 [tilespmem:s26], [sflag:$0x7], $0x80, s13, s9, $0xb8;
	[tilespmem:$0x1E400] =	vst v63  }
0xad: {  	s16 =	rddreg [dreg:$0xb]  }
0xae: {  	[tilespmem:s15], [sflag:$0x9] =	stream.linear.gather [hbm4b:s16+s15], $0x50, $0x38;
	[tilespmem:$0x1E400] =	vst v63  }
0xaf: {  	_ =	swait.ge [sflag:s5], $0x50  }
0xb0: {  	[sflag:s5] =	ssyncset.done $0x0  }
0xb1: {  	s16 =	rddreg [dreg:$0xc];
	[sflag:s5] =	ssyncadd.s32 $0xFFFFFFB0  }
0xb2: {  	[tilespmem:s6], [sflag:$0x9] =	stream.linear.gather [hbm4b:s16+s15], $0x50, $0x38;
	[tilespmem:$0x1E400] =	vst v63  }
0xb3: {  	_ =	swait.ge [sflag:s5], $0x50  }
0xb4: {  	[sflag:s5] =	ssyncset.done $0x0  }
0xb5: {  	[sflag:s5] =	ssyncadd.s32 $0xFFFFFFB0  }
0xb6: {  	[tilespmem:s4], [sflag:$0x1] =	stream.indirect.gather [hbm4b:s24+s9], $0x80, s15, s9, $0xb8;
	[tilespmem:$0x1E400] =	vst v63  }
0xb7: {  	_ =	swait.ge [sflag:s2], $0x2800  }
0xb8: {  	[sflag:s2] =	ssyncset.done $0x0  }
0xb9: {  	[sflag:s2] =	ssyncadd.s32 $0xFFFFD800  }
0xba: {  	_ =	swait.ge [sflag:s3], $0x2800  }
0xbb: {  	[sflag:s3] =	ssyncset.done $0x0  }
0xbc: {  	[sflag:s3] =	ssyncadd.s32 $0xFFFFD800  }
0xbd: {  	[spmem:s21] =	stream.indirect.scatter.add.f32 [tilespmem:s31], [sflag:$0x8], $0x80, s30, s9, $0xb8;
	[tilespmem:$0x1E400] =	vst v63  }
0xbe: {  	s16 =	rddreg [dreg:$0xd]  }
0xbf: {  	[tilespmem:s7], [sflag:$0x9] =	stream.linear.gather [hbm4b:s16+s15], $0x50, $0x38;
	[tilespmem:$0x1E400] =	vst v63  }
0xc0: {  	_ =	swait.ge [sflag:s5], $0x50  }
0xc1: {  	[sflag:s5] =	ssyncset.done $0x0  }
0xc2: {  	s16 =	rddreg [dreg:$0xe];
	[sflag:s5] =	ssyncadd.s32 $0xFFFFFFB0  }
0xc3: {  	[tilespmem:s8], [sflag:$0x9] =	stream.linear.gather [hbm4b:s16+s15], $0x50, $0x38;
	[tilespmem:$0x1E400] =	vst v63  }
0xc4: {  	_ =	swait.ge [sflag:s5], $0x50  }
0xc5: {  	[sflag:s5] =	ssyncset.done $0x0  }
0xc6: {  	[sflag:s5] =	ssyncadd.s32 $0xFFFFFFB0  }
0xc7: {  	[tilespmem:s10], [sflag:$0x2] =	stream.indirect.gather [hbm4b:s24+s9], $0x80, s7, s9, $0xb8;
	[tilespmem:$0x1E400] =	vst v63  }
.LBB2_4:
0xc8: {  	_ =	swait.ge [sflag:s11], $0x2800  }
0xc9: {  	[sflag:s11] =	ssyncset.done $0x0  }
0xca: {  	[sflag:s11] =	ssyncadd.s32 $0xFFFFD800  }
0xcb: {  	_ =	swait.ge [sflag:s25], $0x2800  }
0xcc: {  	[sflag:s25] =	ssyncset.done $0x0  }
0xcd: {  	[sflag:s25] =	ssyncadd.s32 $0xFFFFD800  }
0xce: {  	[spmem:s21] =	stream.indirect.scatter.add.f32 [tilespmem:s4], [sflag:$0x5], $0x80, s6, s9, $0xb8;
	[tilespmem:$0x1E400] =	vst v63  }
0xcf: {  	s16 =	sadd.s32 s15, s23  }
0xd0: {  	[tilespmem:s12], [sflag:$0x9] =	stream.linear.gather [hbm4b:s16+s1], $0x50, $0x38;
	[tilespmem:$0x1E400] =	vst v63  }
0xd1: {  	_ =	swait.ge [sflag:s5], $0x50  }
0xd2: {  	[sflag:s5] =	ssyncset.done $0x0  }
0xd3: {  	s16 =	sadd.s32 s15, s22;
	[sflag:s5] =	ssyncadd.s32 $0xFFFFFFB0  }
0xd4: {  	[tilespmem:s13], [sflag:$0x9] =	stream.linear.gather [hbm4b:s16+s1], $0x50, $0x38;
	[tilespmem:$0x1E400] =	vst v63  }
0xd5: {  	_ =	swait.ge [sflag:s5], $0x50  }
0xd6: {  	[sflag:s5] =	ssyncset.done $0x0  }
0xd7: {  	[sflag:s5] =	ssyncadd.s32 $0xFFFFFFB0  }
0xd8: {  	[tilespmem:s26], [sflag:$0x3] =	stream.indirect.gather [hbm4b:s24+s9], $0x80, s12, s9, $0xb8;
	[tilespmem:$0x1E400] =	vst v63  }
0xd9: {  	_ =	swait.ge [sflag:s28], $0x2800  }
0xda: {  	[sflag:s28] =	ssyncset.done $0x0  }
0xdb: {  	[sflag:s28] =	ssyncadd.s32 $0xFFFFD800  }
0xdc: {  	_ =	swait.ge [sflag:s14], $0x2800  }
0xdd: {  	[sflag:s14] =	ssyncset.done $0x0  }
0xde: {  	[sflag:s14] =	ssyncadd.s32 $0xFFFFD800  }
0xdf: {  	[spmem:s21] =	stream.indirect.scatter.add.f32 [tilespmem:s10], [sflag:$0x6], $0x80, s8, s9, $0xb8;
	[tilespmem:$0x1E400] =	vst v63  }
0xe0: {  	s16 =	sadd.s32 s15, s19  }
0xe1: {  	[tilespmem:s29], [sflag:$0x9] =	stream.linear.gather [hbm4b:s16+s1], $0x50, $0x38;
	[tilespmem:$0x1E400] =	vst v63  }
0xe2: {  	_ =	swait.ge [sflag:s5], $0x50  }
0xe3: {  	[sflag:s5] =	ssyncset.done $0x0  }
0xe4: {  	s16 =	sadd.s32 s15, s18;
	[sflag:s5] =	ssyncadd.s32 $0xFFFFFFB0  }
0xe5: {  	[tilespmem:s30], [sflag:$0x9] =	stream.linear.gather [hbm4b:s16+s1], $0x50, $0x38;
	[tilespmem:$0x1E400] =	vst v63  }
0xe6: {  	_ =	swait.ge [sflag:s5], $0x50  }
0xe7: {  	[sflag:s5] =	ssyncset.done $0x0  }
0xe8: {  	[sflag:s5] =	ssyncadd.s32 $0xFFFFFFB0  }
0xe9: {  	[tilespmem:s31], [sflag:$0x4] =	stream.indirect.gather [hbm4b:s24+s9], $0x80, s29, s9, $0xb8;
	[tilespmem:$0x1E400] =	vst v63  }
0xea: {  	_ =	swait.ge [sflag:s20], $0x2800  }
0xeb: {  	[sflag:s20] =	ssyncset.done $0x0  }
0xec: {  	[sflag:s20] =	ssyncadd.s32 $0xFFFFD800  }
0xed: {  	_ =	swait.ge [sflag:s0], $0x2800  }
0xee: {  	[sflag:s0] =	ssyncset.done $0x0  }
0xef: {  	[sflag:s0] =	ssyncadd.s32 $0xFFFFD800  }
0xf0: {  	[spmem:s21] =	stream.indirect.scatter.add.f32 [tilespmem:s26], [sflag:$0x7], $0x80, s13, s9, $0xb8;
	[tilespmem:$0x1E400] =	vst v63  }
0xf1: {  	s16 =	sadd.s32 s15, s17  }
0xf2: {  	[tilespmem:s1], [sflag:$0x9] =	stream.linear.gather [hbm4b:s16+s1], $0x50, $0x38;
	[tilespmem:$0x1E400] =	vst v63  }
0xf3: {  	_ =	swait.ge [sflag:s5], $0x50  }
0xf4: {  	[sflag:s5] =	ssyncset.done $0x0;
	s16 =	rddreg [dreg:$0x11]  }
0xf5: {  	[sflag:s5] =	ssyncadd.s32 $0xFFFFFFB0;
	s16 =	sadd.s32 s15, s16  }
0xf6: {  	[tilespmem:s6], [sflag:$0x9] =	stream.linear.gather [hbm4b:s16+s1], $0x50, $0x38;
	[tilespmem:$0x1E400] =	vst v63  }
0xf7: {  	_ =	swait.ge [sflag:s5], $0x50  }
0xf8: {  	[sflag:s5] =	ssyncset.done $0x0  }
0xf9: {  	[sflag:s5] =	ssyncadd.s32 $0xFFFFFFB0  }
0xfa: {  	[tilespmem:s4], [sflag:$0x1] =	stream.indirect.gather [hbm4b:s24+s9], $0x80, s1, s9, $0xb8;
	[tilespmem:$0x1E400] =	vst v63  }
0xfb: {  	_ =	swait.ge [sflag:s2], $0x2800  }
0xfc: {  	p0 =	seq.s32 s15, $0x488;
	[sflag:s2] =	ssyncset.done $0x0  }
.Ltmp3:
0xfd: {  	[sflag:s2] =	ssyncadd.s32 $0xFFFFD800;
	(pc) =	sbr.rel @p0 .LBB2_6-.Ltmp3, $4  }
0xfe: {  	_ =	swait.ge [sflag:s3], $0x2800  }
0xff: {  	[sflag:s3] =	ssyncset.done $0x0  }
0x100: {  	[sflag:s3] =	ssyncadd.s32 $0xFFFFD800  }
0x101: {  	[spmem:s21] =	stream.indirect.scatter.add.f32 [tilespmem:s31], [sflag:$0x8], $0x80, s30, s9, $0xb8;
	[tilespmem:$0x1E400] =	vst v63  }
0x102: {  	s16 =	rddreg [dreg:$0x10]  }
0x103: {  	s16 =	sadd.s32 s15, s16  }
0x104: {  	[tilespmem:s7], [sflag:$0x9] =	stream.linear.gather [hbm4b:s16+s1], $0x50, $0x38;
	[tilespmem:$0x1E400] =	vst v63  }
0x105: {  	_ =	swait.ge [sflag:s5], $0x50  }
0x106: {  	[sflag:s5] =	ssyncset.done $0x0;
	s16 =	rddreg [dreg:$0xf]  }
0x107: {  	[sflag:s5] =	ssyncadd.s32 $0xFFFFFFB0;
	s16 =	sadd.s32 s15, s16  }
0x108: {  	[tilespmem:s8], [sflag:$0x9] =	stream.linear.gather [hbm4b:s16+s1], $0x50, $0x38;
	[tilespmem:$0x1E400] =	vst v63  }
.Ltmp4:
0x109: {  	_ = 	snop;
	(pc) =	sbr.rel .LBB2_4-.Ltmp4, $4  }
0x10a: {  	_ =	swait.ge [sflag:s5], $0x50  }
0x10b: {  	[sflag:s5] =	ssyncset.done $0x0  }
0x10c: {  	s15 =	sadd.s32 $0x28, s15;
	[sflag:s5] =	ssyncadd.s32 $0xFFFFFFB0  }
0x10d: {  	[tilespmem:s10], [sflag:$0x2] =	stream.indirect.gather [hbm4b:s24+s9], $0x80, s7, s9, $0xb8;
	[tilespmem:$0x1E400] =	vst v63  }
.LBB2_7:
0x10e: {  	_ =	sfence.sel $0x180000  }
0x10f: {  	[bflag:$0x0] =	sbarrier.arrive $0xFFFF  }
0x110: {  	_ =	strace $0x9000004A  }
0x111: {  	s0 =	stileid.u32;
	[bflag:$0x2] =	sbarrier.arrive $0xFFFF  }
0x112: {  	p0 =	sne.s32 s0, $0x0;
	s0 =	rddreg [dreg:$0x2]  }
0x113: {  	s0 =	sadd.s32 @!p0 $0x100000, s0  }
0x114: {  	[sflag:s0] =	ssyncadd.tile.s32 @!p0 $0x1;
	_ =	shalt  }
.Lfunc_end2:
_tile_overlayer_lowered:
.L_overlay_start_2:
0x115: {  	(tag) =	ssettag $0x2  }
0x116: {  	s0 =	rddreg [dreg:$0x0];
	s2 =	stileid.u32  }
0x117: {  	s1 =	rddreg [dreg:$0x1];
	p0 =	sne.s32 s2, $0x0  }
0x118: {  	s3 =	rddreg [dreg:$0x2];
	[bflag:$0x3] =	sbarrier.arrive $0xFFFF;
	s2 =	simm.s32 @!p0 $0x1C09  }
0x119: {  	[timem:s3], [sflag:s2] =	dma.local @!p0 [hbm:s0], s1  }
0x11a: {  	s0 =	simm.s32 @!p0 $0x9  }
0x11b: {  	_ =	swait.ge @!p0 [sflag:s0], s1  }
0x11c: {  	s1 =	ssub.s32 @!p0 $0x0, s1;
	[sflag:s0] =	ssyncset.done @!p0 $0x0  }
0x11d: {  	[sflag:s0] =	ssyncadd.s32 @!p0 s1  }
0x11e: {  	[bflag:$0x3] =	sbarrier.arrive $0xFFFF  }
0x11f: {  	_ =	shalt  }

// kernel: kernel.20.cloned.1.call-start
scs
__scs_entry_jumppad:
0x0: {  	(pc) =	sbr.rel $0x88, $3  }
0x1: {  	(tag) =	ssettag $0x0;
	lr =	simm.s32 $0x1  }
0x2: {  	[smem:$0x3F93] =	sst lr;
	_ =	strace $0xD0000000  }
0x3: {  	_ = 	snop  }
0x4: {  	_ = 	snop  }
0x5: {  	_ = 	snop  }
0x6: {  	_ = 	snop  }
0x7: {  	_ = 	snop  }
__scs_overlays_trampoline_lowered:
0x8: {  	[smem:$0x3FA2] =	sst s0  }
0x9: {  	[smem:$0x3FA3] =	sst s1  }
0xa: {  	[smem:$0x3FA4] =	sst s2  }
0xb: {  	[smem:$0x3FA5] =	sst s3  }
0xc: {  	[smem:$0x3FA6] =	sst s4  }
0xd: {  	[smem:$0x3FA7] =	sst s5  }
0xe: {  	[smem:$0x3FA8] =	sst s6  }
0xf: {  	[smem:$0x3FA9] =	sst s7  }
0x10: {  	[smem:$0x3FAA] =	sst s8  }
0x11: {  	[smem:$0x3FAB] =	sst s9;
	s0 =	simm.s32 @!p0 $0x0  }
0x12: {  	s1 =	sld [smem:$0x3F91];
	s0 =	simm.s32 @p0 $0x1  }
0x13: {  	[smem:$0x3FAC] =	sst s0;
	s0 =	simm.s32 @!p1 $0x0  }
0x14: {  	s2 =	sld [smem:$0x3F90];
	s0 =	simm.s32 @p1 $0x1  }
0x15: {  	[smem:$0x3FAD] =	sst s0;
	s0 =	simm.s32 @!p2 $0x0  }
0x16: {  	s3 =	sld [smem:$0x3FDB];
	s0 =	simm.s32 @p2 $0x1  }
0x17: {  	s4 =	simm.s32 $0x1BF5;
	[smem:$0x3FAF] =	sst s0  }
0x18: {  	s0 =	sld [smem:$0x3F92];
	_ =	swait.ge [sflag:s4], $0x0  }
0x19: {  	s7 =	sld [smem:$0x3F93]  }
0x1a: {  	s8 =	sadd.s32 $0xFFFFE003, lr  }
0x1b: {  	s9 =	sadd.s32 $0xFFFFFEF7, lr;
	s5 =	simm.s32 $0xFFFFFFFF;
	p2 =	slt.u32 s8, $0xFFFFF086  }
0x1c: {  	p1 =	slt.u32 s9, $0xF7A;
	s5 =	simm.s32 @!p2 $0x0  }
0x1d: {  	s5 =	simm.s32 @p1 $0x1;
	p0 =	seq.s32 s7, s2  }
0x1e: {  	s7 =	smul.u32 @!p0 $0xF7A, s2;
	p2 =	seq.s32 @!p0 s5, $0x0  }
0x1f: {  	s9 =	smul.u32 $0xF7A, s1;
	s8 =	simm.s32 @!p0 $0x1BF5;
	p2 =	por !p2, p0  }
0x20: {  	[sflag:s8] =	ssyncset.s32 @!p0 $0xFFFFF086;
	s6 =	sadd.s32 @!p0 s3, s7;
	s7 =	simm.s32 @!p0 $0x108  }
0x21: {  	s3 =	sadd.s32 s3, s9;
	s6 =	sadd.s32 @!p0 $0x88, s6;
	s7 =	simm.s32 @p2 $0x1082  }
0x22: {  	[simem:s7], [sflag:s8] =	dma.local @!p0 [hbm:s6], $0xF7A  }
0x23: {  	s9 =	sor.u32 $0xD0000000, s2;
	s6 =	simm.s32 $0x108;
	_ =	swait.ge @!p0 [sflag:s8], $0x0  }
0x24: {  	s3 =	sadd.s32 $0x88, s3;
	s6 =	simm.s32 @!p1 $0x1082;
	[sflag:s4] =	ssyncset.s32 $0xFFFFF086  }
0x25: {  	[simem:s6], [sflag:s4] =	dma.local [hbm:s3], $0xF7A  }
0x26: {  	[smem:$0x3F93] =	sst s1;
	(tag) =	ssettag s2;
	_ =	strace s9  }
0x27: {  	s1 =	sld [smem:$0x3FA3]  }
0x28: {  	s2 =	sld [smem:$0x3FA4]  }
0x29: {  	s4 =	sld [smem:$0x3FA6]  }
0x2a: {  	p0 =	seq.s32 s5, $0x0;
	s5 =	sld [smem:$0x3FA7]  }
0x2b: {  	s6 =	sld [smem:$0x3FA8]  }
0x2c: {  	s7 =	sld [smem:$0x3FA9]  }
0x2d: {  	s3 =	simm.s32 $0x108;
	s8 =	sld [smem:$0x3FAA]  }
0x2e: {  	s3 =	simm.s32 @!p0 $0x1082;
	s9 =	sld [smem:$0x3FAB]  }
0x2f: {  	lr =	sadd.s32 s0, s3;
	s0 =	sld [smem:$0x3FA2]  }
0x30: {  	s3 =	sld [smem:$0x3FA5]  }
0x31: {  	[smem:$0x3FAE] =	sst s10  }
0x32: {  	s10 =	sld [smem:$0x3FAC];
	_ =	sdelay $0x3  }
0x33: {  	p0 =	seq.s32 s10, $0x1;
	s10 =	sld [smem:$0x3FAE];
	_ =	sdelay $0x3  }
0x34: {  	[smem:$0x3FAE] =	sst s10  }
0x35: {  	s10 =	sld [smem:$0x3FAD];
	_ =	sdelay $0x3  }
0x36: {  	p1 =	seq.s32 s10, $0x1;
	s10 =	sld [smem:$0x3FAE];
	_ =	sdelay $0x3  }
0x37: {  	[smem:$0x3FAE] =	sst s10  }
0x38: {  	s10 =	sld [smem:$0x3FAF]  }
0x39: {  	_ = 	snop;
	(pc) =	sbr.ind lr, $3  }
0x3a: {  	_ = 	snop  }
0x3b: {  	_ = 	snop  }
0x3c: {  	p2 =	seq.s32 s10, $0x1;
	s10 =	sld [smem:$0x3FAE]  }
0x3d: {  	_ =	shalt  }
0x3e: {  	_ =	shalt  }
0x3f: {  	_ =	shalt  }
0x40: {  	_ =	shalt  }
0x41: {  	_ =	shalt  }
0x42: {  	_ =	shalt  }
0x43: {  	_ =	shalt  }
0x44: {  	_ =	shalt  }
0x45: {  	_ =	shalt  }
0x46: {  	_ =	shalt  }
0x47: {  	_ =	shalt  }
0x48: {  	_ =	shalt  }
0x49: {  	_ =	shalt  }
0x4a: {  	_ =	shalt  }
0x4b: {  	_ =	shalt  }
0x4c: {  	_ =	shalt  }
0x4d: {  	_ =	shalt  }
0x4e: {  	_ =	shalt  }
0x4f: {  	_ =	shalt  }
0x50: {  	_ =	shalt  }
0x51: {  	_ =	shalt  }
0x52: {  	_ =	shalt  }
0x53: {  	_ =	shalt  }
0x54: {  	_ =	shalt  }
0x55: {  	_ =	shalt  }
0x56: {  	_ =	shalt  }
0x57: {  	_ =	shalt  }
0x58: {  	_ =	shalt  }
0x59: {  	_ =	shalt  }
0x5a: {  	_ =	shalt  }
0x5b: {  	_ =	shalt  }
0x5c: {  	_ =	shalt  }
0x5d: {  	_ =	shalt  }
0x5e: {  	_ =	shalt  }
0x5f: {  	_ =	shalt  }
0x60: {  	_ =	shalt  }
0x61: {  	_ =	shalt  }
0x62: {  	_ =	shalt  }
0x63: {  	_ =	shalt  }
0x64: {  	_ =	shalt  }
0x65: {  	_ =	shalt  }
0x66: {  	_ =	shalt  }
0x67: {  	_ =	shalt  }
0x68: {  	_ =	shalt  }
0x69: {  	_ =	shalt  }
0x6a: {  	_ =	shalt  }
0x6b: {  	_ =	shalt  }
0x6c: {  	_ =	shalt  }
0x6d: {  	_ =	shalt  }
0x6e: {  	_ =	shalt  }
0x6f: {  	_ =	shalt  }
0x70: {  	_ =	shalt  }
0x71: {  	_ =	shalt  }
0x72: {  	_ =	shalt  }
0x73: {  	_ =	shalt  }
0x74: {  	_ =	shalt  }
0x75: {  	_ =	shalt  }
0x76: {  	_ =	shalt  }
0x77: {  	_ =	shalt  }
0x78: {  	_ =	shalt  }
0x79: {  	_ =	shalt  }
0x7a: {  	_ =	shalt  }
0x7b: {  	_ =	shalt  }
0x7c: {  	_ =	shalt  }
0x7d: {  	_ =	shalt  }
0x7e: {  	_ =	shalt  }
0x7f: {  	_ =	shalt  }
0x80: {  	_ =	shalt  }
0x81: {  	_ =	shalt  }
0x82: {  	_ =	shalt  }
0x83: {  	_ =	shalt  }
0x84: {  	_ =	shalt  }
0x85: {  	_ =	shalt  }
0x86: {  	_ =	shalt  }
0x87: {  	_ =	shalt  }
.Lfunc_end0:
.L_simem_size_0:
called_computation.2_lowered:
.L_overlay_start_0:
0x88: {  	s2 =	sld [smem:$0x3FD9]  }
0x89: {  	s3 =	sld [smem:$0x3FFE];
	_ =	sdelay $0x1  }
0x8a: {  	s1 =	srdreg.scid  }
0x8b: {  	s0 =	sand.u32 $0x1, s1  }
0x8c: {  	s16 =	sshll.u32 s0, $0xA;
	s2 =	sadd.s32 s3, s2  }
0x8d: {  	s2 =	sadd.s32 s2, s16  }
0x8e: {  	[smem:$0x3FBA] =	sst s2  }
0x8f: {  	_ = 	snop  }
0x90: {  	(tm) =	ssettm $0x1  }
0x91: {  	s17 =	sld [smem:$0x3FFB];
	_ =	sdelay $0x3  }
0x92: {  	_ =	strace s17  }
0x93: {  	s2 =	sld [smem:$0x3FFC];
	_ =	sdelay $0x3  }
0x94: {  	_ =	strace s2  }
0x95: {  	s2 =	sld [smem:$0x3FFD];
	_ =	sdelay $0x3  }
0x96: {  	_ =	strace s2  }
0x97: {  	_ =	strace $0x8FFFFFFF  }
0x98: {  	s18 =	sld [smem:$0x3FDB];
	_ =	sdelay $0x1  }
0x99: {  	s19 =	simm.s32 $_scs_section_size  }
0x9a: {  	s4 =	simm.s32 $_size__tile_overlayer_lowered;
	s5 =	simm.s32 $_tile_overlayer_lowered  }
0x9b: {  	s22 =	simm.s32 $0x1BFF;
	s21 =	sshll.u32 s5, $0x1;
	s2 =	sadd.s32 s19, s18  }
0x9c: {  	s6 =	simm.s32 $0x0;
	s20 =	sshll.u32 s4, $0x1;
	s4 =	sadd.s32 s21, s2  }
0x9d: {  	[timem:s6], [sflag:s22] =	dma.local [hbm:s4], s20  }
0x9e: {  	_ =	swait.ge [sflag:s22], s20  }
0x9f: {  	s3 =	ssub.s32 $0x0, s20;
	[sflag:s22] =	ssyncset.done $0x0  }
0xa0: {  	[sflag:s22] =	ssyncadd.s32 s3;
	_ =	sdelay $0x1  }
0xa1: {  	s23 =	simm.s32 $0x1B8B  }
0xa2: {  	_ =	swait.ge [sflag:s23], $0x1  }
0xa3: {  	[sflag:s23] =	ssyncset.done $0x0  }
0xa4: {  	s25 =	simm.s32 $0x1B8E;
	s24 =	sld [smem:$0x3FFE];
	[sflag:s23] =	ssyncadd.s32 $0xFFFFFFFF  }
0xa5: {  	s26 =	simm.s32 $execute0_lowered;
	[smem:$0x3FD2] =	sst s25  }
0xa6: {  	s4 =	sshll.u32 s26, $0x1;
	_ =	strace $0x8000004C;
	[dreg:$0x1] =	wrdreg $0xFFFFFFFF  }
0xa7: {  	s28 =	simm.s32 $_size_execute0_lowered;
	s2 =	sadd.s32 s2, s4;
	[dreg:$0x0] =	wrdreg $0x0  }
0xa8: {  	s4 =	sshll.u32 s28, $0x1;
	[dreg:$0x2] =	wrdreg s2  }
0xa9: {  	[dreg:$0x3] =	wrdreg s4  }
0xaa: {  	[dreg:$0x4] =	wrdreg $0xC0  }
0xab: {  	_ =	task [dreg:s6], $0x5FFFF  }
0xac: {  	[dreg:$0x1] =	wrdreg $0xFFFFFFFF  }
0xad: {  	[dreg:$0x0] =	wrdreg $0x60  }
0xae: {  	[dreg:$0x2] =	wrdreg s24  }
0xaf: {  	[dreg:$0x3] =	wrdreg $0xA4000  }
0xb0: {  	[dreg:$0x4] =	wrdreg $0x9  }
0xb1: {  	_ =	task.clear_ibuf [dreg:s6], $0x5FFFF;
	_ =	strace $0x9000004C  }
0xb2: {  	s29 =	simm.s32 $0x9;
	_ =	strace $0x8000004E  }
0xb3: {  	_ =	swait.ge [sflag:s29], $0x1  }
0xb4: {  	[sflag:s29] =	ssyncadd.s32 $0xFFFFFFFF  }
0xb5: {  	_ =	strace $0x9000004E  }
0xb6: {  	_ =	sfence  }
0xb7: {  	s30 =	sld [smem:$0x0];
	_ =	sdelay $0x2  }
0xb8: {  	s31 =	sshll.u32 s1, $0xD;
	s1 =	sshrl.u32 s1, $0x2  }
0xb9: {  	s3 =	sand.u32 $0x4000, s31;
	s1 =	sadd.s32 s1, s30  }
0xba: {  	s0 =	sor.u32 s3, s0;
	s1 =	sshll.u32 s1, $0x11  }
0xbb: {  	s0 =	sor.u32 s1, s0  }
0xbc: {  	s0 =	sadd.s32 $0x8F2B, s0  }
0xbd: {  	[sflag:s0] =	ssyncadd.remote.s32 $0x1  }
0xbe: {  	_ =	sfence.sel $0xFFFF  }
0xbf: {  	[dreg:$0x0] =	wrdreg $0xFFFFFFFF;
	(pc) =	sbr.abs _section_cstart, $3  }
0xc0: {  	[dreg:$0x1] =	wrdreg $0xFFFFFFFF  }
0xc1: {  	_ =	task.clear_ibuf [dreg:s6], $0x2FFFF;
	_ =	strace $0x9FFFFFFF  }
0xc2: {  	(tm) =	ssettm $0x7FFFFFFF  }
0xc3: {  	_ =	shalt  }
tec
execute0_lowered:
.L_overlay_start_1:
0x0: {  	(tag) =	ssettag $0x1  }
0x1: {  	s0 =	srdreg.scid  }
0x2: {  	s0 =	sand.u32 $0x1, s0  }
0x3: {  	s2 =	rddreg [dreg:$0x0];
	s11 =	stileid.u32;
	s4 =	sshll.u32 s0, $0x4  }
0x4: {  	s1 =	simm.s32 $0x0;
	s5 =	smul.u32 $0x2800, s11;
	s4 =	sor.u32 s11, s4  }
0x5: {  	s28 =	simm.s32 $0x2;
	[smem:$0x7FF] =	sst s1;
	s4 =	smul.u32 $0x2710, s4  }
0x6: {  	s7 =	sadd.s32 $0xE200, s2;
	s3 =	smul.u32 $0x28000, s0;
	s6 =	ssub.s32 $0x2, s0  }
0x7: {  	s8 =	sadd.s32 $0x4400, s2;
	s9 =	sshrl.u32 s6, $0x1;
	s4 =	sshrl.u32 s4, $0x3  }
0x8: {  	s3 =	sadd.s32 s5, s3;
	s5 =	ssub.s32 s6, s9;
	s26 =	sadd.s32 s7, s4  }
0x9: {  	s9 =	sadd.s32 s8, s4;
	s10 =	sadd.s32 $0xA, s4;
	[dreg:$0x3] =	wrdreg s26  }
0xa: {  	s29 =	simm.s32 $0x180;
	[dreg:$0x4] =	wrdreg s9;
	s12 =	sadd.s32 s7, s10  }
0xb: {  	s14 =	sadd.s32 $0x1E, s4;
	s6 =	sadd.s32 s8, s10;
	[dreg:$0x5] =	wrdreg s12  }
0xc: {  	s13 =	sadd.s32 $0x14, s4;
	s15 =	sadd.s32 s7, s14;
	[dreg:$0x6] =	wrdreg s6  }
0xd: {  	s17 =	sadd.s32 $0x28, s4;
	s16 =	sadd.s32 s8, s14;
	[dreg:$0x9] =	wrdreg s15  }
0xe: {  	s4 =	sadd.s32 $0x32, s4;
	s18 =	sadd.s32 s7, s17;
	[dreg:$0xa] =	wrdreg s16  }
0xf: {  	s30 =	simm.s32 $0x380;
	s20 =	sadd.s32 s7, s4;
	[dreg:$0xb] =	wrdreg s18  }
0x10: {  	s31 =	simm.s32 $0x7C00;
	s4 =	sadd.s32 s8, s4;
	[dreg:$0xd] =	wrdreg s20  }
0x11: {  	s0 =	smul.u32 $0x27100, s0;
	s12 =	sadd.s32 s7, s13;
	[dreg:$0xe] =	wrdreg s4  }
0x12: {  	s10 =	smul.u32 $0x2710, s11;
	s6 =	sadd.s32 s8, s13;
	[dreg:$0x7] =	wrdreg s12  }
0x13: {  	s9 =	sadd.s32 s3, s2;
	s3 =	simm.s32 $0x6;
	[dreg:$0x8] =	wrdreg s6  }
0x14: {  	s0 =	sadd.s32 s10, s0;
	s6 =	sadd.s32 s8, s17;
	s12 =	smax.u32 s5, $0x1  }
0x15: {  	s5 =	simm.s32 $0x9;
	s19 =	sadd.s32 $0x2D0, s0;
	[dreg:$0xc] =	wrdreg s6  }
0x16: {  	s23 =	sadd.s32 $0x280, s0;
	s24 =	sadd.s32 $0x230, s0;
	s0 =	sadd.s32 $0x1E0, s0  }
0x17: {  	s21 =	sshrl.u32 s19, $0x3;
	s4 =	sshrl.u32 s23, $0x3;
	s26 =	sshrl.u32 s24, $0x3  }
0x18: {  	s22 =	sadd.s32 s21, s8;
	s6 =	sadd.s32 s21, s7;
	s21 =	rddreg [dreg:$0x1]  }
0x19: {  	s0 =	sshrl.u32 s0, $0x3;
	s24 =	sadd.s32 $0x18000, s2;
	[dreg:$0xf] =	wrdreg s22  }
0x1a: {  	s2 =	simm.s32 $0x4;
	s25 =	sadd.s32 s4, s8;
	[dreg:$0x10] =	wrdreg s6  }
0x1b: {  	s17 =	sadd.s32 s4, s7;
	s23 =	sadd.s32 s0, s7;
	[dreg:$0x11] =	wrdreg s25  }
0x1c: {  	s6 =	smul.u32 $0x50000, s11;
	s22 =	sadd.s32 s0, s8;
	s0 =	sadd.s32 $0x3F200, s9  }
0x1d: {  	s18 =	sadd.s32 s26, s8;
	_ =	strace $0x8000004D;
	[dreg:$0x13] =	wrdreg s0  }
0x1e: {  	s19 =	sadd.s32 s26, s7;
	[dreg:$0x14] =	wrdreg s12;
	s10 =	sshrl.u32 s6, $0x2  }
0x1f: {  	s4 =	simm.s32 $0x400;
	[dreg:$0x1e] =	wrdreg s17;
	s11 =	sadd.s32 s10, s21  }
0x20: {  	s7 =	simm.s32 $0x80;
	s13 =	sadd.s32 $0x2800, s11;
	[dreg:$0x12] =	wrdreg s11  }
0x21: {  	s8 =	simm.s32 $0x280;
	s14 =	sadd.s32 $0x5000, s11;
	[dreg:$0x15] =	wrdreg s13  }
0x22: {  	s9 =	simm.s32 $0x50;
	s15 =	sadd.s32 $0x7800, s11;
	[dreg:$0x16] =	wrdreg s14  }
0x23: {  	s12 =	simm.s32 $0x100;
	s16 =	sadd.s32 $0xA000, s11;
	[dreg:$0x17] =	wrdreg s15  }
0x24: {  	s0 =	simm.s32 $0x5;
	s20 =	sadd.s32 $0xC800, s11;
	[dreg:$0x18] =	wrdreg s16  }
.Ltmp0:
0x25: {  	s25 =	sadd.s32 $0xF000, s11;
	[dreg:$0x19] =	wrdreg s20;
	(pc) =	sbr.rel .LBB2_1-.Ltmp0, $4  }
0x26: {  	s6 =	simm.s32 $0x200;
	s26 =	sadd.s32 $0x11800, s11;
	[dreg:$0x1a] =	wrdreg s25  }
0x27: {  	s10 =	simm.s32 $0x2C00;
	s11 =	simm.s32 $0x1;
	[dreg:$0x1b] =	wrdreg s26  }
0x28: {  	s13 =	simm.s32 $0x300;
	s26 =	simm.s32 $0x5400;
	s20 =	simm.s32 $0x3  }
0x29: {  	v0 =	vimm.f32 $0.0e+00;
	s25 =	simm.s32 $0x7;
	s14 =	simm.s32 $0x8;
	s16 =	simm.s32 $0x0  }
.LBB2_6:
0x2a: {  	_ =	swait.ge [sflag:s11], $0x2800  }
0x2b: {  	[sflag:s11] =	ssyncset.done $0x0  }
0x2c: {  	[sflag:s11] =	ssyncadd.s32 $0xFFFFD800  }
0x2d: {  	_ =	swait.ge [sflag:s25], $0x2800  }
0x2e: {  	[sflag:s25] =	ssyncset.done $0x0  }
0x2f: {  	[sflag:s25] =	ssyncadd.s32 $0xFFFFD800  }
0x30: {  	[spmem:s21] =	stream.indirect.scatter.add.f32 [tilespmem:s4], [sflag:$0x5], $0x80, s6, s9, $0xb8;
	[tilespmem:$0x1E400] =	vst v63  }
0x31: {  	_ =	swait.ge [sflag:s14], $0x2800  }
0x32: {  	[sflag:s14] =	ssyncset.done $0x0  }
0x33: {  	[sflag:s14] =	ssyncadd.s32 $0xFFFFD800  }
0x34: {  	_ =	swait.ge [sflag:s0], $0x2800  }
0x35: {  	s15 =	stileid.u32;
	[sflag:s0] =	ssyncset.done $0x0  }
0x36: {  	s15 =	sshll.u32 s15, $0x6;
	[sflag:s0] =	ssyncadd.s32 $0xFFFFD800  }
0x37: {  	s15 =	sor.u32 $0x1C09, s15;
	[bflag:$0x0] =	sbarrier.arrive $0xFFFF  }
0x38: {  	[dreg:$0x1d] =	wrdreg s15  }
0x39: {  	s16 =	rddreg [dreg:$0x12]  }
0x3a: {  	s15 =	rddreg [dreg:$0x13]  }
0x3b: {  	s16 =	sshrl.u32 s16, $0x3;
	s17 =	rddreg [dreg:$0x1d]  }
0x3c: {  	[hbm:s15], [sflag:s17] =	dma.local [spmem:s16], $0x2800  }
0x3d: {  	s17 =	rddreg [dreg:$0x1e];
	_ =	swait.ge [sflag:s5], $0x2800  }
0x3e: {  	s15 =	rddreg [dreg:$0x1c]  }
0x3f: {  	s16 =	sadd.s32 $0x1, s15;
	s15 =	rddreg [dreg:$0x14]  }
0x40: {  	p0 =	sne.s32 s16, s15  }
.Ltmp1:
0x41: {  	_ = 	snop;
	(pc) =	sbr.rel @!p0 .LBB2_7-.Ltmp1, $3  }
0x42: {  	_ =	sdelay $0x1  }
0x43: {  	[sflag:s5] =	ssyncset.done $0x0  }
0x44: {  	[sflag:s5] =	ssyncadd.s32 $0xFFFFD800  }
.LBB2_1:
0x45: {  	[dreg:$0x1c] =	wrdreg s16;
	s15 =	simm.s32 $0x0;
	s16 =	simm.s32 $0x200  }
.LBB2_2:
0x46: {  	p0 =	sne.s32 s16, $0x9E00;
	[tilespmem:s15+$0x470] =	vst v0  }
0x47: {  	[tilespmem:s15+$0x400] =	vst v0  }
0x48: {  	[tilespmem:s15+$0x410] =	vst v0  }
.Ltmp2:
0x49: {  	[tilespmem:s15+$0x420] =	vst v0;
	(pc) =	sbr.rel @p0 .LBB2_2-.Ltmp2, $4  }
0x4a: {  	[tilespmem:s15+$0x430] =	vst v0  }
0x4b: {  	[tilespmem:s15+$0x440] =	vst v0  }
0x4c: {  	[tilespmem:s15+$0x450] =	vst v0  }
0x4d: {  	[tilespmem:s15+$0x460] =	vst v0;
	s15 =	sshra.s32 s16, $0x2;
	s16 =	sadd.s32 $0x200, s16  }
0x4e: {  	[tilespmem:s15+$0x470] =	vst v0  }
0x4f: {  	[tilespmem:s15+$0x400] =	vst v0  }
0x50: {  	[tilespmem:s15+$0x410] =	vst v0  }
0x51: {  	[tilespmem:s15+$0x420] =	vst v0  }
0x52: {  	[tilespmem:s15+$0x430] =	vst v0  }
0x53: {  	[tilespmem:s15+$0x440] =	vst v0  }
0x54: {  	[tilespmem:s15+$0x450] =	vst v0  }
0x55: {  	[tilespmem:s15+$0x460] =	vst v0;
	s16 =	rddreg [dreg:$0x12]  }
0x56: {  	[spmem:s16] =	stream.linear.scatter [tilespmem:s4], [sflag:$0x9], $0x2800, $0x38;
	[tilespmem:$0x1E400] =	vst v63  }
0x57: {  	_ =	swait.ge [sflag:s5], $0x2800  }
0x58: {  	[sflag:s5] =	ssyncset.done $0x0  }
0x59: {  	s16 =	rddreg [dreg:$0x15];
	[sflag:s5] =	ssyncadd.s32 $0xFFFFD800  }
0x5a: {  	[spmem:s16] =	stream.linear.scatter [tilespmem:s4], [sflag:$0x9], $0x2800, $0x38;
	[tilespmem:$0x1E400] =	vst v63  }
0x5b: {  	_ =	swait.ge [sflag:s5], $0x2800  }
0x5c: {  	[sflag:s5] =	ssyncset.done $0x0  }
0x5d: {  	s16 =	rddreg [dreg:$0x16];
	[sflag:s5] =	ssyncadd.s32 $0xFFFFD800  }
0x5e: {  	[spmem:s16] =	stream.linear.scatter [tilespmem:s4], [sflag:$0x9], $0x2800, $0x38;
	[tilespmem:$0x1E400] =	vst v63  }
0x5f: {  	_ =	swait.ge [sflag:s5], $0x2800  }
0x60: {  	[sflag:s5] =	ssyncset.done $0x0  }
0x61: {  	s16 =	rddreg [dreg:$0x17];
	[sflag:s5] =	ssyncadd.s32 $0xFFFFD800  }
0x62: {  	[spmem:s16] =	stream.linear.scatter [tilespmem:s4], [sflag:$0x9], $0x2800, $0x38;
	[tilespmem:$0x1E400] =	vst v63  }
0x63: {  	_ =	swait.ge [sflag:s5], $0x2800  }
0x64: {  	[sflag:s5] =	ssyncset.done $0x0  }
0x65: {  	s16 =	rddreg [dreg:$0x18];
	[sflag:s5] =	ssyncadd.s32 $0xFFFFD800  }
0x66: {  	[spmem:s16] =	stream.linear.scatter [tilespmem:s4], [sflag:$0x9], $0x2800, $0x38;
	[tilespmem:$0x1E400] =	vst v63  }
0x67: {  	_ =	swait.ge [sflag:s5], $0x2800  }
0x68: {  	[sflag:s5] =	ssyncset.done $0x0  }
0x69: {  	s16 =	rddreg [dreg:$0x19];
	[sflag:s5] =	ssyncadd.s32 $0xFFFFD800  }
0x6a: {  	[spmem:s16] =	stream.linear.scatter [tilespmem:s4], [sflag:$0x9], $0x2800, $0x38;
	[tilespmem:$0x1E400] =	vst v63  }
0x6b: {  	_ =	swait.ge [sflag:s5], $0x2800  }
0x6c: {  	[sflag:s5] =	ssyncset.done $0x0  }
0x6d: {  	s16 =	rddreg [dreg:$0x1a];
	[sflag:s5] =	ssyncadd.s32 $0xFFFFD800  }
0x6e: {  	[spmem:s16] =	stream.linear.scatter [tilespmem:s4], [sflag:$0x9], $0x2800, $0x38;
	[tilespmem:$0x1E400] =	vst v63  }
0x6f: {  	_ =	swait.ge [sflag:s5], $0x2800  }
0x70: {  	[sflag:s5] =	ssyncset.done $0x0  }
0x71: {  	s16 =	rddreg [dreg:$0x1b];
	[sflag:s5] =	ssyncadd.s32 $0xFFFFD800  }
0x72: {  	[spmem:s16] =	stream.linear.scatter [tilespmem:s4], [sflag:$0x9], $0x2800, $0x38;
	[tilespmem:$0x1E400] =	vst v63  }
0x73: {  	_ =	swait.ge [sflag:s5], $0x2800  }
0x74: {  	[sflag:s5] =	ssyncset.done $0x0  }
0x75: {  	s15 =	simm.s32 $0x0;
	s16 =	rddreg [dreg:$0x3];
	[sflag:s5] =	ssyncadd.s32 $0xFFFFD800  }
0x76: {  	[tilespmem:s15], [sflag:$0x9] =	stream.linear.gather [hbm4b:s16+s15], $0x50, $0x38;
	[tilespmem:$0x1E400] =	vst v63  }
0x77: {  	_ =	swait.ge [sflag:s5], $0x50  }
0x78: {  	[sflag:s5] =	ssyncset.done $0x0  }
0x79: {  	s16 =	rddreg [dreg:$0x4];
	[sflag:s5] =	ssyncadd.s32 $0xFFFFFFB0  }
0x7a: {  	[tilespmem:s6], [sflag:$0x9] =	stream.linear.gather [hbm4b:s16+s15], $0x50, $0x38;
	[tilespmem:$0x1E400] =	vst v63  }
0x7b: {  	_ =	swait.ge [sflag:s5], $0x50  }
0x7c: {  	[sflag:s5] =	ssyncset.done $0x0  }
0x7d: {  	s16 =	rddreg [dreg:$0x5];
	[sflag:s5] =	ssyncadd.s32 $0xFFFFFFB0  }
0x7e: {  	[tilespmem:s7], [sflag:$0x9] =	stream.linear.gather [hbm4b:s16+s15], $0x50, $0x38;
	[tilespmem:$0x1E400] =	vst v63  }
0x7f: {  	_ =	swait.ge [sflag:s5], $0x50  }
0x80: {  	[sflag:s5] =	ssyncset.done $0x0  }
0x81: {  	s16 =	rddreg [dreg:$0x6];
	[sflag:s5] =	ssyncadd.s32 $0xFFFFFFB0  }
0x82: {  	[tilespmem:s8], [sflag:$0x9] =	stream.linear.gather [hbm4b:s16+s15], $0x50, $0x38;
	[tilespmem:$0x1E400] =	vst v63  }
0x83: {  	_ =	swait.ge [sflag:s5], $0x50  }
0x84: {  	[sflag:s5] =	ssyncset.done $0x0  }
0x85: {  	[sflag:s5] =	ssyncadd.s32 $0xFFFFFFB0  }
0x86: {  	[tilespmem:s4], [sflag:$0x1] =	stream.indirect.gather [hbm4b:s24+s9], $0x80, s15, s9, $0xb8;
	[tilespmem:$0x1E400] =	vst v63  }
0x87: {  	_ = 	snop  }
0x88: {  	[tilespmem:s10], [sflag:$0x2] =	stream.indirect.gather [hbm4b:s24+s9], $0x80, s7, s9, $0xb8;
	[tilespmem:$0x1E400] =	vst v63  }
0x89: {  	[bflag:$0x0] =	sbarrier.arrive $0xFFFF  }
0x8a: {  	_ =	swait.ge [sflag:s11], $0x2800  }
0x8b: {  	[sflag:s11] =	ssyncset.done $0x0  }
0x8c: {  	[sflag:s11] =	ssyncadd.s32 $0xFFFFD800  }
0x8d: {  	[spmem:s21] =	stream.indirect.scatter.add.f32 [tilespmem:s4], [sflag:$0x5], $0x80, s6, s9, $0xb8;
	[tilespmem:$0x1E400] =	vst v63  }
0x8e: {  	s16 =	rddreg [dreg:$0x7]  }
0x8f: {  	[tilespmem:s12], [sflag:$0x9] =	stream.linear.gather [hbm4b:s16+s15], $0x50, $0x38;
	[tilespmem:$0x1E400] =	vst v63  }
0x90: {  	_ =	swait.ge [sflag:s5], $0x50  }
0x91: {  	[sflag:s5] =	ssyncset.done $0x0  }
0x92: {  	s16 =	rddreg [dreg:$0x8];
	[sflag:s5] =	ssyncadd.s32 $0xFFFFFFB0  }
0x93: {  	[tilespmem:s13], [sflag:$0x9] =	stream.linear.gather [hbm4b:s16+s15], $0x50, $0x38;
	[tilespmem:$0x1E400] =	vst v63  }
0x94: {  	_ =	swait.ge [sflag:s5], $0x50  }
0x95: {  	[sflag:s5] =	ssyncset.done $0x0  }
0x96: {  	[sflag:s5] =	ssyncadd.s32 $0xFFFFFFB0  }
0x97: {  	[tilespmem:s26], [sflag:$0x3] =	stream.indirect.gather [hbm4b:s24+s9], $0x80, s12, s9, $0xb8;
	[tilespmem:$0x1E400] =	vst v63  }
0x98: {  	_ =	swait.ge [sflag:s28], $0x2800  }
0x99: {  	[sflag:s28] =	ssyncset.done $0x0  }
0x9a: {  	[sflag:s28] =	ssyncadd.s32 $0xFFFFD800  }
0x9b: {  	[spmem:s21] =	stream.indirect.scatter.add.f32 [tilespmem:s10], [sflag:$0x6], $0x80, s8, s9, $0xb8;
	[tilespmem:$0x1E400] =	vst v63  }
0x9c: {  	s16 =	rddreg [dreg:$0x9]  }
0x9d: {  	[tilespmem:s29], [sflag:$0x9] =	stream.linear.gather [hbm4b:s16+s15], $0x50, $0x38;
	[tilespmem:$0x1E400] =	vst v63  }
0x9e: {  	_ =	swait.ge [sflag:s5], $0x50  }
0x9f: {  	[sflag:s5] =	ssyncset.done $0x0  }
0xa0: {  	s16 =	rddreg [dreg:$0xa];
	[sflag:s5] =	ssyncadd.s32 $0xFFFFFFB0  }
0xa1: {  	[tilespmem:s30], [sflag:$0x9] =	stream.linear.gather [hbm4b:s16+s15], $0x50, $0x38;
	[tilespmem:$0x1E400] =	vst v63  }
0xa2: {  	_ =	swait.ge [sflag:s5], $0x50  }
0xa3: {  	[sflag:s5] =	ssyncset.done $0x0  }
0xa4: {  	[sflag:s5] =	ssyncadd.s32 $0xFFFFFFB0  }
0xa5: {  	[tilespmem:s31], [sflag:$0x4] =	stream.indirect.gather [hbm4b:s24+s9], $0x80, s29, s9, $0xb8;
	[tilespmem:$0x1E400] =	vst v63  }
0xa6: {  	_ =	swait.ge [sflag:s20], $0x2800  }
0xa7: {  	[sflag:s20] =	ssyncset.done $0x0  }
0xa8: {  	[sflag:s20] =	ssyncadd.s32 $0xFFFFD800  }
0xa9: {  	_ =	swait.ge [sflag:s0], $0x2800  }
0xaa: {  	[sflag:s0] =	ssyncset.done $0x0  }
0xab: {  	[sflag:s0] =	ssyncadd.s32 $0xFFFFD800  }
0xac: {  	[spmem:s21] =	stream.indirect.scatter.add.f32 [tilespmem:s26], [sflag:$0x7], $0x80, s13, s9, $0xb8;
	[tilespmem:$0x1E400] =	vst v63  }
0xad: {  	s16 =	rddreg [dreg:$0xb]  }
0xae: {  	[tilespmem:s15], [sflag:$0x9] =	stream.linear.gather [hbm4b:s16+s15], $0x50, $0x38;
	[tilespmem:$0x1E400] =	vst v63  }
0xaf: {  	_ =	swait.ge [sflag:s5], $0x50  }
0xb0: {  	[sflag:s5] =	ssyncset.done $0x0  }
0xb1: {  	s16 =	rddreg [dreg:$0xc];
	[sflag:s5] =	ssyncadd.s32 $0xFFFFFFB0  }
0xb2: {  	[tilespmem:s6], [sflag:$0x9] =	stream.linear.gather [hbm4b:s16+s15], $0x50, $0x38;
	[tilespmem:$0x1E400] =	vst v63  }
0xb3: {  	_ =	swait.ge [sflag:s5], $0x50  }
0xb4: {  	[sflag:s5] =	ssyncset.done $0x0  }
0xb5: {  	[sflag:s5] =	ssyncadd.s32 $0xFFFFFFB0  }
0xb6: {  	[tilespmem:s4], [sflag:$0x1] =	stream.indirect.gather [hbm4b:s24+s9], $0x80, s15, s9, $0xb8;
	[tilespmem:$0x1E400] =	vst v63  }
0xb7: {  	_ =	swait.ge [sflag:s2], $0x2800  }
0xb8: {  	[sflag:s2] =	ssyncset.done $0x0  }
0xb9: {  	[sflag:s2] =	ssyncadd.s32 $0xFFFFD800  }
0xba: {  	_ =	swait.ge [sflag:s3], $0x2800  }
0xbb: {  	[sflag:s3] =	ssyncset.done $0x0  }
0xbc: {  	[sflag:s3] =	ssyncadd.s32 $0xFFFFD800  }
0xbd: {  	[spmem:s21] =	stream.indirect.scatter.add.f32 [tilespmem:s31], [sflag:$0x8], $0x80, s30, s9, $0xb8;
	[tilespmem:$0x1E400] =	vst v63  }
0xbe: {  	s16 =	rddreg [dreg:$0xd]  }
0xbf: {  	[tilespmem:s7], [sflag:$0x9] =	stream.linear.gather [hbm4b:s16+s15], $0x50, $0x38;
	[tilespmem:$0x1E400] =	vst v63  }
0xc0: {  	_ =	swait.ge [sflag:s5], $0x50  }
0xc1: {  	[sflag:s5] =	ssyncset.done $0x0  }
0xc2: {  	s16 =	rddreg [dreg:$0xe];
	[sflag:s5] =	ssyncadd.s32 $0xFFFFFFB0  }
0xc3: {  	[tilespmem:s8], [sflag:$0x9] =	stream.linear.gather [hbm4b:s16+s15], $0x50, $0x38;
	[tilespmem:$0x1E400] =	vst v63  }
0xc4: {  	_ =	swait.ge [sflag:s5], $0x50  }
0xc5: {  	[sflag:s5] =	ssyncset.done $0x0  }
0xc6: {  	[sflag:s5] =	ssyncadd.s32 $0xFFFFFFB0  }
0xc7: {  	[tilespmem:s10], [sflag:$0x2] =	stream.indirect.gather [hbm4b:s24+s9], $0x80, s7, s9, $0xb8;
	[tilespmem:$0x1E400] =	vst v63  }
.LBB2_4:
0xc8: {  	_ =	swait.ge [sflag:s11], $0x2800  }
0xc9: {  	[sflag:s11] =	ssyncset.done $0x0  }
0xca: {  	[sflag:s11] =	ssyncadd.s32 $0xFFFFD800  }
0xcb: {  	_ =	swait.ge [sflag:s25], $0x2800  }
0xcc: {  	[sflag:s25] =	ssyncset.done $0x0  }
0xcd: {  	[sflag:s25] =	ssyncadd.s32 $0xFFFFD800  }
0xce: {  	[spmem:s21] =	stream.indirect.scatter.add.f32 [tilespmem:s4], [sflag:$0x5], $0x80, s6, s9, $0xb8;
	[tilespmem:$0x1E400] =	vst v63  }
0xcf: {  	s16 =	sadd.s32 s15, s23  }
0xd0: {  	[tilespmem:s12], [sflag:$0x9] =	stream.linear.gather [hbm4b:s16+s1], $0x50, $0x38;
	[tilespmem:$0x1E400] =	vst v63  }
0xd1: {  	_ =	swait.ge [sflag:s5], $0x50  }
0xd2: {  	[sflag:s5] =	ssyncset.done $0x0  }
0xd3: {  	s16 =	sadd.s32 s15, s22;
	[sflag:s5] =	ssyncadd.s32 $0xFFFFFFB0  }
0xd4: {  	[tilespmem:s13], [sflag:$0x9] =	stream.linear.gather [hbm4b:s16+s1], $0x50, $0x38;
	[tilespmem:$0x1E400] =	vst v63  }
0xd5: {  	_ =	swait.ge [sflag:s5], $0x50  }
0xd6: {  	[sflag:s5] =	ssyncset.done $0x0  }
0xd7: {  	[sflag:s5] =	ssyncadd.s32 $0xFFFFFFB0  }
0xd8: {  	[tilespmem:s26], [sflag:$0x3] =	stream.indirect.gather [hbm4b:s24+s9], $0x80, s12, s9, $0xb8;
	[tilespmem:$0x1E400] =	vst v63  }
0xd9: {  	_ =	swait.ge [sflag:s28], $0x2800  }
0xda: {  	[sflag:s28] =	ssyncset.done $0x0  }
0xdb: {  	[sflag:s28] =	ssyncadd.s32 $0xFFFFD800  }
0xdc: {  	_ =	swait.ge [sflag:s14], $0x2800  }
0xdd: {  	[sflag:s14] =	ssyncset.done $0x0  }
0xde: {  	[sflag:s14] =	ssyncadd.s32 $0xFFFFD800  }
0xdf: {  	[spmem:s21] =	stream.indirect.scatter.add.f32 [tilespmem:s10], [sflag:$0x6], $0x80, s8, s9, $0xb8;
	[tilespmem:$0x1E400] =	vst v63  }
0xe0: {  	s16 =	sadd.s32 s15, s19  }
0xe1: {  	[tilespmem:s29], [sflag:$0x9] =	stream.linear.gather [hbm4b:s16+s1], $0x50, $0x38;
	[tilespmem:$0x1E400] =	vst v63  }
0xe2: {  	_ =	swait.ge [sflag:s5], $0x50  }
0xe3: {  	[sflag:s5] =	ssyncset.done $0x0  }
0xe4: {  	s16 =	sadd.s32 s15, s18;
	[sflag:s5] =	ssyncadd.s32 $0xFFFFFFB0  }
0xe5: {  	[tilespmem:s30], [sflag:$0x9] =	stream.linear.gather [hbm4b:s16+s1], $0x50, $0x38;
	[tilespmem:$0x1E400] =	vst v63  }
0xe6: {  	_ =	swait.ge [sflag:s5], $0x50  }
0xe7: {  	[sflag:s5] =	ssyncset.done $0x0  }
0xe8: {  	[sflag:s5] =	ssyncadd.s32 $0xFFFFFFB0  }
0xe9: {  	[tilespmem:s31], [sflag:$0x4] =	stream.indirect.gather [hbm4b:s24+s9], $0x80, s29, s9, $0xb8;
	[tilespmem:$0x1E400] =	vst v63  }
0xea: {  	_ =	swait.ge [sflag:s20], $0x2800  }
0xeb: {  	[sflag:s20] =	ssyncset.done $0x0  }
0xec: {  	[sflag:s20] =	ssyncadd.s32 $0xFFFFD800  }
0xed: {  	_ =	swait.ge [sflag:s0], $0x2800  }
0xee: {  	[sflag:s0] =	ssyncset.done $0x0  }
0xef: {  	[sflag:s0] =	ssyncadd.s32 $0xFFFFD800  }
0xf0: {  	[spmem:s21] =	stream.indirect.scatter.add.f32 [tilespmem:s26], [sflag:$0x7], $0x80, s13, s9, $0xb8;
	[tilespmem:$0x1E400] =	vst v63  }
0xf1: {  	s16 =	sadd.s32 s15, s17  }
0xf2: {  	[tilespmem:s1], [sflag:$0x9] =	stream.linear.gather [hbm4b:s16+s1], $0x50, $0x38;
	[tilespmem:$0x1E400] =	vst v63  }
0xf3: {  	_ =	swait.ge [sflag:s5], $0x50  }
0xf4: {  	[sflag:s5] =	ssyncset.done $0x0;
	s16 =	rddreg [dreg:$0x11]  }
0xf5: {  	[sflag:s5] =	ssyncadd.s32 $0xFFFFFFB0;
	s16 =	sadd.s32 s15, s16  }
0xf6: {  	[tilespmem:s6], [sflag:$0x9] =	stream.linear.gather [hbm4b:s16+s1], $0x50, $0x38;
	[tilespmem:$0x1E400] =	vst v63  }
0xf7: {  	_ =	swait.ge [sflag:s5], $0x50  }
0xf8: {  	[sflag:s5] =	ssyncset.done $0x0  }
0xf9: {  	[sflag:s5] =	ssyncadd.s32 $0xFFFFFFB0  }
0xfa: {  	[tilespmem:s4], [sflag:$0x1] =	stream.indirect.gather [hbm4b:s24+s9], $0x80, s1, s9, $0xb8;
	[tilespmem:$0x1E400] =	vst v63  }
0xfb: {  	_ =	swait.ge [sflag:s2], $0x2800  }
0xfc: {  	p0 =	seq.s32 s15, $0x488;
	[sflag:s2] =	ssyncset.done $0x0  }
.Ltmp3:
0xfd: {  	[sflag:s2] =	ssyncadd.s32 $0xFFFFD800;
	(pc) =	sbr.rel @p0 .LBB2_6-.Ltmp3, $4  }
0xfe: {  	_ =	swait.ge [sflag:s3], $0x2800  }
0xff: {  	[sflag:s3] =	ssyncset.done $0x0  }
0x100: {  	[sflag:s3] =	ssyncadd.s32 $0xFFFFD800  }
0x101: {  	[spmem:s21] =	stream.indirect.scatter.add.f32 [tilespmem:s31], [sflag:$0x8], $0x80, s30, s9, $0xb8;
	[tilespmem:$0x1E400] =	vst v63  }
0x102: {  	s16 =	rddreg [dreg:$0x10]  }
0x103: {  	s16 =	sadd.s32 s15, s16  }
0x104: {  	[tilespmem:s7], [sflag:$0x9] =	stream.linear.gather [hbm4b:s16+s1], $0x50, $0x38;
	[tilespmem:$0x1E400] =	vst v63  }
0x105: {  	_ =	swait.ge [sflag:s5], $0x50  }
0x106: {  	[sflag:s5] =	ssyncset.done $0x0;
	s16 =	rddreg [dreg:$0xf]  }
0x107: {  	[sflag:s5] =	ssyncadd.s32 $0xFFFFFFB0;
	s16 =	sadd.s32 s15, s16  }
0x108: {  	[tilespmem:s8], [sflag:$0x9] =	stream.linear.gather [hbm4b:s16+s1], $0x50, $0x38;
	[tilespmem:$0x1E400] =	vst v63  }
.Ltmp4:
0x109: {  	_ = 	snop;
	(pc) =	sbr.rel .LBB2_4-.Ltmp4, $4  }
0x10a: {  	_ =	swait.ge [sflag:s5], $0x50  }
0x10b: {  	[sflag:s5] =	ssyncset.done $0x0  }
0x10c: {  	s15 =	sadd.s32 $0x28, s15;
	[sflag:s5] =	ssyncadd.s32 $0xFFFFFFB0  }
0x10d: {  	[tilespmem:s10], [sflag:$0x2] =	stream.indirect.gather [hbm4b:s24+s9], $0x80, s7, s9, $0xb8;
	[tilespmem:$0x1E400] =	vst v63  }
.LBB2_7:
0x10e: {  	_ =	sfence.sel $0x180000  }
0x10f: {  	[bflag:$0x0] =	sbarrier.arrive $0xFFFF  }
0x110: {  	_ =	strace $0x9000004D  }
0x111: {  	s0 =	stileid.u32;
	[bflag:$0x2] =	sbarrier.arrive $0xFFFF  }
0x112: {  	p0 =	sne.s32 s0, $0x0;
	s0 =	rddreg [dreg:$0x2]  }
0x113: {  	s0 =	sadd.s32 @!p0 $0x100000, s0  }
0x114: {  	[sflag:s0] =	ssyncadd.tile.s32 @!p0 $0x1;
	_ =	shalt  }
.Lfunc_end2:
_tile_overlayer_lowered:
.L_overlay_start_2:
0x115: {  	(tag) =	ssettag $0x2  }
0x116: {  	s0 =	rddreg [dreg:$0x0];
	s2 =	stileid.u32  }
0x117: {  	s1 =	rddreg [dreg:$0x1];
	p0 =	sne.s32 s2, $0x0  }
0x118: {  	s3 =	rddreg [dreg:$0x2];
	[bflag:$0x3] =	sbarrier.arrive $0xFFFF;
	s2 =	simm.s32 @!p0 $0x1C09  }
0x119: {  	[timem:s3], [sflag:s2] =	dma.local @!p0 [hbm:s0], s1  }
0x11a: {  	s0 =	simm.s32 @!p0 $0x9  }
0x11b: {  	_ =	swait.ge @!p0 [sflag:s0], s1  }
0x11c: {  	s1 =	ssub.s32 @!p0 $0x0, s1;
	[sflag:s0] =	ssyncset.done @!p0 $0x0  }
0x11d: {  	[sflag:s0] =	ssyncadd.s32 @!p0 s1  }
0x11e: {  	[bflag:$0x3] =	sbarrier.arrive $0xFFFF  }
0x11f: {  	_ =	shalt  }

// kernel: kernel.23.cloned.1.call-start
scs
__scs_entry_jumppad:
0x0: {  	(pc) =	sbr.rel $0x88, $3  }
0x1: {  	(tag) =	ssettag $0x0;
	lr =	simm.s32 $0x1  }
0x2: {  	[smem:$0x3F93] =	sst lr;
	_ =	strace $0xD0000000  }
0x3: {  	_ = 	snop  }
0x4: {  	_ = 	snop  }
0x5: {  	_ = 	snop  }
0x6: {  	_ = 	snop  }
0x7: {  	_ = 	snop  }
__scs_overlays_trampoline_lowered:
0x8: {  	[smem:$0x3FA2] =	sst s0  }
0x9: {  	[smem:$0x3FA3] =	sst s1  }
0xa: {  	[smem:$0x3FA4] =	sst s2  }
0xb: {  	[smem:$0x3FA5] =	sst s3  }
0xc: {  	[smem:$0x3FA6] =	sst s4  }
0xd: {  	[smem:$0x3FA7] =	sst s5  }
0xe: {  	[smem:$0x3FA8] =	sst s6  }
0xf: {  	[smem:$0x3FA9] =	sst s7  }
0x10: {  	[smem:$0x3FAA] =	sst s8  }
0x11: {  	[smem:$0x3FAB] =	sst s9;
	s0 =	simm.s32 @!p0 $0x0  }
0x12: {  	s1 =	sld [smem:$0x3F91];
	s0 =	simm.s32 @p0 $0x1  }
0x13: {  	[smem:$0x3FAC] =	sst s0;
	s0 =	simm.s32 @!p1 $0x0  }
0x14: {  	s2 =	sld [smem:$0x3F90];
	s0 =	simm.s32 @p1 $0x1  }
0x15: {  	[smem:$0x3FAD] =	sst s0;
	s0 =	simm.s32 @!p2 $0x0  }
0x16: {  	s3 =	sld [smem:$0x3FDB];
	s0 =	simm.s32 @p2 $0x1  }
0x17: {  	s4 =	simm.s32 $0x1BF5;
	[smem:$0x3FAF] =	sst s0  }
0x18: {  	s0 =	sld [smem:$0x3F92];
	_ =	swait.ge [sflag:s4], $0x0  }
0x19: {  	s7 =	sld [smem:$0x3F93]  }
0x1a: {  	s8 =	sadd.s32 $0xFFFFE003, lr  }
0x1b: {  	s9 =	sadd.s32 $0xFFFFFEF7, lr;
	s5 =	simm.s32 $0xFFFFFFFF;
	p2 =	slt.u32 s8, $0xFFFFF086  }
0x1c: {  	p1 =	slt.u32 s9, $0xF7A;
	s5 =	simm.s32 @!p2 $0x0  }
0x1d: {  	s5 =	simm.s32 @p1 $0x1;
	p0 =	seq.s32 s7, s2  }
0x1e: {  	s7 =	smul.u32 @!p0 $0xF7A, s2;
	p2 =	seq.s32 @!p0 s5, $0x0  }
0x1f: {  	s9 =	smul.u32 $0xF7A, s1;
	s8 =	simm.s32 @!p0 $0x1BF5;
	p2 =	por !p2, p0  }
0x20: {  	[sflag:s8] =	ssyncset.s32 @!p0 $0xFFFFF086;
	s6 =	sadd.s32 @!p0 s3, s7;
	s7 =	simm.s32 @!p0 $0x108  }
0x21: {  	s3 =	sadd.s32 s3, s9;
	s6 =	sadd.s32 @!p0 $0x88, s6;
	s7 =	simm.s32 @p2 $0x1082  }
0x22: {  	[simem:s7], [sflag:s8] =	dma.local @!p0 [hbm:s6], $0xF7A  }
0x23: {  	s9 =	sor.u32 $0xD0000000, s2;
	s6 =	simm.s32 $0x108;
	_ =	swait.ge @!p0 [sflag:s8], $0x0  }
0x24: {  	s3 =	sadd.s32 $0x88, s3;
	s6 =	simm.s32 @!p1 $0x1082;
	[sflag:s4] =	ssyncset.s32 $0xFFFFF086  }
0x25: {  	[simem:s6], [sflag:s4] =	dma.local [hbm:s3], $0xF7A  }
0x26: {  	[smem:$0x3F93] =	sst s1;
	(tag) =	ssettag s2;
	_ =	strace s9  }
0x27: {  	s1 =	sld [smem:$0x3FA3]  }
0x28: {  	s2 =	sld [smem:$0x3FA4]  }
0x29: {  	s4 =	sld [smem:$0x3FA6]  }
0x2a: {  	p0 =	seq.s32 s5, $0x0;
	s5 =	sld [smem:$0x3FA7]  }
0x2b: {  	s6 =	sld [smem:$0x3FA8]  }
0x2c: {  	s7 =	sld [smem:$0x3FA9]  }
0x2d: {  	s3 =	simm.s32 $0x108;
	s8 =	sld [smem:$0x3FAA]  }
0x2e: {  	s3 =	simm.s32 @!p0 $0x1082;
	s9 =	sld [smem:$0x3FAB]  }
0x2f: {  	lr =	sadd.s32 s0, s3;
	s0 =	sld [smem:$0x3FA2]  }
0x30: {  	s3 =	sld [smem:$0x3FA5]  }
0x31: {  	[smem:$0x3FAE] =	sst s10  }
0x32: {  	s10 =	sld [smem:$0x3FAC];
	_ =	sdelay $0x3  }
0x33: {  	p0 =	seq.s32 s10, $0x1;
	s10 =	sld [smem:$0x3FAE];
	_ =	sdelay $0x3  }
0x34: {  	[smem:$0x3FAE] =	sst s10  }
0x35: {  	s10 =	sld [smem:$0x3FAD];
	_ =	sdelay $0x3  }
0x36: {  	p1 =	seq.s32 s10, $0x1;
	s10 =	sld [smem:$0x3FAE];
	_ =	sdelay $0x3  }
0x37: {  	[smem:$0x3FAE] =	sst s10  }
0x38: {  	s10 =	sld [smem:$0x3FAF]  }
0x39: {  	_ = 	snop;
	(pc) =	sbr.ind lr, $3  }
0x3a: {  	_ = 	snop  }
0x3b: {  	_ = 	snop  }
0x3c: {  	p2 =	seq.s32 s10, $0x1;
	s10 =	sld [smem:$0x3FAE]  }
0x3d: {  	_ =	shalt  }
0x3e: {  	_ =	shalt  }
0x3f: {  	_ =	shalt  }
0x40: {  	_ =	shalt  }
0x41: {  	_ =	shalt  }
0x42: {  	_ =	shalt  }
0x43: {  	_ =	shalt  }
0x44: {  	_ =	shalt  }
0x45: {  	_ =	shalt  }
0x46: {  	_ =	shalt  }
0x47: {  	_ =	shalt  }
0x48: {  	_ =	shalt  }
0x49: {  	_ =	shalt  }
0x4a: {  	_ =	shalt  }
0x4b: {  	_ =	shalt  }
0x4c: {  	_ =	shalt  }
0x4d: {  	_ =	shalt  }
0x4e: {  	_ =	shalt  }
0x4f: {  	_ =	shalt  }
0x50: {  	_ =	shalt  }
0x51: {  	_ =	shalt  }
0x52: {  	_ =	shalt  }
0x53: {  	_ =	shalt  }
0x54: {  	_ =	shalt  }
0x55: {  	_ =	shalt  }
0x56: {  	_ =	shalt  }
0x57: {  	_ =	shalt  }
0x58: {  	_ =	shalt  }
0x59: {  	_ =	shalt  }
0x5a: {  	_ =	shalt  }
0x5b: {  	_ =	shalt  }
0x5c: {  	_ =	shalt  }
0x5d: {  	_ =	shalt  }
0x5e: {  	_ =	shalt  }
0x5f: {  	_ =	shalt  }
0x60: {  	_ =	shalt  }
0x61: {  	_ =	shalt  }
0x62: {  	_ =	shalt  }
0x63: {  	_ =	shalt  }
0x64: {  	_ =	shalt  }
0x65: {  	_ =	shalt  }
0x66: {  	_ =	shalt  }
0x67: {  	_ =	shalt  }
0x68: {  	_ =	shalt  }
0x69: {  	_ =	shalt  }
0x6a: {  	_ =	shalt  }
0x6b: {  	_ =	shalt  }
0x6c: {  	_ =	shalt  }
0x6d: {  	_ =	shalt  }
0x6e: {  	_ =	shalt  }
0x6f: {  	_ =	shalt  }
0x70: {  	_ =	shalt  }
0x71: {  	_ =	shalt  }
0x72: {  	_ =	shalt  }
0x73: {  	_ =	shalt  }
0x74: {  	_ =	shalt  }
0x75: {  	_ =	shalt  }
0x76: {  	_ =	shalt  }
0x77: {  	_ =	shalt  }
0x78: {  	_ =	shalt  }
0x79: {  	_ =	shalt  }
0x7a: {  	_ =	shalt  }
0x7b: {  	_ =	shalt  }
0x7c: {  	_ =	shalt  }
0x7d: {  	_ =	shalt  }
0x7e: {  	_ =	shalt  }
0x7f: {  	_ =	shalt  }
0x80: {  	_ =	shalt  }
0x81: {  	_ =	shalt  }
0x82: {  	_ =	shalt  }
0x83: {  	_ =	shalt  }
0x84: {  	_ =	shalt  }
0x85: {  	_ =	shalt  }
0x86: {  	_ =	shalt  }
0x87: {  	_ =	shalt  }
.Lfunc_end0:
.L_simem_size_0:
called_computation.3_lowered:
.L_overlay_start_0:
0x88: {  	s2 =	sld [smem:$0x3FD9]  }
0x89: {  	s3 =	sld [smem:$0x3FFE];
	_ =	sdelay $0x1  }
0x8a: {  	s1 =	srdreg.scid  }
0x8b: {  	s0 =	sand.u32 $0x1, s1  }
0x8c: {  	s16 =	sshll.u32 s0, $0xA;
	s2 =	sadd.s32 s3, s2  }
0x8d: {  	s2 =	sadd.s32 s2, s16  }
0x8e: {  	[smem:$0x3FBA] =	sst s2  }
0x8f: {  	_ = 	snop  }
0x90: {  	(tm) =	ssettm $0x1  }
0x91: {  	s17 =	sld [smem:$0x3FFB];
	_ =	sdelay $0x3  }
0x92: {  	_ =	strace s17  }
0x93: {  	s2 =	sld [smem:$0x3FFC];
	_ =	sdelay $0x3  }
0x94: {  	_ =	strace s2  }
0x95: {  	s2 =	sld [smem:$0x3FFD];
	_ =	sdelay $0x3  }
0x96: {  	_ =	strace s2  }
0x97: {  	_ =	strace $0x8FFFFFFF  }
0x98: {  	s18 =	sld [smem:$0x3FDB];
	_ =	sdelay $0x1  }
0x99: {  	s19 =	simm.s32 $_scs_section_size  }
0x9a: {  	s4 =	simm.s32 $_size__tile_overlayer_lowered;
	s5 =	simm.s32 $_tile_overlayer_lowered  }
0x9b: {  	s22 =	simm.s32 $0x1BFF;
	s21 =	sshll.u32 s5, $0x1;
	s2 =	sadd.s32 s19, s18  }
0x9c: {  	s6 =	simm.s32 $0x0;
	s20 =	sshll.u32 s4, $0x1;
	s4 =	sadd.s32 s21, s2  }
0x9d: {  	[timem:s6], [sflag:s22] =	dma.local [hbm:s4], s20  }
0x9e: {  	_ =	swait.ge [sflag:s22], s20  }
0x9f: {  	s3 =	ssub.s32 $0x0, s20;
	[sflag:s22] =	ssyncset.done $0x0  }
0xa0: {  	[sflag:s22] =	ssyncadd.s32 s3;
	_ =	sdelay $0x1  }
0xa1: {  	s23 =	simm.s32 $0x1B8B  }
0xa2: {  	_ =	swait.ge [sflag:s23], $0x1  }
0xa3: {  	[sflag:s23] =	ssyncset.done $0x0  }
0xa4: {  	s25 =	simm.s32 $0x1B8E;
	s24 =	sld [smem:$0x3FFE];
	[sflag:s23] =	ssyncadd.s32 $0xFFFFFFFF  }
0xa5: {  	s26 =	simm.s32 $execute0_lowered;
	[smem:$0x3FD2] =	sst s25  }
0xa6: {  	s4 =	sshll.u32 s26, $0x1;
	_ =	strace $0x8000004F;
	[dreg:$0x1] =	wrdreg $0xFFFFFFFF  }
0xa7: {  	s28 =	simm.s32 $_size_execute0_lowered;
	s2 =	sadd.s32 s2, s4;
	[dreg:$0x0] =	wrdreg $0x0  }
0xa8: {  	s4 =	sshll.u32 s28, $0x1;
	[dreg:$0x2] =	wrdreg s2  }
0xa9: {  	[dreg:$0x3] =	wrdreg s4  }
0xaa: {  	[dreg:$0x4] =	wrdreg $0xC0  }
0xab: {  	_ =	task [dreg:s6], $0x5FFFF  }
0xac: {  	[dreg:$0x1] =	wrdreg $0xFFFFFFFF  }
0xad: {  	[dreg:$0x0] =	wrdreg $0x60  }
0xae: {  	[dreg:$0x2] =	wrdreg s24  }
0xaf: {  	[dreg:$0x3] =	wrdreg $0xA4000  }
0xb0: {  	[dreg:$0x4] =	wrdreg $0x9  }
0xb1: {  	_ =	task.clear_ibuf [dreg:s6], $0x5FFFF;
	_ =	strace $0x9000004F  }
0xb2: {  	s29 =	simm.s32 $0x9;
	_ =	strace $0x80000051  }
0xb3: {  	_ =	swait.ge [sflag:s29], $0x1  }
0xb4: {  	[sflag:s29] =	ssyncadd.s32 $0xFFFFFFFF  }
0xb5: {  	_ =	strace $0x90000051  }
0xb6: {  	_ =	sfence  }
0xb7: {  	s30 =	sld [smem:$0x0];
	_ =	sdelay $0x2  }
0xb8: {  	s31 =	sshll.u32 s1, $0xD;
	s1 =	sshrl.u32 s1, $0x2  }
0xb9: {  	s3 =	sand.u32 $0x4000, s31;
	s1 =	sadd.s32 s1, s30  }
0xba: {  	s0 =	sor.u32 s3, s0;
	s1 =	sshll.u32 s1, $0x11  }
0xbb: {  	s0 =	sor.u32 s1, s0  }
0xbc: {  	s0 =	sadd.s32 $0x8F2B, s0  }
0xbd: {  	[sflag:s0] =	ssyncadd.remote.s32 $0x1  }
0xbe: {  	_ =	sfence.sel $0xFFFF  }
0xbf: {  	[dreg:$0x0] =	wrdreg $0xFFFFFFFF;
	(pc) =	sbr.abs _section_cstart, $3  }
0xc0: {  	[dreg:$0x1] =	wrdreg $0xFFFFFFFF  }
0xc1: {  	_ =	task.clear_ibuf [dreg:s6], $0x2FFFF;
	_ =	strace $0x9FFFFFFF  }
0xc2: {  	(tm) =	ssettm $0x7FFFFFFF  }
0xc3: {  	_ =	shalt  }
tec
execute0_lowered:
.L_overlay_start_1:
0x0: {  	(tag) =	ssettag $0x1  }
0x1: {  	s0 =	srdreg.scid  }
0x2: {  	s0 =	sand.u32 $0x1, s0  }
0x3: {  	s2 =	rddreg [dreg:$0x0];
	s11 =	stileid.u32;
	s4 =	sshll.u32 s0, $0x4  }
0x4: {  	s1 =	simm.s32 $0x0;
	s5 =	smul.u32 $0x2800, s11;
	s4 =	sor.u32 s11, s4  }
0x5: {  	s28 =	simm.s32 $0x2;
	[smem:$0x7FF] =	sst s1;
	s4 =	smul.u32 $0x2710, s4  }
0x6: {  	s7 =	sadd.s32 $0xE200, s2;
	s3 =	smul.u32 $0x28000, s0;
	s6 =	ssub.s32 $0x2, s0  }
0x7: {  	s8 =	sadd.s32 $0x4400, s2;
	s9 =	sshrl.u32 s6, $0x1;
	s4 =	sshrl.u32 s4, $0x3  }
0x8: {  	s3 =	sadd.s32 s5, s3;
	s5 =	ssub.s32 s6, s9;
	s26 =	sadd.s32 s7, s4  }
0x9: {  	s9 =	sadd.s32 s8, s4;
	s10 =	sadd.s32 $0xA, s4;
	[dreg:$0x3] =	wrdreg s26  }
0xa: {  	s29 =	simm.s32 $0x180;
	[dreg:$0x4] =	wrdreg s9;
	s12 =	sadd.s32 s7, s10  }
0xb: {  	s14 =	sadd.s32 $0x1E, s4;
	s6 =	sadd.s32 s8, s10;
	[dreg:$0x5] =	wrdreg s12  }
0xc: {  	s13 =	sadd.s32 $0x14, s4;
	s15 =	sadd.s32 s7, s14;
	[dreg:$0x6] =	wrdreg s6  }
0xd: {  	s17 =	sadd.s32 $0x28, s4;
	s16 =	sadd.s32 s8, s14;
	[dreg:$0x9] =	wrdreg s15  }
0xe: {  	s4 =	sadd.s32 $0x32, s4;
	s18 =	sadd.s32 s7, s17;
	[dreg:$0xa] =	wrdreg s16  }
0xf: {  	s30 =	simm.s32 $0x380;
	s20 =	sadd.s32 s7, s4;
	[dreg:$0xb] =	wrdreg s18  }
0x10: {  	s31 =	simm.s32 $0x7C00;
	s4 =	sadd.s32 s8, s4;
	[dreg:$0xd] =	wrdreg s20  }
0x11: {  	s0 =	smul.u32 $0x27100, s0;
	s12 =	sadd.s32 s7, s13;
	[dreg:$0xe] =	wrdreg s4  }
0x12: {  	s10 =	smul.u32 $0x2710, s11;
	s6 =	sadd.s32 s8, s13;
	[dreg:$0x7] =	wrdreg s12  }
0x13: {  	s9 =	sadd.s32 s3, s2;
	s3 =	simm.s32 $0x6;
	[dreg:$0x8] =	wrdreg s6  }
0x14: {  	s0 =	sadd.s32 s10, s0;
	s6 =	sadd.s32 s8, s17;
	s12 =	smax.u32 s5, $0x1  }
0x15: {  	s5 =	simm.s32 $0x9;
	s19 =	sadd.s32 $0x2D0, s0;
	[dreg:$0xc] =	wrdreg s6  }
0x16: {  	s23 =	sadd.s32 $0x280, s0;
	s24 =	sadd.s32 $0x230, s0;
	s0 =	sadd.s32 $0x1E0, s0  }
0x17: {  	s21 =	sshrl.u32 s19, $0x3;
	s4 =	sshrl.u32 s23, $0x3;
	s26 =	sshrl.u32 s24, $0x3  }
0x18: {  	s22 =	sadd.s32 s21, s8;
	s6 =	sadd.s32 s21, s7;
	s21 =	rddreg [dreg:$0x1]  }
0x19: {  	s0 =	sshrl.u32 s0, $0x3;
	s24 =	sadd.s32 $0x18000, s2;
	[dreg:$0xf] =	wrdreg s22  }
0x1a: {  	s2 =	simm.s32 $0x4;
	s25 =	sadd.s32 s4, s8;
	[dreg:$0x10] =	wrdreg s6  }
0x1b: {  	s17 =	sadd.s32 s4, s7;
	s23 =	sadd.s32 s0, s7;
	[dreg:$0x11] =	wrdreg s25  }
0x1c: {  	s6 =	smul.u32 $0x50000, s11;
	s22 =	sadd.s32 s0, s8;
	s0 =	sadd.s32 $0x3F200, s9  }
0x1d: {  	s18 =	sadd.s32 s26, s8;
	_ =	strace $0x80000050;
	[dreg:$0x13] =	wrdreg s0  }
0x1e: {  	s19 =	sadd.s32 s26, s7;
	[dreg:$0x14] =	wrdreg s12;
	s10 =	sshrl.u32 s6, $0x2  }
0x1f: {  	s4 =	simm.s32 $0x400;
	[dreg:$0x1e] =	wrdreg s17;
	s11 =	sadd.s32 s10, s21  }
0x20: {  	s7 =	simm.s32 $0x80;
	s13 =	sadd.s32 $0x2800, s11;
	[dreg:$0x12] =	wrdreg s11  }
0x21: {  	s8 =	simm.s32 $0x280;
	s14 =	sadd.s32 $0x5000, s11;
	[dreg:$0x15] =	wrdreg s13  }
0x22: {  	s9 =	simm.s32 $0x50;
	s15 =	sadd.s32 $0x7800, s11;
	[dreg:$0x16] =	wrdreg s14  }
0x23: {  	s12 =	simm.s32 $0x100;
	s16 =	sadd.s32 $0xA000, s11;
	[dreg:$0x17] =	wrdreg s15  }
0x24: {  	s0 =	simm.s32 $0x5;
	s20 =	sadd.s32 $0xC800, s11;
	[dreg:$0x18] =	wrdreg s16  }
.Ltmp0:
0x25: {  	s25 =	sadd.s32 $0xF000, s11;
	[dreg:$0x19] =	wrdreg s20;
	(pc) =	sbr.rel .LBB2_1-.Ltmp0, $4  }
0x26: {  	s6 =	simm.s32 $0x200;
	s26 =	sadd.s32 $0x11800, s11;
	[dreg:$0x1a] =	wrdreg s25  }
0x27: {  	s10 =	simm.s32 $0x2C00;
	s11 =	simm.s32 $0x1;
	[dreg:$0x1b] =	wrdreg s26  }
0x28: {  	s13 =	simm.s32 $0x300;
	s26 =	simm.s32 $0x5400;
	s20 =	simm.s32 $0x3  }
0x29: {  	v0 =	vimm.f32 $0.0e+00;
	s25 =	simm.s32 $0x7;
	s14 =	simm.s32 $0x8;
	s16 =	simm.s32 $0x0  }
.LBB2_6:
0x2a: {  	_ =	swait.ge [sflag:s11], $0x2800  }
0x2b: {  	[sflag:s11] =	ssyncset.done $0x0  }
0x2c: {  	[sflag:s11] =	ssyncadd.s32 $0xFFFFD800  }
0x2d: {  	_ =	swait.ge [sflag:s25], $0x2800  }
0x2e: {  	[sflag:s25] =	ssyncset.done $0x0  }
0x2f: {  	[sflag:s25] =	ssyncadd.s32 $0xFFFFD800  }
0x30: {  	[spmem:s21] =	stream.indirect.scatter.add.f32 [tilespmem:s4], [sflag:$0x5], $0x80, s6, s9, $0xb8;
	[tilespmem:$0x1E400] =	vst v63  }
0x31: {  	_ =	swait.ge [sflag:s14], $0x2800  }
0x32: {  	[sflag:s14] =	ssyncset.done $0x0  }
0x33: {  	[sflag:s14] =	ssyncadd.s32 $0xFFFFD800  }
0x34: {  	_ =	swait.ge [sflag:s0], $0x2800  }
0x35: {  	s15 =	stileid.u32;
	[sflag:s0] =	ssyncset.done $0x0  }
0x36: {  	s15 =	sshll.u32 s15, $0x6;
	[sflag:s0] =	ssyncadd.s32 $0xFFFFD800  }
0x37: {  	s15 =	sor.u32 $0x1C09, s15;
	[bflag:$0x0] =	sbarrier.arrive $0xFFFF  }
0x38: {  	[dreg:$0x1d] =	wrdreg s15  }
0x39: {  	s16 =	rddreg [dreg:$0x12]  }
0x3a: {  	s15 =	rddreg [dreg:$0x13]  }
0x3b: {  	s16 =	sshrl.u32 s16, $0x3;
	s17 =	rddreg [dreg:$0x1d]  }
0x3c: {  	[hbm:s15], [sflag:s17] =	dma.local [spmem:s16], $0x2800  }
0x3d: {  	s17 =	rddreg [dreg:$0x1e];
	_ =	swait.ge [sflag:s5], $0x2800  }
0x3e: {  	s15 =	rddreg [dreg:$0x1c]  }
0x3f: {  	s16 =	sadd.s32 $0x1, s15;
	s15 =	rddreg [dreg:$0x14]  }
0x40: {  	p0 =	sne.s32 s16, s15  }
.Ltmp1:
0x41: {  	_ = 	snop;
	(pc) =	sbr.rel @!p0 .LBB2_7-.Ltmp1, $3  }
0x42: {  	_ =	sdelay $0x1  }
0x43: {  	[sflag:s5] =	ssyncset.done $0x0  }
0x44: {  	[sflag:s5] =	ssyncadd.s32 $0xFFFFD800  }
.LBB2_1:
0x45: {  	[dreg:$0x1c] =	wrdreg s16;
	s15 =	simm.s32 $0x0;
	s16 =	simm.s32 $0x200  }
.LBB2_2:
0x46: {  	p0 =	sne.s32 s16, $0x9E00;
	[tilespmem:s15+$0x470] =	vst v0  }
0x47: {  	[tilespmem:s15+$0x400] =	vst v0  }
0x48: {  	[tilespmem:s15+$0x410] =	vst v0  }
.Ltmp2:
0x49: {  	[tilespmem:s15+$0x420] =	vst v0;
	(pc) =	sbr.rel @p0 .LBB2_2-.Ltmp2, $4  }
0x4a: {  	[tilespmem:s15+$0x430] =	vst v0  }
0x4b: {  	[tilespmem:s15+$0x440] =	vst v0  }
0x4c: {  	[tilespmem:s15+$0x450] =	vst v0  }
0x4d: {  	[tilespmem:s15+$0x460] =	vst v0;
	s15 =	sshra.s32 s16, $0x2;
	s16 =	sadd.s32 $0x200, s16  }
0x4e: {  	[tilespmem:s15+$0x470] =	vst v0  }
0x4f: {  	[tilespmem:s15+$0x400] =	vst v0  }
0x50: {  	[tilespmem:s15+$0x410] =	vst v0  }
0x51: {  	[tilespmem:s15+$0x420] =	vst v0  }
0x52: {  	[tilespmem:s15+$0x430] =	vst v0  }
0x53: {  	[tilespmem:s15+$0x440] =	vst v0  }
0x54: {  	[tilespmem:s15+$0x450] =	vst v0  }
0x55: {  	[tilespmem:s15+$0x460] =	vst v0;
	s16 =	rddreg [dreg:$0x12]  }
0x56: {  	[spmem:s16] =	stream.linear.scatter [tilespmem:s4], [sflag:$0x9], $0x2800, $0x38;
	[tilespmem:$0x1E400] =	vst v63  }
0x57: {  	_ =	swait.ge [sflag:s5], $0x2800  }
0x58: {  	[sflag:s5] =	ssyncset.done $0x0  }
0x59: {  	s16 =	rddreg [dreg:$0x15];
	[sflag:s5] =	ssyncadd.s32 $0xFFFFD800  }
0x5a: {  	[spmem:s16] =	stream.linear.scatter [tilespmem:s4], [sflag:$0x9], $0x2800, $0x38;
	[tilespmem:$0x1E400] =	vst v63  }
0x5b: {  	_ =	swait.ge [sflag:s5], $0x2800  }
0x5c: {  	[sflag:s5] =	ssyncset.done $0x0  }
0x5d: {  	s16 =	rddreg [dreg:$0x16];
	[sflag:s5] =	ssyncadd.s32 $0xFFFFD800  }
0x5e: {  	[spmem:s16] =	stream.linear.scatter [tilespmem:s4], [sflag:$0x9], $0x2800, $0x38;
	[tilespmem:$0x1E400] =	vst v63  }
0x5f: {  	_ =	swait.ge [sflag:s5], $0x2800  }
0x60: {  	[sflag:s5] =	ssyncset.done $0x0  }
0x61: {  	s16 =	rddreg [dreg:$0x17];
	[sflag:s5] =	ssyncadd.s32 $0xFFFFD800  }
0x62: {  	[spmem:s16] =	stream.linear.scatter [tilespmem:s4], [sflag:$0x9], $0x2800, $0x38;
	[tilespmem:$0x1E400] =	vst v63  }
0x63: {  	_ =	swait.ge [sflag:s5], $0x2800  }
0x64: {  	[sflag:s5] =	ssyncset.done $0x0  }
0x65: {  	s16 =	rddreg [dreg:$0x18];
	[sflag:s5] =	ssyncadd.s32 $0xFFFFD800  }
0x66: {  	[spmem:s16] =	stream.linear.scatter [tilespmem:s4], [sflag:$0x9], $0x2800, $0x38;
	[tilespmem:$0x1E400] =	vst v63  }
0x67: {  	_ =	swait.ge [sflag:s5], $0x2800  }
0x68: {  	[sflag:s5] =	ssyncset.done $0x0  }
0x69: {  	s16 =	rddreg [dreg:$0x19];
	[sflag:s5] =	ssyncadd.s32 $0xFFFFD800  }
0x6a: {  	[spmem:s16] =	stream.linear.scatter [tilespmem:s4], [sflag:$0x9], $0x2800, $0x38;
	[tilespmem:$0x1E400] =	vst v63  }
0x6b: {  	_ =	swait.ge [sflag:s5], $0x2800  }
0x6c: {  	[sflag:s5] =	ssyncset.done $0x0  }
0x6d: {  	s16 =	rddreg [dreg:$0x1a];
	[sflag:s5] =	ssyncadd.s32 $0xFFFFD800  }
0x6e: {  	[spmem:s16] =	stream.linear.scatter [tilespmem:s4], [sflag:$0x9], $0x2800, $0x38;
	[tilespmem:$0x1E400] =	vst v63  }
0x6f: {  	_ =	swait.ge [sflag:s5], $0x2800  }
0x70: {  	[sflag:s5] =	ssyncset.done $0x0  }
0x71: {  	s16 =	rddreg [dreg:$0x1b];
	[sflag:s5] =	ssyncadd.s32 $0xFFFFD800  }
0x72: {  	[spmem:s16] =	stream.linear.scatter [tilespmem:s4], [sflag:$0x9], $0x2800, $0x38;
	[tilespmem:$0x1E400] =	vst v63  }
0x73: {  	_ =	swait.ge [sflag:s5], $0x2800  }
0x74: {  	[sflag:s5] =	ssyncset.done $0x0  }
0x75: {  	s15 =	simm.s32 $0x0;
	s16 =	rddreg [dreg:$0x3];
	[sflag:s5] =	ssyncadd.s32 $0xFFFFD800  }
0x76: {  	[tilespmem:s15], [sflag:$0x9] =	stream.linear.gather [hbm4b:s16+s15], $0x50, $0x38;
	[tilespmem:$0x1E400] =	vst v63  }
0x77: {  	_ =	swait.ge [sflag:s5], $0x50  }
0x78: {  	[sflag:s5] =	ssyncset.done $0x0  }
0x79: {  	s16 =	rddreg [dreg:$0x4];
	[sflag:s5] =	ssyncadd.s32 $0xFFFFFFB0  }
0x7a: {  	[tilespmem:s6], [sflag:$0x9] =	stream.linear.gather [hbm4b:s16+s15], $0x50, $0x38;
	[tilespmem:$0x1E400] =	vst v63  }
0x7b: {  	_ =	swait.ge [sflag:s5], $0x50  }
0x7c: {  	[sflag:s5] =	ssyncset.done $0x0  }
0x7d: {  	s16 =	rddreg [dreg:$0x5];
	[sflag:s5] =	ssyncadd.s32 $0xFFFFFFB0  }
0x7e: {  	[tilespmem:s7], [sflag:$0x9] =	stream.linear.gather [hbm4b:s16+s15], $0x50, $0x38;
	[tilespmem:$0x1E400] =	vst v63  }
0x7f: {  	_ =	swait.ge [sflag:s5], $0x50  }
0x80: {  	[sflag:s5] =	ssyncset.done $0x0  }
0x81: {  	s16 =	rddreg [dreg:$0x6];
	[sflag:s5] =	ssyncadd.s32 $0xFFFFFFB0  }
0x82: {  	[tilespmem:s8], [sflag:$0x9] =	stream.linear.gather [hbm4b:s16+s15], $0x50, $0x38;
	[tilespmem:$0x1E400] =	vst v63  }
0x83: {  	_ =	swait.ge [sflag:s5], $0x50  }
0x84: {  	[sflag:s5] =	ssyncset.done $0x0  }
0x85: {  	[sflag:s5] =	ssyncadd.s32 $0xFFFFFFB0  }
0x86: {  	[tilespmem:s4], [sflag:$0x1] =	stream.indirect.gather [hbm4b:s24+s9], $0x80, s15, s9, $0xb8;
	[tilespmem:$0x1E400] =	vst v63  }
0x87: {  	_ = 	snop  }
0x88: {  	[tilespmem:s10], [sflag:$0x2] =	stream.indirect.gather [hbm4b:s24+s9], $0x80, s7, s9, $0xb8;
	[tilespmem:$0x1E400] =	vst v63  }
0x89: {  	[bflag:$0x0] =	sbarrier.arrive $0xFFFF  }
0x8a: {  	_ =	swait.ge [sflag:s11], $0x2800  }
0x8b: {  	[sflag:s11] =	ssyncset.done $0x0  }
0x8c: {  	[sflag:s11] =	ssyncadd.s32 $0xFFFFD800  }
0x8d: {  	[spmem:s21] =	stream.indirect.scatter.add.f32 [tilespmem:s4], [sflag:$0x5], $0x80, s6, s9, $0xb8;
	[tilespmem:$0x1E400] =	vst v63  }
0x8e: {  	s16 =	rddreg [dreg:$0x7]  }
0x8f: {  	[tilespmem:s12], [sflag:$0x9] =	stream.linear.gather [hbm4b:s16+s15], $0x50, $0x38;
	[tilespmem:$0x1E400] =	vst v63  }
0x90: {  	_ =	swait.ge [sflag:s5], $0x50  }
0x91: {  	[sflag:s5] =	ssyncset.done $0x0  }
0x92: {  	s16 =	rddreg [dreg:$0x8];
	[sflag:s5] =	ssyncadd.s32 $0xFFFFFFB0  }
0x93: {  	[tilespmem:s13], [sflag:$0x9] =	stream.linear.gather [hbm4b:s16+s15], $0x50, $0x38;
	[tilespmem:$0x1E400] =	vst v63  }
0x94: {  	_ =	swait.ge [sflag:s5], $0x50  }
0x95: {  	[sflag:s5] =	ssyncset.done $0x0  }
0x96: {  	[sflag:s5] =	ssyncadd.s32 $0xFFFFFFB0  }
0x97: {  	[tilespmem:s26], [sflag:$0x3] =	stream.indirect.gather [hbm4b:s24+s9], $0x80, s12, s9, $0xb8;
	[tilespmem:$0x1E400] =	vst v63  }
0x98: {  	_ =	swait.ge [sflag:s28], $0x2800  }
0x99: {  	[sflag:s28] =	ssyncset.done $0x0  }
0x9a: {  	[sflag:s28] =	ssyncadd.s32 $0xFFFFD800  }
0x9b: {  	[spmem:s21] =	stream.indirect.scatter.add.f32 [tilespmem:s10], [sflag:$0x6], $0x80, s8, s9, $0xb8;
	[tilespmem:$0x1E400] =	vst v63  }
0x9c: {  	s16 =	rddreg [dreg:$0x9]  }
0x9d: {  	[tilespmem:s29], [sflag:$0x9] =	stream.linear.gather [hbm4b:s16+s15], $0x50, $0x38;
	[tilespmem:$0x1E400] =	vst v63  }
0x9e: {  	_ =	swait.ge [sflag:s5], $0x50  }
0x9f: {  	[sflag:s5] =	ssyncset.done $0x0  }
0xa0: {  	s16 =	rddreg [dreg:$0xa];
	[sflag:s5] =	ssyncadd.s32 $0xFFFFFFB0  }
0xa1: {  	[tilespmem:s30], [sflag:$0x9] =	stream.linear.gather [hbm4b:s16+s15], $0x50, $0x38;
	[tilespmem:$0x1E400] =	vst v63  }
0xa2: {  	_ =	swait.ge [sflag:s5], $0x50  }
0xa3: {  	[sflag:s5] =	ssyncset.done $0x0  }
0xa4: {  	[sflag:s5] =	ssyncadd.s32 $0xFFFFFFB0  }
0xa5: {  	[tilespmem:s31], [sflag:$0x4] =	stream.indirect.gather [hbm4b:s24+s9], $0x80, s29, s9, $0xb8;
	[tilespmem:$0x1E400] =	vst v63  }
0xa6: {  	_ =	swait.ge [sflag:s20], $0x2800  }
0xa7: {  	[sflag:s20] =	ssyncset.done $0x0  }
0xa8: {  	[sflag:s20] =	ssyncadd.s32 $0xFFFFD800  }
0xa9: {  	_ =	swait.ge [sflag:s0], $0x2800  }
0xaa: {  	[sflag:s0] =	ssyncset.done $0x0  }
0xab: {  	[sflag:s0] =	ssyncadd.s32 $0xFFFFD800  }
0xac: {  	[spmem:s21] =	stream.indirect.scatter.add.f32 [tilespmem:s26], [sflag:$0x7], $0x80, s13, s9, $0xb8;
	[tilespmem:$0x1E400] =	vst v63  }
0xad: {  	s16 =	rddreg [dreg:$0xb]  }
0xae: {  	[tilespmem:s15], [sflag:$0x9] =	stream.linear.gather [hbm4b:s16+s15], $0x50, $0x38;
	[tilespmem:$0x1E400] =	vst v63  }
0xaf: {  	_ =	swait.ge [sflag:s5], $0x50  }
0xb0: {  	[sflag:s5] =	ssyncset.done $0x0  }
0xb1: {  	s16 =	rddreg [dreg:$0xc];
	[sflag:s5] =	ssyncadd.s32 $0xFFFFFFB0  }
0xb2: {  	[tilespmem:s6], [sflag:$0x9] =	stream.linear.gather [hbm4b:s16+s15], $0x50, $0x38;
	[tilespmem:$0x1E400] =	vst v63  }
0xb3: {  	_ =	swait.ge [sflag:s5], $0x50  }
0xb4: {  	[sflag:s5] =	ssyncset.done $0x0  }
0xb5: {  	[sflag:s5] =	ssyncadd.s32 $0xFFFFFFB0  }
0xb6: {  	[tilespmem:s4], [sflag:$0x1] =	stream.indirect.gather [hbm4b:s24+s9], $0x80, s15, s9, $0xb8;
	[tilespmem:$0x1E400] =	vst v63  }
0xb7: {  	_ =	swait.ge [sflag:s2], $0x2800  }
0xb8: {  	[sflag:s2] =	ssyncset.done $0x0  }
0xb9: {  	[sflag:s2] =	ssyncadd.s32 $0xFFFFD800  }
0xba: {  	_ =	swait.ge [sflag:s3], $0x2800  }
0xbb: {  	[sflag:s3] =	ssyncset.done $0x0  }
0xbc: {  	[sflag:s3] =	ssyncadd.s32 $0xFFFFD800  }
0xbd: {  	[spmem:s21] =	stream.indirect.scatter.add.f32 [tilespmem:s31], [sflag:$0x8], $0x80, s30, s9, $0xb8;
	[tilespmem:$0x1E400] =	vst v63  }
0xbe: {  	s16 =	rddreg [dreg:$0xd]  }
0xbf: {  	[tilespmem:s7], [sflag:$0x9] =	stream.linear.gather [hbm4b:s16+s15], $0x50, $0x38;
	[tilespmem:$0x1E400] =	vst v63  }
0xc0: {  	_ =	swait.ge [sflag:s5], $0x50  }
0xc1: {  	[sflag:s5] =	ssyncset.done $0x0  }
0xc2: {  	s16 =	rddreg [dreg:$0xe];
	[sflag:s5] =	ssyncadd.s32 $0xFFFFFFB0  }
0xc3: {  	[tilespmem:s8], [sflag:$0x9] =	stream.linear.gather [hbm4b:s16+s15], $0x50, $0x38;
	[tilespmem:$0x1E400] =	vst v63  }
0xc4: {  	_ =	swait.ge [sflag:s5], $0x50  }
0xc5: {  	[sflag:s5] =	ssyncset.done $0x0  }
0xc6: {  	[sflag:s5] =	ssyncadd.s32 $0xFFFFFFB0  }
0xc7: {  	[tilespmem:s10], [sflag:$0x2] =	stream.indirect.gather [hbm4b:s24+s9], $0x80, s7, s9, $0xb8;
	[tilespmem:$0x1E400] =	vst v63  }
.LBB2_4:
0xc8: {  	_ =	swait.ge [sflag:s11], $0x2800  }
0xc9: {  	[sflag:s11] =	ssyncset.done $0x0  }
0xca: {  	[sflag:s11] =	ssyncadd.s32 $0xFFFFD800  }
0xcb: {  	_ =	swait.ge [sflag:s25], $0x2800  }
0xcc: {  	[sflag:s25] =	ssyncset.done $0x0  }
0xcd: {  	[sflag:s25] =	ssyncadd.s32 $0xFFFFD800  }
0xce: {  	[spmem:s21] =	stream.indirect.scatter.add.f32 [tilespmem:s4], [sflag:$0x5], $0x80, s6, s9, $0xb8;
	[tilespmem:$0x1E400] =	vst v63  }
0xcf: {  	s16 =	sadd.s32 s15, s23  }
0xd0: {  	[tilespmem:s12], [sflag:$0x9] =	stream.linear.gather [hbm4b:s16+s1], $0x50, $0x38;
	[tilespmem:$0x1E400] =	vst v63  }
0xd1: {  	_ =	swait.ge [sflag:s5], $0x50  }
0xd2: {  	[sflag:s5] =	ssyncset.done $0x0  }
0xd3: {  	s16 =	sadd.s32 s15, s22;
	[sflag:s5] =	ssyncadd.s32 $0xFFFFFFB0  }
0xd4: {  	[tilespmem:s13], [sflag:$0x9] =	stream.linear.gather [hbm4b:s16+s1], $0x50, $0x38;
	[tilespmem:$0x1E400] =	vst v63  }
0xd5: {  	_ =	swait.ge [sflag:s5], $0x50  }
0xd6: {  	[sflag:s5] =	ssyncset.done $0x0  }
0xd7: {  	[sflag:s5] =	ssyncadd.s32 $0xFFFFFFB0  }
0xd8: {  	[tilespmem:s26], [sflag:$0x3] =	stream.indirect.gather [hbm4b:s24+s9], $0x80, s12, s9, $0xb8;
	[tilespmem:$0x1E400] =	vst v63  }
0xd9: {  	_ =	swait.ge [sflag:s28], $0x2800  }
0xda: {  	[sflag:s28] =	ssyncset.done $0x0  }
0xdb: {  	[sflag:s28] =	ssyncadd.s32 $0xFFFFD800  }
0xdc: {  	_ =	swait.ge [sflag:s14], $0x2800  }
0xdd: {  	[sflag:s14] =	ssyncset.done $0x0  }
0xde: {  	[sflag:s14] =	ssyncadd.s32 $0xFFFFD800  }
0xdf: {  	[spmem:s21] =	stream.indirect.scatter.add.f32 [tilespmem:s10], [sflag:$0x6], $0x80, s8, s9, $0xb8;
	[tilespmem:$0x1E400] =	vst v63  }
0xe0: {  	s16 =	sadd.s32 s15, s19  }
0xe1: {  	[tilespmem:s29], [sflag:$0x9] =	stream.linear.gather [hbm4b:s16+s1], $0x50, $0x38;
	[tilespmem:$0x1E400] =	vst v63  }
0xe2: {  	_ =	swait.ge [sflag:s5], $0x50  }
0xe3: {  	[sflag:s5] =	ssyncset.done $0x0  }
0xe4: {  	s16 =	sadd.s32 s15, s18;
	[sflag:s5] =	ssyncadd.s32 $0xFFFFFFB0  }
0xe5: {  	[tilespmem:s30], [sflag:$0x9] =	stream.linear.gather [hbm4b:s16+s1], $0x50, $0x38;
	[tilespmem:$0x1E400] =	vst v63  }
0xe6: {  	_ =	swait.ge [sflag:s5], $0x50  }
0xe7: {  	[sflag:s5] =	ssyncset.done $0x0  }
0xe8: {  	[sflag:s5] =	ssyncadd.s32 $0xFFFFFFB0  }
0xe9: {  	[tilespmem:s31], [sflag:$0x4] =	stream.indirect.gather [hbm4b:s24+s9], $0x80, s29, s9, $0xb8;
	[tilespmem:$0x1E400] =	vst v63  }
0xea: {  	_ =	swait.ge [sflag:s20], $0x2800  }
0xeb: {  	[sflag:s20] =	ssyncset.done $0x0  }
0xec: {  	[sflag:s20] =	ssyncadd.s32 $0xFFFFD800  }
0xed: {  	_ =	swait.ge [sflag:s0], $0x2800  }
0xee: {  	[sflag:s0] =	ssyncset.done $0x0  }
0xef: {  	[sflag:s0] =	ssyncadd.s32 $0xFFFFD800  }
0xf0: {  	[spmem:s21] =	stream.indirect.scatter.add.f32 [tilespmem:s26], [sflag:$0x7], $0x80, s13, s9, $0xb8;
	[tilespmem:$0x1E400] =	vst v63  }
0xf1: {  	s16 =	sadd.s32 s15, s17  }
0xf2: {  	[tilespmem:s1], [sflag:$0x9] =	stream.linear.gather [hbm4b:s16+s1], $0x50, $0x38;
	[tilespmem:$0x1E400] =	vst v63  }
0xf3: {  	_ =	swait.ge [sflag:s5], $0x50  }
0xf4: {  	[sflag:s5] =	ssyncset.done $0x0;
	s16 =	rddreg [dreg:$0x11]  }
0xf5: {  	[sflag:s5] =	ssyncadd.s32 $0xFFFFFFB0;
	s16 =	sadd.s32 s15, s16  }
0xf6: {  	[tilespmem:s6], [sflag:$0x9] =	stream.linear.gather [hbm4b:s16+s1], $0x50, $0x38;
	[tilespmem:$0x1E400] =	vst v63  }
0xf7: {  	_ =	swait.ge [sflag:s5], $0x50  }
0xf8: {  	[sflag:s5] =	ssyncset.done $0x0  }
0xf9: {  	[sflag:s5] =	ssyncadd.s32 $0xFFFFFFB0  }
0xfa: {  	[tilespmem:s4], [sflag:$0x1] =	stream.indirect.gather [hbm4b:s24+s9], $0x80, s1, s9, $0xb8;
	[tilespmem:$0x1E400] =	vst v63  }
0xfb: {  	_ =	swait.ge [sflag:s2], $0x2800  }
0xfc: {  	p0 =	seq.s32 s15, $0x488;
	[sflag:s2] =	ssyncset.done $0x0  }
.Ltmp3:
0xfd: {  	[sflag:s2] =	ssyncadd.s32 $0xFFFFD800;
	(pc) =	sbr.rel @p0 .LBB2_6-.Ltmp3, $4  }
0xfe: {  	_ =	swait.ge [sflag:s3], $0x2800  }
0xff: {  	[sflag:s3] =	ssyncset.done $0x0  }
0x100: {  	[sflag:s3] =	ssyncadd.s32 $0xFFFFD800  }
0x101: {  	[spmem:s21] =	stream.indirect.scatter.add.f32 [tilespmem:s31], [sflag:$0x8], $0x80, s30, s9, $0xb8;
	[tilespmem:$0x1E400] =	vst v63  }
0x102: {  	s16 =	rddreg [dreg:$0x10]  }
0x103: {  	s16 =	sadd.s32 s15, s16  }
0x104: {  	[tilespmem:s7], [sflag:$0x9] =	stream.linear.gather [hbm4b:s16+s1], $0x50, $0x38;
	[tilespmem:$0x1E400] =	vst v63  }
0x105: {  	_ =	swait.ge [sflag:s5], $0x50  }
0x106: {  	[sflag:s5] =	ssyncset.done $0x0;
	s16 =	rddreg [dreg:$0xf]  }
0x107: {  	[sflag:s5] =	ssyncadd.s32 $0xFFFFFFB0;
	s16 =	sadd.s32 s15, s16  }
0x108: {  	[tilespmem:s8], [sflag:$0x9] =	stream.linear.gather [hbm4b:s16+s1], $0x50, $0x38;
	[tilespmem:$0x1E400] =	vst v63  }
.Ltmp4:
0x109: {  	_ = 	snop;
	(pc) =	sbr.rel .LBB2_4-.Ltmp4, $4  }
0x10a: {  	_ =	swait.ge [sflag:s5], $0x50  }
0x10b: {  	[sflag:s5] =	ssyncset.done $0x0  }
0x10c: {  	s15 =	sadd.s32 $0x28, s15;
	[sflag:s5] =	ssyncadd.s32 $0xFFFFFFB0  }
0x10d: {  	[tilespmem:s10], [sflag:$0x2] =	stream.indirect.gather [hbm4b:s24+s9], $0x80, s7, s9, $0xb8;
	[tilespmem:$0x1E400] =	vst v63  }
.LBB2_7:
0x10e: {  	_ =	sfence.sel $0x180000  }
0x10f: {  	[bflag:$0x0] =	sbarrier.arrive $0xFFFF  }
0x110: {  	_ =	strace $0x90000050  }
0x111: {  	s0 =	stileid.u32;
	[bflag:$0x2] =	sbarrier.arrive $0xFFFF  }
0x112: {  	p0 =	sne.s32 s0, $0x0;
	s0 =	rddreg [dreg:$0x2]  }
0x113: {  	s0 =	sadd.s32 @!p0 $0x100000, s0  }
0x114: {  	[sflag:s0] =	ssyncadd.tile.s32 @!p0 $0x1;
	_ =	shalt  }
.Lfunc_end2:
_tile_overlayer_lowered:
.L_overlay_start_2:
0x115: {  	(tag) =	ssettag $0x2  }
0x116: {  	s0 =	rddreg [dreg:$0x0];
	s2 =	stileid.u32  }
0x117: {  	s1 =	rddreg [dreg:$0x1];
	p0 =	sne.s32 s2, $0x0  }
0x118: {  	s3 =	rddreg [dreg:$0x2];
	[bflag:$0x3] =	sbarrier.arrive $0xFFFF;
	s2 =	simm.s32 @!p0 $0x1C09  }
0x119: {  	[timem:s3], [sflag:s2] =	dma.local @!p0 [hbm:s0], s1  }
0x11a: {  	s0 =	simm.s32 @!p0 $0x9  }
0x11b: {  	_ =	swait.ge @!p0 [sflag:s0], s1  }
0x11c: {  	s1 =	ssub.s32 @!p0 $0x0, s1;
	[sflag:s0] =	ssyncset.done @!p0 $0x0  }
0x11d: {  	[sflag:s0] =	ssyncadd.s32 @!p0 s1  }
0x11e: {  	[bflag:$0x3] =	sbarrier.arrive $0xFFFF  }
0x11f: {  	_ =	shalt  }

// kernel: kernel.26.cloned.1.call-start
scs
__scs_entry_jumppad:
0x0: {  	(pc) =	sbr.rel $0x88, $3  }
0x1: {  	(tag) =	ssettag $0x0;
	lr =	simm.s32 $0x1  }
0x2: {  	[smem:$0x3F93] =	sst lr;
	_ =	strace $0xD0000000  }
0x3: {  	_ = 	snop  }
0x4: {  	_ = 	snop  }
0x5: {  	_ = 	snop  }
0x6: {  	_ = 	snop  }
0x7: {  	_ = 	snop  }
__scs_overlays_trampoline_lowered:
0x8: {  	[smem:$0x3FA2] =	sst s0  }
0x9: {  	[smem:$0x3FA3] =	sst s1  }
0xa: {  	[smem:$0x3FA4] =	sst s2  }
0xb: {  	[smem:$0x3FA5] =	sst s3  }
0xc: {  	[smem:$0x3FA6] =	sst s4  }
0xd: {  	[smem:$0x3FA7] =	sst s5  }
0xe: {  	[smem:$0x3FA8] =	sst s6  }
0xf: {  	[smem:$0x3FA9] =	sst s7  }
0x10: {  	[smem:$0x3FAA] =	sst s8  }
0x11: {  	[smem:$0x3FAB] =	sst s9;
	s0 =	simm.s32 @!p0 $0x0  }
0x12: {  	s1 =	sld [smem:$0x3F91];
	s0 =	simm.s32 @p0 $0x1  }
0x13: {  	[smem:$0x3FAC] =	sst s0;
	s0 =	simm.s32 @!p1 $0x0  }
0x14: {  	s2 =	sld [smem:$0x3F90];
	s0 =	simm.s32 @p1 $0x1  }
0x15: {  	[smem:$0x3FAD] =	sst s0;
	s0 =	simm.s32 @!p2 $0x0  }
0x16: {  	s3 =	sld [smem:$0x3FDB];
	s0 =	simm.s32 @p2 $0x1  }
0x17: {  	s4 =	simm.s32 $0x1BF5;
	[smem:$0x3FAF] =	sst s0  }
0x18: {  	s0 =	sld [smem:$0x3F92];
	_ =	swait.ge [sflag:s4], $0x0  }
0x19: {  	s7 =	sld [smem:$0x3F93]  }
0x1a: {  	s8 =	sadd.s32 $0xFFFFE003, lr  }
0x1b: {  	s9 =	sadd.s32 $0xFFFFFEF7, lr;
	s5 =	simm.s32 $0xFFFFFFFF;
	p2 =	slt.u32 s8, $0xFFFFF086  }
0x1c: {  	p1 =	slt.u32 s9, $0xF7A;
	s5 =	simm.s32 @!p2 $0x0  }
0x1d: {  	s5 =	simm.s32 @p1 $0x1;
	p0 =	seq.s32 s7, s2  }
0x1e: {  	s7 =	smul.u32 @!p0 $0xF7A, s2;
	p2 =	seq.s32 @!p0 s5, $0x0  }
0x1f: {  	s9 =	smul.u32 $0xF7A, s1;
	s8 =	simm.s32 @!p0 $0x1BF5;
	p2 =	por !p2, p0  }
0x20: {  	[sflag:s8] =	ssyncset.s32 @!p0 $0xFFFFF086;
	s6 =	sadd.s32 @!p0 s3, s7;
	s7 =	simm.s32 @!p0 $0x108  }
0x21: {  	s3 =	sadd.s32 s3, s9;
	s6 =	sadd.s32 @!p0 $0x88, s6;
	s7 =	simm.s32 @p2 $0x1082  }
0x22: {  	[simem:s7], [sflag:s8] =	dma.local @!p0 [hbm:s6], $0xF7A  }
0x23: {  	s9 =	sor.u32 $0xD0000000, s2;
	s6 =	simm.s32 $0x108;
	_ =	swait.ge @!p0 [sflag:s8], $0x0  }
0x24: {  	s3 =	sadd.s32 $0x88, s3;
	s6 =	simm.s32 @!p1 $0x1082;
	[sflag:s4] =	ssyncset.s32 $0xFFFFF086  }
0x25: {  	[simem:s6], [sflag:s4] =	dma.local [hbm:s3], $0xF7A  }
0x26: {  	[smem:$0x3F93] =	sst s1;
	(tag) =	ssettag s2;
	_ =	strace s9  }
0x27: {  	s1 =	sld [smem:$0x3FA3]  }
0x28: {  	s2 =	sld [smem:$0x3FA4]  }
0x29: {  	s4 =	sld [smem:$0x3FA6]  }
0x2a: {  	p0 =	seq.s32 s5, $0x0;
	s5 =	sld [smem:$0x3FA7]  }
0x2b: {  	s6 =	sld [smem:$0x3FA8]  }
0x2c: {  	s7 =	sld [smem:$0x3FA9]  }
0x2d: {  	s3 =	simm.s32 $0x108;
	s8 =	sld [smem:$0x3FAA]  }
0x2e: {  	s3 =	simm.s32 @!p0 $0x1082;
	s9 =	sld [smem:$0x3FAB]  }
0x2f: {  	lr =	sadd.s32 s0, s3;
	s0 =	sld [smem:$0x3FA2]  }
0x30: {  	s3 =	sld [smem:$0x3FA5]  }
0x31: {  	[smem:$0x3FAE] =	sst s10  }
0x32: {  	s10 =	sld [smem:$0x3FAC];
	_ =	sdelay $0x3  }
0x33: {  	p0 =	seq.s32 s10, $0x1;
	s10 =	sld [smem:$0x3FAE];
	_ =	sdelay $0x3  }
0x34: {  	[smem:$0x3FAE] =	sst s10  }
0x35: {  	s10 =	sld [smem:$0x3FAD];
	_ =	sdelay $0x3  }
0x36: {  	p1 =	seq.s32 s10, $0x1;
	s10 =	sld [smem:$0x3FAE];
	_ =	sdelay $0x3  }
0x37: {  	[smem:$0x3FAE] =	sst s10  }
0x38: {  	s10 =	sld [smem:$0x3FAF]  }
0x39: {  	_ = 	snop;
	(pc) =	sbr.ind lr, $3  }
0x3a: {  	_ = 	snop  }
0x3b: {  	_ = 	snop  }
0x3c: {  	p2 =	seq.s32 s10, $0x1;
	s10 =	sld [smem:$0x3FAE]  }
0x3d: {  	_ =	shalt  }
0x3e: {  	_ =	shalt  }
0x3f: {  	_ =	shalt  }
0x40: {  	_ =	shalt  }
0x41: {  	_ =	shalt  }
0x42: {  	_ =	shalt  }
0x43: {  	_ =	shalt  }
0x44: {  	_ =	shalt  }
0x45: {  	_ =	shalt  }
0x46: {  	_ =	shalt  }
0x47: {  	_ =	shalt  }
0x48: {  	_ =	shalt  }
0x49: {  	_ =	shalt  }
0x4a: {  	_ =	shalt  }
0x4b: {  	_ =	shalt  }
0x4c: {  	_ =	shalt  }
0x4d: {  	_ =	shalt  }
0x4e: {  	_ =	shalt  }
0x4f: {  	_ =	shalt  }
0x50: {  	_ =	shalt  }
0x51: {  	_ =	shalt  }
0x52: {  	_ =	shalt  }
0x53: {  	_ =	shalt  }
0x54: {  	_ =	shalt  }
0x55: {  	_ =	shalt  }
0x56: {  	_ =	shalt  }
0x57: {  	_ =	shalt  }
0x58: {  	_ =	shalt  }
0x59: {  	_ =	shalt  }
0x5a: {  	_ =	shalt  }
0x5b: {  	_ =	shalt  }
0x5c: {  	_ =	shalt  }
0x5d: {  	_ =	shalt  }
0x5e: {  	_ =	shalt  }
0x5f: {  	_ =	shalt  }
0x60: {  	_ =	shalt  }
0x61: {  	_ =	shalt  }
0x62: {  	_ =	shalt  }
0x63: {  	_ =	shalt  }
0x64: {  	_ =	shalt  }
0x65: {  	_ =	shalt  }
0x66: {  	_ =	shalt  }
0x67: {  	_ =	shalt  }
0x68: {  	_ =	shalt  }
0x69: {  	_ =	shalt  }
0x6a: {  	_ =	shalt  }
0x6b: {  	_ =	shalt  }
0x6c: {  	_ =	shalt  }
0x6d: {  	_ =	shalt  }
0x6e: {  	_ =	shalt  }
0x6f: {  	_ =	shalt  }
0x70: {  	_ =	shalt  }
0x71: {  	_ =	shalt  }
0x72: {  	_ =	shalt  }
0x73: {  	_ =	shalt  }
0x74: {  	_ =	shalt  }
0x75: {  	_ =	shalt  }
0x76: {  	_ =	shalt  }
0x77: {  	_ =	shalt  }
0x78: {  	_ =	shalt  }
0x79: {  	_ =	shalt  }
0x7a: {  	_ =	shalt  }
0x7b: {  	_ =	shalt  }
0x7c: {  	_ =	shalt  }
0x7d: {  	_ =	shalt  }
0x7e: {  	_ =	shalt  }
0x7f: {  	_ =	shalt  }
0x80: {  	_ =	shalt  }
0x81: {  	_ =	shalt  }
0x82: {  	_ =	shalt  }
0x83: {  	_ =	shalt  }
0x84: {  	_ =	shalt  }
0x85: {  	_ =	shalt  }
0x86: {  	_ =	shalt  }
0x87: {  	_ =	shalt  }
.Lfunc_end0:
.L_simem_size_0:
called_computation.4_lowered:
.L_overlay_start_0:
0x88: {  	s2 =	sld [smem:$0x3FD9]  }
0x89: {  	s3 =	sld [smem:$0x3FFE];
	_ =	sdelay $0x1  }
0x8a: {  	s1 =	srdreg.scid  }
0x8b: {  	s0 =	sand.u32 $0x1, s1  }
0x8c: {  	s16 =	sshll.u32 s0, $0xA;
	s2 =	sadd.s32 s3, s2  }
0x8d: {  	s2 =	sadd.s32 s2, s16  }
0x8e: {  	[smem:$0x3FBA] =	sst s2  }
0x8f: {  	_ = 	snop  }
0x90: {  	(tm) =	ssettm $0x1  }
0x91: {  	s17 =	sld [smem:$0x3FFB];
	_ =	sdelay $0x3  }
0x92: {  	_ =	strace s17  }
0x93: {  	s2 =	sld [smem:$0x3FFC];
	_ =	sdelay $0x3  }
0x94: {  	_ =	strace s2  }
0x95: {  	s2 =	sld [smem:$0x3FFD];
	_ =	sdelay $0x3  }
0x96: {  	_ =	strace s2  }
0x97: {  	_ =	strace $0x8FFFFFFF  }
0x98: {  	s18 =	sld [smem:$0x3FDB];
	_ =	sdelay $0x1  }
0x99: {  	s19 =	simm.s32 $_scs_section_size  }
0x9a: {  	s4 =	simm.s32 $_size__tile_overlayer_lowered;
	s5 =	simm.s32 $_tile_overlayer_lowered  }
0x9b: {  	s22 =	simm.s32 $0x1BFF;
	s21 =	sshll.u32 s5, $0x1;
	s2 =	sadd.s32 s19, s18  }
0x9c: {  	s6 =	simm.s32 $0x0;
	s20 =	sshll.u32 s4, $0x1;
	s4 =	sadd.s32 s21, s2  }
0x9d: {  	[timem:s6], [sflag:s22] =	dma.local [hbm:s4], s20  }
0x9e: {  	_ =	swait.ge [sflag:s22], s20  }
0x9f: {  	s3 =	ssub.s32 $0x0, s20;
	[sflag:s22] =	ssyncset.done $0x0  }
0xa0: {  	[sflag:s22] =	ssyncadd.s32 s3;
	_ =	sdelay $0x1  }
0xa1: {  	s23 =	simm.s32 $0x1B8B  }
0xa2: {  	_ =	swait.ge [sflag:s23], $0x1  }
0xa3: {  	[sflag:s23] =	ssyncset.done $0x0  }
0xa4: {  	s25 =	simm.s32 $0x1B8E;
	s24 =	sld [smem:$0x3FFE];
	[sflag:s23] =	ssyncadd.s32 $0xFFFFFFFF  }
0xa5: {  	s26 =	simm.s32 $execute0_lowered;
	[smem:$0x3FD2] =	sst s25  }
0xa6: {  	s4 =	sshll.u32 s26, $0x1;
	_ =	strace $0x80000052;
	[dreg:$0x1] =	wrdreg $0xFFFFFFFF  }
0xa7: {  	s28 =	simm.s32 $_size_execute0_lowered;
	s2 =	sadd.s32 s2, s4;
	[dreg:$0x0] =	wrdreg $0x0  }
0xa8: {  	s4 =	sshll.u32 s28, $0x1;
	[dreg:$0x2] =	wrdreg s2  }
0xa9: {  	[dreg:$0x3] =	wrdreg s4  }
0xaa: {  	[dreg:$0x4] =	wrdreg $0xC0  }
0xab: {  	_ =	task [dreg:s6], $0x5FFFF  }
0xac: {  	[dreg:$0x1] =	wrdreg $0xFFFFFFFF  }
0xad: {  	[dreg:$0x0] =	wrdreg $0x60  }
0xae: {  	[dreg:$0x2] =	wrdreg s24  }
0xaf: {  	[dreg:$0x3] =	wrdreg $0xA4000  }
0xb0: {  	[dreg:$0x4] =	wrdreg $0x9  }
0xb1: {  	_ =	task.clear_ibuf [dreg:s6], $0x5FFFF;
	_ =	strace $0x90000052  }
0xb2: {  	s29 =	simm.s32 $0x9;
	_ =	strace $0x80000054  }
0xb3: {  	_ =	swait.ge [sflag:s29], $0x1  }
0xb4: {  	[sflag:s29] =	ssyncadd.s32 $0xFFFFFFFF  }
0xb5: {  	_ =	strace $0x90000054  }
0xb6: {  	_ =	sfence  }
0xb7: {  	s30 =	sld [smem:$0x0];
	_ =	sdelay $0x2  }
0xb8: {  	s31 =	sshll.u32 s1, $0xD;
	s1 =	sshrl.u32 s1, $0x2  }
0xb9: {  	s3 =	sand.u32 $0x4000, s31;
	s1 =	sadd.s32 s1, s30  }
0xba: {  	s0 =	sor.u32 s3, s0;
	s1 =	sshll.u32 s1, $0x11  }
0xbb: {  	s0 =	sor.u32 s1, s0  }
0xbc: {  	s0 =	sadd.s32 $0x8F2B, s0  }
0xbd: {  	[sflag:s0] =	ssyncadd.remote.s32 $0x1  }
0xbe: {  	_ =	sfence.sel $0xFFFF  }
0xbf: {  	[dreg:$0x0] =	wrdreg $0xFFFFFFFF;
	(pc) =	sbr.abs _section_cstart, $3  }
0xc0: {  	[dreg:$0x1] =	wrdreg $0xFFFFFFFF  }
0xc1: {  	_ =	task.clear_ibuf [dreg:s6], $0x2FFFF;
	_ =	strace $0x9FFFFFFF  }
0xc2: {  	(tm) =	ssettm $0x7FFFFFFF  }
0xc3: {  	_ =	shalt  }
tec
execute0_lowered:
.L_overlay_start_1:
0x0: {  	(tag) =	ssettag $0x1  }
0x1: {  	s0 =	srdreg.scid  }
0x2: {  	s0 =	sand.u32 $0x1, s0  }
0x3: {  	s2 =	rddreg [dreg:$0x0];
	s11 =	stileid.u32;
	s4 =	sshll.u32 s0, $0x4  }
0x4: {  	s1 =	simm.s32 $0x0;
	s5 =	smul.u32 $0x2800, s11;
	s4 =	sor.u32 s11, s4  }
0x5: {  	s28 =	simm.s32 $0x2;
	[smem:$0x7FF] =	sst s1;
	s4 =	smul.u32 $0x2710, s4  }
0x6: {  	s7 =	sadd.s32 $0xE200, s2;
	s3 =	smul.u32 $0x28000, s0;
	s6 =	ssub.s32 $0x2, s0  }
0x7: {  	s8 =	sadd.s32 $0x4400, s2;
	s9 =	sshrl.u32 s6, $0x1;
	s4 =	sshrl.u32 s4, $0x3  }
0x8: {  	s3 =	sadd.s32 s5, s3;
	s5 =	ssub.s32 s6, s9;
	s26 =	sadd.s32 s7, s4  }
0x9: {  	s9 =	sadd.s32 s8, s4;
	s10 =	sadd.s32 $0xA, s4;
	[dreg:$0x3] =	wrdreg s26  }
0xa: {  	s29 =	simm.s32 $0x180;
	[dreg:$0x4] =	wrdreg s9;
	s12 =	sadd.s32 s7, s10  }
0xb: {  	s14 =	sadd.s32 $0x1E, s4;
	s6 =	sadd.s32 s8, s10;
	[dreg:$0x5] =	wrdreg s12  }
0xc: {  	s13 =	sadd.s32 $0x14, s4;
	s15 =	sadd.s32 s7, s14;
	[dreg:$0x6] =	wrdreg s6  }
0xd: {  	s17 =	sadd.s32 $0x28, s4;
	s16 =	sadd.s32 s8, s14;
	[dreg:$0x9] =	wrdreg s15  }
0xe: {  	s4 =	sadd.s32 $0x32, s4;
	s18 =	sadd.s32 s7, s17;
	[dreg:$0xa] =	wrdreg s16  }
0xf: {  	s30 =	simm.s32 $0x380;
	s20 =	sadd.s32 s7, s4;
	[dreg:$0xb] =	wrdreg s18  }
0x10: {  	s31 =	simm.s32 $0x7C00;
	s4 =	sadd.s32 s8, s4;
	[dreg:$0xd] =	wrdreg s20  }
0x11: {  	s0 =	smul.u32 $0x27100, s0;
	s12 =	sadd.s32 s7, s13;
	[dreg:$0xe] =	wrdreg s4  }
0x12: {  	s10 =	smul.u32 $0x2710, s11;
	s6 =	sadd.s32 s8, s13;
	[dreg:$0x7] =	wrdreg s12  }
0x13: {  	s9 =	sadd.s32 s3, s2;
	s3 =	simm.s32 $0x6;
	[dreg:$0x8] =	wrdreg s6  }
0x14: {  	s0 =	sadd.s32 s10, s0;
	s6 =	sadd.s32 s8, s17;
	s12 =	smax.u32 s5, $0x1  }
0x15: {  	s5 =	simm.s32 $0x9;
	s19 =	sadd.s32 $0x2D0, s0;
	[dreg:$0xc] =	wrdreg s6  }
0x16: {  	s23 =	sadd.s32 $0x280, s0;
	s24 =	sadd.s32 $0x230, s0;
	s0 =	sadd.s32 $0x1E0, s0  }
0x17: {  	s21 =	sshrl.u32 s19, $0x3;
	s4 =	sshrl.u32 s23, $0x3;
	s26 =	sshrl.u32 s24, $0x3  }
0x18: {  	s22 =	sadd.s32 s21, s8;
	s6 =	sadd.s32 s21, s7;
	s21 =	rddreg [dreg:$0x1]  }
0x19: {  	s0 =	sshrl.u32 s0, $0x3;
	s24 =	sadd.s32 $0x18000, s2;
	[dreg:$0xf] =	wrdreg s22  }
0x1a: {  	s2 =	simm.s32 $0x4;
	s25 =	sadd.s32 s4, s8;
	[dreg:$0x10] =	wrdreg s6  }
0x1b: {  	s17 =	sadd.s32 s4, s7;
	s23 =	sadd.s32 s0, s7;
	[dreg:$0x11] =	wrdreg s25  }
0x1c: {  	s6 =	smul.u32 $0x50000, s11;
	s22 =	sadd.s32 s0, s8;
	s0 =	sadd.s32 $0x3F200, s9  }
0x1d: {  	s18 =	sadd.s32 s26, s8;
	_ =	strace $0x80000053;
	[dreg:$0x13] =	wrdreg s0  }
0x1e: {  	s19 =	sadd.s32 s26, s7;
	[dreg:$0x14] =	wrdreg s12;
	s10 =	sshrl.u32 s6, $0x2  }
0x1f: {  	s4 =	simm.s32 $0x400;
	[dreg:$0x1e] =	wrdreg s17;
	s11 =	sadd.s32 s10, s21  }
0x20: {  	s7 =	simm.s32 $0x80;
	s13 =	sadd.s32 $0x2800, s11;
	[dreg:$0x12] =	wrdreg s11  }
0x21: {  	s8 =	simm.s32 $0x280;
	s14 =	sadd.s32 $0x5000, s11;
	[dreg:$0x15] =	wrdreg s13  }
0x22: {  	s9 =	simm.s32 $0x50;
	s15 =	sadd.s32 $0x7800, s11;
	[dreg:$0x16] =	wrdreg s14  }
0x23: {  	s12 =	simm.s32 $0x100;
	s16 =	sadd.s32 $0xA000, s11;
	[dreg:$0x17] =	wrdreg s15  }
0x24: {  	s0 =	simm.s32 $0x5;
	s20 =	sadd.s32 $0xC800, s11;
	[dreg:$0x18] =	wrdreg s16  }
.Ltmp0:
0x25: {  	s25 =	sadd.s32 $0xF000, s11;
	[dreg:$0x19] =	wrdreg s20;
	(pc) =	sbr.rel .LBB2_1-.Ltmp0, $4  }
0x26: {  	s6 =	simm.s32 $0x200;
	s26 =	sadd.s32 $0x11800, s11;
	[dreg:$0x1a] =	wrdreg s25  }
0x27: {  	s10 =	simm.s32 $0x2C00;
	s11 =	simm.s32 $0x1;
	[dreg:$0x1b] =	wrdreg s26  }
0x28: {  	s13 =	simm.s32 $0x300;
	s26 =	simm.s32 $0x5400;
	s20 =	simm.s32 $0x3  }
0x29: {  	v0 =	vimm.f32 $0.0e+00;
	s25 =	simm.s32 $0x7;
	s14 =	simm.s32 $0x8;
	s16 =	simm.s32 $0x0  }
.LBB2_6:
0x2a: {  	_ =	swait.ge [sflag:s11], $0x2800  }
0x2b: {  	[sflag:s11] =	ssyncset.done $0x0  }
0x2c: {  	[sflag:s11] =	ssyncadd.s32 $0xFFFFD800  }
0x2d: {  	_ =	swait.ge [sflag:s25], $0x2800  }
0x2e: {  	[sflag:s25] =	ssyncset.done $0x0  }
0x2f: {  	[sflag:s25] =	ssyncadd.s32 $0xFFFFD800  }
0x30: {  	[spmem:s21] =	stream.indirect.scatter.add.f32 [tilespmem:s4], [sflag:$0x5], $0x80, s6, s9, $0xb8;
	[tilespmem:$0x1E400] =	vst v63  }
0x31: {  	_ =	swait.ge [sflag:s14], $0x2800  }
0x32: {  	[sflag:s14] =	ssyncset.done $0x0  }
0x33: {  	[sflag:s14] =	ssyncadd.s32 $0xFFFFD800  }
0x34: {  	_ =	swait.ge [sflag:s0], $0x2800  }
0x35: {  	s15 =	stileid.u32;
	[sflag:s0] =	ssyncset.done $0x0  }
0x36: {  	s15 =	sshll.u32 s15, $0x6;
	[sflag:s0] =	ssyncadd.s32 $0xFFFFD800  }
0x37: {  	s15 =	sor.u32 $0x1C09, s15;
	[bflag:$0x0] =	sbarrier.arrive $0xFFFF  }
0x38: {  	[dreg:$0x1d] =	wrdreg s15  }
0x39: {  	s16 =	rddreg [dreg:$0x12]  }
0x3a: {  	s15 =	rddreg [dreg:$0x13]  }
0x3b: {  	s16 =	sshrl.u32 s16, $0x3;
	s17 =	rddreg [dreg:$0x1d]  }
0x3c: {  	[hbm:s15], [sflag:s17] =	dma.local [spmem:s16], $0x2800  }
0x3d: {  	s17 =	rddreg [dreg:$0x1e];
	_ =	swait.ge [sflag:s5], $0x2800  }
0x3e: {  	s15 =	rddreg [dreg:$0x1c]  }
0x3f: {  	s16 =	sadd.s32 $0x1, s15;
	s15 =	rddreg [dreg:$0x14]  }
0x40: {  	p0 =	sne.s32 s16, s15  }
.Ltmp1:
0x41: {  	_ = 	snop;
	(pc) =	sbr.rel @!p0 .LBB2_7-.Ltmp1, $3  }
0x42: {  	_ =	sdelay $0x1  }
0x43: {  	[sflag:s5] =	ssyncset.done $0x0  }
0x44: {  	[sflag:s5] =	ssyncadd.s32 $0xFFFFD800  }
.LBB2_1:
0x45: {  	[dreg:$0x1c] =	wrdreg s16;
	s15 =	simm.s32 $0x0;
	s16 =	simm.s32 $0x200  }
.LBB2_2:
0x46: {  	p0 =	sne.s32 s16, $0x9E00;
	[tilespmem:s15+$0x470] =	vst v0  }
0x47: {  	[tilespmem:s15+$0x400] =	vst v0  }
0x48: {  	[tilespmem:s15+$0x410] =	vst v0  }
.Ltmp2:
0x49: {  	[tilespmem:s15+$0x420] =	vst v0;
	(pc) =	sbr.rel @p0 .LBB2_2-.Ltmp2, $4  }
0x4a: {  	[tilespmem:s15+$0x430] =	vst v0  }
0x4b: {  	[tilespmem:s15+$0x440] =	vst v0  }
0x4c: {  	[tilespmem:s15+$0x450] =	vst v0  }
0x4d: {  	[tilespmem:s15+$0x460] =	vst v0;
	s15 =	sshra.s32 s16, $0x2;
	s16 =	sadd.s32 $0x200, s16  }
0x4e: {  	[tilespmem:s15+$0x470] =	vst v0  }
0x4f: {  	[tilespmem:s15+$0x400] =	vst v0  }
0x50: {  	[tilespmem:s15+$0x410] =	vst v0  }
0x51: {  	[tilespmem:s15+$0x420] =	vst v0  }
0x52: {  	[tilespmem:s15+$0x430] =	vst v0  }
0x53: {  	[tilespmem:s15+$0x440] =	vst v0  }
0x54: {  	[tilespmem:s15+$0x450] =	vst v0  }
0x55: {  	[tilespmem:s15+$0x460] =	vst v0;
	s16 =	rddreg [dreg:$0x12]  }
0x56: {  	[spmem:s16] =	stream.linear.scatter [tilespmem:s4], [sflag:$0x9], $0x2800, $0x38;
	[tilespmem:$0x1E400] =	vst v63  }
0x57: {  	_ =	swait.ge [sflag:s5], $0x2800  }
0x58: {  	[sflag:s5] =	ssyncset.done $0x0  }
0x59: {  	s16 =	rddreg [dreg:$0x15];
	[sflag:s5] =	ssyncadd.s32 $0xFFFFD800  }
0x5a: {  	[spmem:s16] =	stream.linear.scatter [tilespmem:s4], [sflag:$0x9], $0x2800, $0x38;
	[tilespmem:$0x1E400] =	vst v63  }
0x5b: {  	_ =	swait.ge [sflag:s5], $0x2800  }
0x5c: {  	[sflag:s5] =	ssyncset.done $0x0  }
0x5d: {  	s16 =	rddreg [dreg:$0x16];
	[sflag:s5] =	ssyncadd.s32 $0xFFFFD800  }
0x5e: {  	[spmem:s16] =	stream.linear.scatter [tilespmem:s4], [sflag:$0x9], $0x2800, $0x38;
	[tilespmem:$0x1E400] =	vst v63  }
0x5f: {  	_ =	swait.ge [sflag:s5], $0x2800  }
0x60: {  	[sflag:s5] =	ssyncset.done $0x0  }
0x61: {  	s16 =	rddreg [dreg:$0x17];
	[sflag:s5] =	ssyncadd.s32 $0xFFFFD800  }
0x62: {  	[spmem:s16] =	stream.linear.scatter [tilespmem:s4], [sflag:$0x9], $0x2800, $0x38;
	[tilespmem:$0x1E400] =	vst v63  }
0x63: {  	_ =	swait.ge [sflag:s5], $0x2800  }
0x64: {  	[sflag:s5] =	ssyncset.done $0x0  }
0x65: {  	s16 =	rddreg [dreg:$0x18];
	[sflag:s5] =	ssyncadd.s32 $0xFFFFD800  }
0x66: {  	[spmem:s16] =	stream.linear.scatter [tilespmem:s4], [sflag:$0x9], $0x2800, $0x38;
	[tilespmem:$0x1E400] =	vst v63  }
0x67: {  	_ =	swait.ge [sflag:s5], $0x2800  }
0x68: {  	[sflag:s5] =	ssyncset.done $0x0  }
0x69: {  	s16 =	rddreg [dreg:$0x19];
	[sflag:s5] =	ssyncadd.s32 $0xFFFFD800  }
0x6a: {  	[spmem:s16] =	stream.linear.scatter [tilespmem:s4], [sflag:$0x9], $0x2800, $0x38;
	[tilespmem:$0x1E400] =	vst v63  }
0x6b: {  	_ =	swait.ge [sflag:s5], $0x2800  }
0x6c: {  	[sflag:s5] =	ssyncset.done $0x0  }
0x6d: {  	s16 =	rddreg [dreg:$0x1a];
	[sflag:s5] =	ssyncadd.s32 $0xFFFFD800  }
0x6e: {  	[spmem:s16] =	stream.linear.scatter [tilespmem:s4], [sflag:$0x9], $0x2800, $0x38;
	[tilespmem:$0x1E400] =	vst v63  }
0x6f: {  	_ =	swait.ge [sflag:s5], $0x2800  }
0x70: {  	[sflag:s5] =	ssyncset.done $0x0  }
0x71: {  	s16 =	rddreg [dreg:$0x1b];
	[sflag:s5] =	ssyncadd.s32 $0xFFFFD800  }
0x72: {  	[spmem:s16] =	stream.linear.scatter [tilespmem:s4], [sflag:$0x9], $0x2800, $0x38;
	[tilespmem:$0x1E400] =	vst v63  }
0x73: {  	_ =	swait.ge [sflag:s5], $0x2800  }
0x74: {  	[sflag:s5] =	ssyncset.done $0x0  }
0x75: {  	s15 =	simm.s32 $0x0;
	s16 =	rddreg [dreg:$0x3];
	[sflag:s5] =	ssyncadd.s32 $0xFFFFD800  }
0x76: {  	[tilespmem:s15], [sflag:$0x9] =	stream.linear.gather [hbm4b:s16+s15], $0x50, $0x38;
	[tilespmem:$0x1E400] =	vst v63  }
0x77: {  	_ =	swait.ge [sflag:s5], $0x50  }
0x78: {  	[sflag:s5] =	ssyncset.done $0x0  }
0x79: {  	s16 =	rddreg [dreg:$0x4];
	[sflag:s5] =	ssyncadd.s32 $0xFFFFFFB0  }
0x7a: {  	[tilespmem:s6], [sflag:$0x9] =	stream.linear.gather [hbm4b:s16+s15], $0x50, $0x38;
	[tilespmem:$0x1E400] =	vst v63  }
0x7b: {  	_ =	swait.ge [sflag:s5], $0x50  }
0x7c: {  	[sflag:s5] =	ssyncset.done $0x0  }
0x7d: {  	s16 =	rddreg [dreg:$0x5];
	[sflag:s5] =	ssyncadd.s32 $0xFFFFFFB0  }
0x7e: {  	[tilespmem:s7], [sflag:$0x9] =	stream.linear.gather [hbm4b:s16+s15], $0x50, $0x38;
	[tilespmem:$0x1E400] =	vst v63  }
0x7f: {  	_ =	swait.ge [sflag:s5], $0x50  }
0x80: {  	[sflag:s5] =	ssyncset.done $0x0  }
0x81: {  	s16 =	rddreg [dreg:$0x6];
	[sflag:s5] =	ssyncadd.s32 $0xFFFFFFB0  }
0x82: {  	[tilespmem:s8], [sflag:$0x9] =	stream.linear.gather [hbm4b:s16+s15], $0x50, $0x38;
	[tilespmem:$0x1E400] =	vst v63  }
0x83: {  	_ =	swait.ge [sflag:s5], $0x50  }
0x84: {  	[sflag:s5] =	ssyncset.done $0x0  }
0x85: {  	[sflag:s5] =	ssyncadd.s32 $0xFFFFFFB0  }
0x86: {  	[tilespmem:s4], [sflag:$0x1] =	stream.indirect.gather [hbm4b:s24+s9], $0x80, s15, s9, $0xb8;
	[tilespmem:$0x1E400] =	vst v63  }
0x87: {  	_ = 	snop  }
0x88: {  	[tilespmem:s10], [sflag:$0x2] =	stream.indirect.gather [hbm4b:s24+s9], $0x80, s7, s9, $0xb8;
	[tilespmem:$0x1E400] =	vst v63  }
0x89: {  	[bflag:$0x0] =	sbarrier.arrive $0xFFFF  }
0x8a: {  	_ =	swait.ge [sflag:s11], $0x2800  }
0x8b: {  	[sflag:s11] =	ssyncset.done $0x0  }
0x8c: {  	[sflag:s11] =	ssyncadd.s32 $0xFFFFD800  }
0x8d: {  	[spmem:s21] =	stream.indirect.scatter.add.f32 [tilespmem:s4], [sflag:$0x5], $0x80, s6, s9, $0xb8;
	[tilespmem:$0x1E400] =	vst v63  }
0x8e: {  	s16 =	rddreg [dreg:$0x7]  }
0x8f: {  	[tilespmem:s12], [sflag:$0x9] =	stream.linear.gather [hbm4b:s16+s15], $0x50, $0x38;
	[tilespmem:$0x1E400] =	vst v63  }
0x90: {  	_ =	swait.ge [sflag:s5], $0x50  }
0x91: {  	[sflag:s5] =	ssyncset.done $0x0  }
0x92: {  	s16 =	rddreg [dreg:$0x8];
	[sflag:s5] =	ssyncadd.s32 $0xFFFFFFB0  }
0x93: {  	[tilespmem:s13], [sflag:$0x9] =	stream.linear.gather [hbm4b:s16+s15], $0x50, $0x38;
	[tilespmem:$0x1E400] =	vst v63  }
0x94: {  	_ =	swait.ge [sflag:s5], $0x50  }
0x95: {  	[sflag:s5] =	ssyncset.done $0x0  }
0x96: {  	[sflag:s5] =	ssyncadd.s32 $0xFFFFFFB0  }
0x97: {  	[tilespmem:s26], [sflag:$0x3] =	stream.indirect.gather [hbm4b:s24+s9], $0x80, s12, s9, $0xb8;
	[tilespmem:$0x1E400] =	vst v63  }
0x98: {  	_ =	swait.ge [sflag:s28], $0x2800  }
0x99: {  	[sflag:s28] =	ssyncset.done $0x0  }
0x9a: {  	[sflag:s28] =	ssyncadd.s32 $0xFFFFD800  }
0x9b: {  	[spmem:s21] =	stream.indirect.scatter.add.f32 [tilespmem:s10], [sflag:$0x6], $0x80, s8, s9, $0xb8;
	[tilespmem:$0x1E400] =	vst v63  }
0x9c: {  	s16 =	rddreg [dreg:$0x9]  }
0x9d: {  	[tilespmem:s29], [sflag:$0x9] =	stream.linear.gather [hbm4b:s16+s15], $0x50, $0x38;
	[tilespmem:$0x1E400] =	vst v63  }
0x9e: {  	_ =	swait.ge [sflag:s5], $0x50  }
0x9f: {  	[sflag:s5] =	ssyncset.done $0x0  }
0xa0: {  	s16 =	rddreg [dreg:$0xa];
	[sflag:s5] =	ssyncadd.s32 $0xFFFFFFB0  }
0xa1: {  	[tilespmem:s30], [sflag:$0x9] =	stream.linear.gather [hbm4b:s16+s15], $0x50, $0x38;
	[tilespmem:$0x1E400] =	vst v63  }
0xa2: {  	_ =	swait.ge [sflag:s5], $0x50  }
0xa3: {  	[sflag:s5] =	ssyncset.done $0x0  }
0xa4: {  	[sflag:s5] =	ssyncadd.s32 $0xFFFFFFB0  }
0xa5: {  	[tilespmem:s31], [sflag:$0x4] =	stream.indirect.gather [hbm4b:s24+s9], $0x80, s29, s9, $0xb8;
	[tilespmem:$0x1E400] =	vst v63  }
0xa6: {  	_ =	swait.ge [sflag:s20], $0x2800  }
0xa7: {  	[sflag:s20] =	ssyncset.done $0x0  }
0xa8: {  	[sflag:s20] =	ssyncadd.s32 $0xFFFFD800  }
0xa9: {  	_ =	swait.ge [sflag:s0], $0x2800  }
0xaa: {  	[sflag:s0] =	ssyncset.done $0x0  }
0xab: {  	[sflag:s0] =	ssyncadd.s32 $0xFFFFD800  }
0xac: {  	[spmem:s21] =	stream.indirect.scatter.add.f32 [tilespmem:s26], [sflag:$0x7], $0x80, s13, s9, $0xb8;
	[tilespmem:$0x1E400] =	vst v63  }
0xad: {  	s16 =	rddreg [dreg:$0xb]  }
0xae: {  	[tilespmem:s15], [sflag:$0x9] =	stream.linear.gather [hbm4b:s16+s15], $0x50, $0x38;
	[tilespmem:$0x1E400] =	vst v63  }
0xaf: {  	_ =	swait.ge [sflag:s5], $0x50  }
0xb0: {  	[sflag:s5] =	ssyncset.done $0x0  }
0xb1: {  	s16 =	rddreg [dreg:$0xc];
	[sflag:s5] =	ssyncadd.s32 $0xFFFFFFB0  }
0xb2: {  	[tilespmem:s6], [sflag:$0x9] =	stream.linear.gather [hbm4b:s16+s15], $0x50, $0x38;
	[tilespmem:$0x1E400] =	vst v63  }
0xb3: {  	_ =	swait.ge [sflag:s5], $0x50  }
0xb4: {  	[sflag:s5] =	ssyncset.done $0x0  }
0xb5: {  	[sflag:s5] =	ssyncadd.s32 $0xFFFFFFB0  }
0xb6: {  	[tilespmem:s4], [sflag:$0x1] =	stream.indirect.gather [hbm4b:s24+s9], $0x80, s15, s9, $0xb8;
	[tilespmem:$0x1E400] =	vst v63  }
0xb7: {  	_ =	swait.ge [sflag:s2], $0x2800  }
0xb8: {  	[sflag:s2] =	ssyncset.done $0x0  }
0xb9: {  	[sflag:s2] =	ssyncadd.s32 $0xFFFFD800  }
0xba: {  	_ =	swait.ge [sflag:s3], $0x2800  }
0xbb: {  	[sflag:s3] =	ssyncset.done $0x0  }
0xbc: {  	[sflag:s3] =	ssyncadd.s32 $0xFFFFD800  }
0xbd: {  	[spmem:s21] =	stream.indirect.scatter.add.f32 [tilespmem:s31], [sflag:$0x8], $0x80, s30, s9, $0xb8;
	[tilespmem:$0x1E400] =	vst v63  }
0xbe: {  	s16 =	rddreg [dreg:$0xd]  }
0xbf: {  	[tilespmem:s7], [sflag:$0x9] =	stream.linear.gather [hbm4b:s16+s15], $0x50, $0x38;
	[tilespmem:$0x1E400] =	vst v63  }
0xc0: {  	_ =	swait.ge [sflag:s5], $0x50  }
0xc1: {  	[sflag:s5] =	ssyncset.done $0x0  }
0xc2: {  	s16 =	rddreg [dreg:$0xe];
	[sflag:s5] =	ssyncadd.s32 $0xFFFFFFB0  }
0xc3: {  	[tilespmem:s8], [sflag:$0x9] =	stream.linear.gather [hbm4b:s16+s15], $0x50, $0x38;
	[tilespmem:$0x1E400] =	vst v63  }
0xc4: {  	_ =	swait.ge [sflag:s5], $0x50  }
0xc5: {  	[sflag:s5] =	ssyncset.done $0x0  }
0xc6: {  	[sflag:s5] =	ssyncadd.s32 $0xFFFFFFB0  }
0xc7: {  	[tilespmem:s10], [sflag:$0x2] =	stream.indirect.gather [hbm4b:s24+s9], $0x80, s7, s9, $0xb8;
	[tilespmem:$0x1E400] =	vst v63  }
.LBB2_4:
0xc8: {  	_ =	swait.ge [sflag:s11], $0x2800  }
0xc9: {  	[sflag:s11] =	ssyncset.done $0x0  }
0xca: {  	[sflag:s11] =	ssyncadd.s32 $0xFFFFD800  }
0xcb: {  	_ =	swait.ge [sflag:s25], $0x2800  }
0xcc: {  	[sflag:s25] =	ssyncset.done $0x0  }
0xcd: {  	[sflag:s25] =	ssyncadd.s32 $0xFFFFD800  }
0xce: {  	[spmem:s21] =	stream.indirect.scatter.add.f32 [tilespmem:s4], [sflag:$0x5], $0x80, s6, s9, $0xb8;
	[tilespmem:$0x1E400] =	vst v63  }
0xcf: {  	s16 =	sadd.s32 s15, s23  }
0xd0: {  	[tilespmem:s12], [sflag:$0x9] =	stream.linear.gather [hbm4b:s16+s1], $0x50, $0x38;
	[tilespmem:$0x1E400] =	vst v63  }
0xd1: {  	_ =	swait.ge [sflag:s5], $0x50  }
0xd2: {  	[sflag:s5] =	ssyncset.done $0x0  }
0xd3: {  	s16 =	sadd.s32 s15, s22;
	[sflag:s5] =	ssyncadd.s32 $0xFFFFFFB0  }
0xd4: {  	[tilespmem:s13], [sflag:$0x9] =	stream.linear.gather [hbm4b:s16+s1], $0x50, $0x38;
	[tilespmem:$0x1E400] =	vst v63  }
0xd5: {  	_ =	swait.ge [sflag:s5], $0x50  }
0xd6: {  	[sflag:s5] =	ssyncset.done $0x0  }
0xd7: {  	[sflag:s5] =	ssyncadd.s32 $0xFFFFFFB0  }
0xd8: {  	[tilespmem:s26], [sflag:$0x3] =	stream.indirect.gather [hbm4b:s24+s9], $0x80, s12, s9, $0xb8;
	[tilespmem:$0x1E400] =	vst v63  }
0xd9: {  	_ =	swait.ge [sflag:s28], $0x2800  }
0xda: {  	[sflag:s28] =	ssyncset.done $0x0  }
0xdb: {  	[sflag:s28] =	ssyncadd.s32 $0xFFFFD800  }
0xdc: {  	_ =	swait.ge [sflag:s14], $0x2800  }
0xdd: {  	[sflag:s14] =	ssyncset.done $0x0  }
0xde: {  	[sflag:s14] =	ssyncadd.s32 $0xFFFFD800  }
0xdf: {  	[spmem:s21] =	stream.indirect.scatter.add.f32 [tilespmem:s10], [sflag:$0x6], $0x80, s8, s9, $0xb8;
	[tilespmem:$0x1E400] =	vst v63  }
0xe0: {  	s16 =	sadd.s32 s15, s19  }
0xe1: {  	[tilespmem:s29], [sflag:$0x9] =	stream.linear.gather [hbm4b:s16+s1], $0x50, $0x38;
	[tilespmem:$0x1E400] =	vst v63  }
0xe2: {  	_ =	swait.ge [sflag:s5], $0x50  }
0xe3: {  	[sflag:s5] =	ssyncset.done $0x0  }
0xe4: {  	s16 =	sadd.s32 s15, s18;
	[sflag:s5] =	ssyncadd.s32 $0xFFFFFFB0  }
0xe5: {  	[tilespmem:s30], [sflag:$0x9] =	stream.linear.gather [hbm4b:s16+s1], $0x50, $0x38;
	[tilespmem:$0x1E400] =	vst v63  }
0xe6: {  	_ =	swait.ge [sflag:s5], $0x50  }
0xe7: {  	[sflag:s5] =	ssyncset.done $0x0  }
0xe8: {  	[sflag:s5] =	ssyncadd.s32 $0xFFFFFFB0  }
0xe9: {  	[tilespmem:s31], [sflag:$0x4] =	stream.indirect.gather [hbm4b:s24+s9], $0x80, s29, s9, $0xb8;
	[tilespmem:$0x1E400] =	vst v63  }
0xea: {  	_ =	swait.ge [sflag:s20], $0x2800  }
0xeb: {  	[sflag:s20] =	ssyncset.done $0x0  }
0xec: {  	[sflag:s20] =	ssyncadd.s32 $0xFFFFD800  }
0xed: {  	_ =	swait.ge [sflag:s0], $0x2800  }
0xee: {  	[sflag:s0] =	ssyncset.done $0x0  }
0xef: {  	[sflag:s0] =	ssyncadd.s32 $0xFFFFD800  }
0xf0: {  	[spmem:s21] =	stream.indirect.scatter.add.f32 [tilespmem:s26], [sflag:$0x7], $0x80, s13, s9, $0xb8;
	[tilespmem:$0x1E400] =	vst v63  }
0xf1: {  	s16 =	sadd.s32 s15, s17  }
0xf2: {  	[tilespmem:s1], [sflag:$0x9] =	stream.linear.gather [hbm4b:s16+s1], $0x50, $0x38;
	[tilespmem:$0x1E400] =	vst v63  }
0xf3: {  	_ =	swait.ge [sflag:s5], $0x50  }
0xf4: {  	[sflag:s5] =	ssyncset.done $0x0;
	s16 =	rddreg [dreg:$0x11]  }
0xf5: {  	[sflag:s5] =	ssyncadd.s32 $0xFFFFFFB0;
	s16 =	sadd.s32 s15, s16  }
0xf6: {  	[tilespmem:s6], [sflag:$0x9] =	stream.linear.gather [hbm4b:s16+s1], $0x50, $0x38;
	[tilespmem:$0x1E400] =	vst v63  }
0xf7: {  	_ =	swait.ge [sflag:s5], $0x50  }
0xf8: {  	[sflag:s5] =	ssyncset.done $0x0  }
0xf9: {  	[sflag:s5] =	ssyncadd.s32 $0xFFFFFFB0  }
0xfa: {  	[tilespmem:s4], [sflag:$0x1] =	stream.indirect.gather [hbm4b:s24+s9], $0x80, s1, s9, $0xb8;
	[tilespmem:$0x1E400] =	vst v63  }
0xfb: {  	_ =	swait.ge [sflag:s2], $0x2800  }
0xfc: {  	p0 =	seq.s32 s15, $0x488;
	[sflag:s2] =	ssyncset.done $0x0  }
.Ltmp3:
0xfd: {  	[sflag:s2] =	ssyncadd.s32 $0xFFFFD800;
	(pc) =	sbr.rel @p0 .LBB2_6-.Ltmp3, $4  }
0xfe: {  	_ =	swait.ge [sflag:s3], $0x2800  }
0xff: {  	[sflag:s3] =	ssyncset.done $0x0  }
0x100: {  	[sflag:s3] =	ssyncadd.s32 $0xFFFFD800  }
0x101: {  	[spmem:s21] =	stream.indirect.scatter.add.f32 [tilespmem:s31], [sflag:$0x8], $0x80, s30, s9, $0xb8;
	[tilespmem:$0x1E400] =	vst v63  }
0x102: {  	s16 =	rddreg [dreg:$0x10]  }
0x103: {  	s16 =	sadd.s32 s15, s16  }
0x104: {  	[tilespmem:s7], [sflag:$0x9] =	stream.linear.gather [hbm4b:s16+s1], $0x50, $0x38;
	[tilespmem:$0x1E400] =	vst v63  }
0x105: {  	_ =	swait.ge [sflag:s5], $0x50  }
0x106: {  	[sflag:s5] =	ssyncset.done $0x0;
	s16 =	rddreg [dreg:$0xf]  }
0x107: {  	[sflag:s5] =	ssyncadd.s32 $0xFFFFFFB0;
	s16 =	sadd.s32 s15, s16  }
0x108: {  	[tilespmem:s8], [sflag:$0x9] =	stream.linear.gather [hbm4b:s16+s1], $0x50, $0x38;
	[tilespmem:$0x1E400] =	vst v63  }
.Ltmp4:
0x109: {  	_ = 	snop;
	(pc) =	sbr.rel .LBB2_4-.Ltmp4, $4  }
0x10a: {  	_ =	swait.ge [sflag:s5], $0x50  }
0x10b: {  	[sflag:s5] =	ssyncset.done $0x0  }
0x10c: {  	s15 =	sadd.s32 $0x28, s15;
	[sflag:s5] =	ssyncadd.s32 $0xFFFFFFB0  }
0x10d: {  	[tilespmem:s10], [sflag:$0x2] =	stream.indirect.gather [hbm4b:s24+s9], $0x80, s7, s9, $0xb8;
	[tilespmem:$0x1E400] =	vst v63  }
.LBB2_7:
0x10e: {  	_ =	sfence.sel $0x180000  }
0x10f: {  	[bflag:$0x0] =	sbarrier.arrive $0xFFFF  }
0x110: {  	_ =	strace $0x90000053  }
0x111: {  	s0 =	stileid.u32;
	[bflag:$0x2] =	sbarrier.arrive $0xFFFF  }
0x112: {  	p0 =	sne.s32 s0, $0x0;
	s0 =	rddreg [dreg:$0x2]  }
0x113: {  	s0 =	sadd.s32 @!p0 $0x100000, s0  }
0x114: {  	[sflag:s0] =	ssyncadd.tile.s32 @!p0 $0x1;
	_ =	shalt  }
.Lfunc_end2:
_tile_overlayer_lowered:
.L_overlay_start_2:
0x115: {  	(tag) =	ssettag $0x2  }
0x116: {  	s0 =	rddreg [dreg:$0x0];
	s2 =	stileid.u32  }
0x117: {  	s1 =	rddreg [dreg:$0x1];
	p0 =	sne.s32 s2, $0x0  }
0x118: {  	s3 =	rddreg [dreg:$0x2];
	[bflag:$0x3] =	sbarrier.arrive $0xFFFF;
	s2 =	simm.s32 @!p0 $0x1C09  }
0x119: {  	[timem:s3], [sflag:s2] =	dma.local @!p0 [hbm:s0], s1  }
0x11a: {  	s0 =	simm.s32 @!p0 $0x9  }
0x11b: {  	_ =	swait.ge @!p0 [sflag:s0], s1  }
0x11c: {  	s1 =	ssub.s32 @!p0 $0x0, s1;
	[sflag:s0] =	ssyncset.done @!p0 $0x0  }
0x11d: {  	[sflag:s0] =	ssyncadd.s32 @!p0 s1  }
0x11e: {  	[bflag:$0x3] =	sbarrier.arrive $0xFFFF  }
0x11f: {  	_ =	shalt  }

</sc_bundles>
